<compile_context>
chip_gen: v7x
topology: tpu7x:2x2x1
jax: 0.10.2.dev20260603
libtpu: 0.0.44.dev20260713+nightly
codegen_flags: <defaults>
</compile_context>

<pallas_src>
import functools

import jax
import jax.numpy as jnp
from jax import lax
from jax.experimental import pallas as pl
from jax.experimental.pallas import tpu as pltpu
from jax.experimental.pallas import tpu_sc as plsc

DT = 0.01
M_BODIES = 1000000
MP = 1048576
LANES = 128
ROWS = MP // LANES
PROWS = 2 * ROWS
KP = 1048576
IDX_ROWS = KP // 128
N_SIDE = 500000
NHALF = 524288
SENTINEL = 1e30

NC = 2
NS = 16
NW = NC * NS
ROWS_PER_W = IDX_ROWS // NW
HIST_PER_TILE = MP // NS
ZCHUNK = 4096


FIRE = 32


def _hist_body(idx_hbm, out_hbm, idx_v, ones_v, zeros_v, hist_sh, sem_i, sem_s):
    cid = lax.axis_index("c")
    sid = lax.axis_index("s")
    wid = sid * NC + cid

    idx_cp = pltpu.async_copy(
        idx_hbm.at[pl.ds(wid * ROWS_PER_W, ROWS_PER_W)], idx_v, sem_i
    )

    for i in range(LANES // 16):
        ones_v[pl.ds(i * 16, 16)] = jnp.ones((16,), jnp.float32)
    for i in range(ZCHUNK // 16):
        zeros_v[pl.ds(i * 16, 16)] = jnp.zeros((16,), jnp.float32)

    for r in range(HIST_PER_TILE // ZCHUNK):
        pltpu.sync_copy(
            zeros_v, hist_sh.at[pl.ds(sid * HIST_PER_TILE + r * ZCHUNK, ZCHUNK)]
        )
    idx_cp.wait()
    plsc.subcore_barrier()

    def srow(o, carry):
        cps = [
            pltpu.async_copy(
                ones_v, hist_sh.at[idx_v.at[o * FIRE + b]], sem_s, add=True
            )
            for b in range(FIRE)
        ]
        for cp in cps:
            cp.wait()
        return carry

    lax.fori_loop(0, ROWS_PER_W // FIRE, srow, 0)
    plsc.subcore_barrier()

    pltpu.sync_copy(
        hist_sh.at[pl.ds(sid * HIST_PER_TILE, HIST_PER_TILE)],
        out_hbm.at[pl.ds(cid * MP + sid * HIST_PER_TILE, HIST_PER_TILE)],
    )


@functools.lru_cache(maxsize=1)
def _hist_call():
    return functools.partial(
        pl.kernel,
        mesh=plsc.VectorSubcoreMesh(core_axis_name="c", subcore_axis_name="s"),
        out_type=jax.ShapeDtypeStruct((NC * MP,), jnp.float32),
        scratch_types=[
            pltpu.VMEM((ROWS_PER_W, 128), jnp.int32),
            pltpu.VMEM((LANES,), jnp.float32),
            pltpu.VMEM((ZCHUNK,), jnp.float32),
            pltpu.VMEM_SHARED((MP,), jnp.float32),
            pltpu.SemaphoreType.DMA,
            pltpu.SemaphoreType.DMA,
        ],
    )(_hist_body)


def _dense_a(pos, fv, tva, tvb, ang, abraw):
    step = pl.program_id(0)
    a = ang[...]
    inv2pi = 0.15915494309189535
    t = a - 6.283185307179586 * jnp.round(a * inv2pi)
    z = t * t
    sin_t = t * (0.9999997068716382 + z * (-0.1666657717636796 + z * (
        0.008332557849167114 + z * (-0.00019812568137109743 + z * (
            2.7040424853900186e-06 + z * -2.0533874764946647e-08)))))
    cos_t = 0.9999999922738801 + z * (-0.4999999176732112 + z * (
        0.041666524297461725 + z * (-0.001388797007046387 + z * (
            2.477341647503478e-05 + z * (-2.7113293511244063e-07
                                         + z * 1.7368828335661997e-09)))))
    c = sin_t
    s = -cos_t

    def deint(x):
        n = x.shape[0] // 2
        x3 = x.reshape(n, 2, LANES)
        return x3[:, 0, :], x3[:, 1, :]

    px, py = deint(pos[...])
    nb = px.shape[0]
    lanes = lax.broadcasted_iota(jnp.int32, (nb, LANES), 1)

    def from_branch():
        fx, fy = deint(fv[...])
        return fx, fy

    def to_branch():
        xa, ya = deint(tva[...])
        xb, yb = deint(tvb[...])
        wx = jnp.concatenate([xa, xb], axis=0)
        wy = jnp.concatenate([ya, yb], axis=0)

        def to_plane(wpl):
            uu = wpl[190:702]
            vv = wpl[189:701]
            return jnp.where(lanes >= 32,
                             jnp.roll(uu, 32, axis=1),
                             jnp.roll(vv, 32, axis=1))

        return to_plane(wx), to_plane(wy)

    def mix_branch():
        fx, fy = from_branch()
        xa, ya = deint(tva[...])
        xb, yb = deint(tvb[...])
        wx = jnp.concatenate([xa, xb], axis=0)
        wy = jnp.concatenate([ya, yb], axis=0)

        def to_plane7(wpl):
            uu = jnp.concatenate(
                [jnp.zeros((322, LANES), jnp.float32), wpl[0:190]], axis=0)
            vv = jnp.concatenate(
                [jnp.zeros((323, LANES), jnp.float32), wpl[0:189]], axis=0)
            return jnp.where(lanes >= 32,
                             jnp.roll(uu, 32, axis=1),
                             jnp.roll(vv, 32, axis=1))

        rows = lax.broadcasted_iota(jnp.int32, (nb, LANES), 0)
        glob = (step * nb + rows) * 128 + lanes
        use_to = glob >= N_SIDE
        return (jnp.where(use_to, to_plane7(wx), fx),
                jnp.where(use_to, to_plane7(wy), fy))

    rx, ry = lax.cond(
        step < 7, from_branch,
        lambda: lax.cond(step == 7, mix_branch, to_branch))

    ax = (c * rx - s * ry + px).astype(jnp.bfloat16)
    ay = (s * rx + c * ry + py).astype(jnp.bfloat16)
    abraw[...] = jnp.stack([ax, ay], axis=1).reshape(2 * nb, LANES)


def _dense_s(abraw, mass, c0, c1, absm, sums):
    step = pl.program_id(0)
    ab = abraw[...]
    nb = ab.shape[0] // 2
    ab3 = ab.reshape(nb, 2, LANES)
    ax = ab3[:, 0, :].astype(jnp.float32)
    ay = ab3[:, 1, :].astype(jnp.float32)
    cnt = c0[0] + c1[0]
    w = cnt * mass[...]
    hit = w > 0.0
    axm = jnp.where(hit, ax, SENTINEL).astype(jnp.bfloat16)
    aym = jnp.where(hit, ay, SENTINEL).astype(jnp.bfloat16)
    absm[...] = jnp.stack([axm, aym], axis=1).reshape(2 * nb, LANES)

    @pl.when(step == 0)
    def _():
        sums[...] = jnp.zeros_like(sums)

    z = jnp.zeros((5, LANES), jnp.float32)
    sums[...] += jnp.concatenate(
        [
            jnp.sum(w * ax, axis=0, keepdims=True),
            jnp.sum(w * ay, axis=0, keepdims=True),
            jnp.sum(w, axis=0, keepdims=True),
            z,
        ],
        axis=0,
    )


def _dense_b(sums, stiff, vel, absm, nv):
    s = sums[...]
    wsum = jnp.sum(s[2, :])
    tx = jnp.sum(s[0, :]) / wsum
    ty = jnp.sum(s[1, :]) / wsum
    ab = absm[...].astype(jnp.float32)
    nrows = ab.shape[0]
    rows = lax.broadcasted_iota(jnp.int32, (nrows, LANES), 0)
    tsel = jnp.where((rows % 2) == 0, tx, ty)
    upd = (stiff[0, 0] * DT) * (tsel - ab)
    nv[...] = vel[...] + jnp.where(ab < SENTINEL * 0.5, upd, 0.0)


def _pair_view(x2):
    p = jnp.pad(x2, ((0, MP - M_BODIES), (0, 0)))
    return p.reshape(ROWS, LANES, 2).transpose(0, 2, 1).reshape(PROWS, LANES)


def _half_view(x2):
    p = jnp.pad(x2, ((0, NHALF - N_SIDE), (0, 0)))
    return p.reshape(NHALF // 128, LANES, 2).transpose(0, 2, 1).reshape(
        NHALF // 64, LANES)


def kernel(position, angle, mass, velocity, from_bodies_position,
           to_bodies_position, stiffness, from_bodies, to_bodies):
    f32 = jnp.float32
    idx = jnp.concatenate([from_bodies, to_bodies])
    idx = jnp.pad(idx, (0, KP - idx.shape[0]), constant_values=M_BODIES)
    idx2d = idx.reshape(IDX_ROWS, 128)

    pos2 = _pair_view(position)
    fromv = _half_view(from_bodies_position)
    tov = _half_view(to_bodies_position)
    vel2 = _pair_view(velocity)
    angv = jnp.pad(angle, (0, MP - M_BODIES)).reshape(ROWS, LANES)
    massv = jnp.pad(mass, (0, MP - M_BODIES)).reshape(ROWS, LANES)

    cnt = _hist_call()(idx2d)
    cnt3 = cnt.reshape(NC, ROWS, LANES)

    BR = 512
    gsteps = ROWS // BR
    srow_spec = pl.BlockSpec((BR, LANES), lambda i: (i, 0))
    prow_spec = pl.BlockSpec((2 * BR, LANES), lambda i: (i, 0))
    sums_spec = pl.BlockSpec((8, LANES), lambda i: (0, 0))
    fspec = pl.BlockSpec((2 * BR, LANES), lambda i: (jnp.minimum(i, 7), 0))
    taspec = pl.BlockSpec(
        (2 * BR, LANES), lambda i: (jnp.clip(i - 8, 0, 7), 0))
    tbspec = pl.BlockSpec(
        (2 * BR, LANES), lambda i: (jnp.clip(i - 7, 0, 7), 0))
    abraw = pl.pallas_call(
        _dense_a,
        grid=(gsteps,),
        in_specs=[prow_spec, fspec, taspec, tbspec, srow_spec],
        out_specs=prow_spec,
        out_shape=jax.ShapeDtypeStruct((PROWS, LANES), jnp.bfloat16),
    )(pos2, fromv, tov, tov, angv)

    absm, sums = pl.pallas_call(
        _dense_s,
        grid=(gsteps,),
        in_specs=[prow_spec, srow_spec,
                  pl.BlockSpec((1, BR, LANES), lambda i: (0, i, 0)),
                  pl.BlockSpec((1, BR, LANES), lambda i: (1, i, 0))],
        out_specs=[prow_spec, sums_spec],
        out_shape=[
            jax.ShapeDtypeStruct((PROWS, LANES), jnp.bfloat16),
            jax.ShapeDtypeStruct((8, LANES), f32),
        ],
    )(abraw, massv, cnt3, cnt3)

    stiff2d = stiffness.reshape(1, 1).astype(f32)
    nv2 = pl.pallas_call(
        _dense_b,
        grid=(gsteps,),
        in_specs=[
            sums_spec,
            pl.BlockSpec(memory_space=pltpu.SMEM),
            prow_spec, prow_spec,
        ],
        out_specs=prow_spec,
        out_shape=jax.ShapeDtypeStruct((PROWS, LANES), f32),
    )(sums, stiff2d, vel2, absm)

    out = nv2.reshape(ROWS, 2, LANES).transpose(0, 2, 1).reshape(MP, 2)
    return out[:M_BODIES]

# --- scband reference (transcript-rebuilt; emitter-appended) ---
"""Pipeline reference for scband-soft-positional-constraint-47614007443700 (READ-ONLY COPY).

The authoritative reference and input builder live on the scoring server;
editing this copy changes nothing except your own understanding.
"""

import jax, jax.numpy as jnp
import numpy as np

M = 1000000  # number of bodies in the SOA
N = 500000   # number of from/to constraint endpoints each
DT = 0.01    # default dt of apply()


def setup_inputs(seed: int = 0) -> dict:
    key = jax.random.key(seed)
    ks = jax.random.split(key, 8)
    position = jax.random.normal(ks[0], (M, 2), dtype=jnp.float32) * 10.0
    angle = jax.random.uniform(ks[1], (M,), dtype=jnp.float32, minval=-np.pi, maxval=np.pi)
    mass = jax.random.uniform(ks[2], (M,), dtype=jnp.float32, minval=0.1, maxval=1.1)
    velocity = jax.random.normal(ks[3], (M, 2), dtype=jnp.float32)
    from_bodies = jax.random.randint(ks[4], (N,), 0, M, dtype=jnp.int32)
    to_bodies = jax.random.randint(ks[5], (N,), 0, M, dtype=jnp.int32)
    from_bodies_position = jax.random.normal(ks[6], (N, 2), dtype=jnp.float32)
    to_bodies_position = jax.random.normal(ks[7], (N, 2), dtype=jnp.float32)
    stiffness = jnp.asarray(50.0, dtype=jnp.float32)
    return {
        "position": position,
        "angle": angle,
        "mass": mass,
        "velocity": velocity,
        "from_bodies_position": from_bodies_position,
        "to_bodies_position": to_bodies_position,
        "stiffness": stiffness,
        "from_bodies": from_bodies,
        "to_bodies": to_bodies,
    }


def reference(position, angle, mass, velocity, from_bodies_position, to_bodies_position, stiffness, from_bodies, to_bodies):
    # SoftPositionalConstraint.apply translated to pure jnp.
    indices = jnp.concatenate([from_bodies, to_bodies])  # [K]
    rel_positions = jnp.concatenate([from_bodies_position, to_bodies_position])  # [K, 2]

    # rel_to_abs, vmapped: gather body state by index
    body_pos = jnp.take(position, indices, axis=0)           # [K, 2]
    body_angle = jnp.take(angle, indices, axis=0) - jnp.pi / 2  # [K]
    # NOTE: faithful to original: rel_positions is indexed by the BODY index
    rel_pos = jnp.take(rel_positions, indices, axis=0)       # [K, 2]
    c = jnp.cos(body_angle)
    s = jnp.sin(body_angle)
    abs_x = c * rel_pos[:, 0] - s * rel_pos[:, 1] + body_pos[:, 0]
    abs_y = s * rel_pos[:, 0] + c * rel_pos[:, 1] + body_pos[:, 1]
    absolute_positions = jnp.stack([abs_x, abs_y], axis=1)   # [K, 2]

    masses = jnp.take(mass, indices, axis=0)                 # [K]
    target_position = jnp.sum(absolute_positions * masses[:, None], axis=0) / jnp.sum(masses)  # [2]

    impulses = stiffness * (target_position[None, :] - absolute_positions) * DT  # [K, 2]

    # scatter-overwrite into per-body impulse buffer (last write wins, as in .at[].set)
    to_apply = jnp.zeros((position.shape[0], 2), dtype=impulses.dtype).at[indices].set(impulses)
    new_velocity = velocity + to_apply
    return new_velocity

if __name__ == "__main__":
    import jax
    _d = setup_inputs()
    print(jax.jit(kernel)(*tuple(_d.values())))

</pallas_src>

<mosaic_0001>
#map = affine_map<(d0, d1) -> (0, 0)>
#map1 = affine_map<(d0, d1) -> (0)>
module attributes {stable_mosaic.version = 14 : i64} {
  func.func @_hist_body(%arg0: i32, %arg1: i32, %arg2: memref<8192x128xi32, #tpu.memory_space<hbm>>, %arg3: memref<2097152xf32, #tpu.memory_space<hbm>>, %arg4: memref<256x128xi32, #tpu.memory_space<vmem>>, %arg5: memref<128xf32, #tpu.memory_space<vmem>>, %arg6: memref<4096xf32, #tpu.memory_space<vmem>>, %arg7: memref<1048576xf32, #tpu.memory_space<vmem_shared>>, %arg8: memref<!tpu.dma_semaphore, #tpu.memory_space<semaphore_mem>>, %arg9: memref<!tpu.dma_semaphore, #tpu.memory_space<semaphore_mem>>) attributes {dimension_semantics = [#tpu.dimension_semantics<core_parallel>, #tpu.dimension_semantics<subcore_parallel>], iteration_bounds = array<i64: 2, 16>, scalar_prefetch = 0 : i64, scratch_operands = 6 : i64, tpu.core_type = #tpu.core_type<sc_vector_subcore>, window_params = [{transform_indices = #map}, {transform_indices = #map1}]} {
    %mul3A = arith.constant 2 : i32
    %mul3A_0 = arith.muli %arg1, %mul3A : i32
    %add3A = arith.addi %mul3A_0, %arg0 : i32
    %mul3A_1 = arith.constant 256 : i32
    %mul3A_2 = arith.muli %add3A, %mul3A_1 : i32
    %dma_start3A = arith.constant 0 : i32
    %dma_start3A_3 = tpu.memref_slice %arg2[%mul3A_2, %dma_start3A] : memref<8192x128xi32, #tpu.memory_space<hbm>> -> memref<256x128xi32, #tpu.memory_space<hbm>>
    %dma_start3A_4 = arith.constant 0 : i32
    %dma_start3A_5 = tpu.memref_slice %arg2[%mul3A_2, %dma_start3A_4] : memref<8192x128xi32, #tpu.memory_space<hbm>> -> memref<256x128xi32, #tpu.memory_space<hbm>>
    tpu.enqueue_dma source(%dma_start3A_5 : memref<256x128xi32, #tpu.memory_space<hbm>>) target(%arg4 : memref<256x128xi32, #tpu.memory_space<vmem>>) target_semaphore(%arg8 : memref<!tpu.dma_semaphore, #tpu.memory_space<semaphore_mem>>)
    %broadcast_in_dim3A = arith.constant 1.000000e+00 : f32
    %broadcast_in_dim3A_6 = vector.broadcast %broadcast_in_dim3A : f32 to vector<16xf32>
    %swap3A = arith.constant 0 : index
    %swap3A_7 = tpu.vector_load %arg5[%swap3A] {strides = array<i32>} : memref<128xf32, #tpu.memory_space<vmem>>, vector<16xf32>,
    %swap3A_8 = vector.shape_cast %swap3A_7 : vector<16xf32> to vector<16xf32>
    %swap3A_9 = vector.shape_cast %broadcast_in_dim3A_6 : vector<16xf32> to vector<16xf32>
    tpu.vector_store %arg5[%swap3A], %swap3A_9 {strides = array<i32>} : memref<128xf32, #tpu.memory_space<vmem>>, vector<16xf32>,
    %broadcast_in_dim3A_10 = arith.constant 1.000000e+00 : f32
    %broadcast_in_dim3A_11 = vector.broadcast %broadcast_in_dim3A_10 : f32 to vector<16xf32>
    %swap3A_12 = arith.constant 16 : index
    %swap3A_13 = tpu.vector_load %arg5[%swap3A_12] {strides = array<i32>} : memref<128xf32, #tpu.memory_space<vmem>>, vector<16xf32>,
    %swap3A_14 = vector.shape_cast %swap3A_13 : vector<16xf32> to vector<16xf32>
    %swap3A_15 = vector.shape_cast %broadcast_in_dim3A_11 : vector<16xf32> to vector<16xf32>
    tpu.vector_store %arg5[%swap3A_12], %swap3A_15 {strides = array<i32>} : memref<128xf32, #tpu.memory_space<vmem>>, vector<16xf32>,
    %broadcast_in_dim3A_16 = arith.constant 1.000000e+00 : f32
    %broadcast_in_dim3A_17 = vector.broadcast %broadcast_in_dim3A_16 : f32 to vector<16xf32>
    %swap3A_18 = arith.constant 32 : index
    %swap3A_19 = tpu.vector_load %arg5[%swap3A_18] {strides = array<i32>} : memref<128xf32, #tpu.memory_space<vmem>>, vector<16xf32>,
    %swap3A_20 = vector.shape_cast %swap3A_19 : vector<16xf32> to vector<16xf32>
    %swap3A_21 = vector.shape_cast %broadcast_in_dim3A_17 : vector<16xf32> to vector<16xf32>
    tpu.vector_store %arg5[%swap3A_18], %swap3A_21 {strides = array<i32>} : memref<128xf32, #tpu.memory_space<vmem>>, vector<16xf32>,
    %broadcast_in_dim3A_22 = arith.constant 1.000000e+00 : f32
    %broadcast_in_dim3A_23 = vector.broadcast %broadcast_in_dim3A_22 : f32 to vector<16xf32>
    %swap3A_24 = arith.constant 48 : index
    %swap3A_25 = tpu.vector_load %arg5[%swap3A_24] {strides = array<i32>} : memref<128xf32, #tpu.memory_space<vmem>>, vector<16xf32>,
    %swap3A_26 = vector.shape_cast %swap3A_25 : vector<16xf32> to vector<16xf32>
    %swap3A_27 = vector.shape_cast %broadcast_in_dim3A_23 : vector<16xf32> to vector<16xf32>
    tpu.vector_store %arg5[%swap3A_24], %swap3A_27 {strides = array<i32>} : memref<128xf32, #tpu.memory_space<vmem>>, vector<16xf32>,
    %broadcast_in_dim3A_28 = arith.constant 1.000000e+00 : f32
    %broadcast_in_dim3A_29 = vector.broadcast %broadcast_in_dim3A_28 : f32 to vector<16xf32>
    %swap3A_30 = arith.constant 64 : index
    %swap3A_31 = tpu.vector_load %arg5[%swap3A_30] {strides = array<i32>} : memref<128xf32, #tpu.memory_space<vmem>>, vector<16xf32>,
    %swap3A_32 = vector.shape_cast %swap3A_31 : vector<16xf32> to vector<16xf32>
    %swap3A_33 = vector.shape_cast %broadcast_in_dim3A_29 : vector<16xf32> to vector<16xf32>
    tpu.vector_store %arg5[%swap3A_30], %swap3A_33 {strides = array<i32>} : memref<128xf32, #tpu.memory_space<vmem>>, vector<16xf32>,
    %broadcast_in_dim3A_34 = arith.constant 1.000000e+00 : f32
    %broadcast_in_dim3A_35 = vector.broadcast %broadcast_in_dim3A_34 : f32 to vector<16xf32>
    %swap3A_36 = arith.constant 80 : index
    %swap3A_37 = tpu.vector_load %arg5[%swap3A_36] {strides = array<i32>} : memref<128xf32, #tpu.memory_space<vmem>>, vector<16xf32>,
    %swap3A_38 = vector.shape_cast %swap3A_37 : vector<16xf32> to vector<16xf32>
    %swap3A_39 = vector.shape_cast %broadcast_in_dim3A_35 : vector<16xf32> to vector<16xf32>
    tpu.vector_store %arg5[%swap3A_36], %swap3A_39 {strides = array<i32>} : memref<128xf32, #tpu.memory_space<vmem>>, vector<16xf32>,
    %broadcast_in_dim3A_40 = arith.constant 1.000000e+00 : f32
    %broadcast_in_dim3A_41 = vector.broadcast %broadcast_in_dim3A_40 : f32 to vector<16xf32>
    %swap3A_42 = arith.constant 96 : index
    %swap3A_43 = tpu.vector_load %arg5[%swap3A_42] {strides = array<i32>} : memref<128xf32, #tpu.memory_space<vmem>>, vector<16xf32>,
    %swap3A_44 = vector.shape_cast %swap3A_43 : vector<16xf32> to vector<16xf32>
    %swap3A_45 = vector.shape_cast %broadcast_in_dim3A_41 : vector<16xf32> to vector<16xf32>
    tpu.vector_store %arg5[%swap3A_42], %swap3A_45 {strides = array<i32>} : memref<128xf32, #tpu.memory_space<vmem>>, vector<16xf32>,
    %broadcast_in_dim3A_46 = arith.constant 1.000000e+00 : f32
    %broadcast_in_dim3A_47 = vector.broadcast %broadcast_in_dim3A_46 : f32 to vector<16xf32>
    %swap3A_48 = arith.constant 112 : index
    %swap3A_49 = tpu.vector_load %arg5[%swap3A_48] {strides = array<i32>} : memref<128xf32, #tpu.memory_space<vmem>>, vector<16xf32>,
    %swap3A_50 = vector.shape_cast %swap3A_49 : vector<16xf32> to vector<16xf32>
    %swap3A_51 = vector.shape_cast %broadcast_in_dim3A_47 : vector<16xf32> to vector<16xf32>
    tpu.vector_store %arg5[%swap3A_48], %swap3A_51 {strides = array<i32>} : memref<128xf32, #tpu.memory_space<vmem>>, vector<16xf32>,
    %broadcast_in_dim3A_52 = arith.constant 0.000000e+00 : f32
    %broadcast_in_dim3A_53 = vector.broadcast %broadcast_in_dim3A_52 : f32 to vector<16xf32>
    %swap3A_54 = arith.constant 0 : index
    %swap3A_55 = tpu.vector_load %arg6[%swap3A_54] {strides = array<i32>} : memref<4096xf32, #tpu.memory_space<vmem>>, vector<16xf32>,
    %swap3A_56 = vector.shape_cast %swap3A_55 : vector<16xf32> to vector<16xf32>
    %swap3A_57 = vector.shape_cast %broadcast_in_dim3A_53 : vector<16xf32> to vector<16xf32>
    tpu.vector_store %arg6[%swap3A_54], %swap3A_57 {strides = array<i32>} : memref<4096xf32, #tpu.memory_space<vmem>>, vector<16xf32>,
    %broadcast_in_dim3A_58 = arith.constant 0.000000e+00 : f32
    %broadcast_in_dim3A_59 = vector.broadcast %broadcast_in_dim3A_58 : f32 to vector<16xf32>
    %swap3A_60 = arith.constant 16 : index
    %swap3A_61 = tpu.vector_load %arg6[%swap3A_60] {strides = array<i32>} : memref<4096xf32, #tpu.memory_space<vmem>>, vector<16xf32>,
    %swap3A_62 = vector.shape_cast %swap3A_61 : vector<16xf32> to vector<16xf32>
    %swap3A_63 = vector.shape_cast %broadcast_in_dim3A_59 : vector<16xf32> to vector<16xf32>
    tpu.vector_store %arg6[%swap3A_60], %swap3A_63 {strides = array<i32>} : memref<4096xf32, #tpu.memory_space<vmem>>, vector<16xf32>,
    %broadcast_in_dim3A_64 = arith.constant 0.000000e+00 : f32
    %broadcast_in_dim3A_65 = vector.broadcast %broadcast_in_dim3A_64 : f32 to vector<16xf32>
    %swap3A_66 = arith.constant 32 : index
    %swap3A_67 = tpu.vector_load %arg6[%swap3A_66] {strides = array<i32>} : memref<4096xf32, #tpu.memory_space<vmem>>, vector<16xf32>,
    %swap3A_68 = vector.shape_cast %swap3A_67 : vector<16xf32> to vector<16xf32>
    %swap3A_69 = vector.shape_cast %broadcast_in_dim3A_65 : vector<16xf32> to vector<16xf32>
    tpu.vector_store %arg6[%swap3A_66], %swap3A_69 {strides = array<i32>} : memref<4096xf32, #tpu.memory_space<vmem>>, vector<16xf32>,
    %broadcast_in_dim3A_70 = arith.constant 0.000000e+00 : f32
    %broadcast_in_dim3A_71 = vector.broadcast %broadcast_in_dim3A_70 : f32 to vector<16xf32>
    %swap3A_72 = arith.constant 48 : index
    %swap3A_73 = tpu.vector_load %arg6[%swap3A_72] {strides = array<i32>} : memref<4096xf32, #tpu.memory_space<vmem>>, vector<16xf32>,
    %swap3A_74 = vector.shape_cast %swap3A_73 : vector<16xf32> to vector<16xf32>
    %swap3A_75 = vector.shape_cast %broadcast_in_dim3A_71 : vector<16xf32> to vector<16xf32>
    tpu.vector_store %arg6[%swap3A_72], %swap3A_75 {strides = array<i32>} : memref<4096xf32, #tpu.memory_space<vmem>>, vector<16xf32>,
    %broadcast_in_dim3A_76 = arith.constant 0.000000e+00 : f32
    %broadcast_in_dim3A_77 = vector.broadcast %broadcast_in_dim3A_76 : f32 to vector<16xf32>
    %swap3A_78 = arith.constant 64 : index
    %swap3A_79 = tpu.vector_load %arg6[%swap3A_78] {strides = array<i32>} : memref<4096xf32, #tpu.memory_space<vmem>>, vector<16xf32>,
    %swap3A_80 = vector.shape_cast %swap3A_79 : vector<16xf32> to vector<16xf32>
    %swap3A_81 = vector.shape_cast %broadcast_in_dim3A_77 : vector<16xf32> to vector<16xf32>
    tpu.vector_store %arg6[%swap3A_78], %swap3A_81 {strides = array<i32>} : memref<4096xf32, #tpu.memory_space<vmem>>, vector<16xf32>,
    %broadcast_in_dim3A_82 = arith.constant 0.000000e+00 : f32
    %broadcast_in_dim3A_83 = vector.broadcast %broadcast_in_dim3A_82 : f32 to vector<16xf32>
    %swap3A_84 = arith.constant 80 : index
    %swap3A_85 = tpu.vector_load %arg6[%swap3A_84] {strides = array<i32>} : memref<4096xf32, #tpu.memory_space<vmem>>, vector<16xf32>,
    %swap3A_86 = vector.shape_cast %swap3A_85 : vector<16xf32> to vector<16xf32>
    %swap3A_87 = vector.shape_cast %broadcast_in_dim3A_83 : vector<16xf32> to vector<16xf32>
    tpu.vector_store %arg6[%swap3A_84], %swap3A_87 {strides = array<i32>} : memref<4096xf32, #tpu.memory_space<vmem>>, vector<16xf32>,
    %broadcast_in_dim3A_88 = arith.constant 0.000000e+00 : f32
    %broadcast_in_dim3A_89 = vector.broadcast %broadcast_in_dim3A_88 : f32 to vector<16xf32>
    %swap3A_90 = arith.constant 96 : index
    %swap3A_91 = tpu.vector_load %arg6[%swap3A_90] {strides = array<i32>} : memref<4096xf32, #tpu.memory_space<vmem>>, vector<16xf32>,
    %swap3A_92 = vector.shape_cast %swap3A_91 : vector<16xf32> to vector<16xf32>
    %swap3A_93 = vector.shape_cast %broadcast_in_dim3A_89 : vector<16xf32> to vector<16xf32>
    tpu.vector_store %arg6[%swap3A_90], %swap3A_93 {strides = array<i32>} : memref<4096xf32, #tpu.memory_space<vmem>>, vector<16xf32>,
    %broadcast_in_dim3A_94 = arith.constant 0.000000e+00 : f32
    %broadcast_in_dim3A_95 = vector.broadcast %broadcast_in_dim3A_94 : f32 to vector<16xf32>
    %swap3A_96 = arith.constant 112 : index
    %swap3A_97 = tpu.vector_load %arg6[%swap3A_96] {strides = array<i32>} : memref<4096xf32, #tpu.memory_space<vmem>>, vector<16xf32>,
    %swap3A_98 = vector.shape_cast %swap3A_97 : vector<16xf32> to vector<16xf32>
    %swap3A_99 = vector.shape_cast %broadcast_in_dim3A_95 : vector<16xf32> to vector<16xf32>
    tpu.vector_store %arg6[%swap3A_96], %swap3A_99 {strides = array<i32>} : memref<4096xf32, #tpu.memory_space<vmem>>, vector<16xf32>,
    %broadcast_in_dim3A_100 = arith.constant 0.000000e+00 : f32
    %broadcast_in_dim3A_101 = vector.broadcast %broadcast_in_dim3A_100 : f32 to vector<16xf32>
    %swap3A_102 = arith.constant 128 : index
    %swap3A_103 = tpu.vector_load %arg6[%swap3A_102] {strides = array<i32>} : memref<4096xf32, #tpu.memory_space<vmem>>, vector<16xf32>,
    %swap3A_104 = vector.shape_cast %swap3A_103 : vector<16xf32> to vector<16xf32>
    %swap3A_105 = vector.shape_cast %broadcast_in_dim3A_101 : vector<16xf32> to vector<16xf32>
    tpu.vector_store %arg6[%swap3A_102], %swap3A_105 {strides = array<i32>} : memref<4096xf32, #tpu.memory_space<vmem>>, vector<16xf32>,
    %broadcast_in_dim3A_106 = arith.constant 0.000000e+00 : f32
    %broadcast_in_dim3A_107 = vector.broadcast %broadcast_in_dim3A_106 : f32 to vector<16xf32>
    %swap3A_108 = arith.constant 144 : index
    %swap3A_109 = tpu.vector_load %arg6[%swap3A_108] {strides = array<i32>} : memref<4096xf32, #tpu.memory_space<vmem>>, vector<16xf32>,
    %swap3A_110 = vector.shape_cast %swap3A_109 : vector<16xf32> to vector<16xf32>
    %swap3A_111 = vector.shape_cast %broadcast_in_dim3A_107 : vector<16xf32> to vector<16xf32>
    tpu.vector_store %arg6[%swap3A_108], %swap3A_111 {strides = array<i32>} : memref<4096xf32, #tpu.memory_space<vmem>>, vector<16xf32>,
    %broadcast_in_dim3A_112 = arith.constant 0.000000e+00 : f32
    %broadcast_in_dim3A_113 = vector.broadcast %broadcast_in_dim3A_112 : f32 to vector<16xf32>
    %swap3A_114 = arith.constant 160 : index
    %swap3A_115 = tpu.vector_load %arg6[%swap3A_114] {strides = array<i32>} : memref<4096xf32, #tpu.memory_space<vmem>>, vector<16xf32>,
    %swap3A_116 = vector.shape_cast %swap3A_115 : vector<16xf32> to vector<16xf32>
    %swap3A_117 = vector.shape_cast %broadcast_in_dim3A_113 : vector<16xf32> to vector<16xf32>
    tpu.vector_store %arg6[%swap3A_114], %swap3A_117 {strides = array<i32>} : memref<4096xf32, #tpu.memory_space<vmem>>, vector<16xf32>,
    %broadcast_in_dim3A_118 = arith.constant 0.000000e+00 : f32
    %broadcast_in_dim3A_119 = vector.broadcast %broadcast_in_dim3A_118 : f32 to vector<16xf32>
    %swap3A_120 = arith.constant 176 : index
    %swap3A_121 = tpu.vector_load %arg6[%swap3A_120] {strides = array<i32>} : memref<4096xf32, #tpu.memory_space<vmem>>, vector<16xf32>,
    %swap3A_122 = vector.shape_cast %swap3A_121 : vector<16xf32> to vector<16xf32>
    %swap3A_123 = vector.shape_cast %broadcast_in_dim3A_119 : vector<16xf32> to vector<16xf32>
    tpu.vector_store %arg6[%swap3A_120], %swap3A_123 {strides = array<i32>} : memref<4096xf32, #tpu.memory_space<vmem>>, vector<16xf32>,
    %broadcast_in_dim3A_124 = arith.constant 0.000000e+00 : f32
    %broadcast_in_dim3A_125 = vector.broadcast %broadcast_in_dim3A_124 : f32 to vector<16xf32>
    %swap3A_126 = arith.constant 192 : index
    %swap3A_127 = tpu.vector_load %arg6[%swap3A_126] {strides = array<i32>} : memref<4096xf32, #tpu.memory_space<vmem>>, vector<16xf32>,
    %swap3A_128 = vector.shape_cast %swap3A_127 : vector<16xf32> to vector<16xf32>
    %swap3A_129 = vector.shape_cast %broadcast_in_dim3A_125 : vector<16xf32> to vector<16xf32>
    tpu.vector_store %arg6[%swap3A_126], %swap3A_129 {strides = array<i32>} : memref<4096xf32, #tpu.memory_space<vmem>>, vector<16xf32>,
    %broadcast_in_dim3A_130 = arith.constant 0.000000e+00 : f32
    %broadcast_in_dim3A_131 = vector.broadcast %broadcast_in_dim3A_130 : f32 to vector<16xf32>
    %swap3A_132 = arith.constant 208 : index
    %swap3A_133 = tpu.vector_load %arg6[%swap3A_132] {strides = array<i32>} : memref<4096xf32, #tpu.memory_space<vmem>>, vector<16xf32>,
    %swap3A_134 = vector.shape_cast %swap3A_133 : vector<16xf32> to vector<16xf32>
    %swap3A_135 = vector.shape_cast %broadcast_in_dim3A_131 : vector<16xf32> to vector<16xf32>
    tpu.vector_store %arg6[%swap3A_132], %swap3A_135 {strides = array<i32>} : memref<4096xf32, #tpu.memory_space<vmem>>, vector<16xf32>,
    %broadcast_in_dim3A_136 = arith.constant 0.000000e+00 : f32
    %broadcast_in_dim3A_137 = vector.broadcast %broadcast_in_dim3A_136 : f32 to vector<16xf32>
    %swap3A_138 = arith.constant 224 : index
    %swap3A_139 = tpu.vector_load %arg6[%swap3A_138] {strides = array<i32>} : memref<4096xf32, #tpu.memory_space<vmem>>, vector<16xf32>,
    %swap3A_140 = vector.shape_cast %swap3A_139 : vector<16xf32> to vector<16xf32>
    %swap3A_141 = vector.shape_cast %broadcast_in_dim3A_137 : vector<16xf32> to vector<16xf32>
    tpu.vector_store %arg6[%swap3A_138], %swap3A_141 {strides = array<i32>} : memref<4096xf32, #tpu.memory_space<vmem>>, vector<16xf32>,
    %broadcast_in_dim3A_142 = arith.constant 0.000000e+00 : f32
    %broadcast_in_dim3A_143 = vector.broadcast %broadcast_in_dim3A_142 : f32 to vector<16xf32>
    %swap3A_144 = arith.constant 240 : index
    %swap3A_145 = tpu.vector_load %arg6[%swap3A_144] {strides = array<i32>} : memref<4096xf32, #tpu.memory_space<vmem>>, vector<16xf32>,
    %swap3A_146 = vector.shape_cast %swap3A_145 : vector<16xf32> to vector<16xf32>
    %swap3A_147 = vector.shape_cast %broadcast_in_dim3A_143 : vector<16xf32> to vector<16xf32>
    tpu.vector_store %arg6[%swap3A_144], %swap3A_147 {strides = array<i32>} : memref<4096xf32, #tpu.memory_space<vmem>>, vector<16xf32>,
    %broadcast_in_dim3A_148 = arith.constant 0.000000e+00 : f32
    %broadcast_in_dim3A_149 = vector.broadcast %broadcast_in_dim3A_148 : f32 to vector<16xf32>
    %swap3A_150 = arith.constant 256 : index
    %swap3A_151 = tpu.vector_load %arg6[%swap3A_150] {strides = array<i32>} : memref<4096xf32, #tpu.memory_space<vmem>>, vector<16xf32>,
    %swap3A_152 = vector.shape_cast %swap3A_151 : vector<16xf32> to vector<16xf32>
    %swap3A_153 = vector.shape_cast %broadcast_in_dim3A_149 : vector<16xf32> to vector<16xf32>
    tpu.vector_store %arg6[%swap3A_150], %swap3A_153 {strides = array<i32>} : memref<4096xf32, #tpu.memory_space<vmem>>, vector<16xf32>,
    %broadcast_in_dim3A_154 = arith.constant 0.000000e+00 : f32
    %broadcast_in_dim3A_155 = vector.broadcast %broadcast_in_dim3A_154 : f32 to vector<16xf32>
    %swap3A_156 = arith.constant 272 : index
    %swap3A_157 = tpu.vector_load %arg6[%swap3A_156] {strides = array<i32>} : memref<4096xf32, #tpu.memory_space<vmem>>, vector<16xf32>,
    %swap3A_158 = vector.shape_cast %swap3A_157 : vector<16xf32> to vector<16xf32>
    %swap3A_159 = vector.shape_cast %broadcast_in_dim3A_155 : vector<16xf32> to vector<16xf32>
    tpu.vector_store %arg6[%swap3A_156], %swap3A_159 {strides = array<i32>} : memref<4096xf32, #tpu.memory_space<vmem>>, vector<16xf32>,
    %broadcast_in_dim3A_160 = arith.constant 0.000000e+00 : f32
    %broadcast_in_dim3A_161 = vector.broadcast %broadcast_in_dim3A_160 : f32 to vector<16xf32>
    %swap3A_162 = arith.constant 288 : index
    %swap3A_163 = tpu.vector_load %arg6[%swap3A_162] {strides = array<i32>} : memref<4096xf32, #tpu.memory_space<vmem>>, vector<16xf32>,
    %swap3A_164 = vector.shape_cast %swap3A_163 : vector<16xf32> to vector<16xf32>
    %swap3A_165 = vector.shape_cast %broadcast_in_dim3A_161 : vector<16xf32> to vector<16xf32>
    tpu.vector_store %arg6[%swap3A_162], %swap3A_165 {strides = array<i32>} : memref<4096xf32, #tpu.memory_space<vmem>>, vector<16xf32>,
    %broadcast_in_dim3A_166 = arith.constant 0.000000e+00 : f32
    %broadcast_in_dim3A_167 = vector.broadcast %broadcast_in_dim3A_166 : f32 to vector<16xf32>
    %swap3A_168 = arith.constant 304 : index
    %swap3A_169 = tpu.vector_load %arg6[%swap3A_168] {strides = array<i32>} : memref<4096xf32, #tpu.memory_space<vmem>>, vector<16xf32>,
    %swap3A_170 = vector.shape_cast %swap3A_169 : vector<16xf32> to vector<16xf32>
    %swap3A_171 = vector.shape_cast %broadcast_in_dim3A_167 : vector<16xf32> to vector<16xf32>
    tpu.vector_store %arg6[%swap3A_168], %swap3A_171 {strides = array<i32>} : memref<4096xf32, #tpu.memory_space<vmem>>, vector<16xf32>,
    %broadcast_in_dim3A_172 = arith.constant 0.000000e+00 : f32
    %broadcast_in_dim3A_173 = vector.broadcast %broadcast_in_dim3A_172 : f32 to vector<16xf32>
    %swap3A_174 = arith.constant 320 : index
    %swap3A_175 = tpu.vector_load %arg6[%swap3A_174] {strides = array<i32>} : memref<4096xf32, #tpu.memory_space<vmem>>, vector<16xf32>,
    %swap3A_176 = vector.shape_cast %swap3A_175 : vector<16xf32> to vector<16xf32>
    %swap3A_177 = vector.shape_cast %broadcast_in_dim3A_173 : vector<16xf32> to vector<16xf32>
    tpu.vector_store %arg6[%swap3A_174], %swap3A_177 {strides = array<i32>} : memref<4096xf32, #tpu.memory_space<vmem>>, vector<16xf32>,
    %broadcast_in_dim3A_178 = arith.constant 0.000000e+00 : f32
    %broadcast_in_dim3A_179 = vector.broadcast %broadcast_in_dim3A_178 : f32 to vector<16xf32>
    %swap3A_180 = arith.constant 336 : index
    %swap3A_181 = tpu.vector_load %arg6[%swap3A_180] {strides = array<i32>} : memref<4096xf32, #tpu.memory_space<vmem>>, vector<16xf32>,
    %swap3A_182 = vector.shape_cast %swap3A_181 : vector<16xf32> to vector<16xf32>
    %swap3A_183 = vector.shape_cast %broadcast_in_dim3A_179 : vector<16xf32> to vector<16xf32>
    tpu.vector_store %arg6[%swap3A_180], %swap3A_183 {strides = array<i32>} : memref<4096xf32, #tpu.memory_space<vmem>>, vector<16xf32>,
    %broadcast_in_dim3A_184 = arith.constant 0.000000e+00 : f32
    %broadcast_in_dim3A_185 = vector.broadcast %broadcast_in_dim3A_184 : f32 to vector<16xf32>
    %swap3A_186 = arith.constant 352 : index
    %swap3A_187 = tpu.vector_load %arg6[%swap3A_186] {strides = array<i32>} : memref<4096xf32, #tpu.memory_space<vmem>>, vector<16xf32>,
    %swap3A_188 = vector.shape_cast %swap3A_187 : vector<16xf32> to vector<16xf32>
    %swap3A_189 = vector.shape_cast %broadcast_in_dim3A_185 : vector<16xf32> to vector<16xf32>
    tpu.vector_store %arg6[%swap3A_186], %swap3A_189 {strides = array<i32>} : memref<4096xf32, #tpu.memory_space<vmem>>, vector<16xf32>,
    %broadcast_in_dim3A_190 = arith.constant 0.000000e+00 : f32
    %broadcast_in_dim3A_191 = vector.broadcast %broadcast_in_dim3A_190 : f32 to vector<16xf32>
    %swap3A_192 = arith.constant 368 : index
    %swap3A_193 = tpu.vector_load %arg6[%swap3A_192] {strides = array<i32>} : memref<4096xf32, #tpu.memory_space<vmem>>, vector<16xf32>,
    %swap3A_194 = vector.shape_cast %swap3A_193 : vector<16xf32> to vector<16xf32>
    %swap3A_195 = vector.shape_cast %broadcast_in_dim3A_191 : vector<16xf32> to vector<16xf32>
    tpu.vector_store %arg6[%swap3A_192], %swap3A_195 {strides = array<i32>} : memref<4096xf32, #tpu.memory_space<vmem>>, vector<16xf32>,
    %broadcast_in_dim3A_196 = arith.constant 0.000000e+00 : f32
    %broadcast_in_dim3A_197 = vector.broadcast %broadcast_in_dim3A_196 : f32 to vector<16xf32>
    %swap3A_198 = arith.constant 384 : index
    %swap3A_199 = tpu.vector_load %arg6[%swap3A_198] {strides = array<i32>} : memref<4096xf32, #tpu.memory_space<vmem>>, vector<16xf32>,
    %swap3A_200 = vector.shape_cast %swap3A_199 : vector<16xf32> to vector<16xf32>
    %swap3A_201 = vector.shape_cast %broadcast_in_dim3A_197 : vector<16xf32> to vector<16xf32>
    tpu.vector_store %arg6[%swap3A_198], %swap3A_201 {strides = array<i32>} : memref<4096xf32, #tpu.memory_space<vmem>>, vector<16xf32>,
    %broadcast_in_dim3A_202 = arith.constant 0.000000e+00 : f32
    %broadcast_in_dim3A_203 = vector.broadcast %broadcast_in_dim3A_202 : f32 to vector<16xf32>
    %swap3A_204 = arith.constant 400 : index
    %swap3A_205 = tpu.vector_load %arg6[%swap3A_204] {strides = array<i32>} : memref<4096xf32, #tpu.memory_space<vmem>>, vector<16xf32>,
    %swap3A_206 = vector.shape_cast %swap3A_205 : vector<16xf32> to vector<16xf32>
    %swap3A_207 = vector.shape_cast %broadcast_in_dim3A_203 : vector<16xf32> to vector<16xf32>
    tpu.vector_store %arg6[%swap3A_204], %swap3A_207 {strides = array<i32>} : memref<4096xf32, #tpu.memory_space<vmem>>, vector<16xf32>,
    %broadcast_in_dim3A_208 = arith.constant 0.000000e+00 : f32
    %broadcast_in_dim3A_209 = vector.broadcast %broadcast_in_dim3A_208 : f32 to vector<16xf32>
    %swap3A_210 = arith.constant 416 : index
    %swap3A_211 = tpu.vector_load %arg6[%swap3A_210] {strides = array<i32>} : memref<4096xf32, #tpu.memory_space<vmem>>, vector<16xf32>,
    %swap3A_212 = vector.shape_cast %swap3A_211 : vector<16xf32> to vector<16xf32>
    %swap3A_213 = vector.shape_cast %broadcast_in_dim3A_209 : vector<16xf32> to vector<16xf32>
    tpu.vector_store %arg6[%swap3A_210], %swap3A_213 {strides = array<i32>} : memref<4096xf32, #tpu.memory_space<vmem>>, vector<16xf32>,
    %broadcast_in_dim3A_214 = arith.constant 0.000000e+00 : f32
    %broadcast_in_dim3A_215 = vector.broadcast %broadcast_in_dim3A_214 : f32 to vector<16xf32>
    %swap3A_216 = arith.constant 432 : index
    %swap3A_217 = tpu.vector_load %arg6[%swap3A_216] {strides = array<i32>} : memref<4096xf32, #tpu.memory_space<vmem>>, vector<16xf32>,
    %swap3A_218 = vector.shape_cast %swap3A_217 : vector<16xf32> to vector<16xf32>
    %swap3A_219 = vector.shape_cast %broadcast_in_dim3A_215 : vector<16xf32> to vector<16xf32>
    tpu.vector_store %arg6[%swap3A_216], %swap3A_219 {strides = array<i32>} : memref<4096xf32, #tpu.memory_space<vmem>>, vector<16xf32>,
    %broadcast_in_dim3A_220 = arith.constant 0.000000e+00 : f32
    %broadcast_in_dim3A_221 = vector.broadcast %broadcast_in_dim3A_220 : f32 to vector<16xf32>
    %swap3A_222 = arith.constant 448 : index
    %swap3A_223 = tpu.vector_load %arg6[%swap3A_222] {strides = array<i32>} : memref<4096xf32, #tpu.memory_space<vmem>>, vector<16xf32>,
    %swap3A_224 = vector.shape_cast %swap3A_223 : vector<16xf32> to vector<16xf32>
    %swap3A_225 = vector.shape_cast %broadcast_in_dim3A_221 : vector<16xf32> to vector<16xf32>
    tpu.vector_store %arg6[%swap3A_222], %swap3A_225 {strides = array<i32>} : memref<4096xf32, #tpu.memory_space<vmem>>, vector<16xf32>,
    %broadcast_in_dim3A_226 = arith.constant 0.000000e+00 : f32
    %broadcast_in_dim3A_227 = vector.broadcast %broadcast_in_dim3A_226 : f32 to vector<16xf32>
    %swap3A_228 = arith.constant 464 : index
    %swap3A_229 = tpu.vector_load %arg6[%swap3A_228] {strides = array<i32>} : memref<4096xf32, #tpu.memory_space<vmem>>, vector<16xf32>,
    %swap3A_230 = vector.shape_cast %swap3A_229 : vector<16xf32> to vector<16xf32>
    %swap3A_231 = vector.shape_cast %broadcast_in_dim3A_227 : vector<16xf32> to vector<16xf32>
    tpu.vector_store %arg6[%swap3A_228], %swap3A_231 {strides = array<i32>} : memref<4096xf32, #tpu.memory_space<vmem>>, vector<16xf32>,
    %broadcast_in_dim3A_232 = arith.constant 0.000000e+00 : f32
    %broadcast_in_dim3A_233 = vector.broadcast %broadcast_in_dim3A_232 : f32 to vector<16xf32>
    %swap3A_234 = arith.constant 480 : index
    %swap3A_235 = tpu.vector_load %arg6[%swap3A_234] {strides = array<i32>} : memref<4096xf32, #tpu.memory_space<vmem>>, vector<16xf32>,
    %swap3A_236 = vector.shape_cast %swap3A_235 : vector<16xf32> to vector<16xf32>
    %swap3A_237 = vector.shape_cast %broadcast_in_dim3A_233 : vector<16xf32> to vector<16xf32>
    tpu.vector_store %arg6[%swap3A_234], %swap3A_237 {strides = array<i32>} : memref<4096xf32, #tpu.memory_space<vmem>>, vector<16xf32>,
    %broadcast_in_dim3A_238 = arith.constant 0.000000e+00 : f32
    %broadcast_in_dim3A_239 = vector.broadcast %broadcast_in_dim3A_238 : f32 to vector<16xf32>
    %swap3A_240 = arith.constant 496 : index
    %swap3A_241 = tpu.vector_load %arg6[%swap3A_240] {strides = array<i32>} : memref<4096xf32, #tpu.memory_space<vmem>>, vector<16xf32>,
    %swap3A_242 = vector.shape_cast %swap3A_241 : vector<16xf32> to vector<16xf32>
    %swap3A_243 = vector.shape_cast %broadcast_in_dim3A_239 : vector<16xf32> to vector<16xf32>
    tpu.vector_store %arg6[%swap3A_240], %swap3A_243 {strides = array<i32>} : memref<4096xf32, #tpu.memory_space<vmem>>, vector<16xf32>,
    %broadcast_in_dim3A_244 = arith.constant 0.000000e+00 : f32
    %broadcast_in_dim3A_245 = vector.broadcast %broadcast_in_dim3A_244 : f32 to vector<16xf32>
    %swap3A_246 = arith.constant 512 : index
    %swap3A_247 = tpu.vector_load %arg6[%swap3A_246] {strides = array<i32>} : memref<4096xf32, #tpu.memory_space<vmem>>, vector<16xf32>,
    %swap3A_248 = vector.shape_cast %swap3A_247 : vector<16xf32> to vector<16xf32>
    %swap3A_249 = vector.shape_cast %broadcast_in_dim3A_245 : vector<16xf32> to vector<16xf32>
    tpu.vector_store %arg6[%swap3A_246], %swap3A_249 {strides = array<i32>} : memref<4096xf32, #tpu.memory_space<vmem>>, vector<16xf32>,
    %broadcast_in_dim3A_250 = arith.constant 0.000000e+00 : f32
    %broadcast_in_dim3A_251 = vector.broadcast %broadcast_in_dim3A_250 : f32 to vector<16xf32>
    %swap3A_252 = arith.constant 528 : index
    %swap3A_253 = tpu.vector_load %arg6[%swap3A_252] {strides = array<i32>} : memref<4096xf32, #tpu.memory_space<vmem>>, vector<16xf32>,
    %swap3A_254 = vector.shape_cast %swap3A_253 : vector<16xf32> to vector<16xf32>
    %swap3A_255 = vector.shape_cast %broadcast_in_dim3A_251 : vector<16xf32> to vector<16xf32>
    tpu.vector_store %arg6[%swap3A_252], %swap3A_255 {strides = array<i32>} : memref<4096xf32, #tpu.memory_space<vmem>>, vector<16xf32>,
    %broadcast_in_dim3A_256 = arith.constant 0.000000e+00 : f32
    %broadcast_in_dim3A_257 = vector.broadcast %broadcast_in_dim3A_256 : f32 to vector<16xf32>
    %swap3A_258 = arith.constant 544 : index
    %swap3A_259 = tpu.vector_load %arg6[%swap3A_258] {strides = array<i32>} : memref<4096xf32, #tpu.memory_space<vmem>>, vector<16xf32>,
    %swap3A_260 = vector.shape_cast %swap3A_259 : vector<16xf32> to vector<16xf32>
    %swap3A_261 = vector.shape_cast %broadcast_in_dim3A_257 : vector<16xf32> to vector<16xf32>
    tpu.vector_store %arg6[%swap3A_258], %swap3A_261 {strides = array<i32>} : memref<4096xf32, #tpu.memory_space<vmem>>, vector<16xf32>,
    %broadcast_in_dim3A_262 = arith.constant 0.000000e+00 : f32
    %broadcast_in_dim3A_263 = vector.broadcast %broadcast_in_dim3A_262 : f32 to vector<16xf32>
    %swap3A_264 = arith.constant 560 : index
    %swap3A_265 = tpu.vector_load %arg6[%swap3A_264] {strides = array<i32>} : memref<4096xf32, #tpu.memory_space<vmem>>, vector<16xf32>,
    %swap3A_266 = vector.shape_cast %swap3A_265 : vector<16xf32> to vector<16xf32>
    %swap3A_267 = vector.shape_cast %broadcast_in_dim3A_263 : vector<16xf32> to vector<16xf32>
    tpu.vector_store %arg6[%swap3A_264], %swap3A_267 {strides = array<i32>} : memref<4096xf32, #tpu.memory_space<vmem>>, vector<16xf32>,
    %broadcast_in_dim3A_268 = arith.constant 0.000000e+00 : f32
    %broadcast_in_dim3A_269 = vector.broadcast %broadcast_in_dim3A_268 : f32 to vector<16xf32>
    %swap3A_270 = arith.constant 576 : index
    %swap3A_271 = tpu.vector_load %arg6[%swap3A_270] {strides = array<i32>} : memref<4096xf32, #tpu.memory_space<vmem>>, vector<16xf32>,
    %swap3A_272 = vector.shape_cast %swap3A_271 : vector<16xf32> to vector<16xf32>
    %swap3A_273 = vector.shape_cast %broadcast_in_dim3A_269 : vector<16xf32> to vector<16xf32>
    tpu.vector_store %arg6[%swap3A_270], %swap3A_273 {strides = array<i32>} : memref<4096xf32, #tpu.memory_space<vmem>>, vector<16xf32>,
    %broadcast_in_dim3A_274 = arith.constant 0.000000e+00 : f32
    %broadcast_in_dim3A_275 = vector.broadcast %broadcast_in_dim3A_274 : f32 to vector<16xf32>
    %swap3A_276 = arith.constant 592 : index
    %swap3A_277 = tpu.vector_load %arg6[%swap3A_276] {strides = array<i32>} : memref<4096xf32, #tpu.memory_space<vmem>>, vector<16xf32>,
    %swap3A_278 = vector.shape_cast %swap3A_277 : vector<16xf32> to vector<16xf32>
    %swap3A_279 = vector.shape_cast %broadcast_in_dim3A_275 : vector<16xf32> to vector<16xf32>
    tpu.vector_store %arg6[%swap3A_276], %swap3A_279 {strides = array<i32>} : memref<4096xf32, #tpu.memory_space<vmem>>, vector<16xf32>,
    %broadcast_in_dim3A_280 = arith.constant 0.000000e+00 : f32
    %broadcast_in_dim3A_281 = vector.broadcast %broadcast_in_dim3A_280 : f32 to vector<16xf32>
    %swap3A_282 = arith.constant 608 : index
    %swap3A_283 = tpu.vector_load %arg6[%swap3A_282] {strides = array<i32>} : memref<4096xf32, #tpu.memory_space<vmem>>, vector<16xf32>,
    %swap3A_284 = vector.shape_cast %swap3A_283 : vector<16xf32> to vector<16xf32>
    %swap3A_285 = vector.shape_cast %broadcast_in_dim3A_281 : vector<16xf32> to vector<16xf32>
    tpu.vector_store %arg6[%swap3A_282], %swap3A_285 {strides = array<i32>} : memref<4096xf32, #tpu.memory_space<vmem>>, vector<16xf32>,
    %broadcast_in_dim3A_286 = arith.constant 0.000000e+00 : f32
    %broadcast_in_dim3A_287 = vector.broadcast %broadcast_in_dim3A_286 : f32 to vector<16xf32>
    %swap3A_288 = arith.constant 624 : index
    %swap3A_289 = tpu.vector_load %arg6[%swap3A_288] {strides = array<i32>} : memref<4096xf32, #tpu.memory_space<vmem>>, vector<16xf32>,
    %swap3A_290 = vector.shape_cast %swap3A_289 : vector<16xf32> to vector<16xf32>
    %swap3A_291 = vector.shape_cast %broadcast_in_dim3A_287 : vector<16xf32> to vector<16xf32>
    tpu.vector_store %arg6[%swap3A_288], %swap3A_291 {strides = array<i32>} : memref<4096xf32, #tpu.memory_space<vmem>>, vector<16xf32>,
    %broadcast_in_dim3A_292 = arith.constant 0.000000e+00 : f32
    %broadcast_in_dim3A_293 = vector.broadcast %broadcast_in_dim3A_292 : f32 to vector<16xf32>
    %swap3A_294 = arith.constant 640 : index
    %swap3A_295 = tpu.vector_load %arg6[%swap3A_294] {strides = array<i32>} : memref<4096xf32, #tpu.memory_space<vmem>>, vector<16xf32>,
    %swap3A_296 = vector.shape_cast %swap3A_295 : vector<16xf32> to vector<16xf32>
    %swap3A_297 = vector.shape_cast %broadcast_in_dim3A_293 : vector<16xf32> to vector<16xf32>
    tpu.vector_store %arg6[%swap3A_294], %swap3A_297 {strides = array<i32>} : memref<4096xf32, #tpu.memory_space<vmem>>, vector<16xf32>,
    %broadcast_in_dim3A_298 = arith.constant 0.000000e+00 : f32
    %broadcast_in_dim3A_299 = vector.broadcast %broadcast_in_dim3A_298 : f32 to vector<16xf32>
    %swap3A_300 = arith.constant 656 : index
    %swap3A_301 = tpu.vector_load %arg6[%swap3A_300] {strides = array<i32>} : memref<4096xf32, #tpu.memory_space<vmem>>, vector<16xf32>,
    %swap3A_302 = vector.shape_cast %swap3A_301 : vector<16xf32> to vector<16xf32>
    %swap3A_303 = vector.shape_cast %broadcast_in_dim3A_299 : vector<16xf32> to vector<16xf32>
    tpu.vector_store %arg6[%swap3A_300], %swap3A_303 {strides = array<i32>} : memref<4096xf32, #tpu.memory_space<vmem>>, vector<16xf32>,
    %broadcast_in_dim3A_304 = arith.constant 0.000000e+00 : f32
    %broadcast_in_dim3A_305 = vector.broadcast %broadcast_in_dim3A_304 : f32 to vector<16xf32>
    %swap3A_306 = arith.constant 672 : index
    %swap3A_307 = tpu.vector_load %arg6[%swap3A_306] {strides = array<i32>} : memref<4096xf32, #tpu.memory_space<vmem>>, vector<16xf32>,
    %swap3A_308 = vector.shape_cast %swap3A_307 : vector<16xf32> to vector<16xf32>
    %swap3A_309 = vector.shape_cast %broadcast_in_dim3A_305 : vector<16xf32> to vector<16xf32>
    tpu.vector_store %arg6[%swap3A_306], %swap3A_309 {strides = array<i32>} : memref<4096xf32, #tpu.memory_space<vmem>>, vector<16xf32>,
    %broadcast_in_dim3A_310 = arith.constant 0.000000e+00 : f32
    %broadcast_in_dim3A_311 = vector.broadcast %broadcast_in_dim3A_310 : f32 to vector<16xf32>
    %swap3A_312 = arith.constant 688 : index
    %swap3A_313 = tpu.vector_load %arg6[%swap3A_312] {strides = array<i32>} : memref<4096xf32, #tpu.memory_space<vmem>>, vector<16xf32>,
    %swap3A_314 = vector.shape_cast %swap3A_313 : vector<16xf32> to vector<16xf32>
    %swap3A_315 = vector.shape_cast %broadcast_in_dim3A_311 : vector<16xf32> to vector<16xf32>
    tpu.vector_store %arg6[%swap3A_312], %swap3A_315 {strides = array<i32>} : memref<4096xf32, #tpu.memory_space<vmem>>, vector<16xf32>,
    %broadcast_in_dim3A_316 = arith.constant 0.000000e+00 : f32
    %broadcast_in_dim3A_317 = vector.broadcast %broadcast_in_dim3A_316 : f32 to vector<16xf32>
    %swap3A_318 = arith.constant 704 : index
    %swap3A_319 = tpu.vector_load %arg6[%swap3A_318] {strides = array<i32>} : memref<4096xf32, #tpu.memory_space<vmem>>, vector<16xf32>,
    %swap3A_320 = vector.shape_cast %swap3A_319 : vector<16xf32> to vector<16xf32>
    %swap3A_321 = vector.shape_cast %broadcast_in_dim3A_317 : vector<16xf32> to vector<16xf32>
    tpu.vector_store %arg6[%swap3A_318], %swap3A_321 {strides = array<i32>} : memref<4096xf32, #tpu.memory_space<vmem>>, vector<16xf32>,
    %broadcast_in_dim3A_322 = arith.constant 0.000000e+00 : f32
    %broadcast_in_dim3A_323 = vector.broadcast %broadcast_in_dim3A_322 : f32 to vector<16xf32>
    %swap3A_324 = arith.constant 720 : index
    %swap3A_325 = tpu.vector_load %arg6[%swap3A_324] {strides = array<i32>} : memref<4096xf32, #tpu.memory_space<vmem>>, vector<16xf32>,
    %swap3A_326 = vector.shape_cast %swap3A_325 : vector<16xf32> to vector<16xf32>
    %swap3A_327 = vector.shape_cast %broadcast_in_dim3A_323 : vector<16xf32> to vector<16xf32>
    tpu.vector_store %arg6[%swap3A_324], %swap3A_327 {strides = array<i32>} : memref<4096xf32, #tpu.memory_space<vmem>>, vector<16xf32>,
    %broadcast_in_dim3A_328 = arith.constant 0.000000e+00 : f32
    %broadcast_in_dim3A_329 = vector.broadcast %broadcast_in_dim3A_328 : f32 to vector<16xf32>
    %swap3A_330 = arith.constant 736 : index
    %swap3A_331 = tpu.vector_load %arg6[%swap3A_330] {strides = array<i32>} : memref<4096xf32, #tpu.memory_space<vmem>>, vector<16xf32>,
    %swap3A_332 = vector.shape_cast %swap3A_331 : vector<16xf32> to vector<16xf32>
    %swap3A_333 = vector.shape_cast %broadcast_in_dim3A_329 : vector<16xf32> to vector<16xf32>
    tpu.vector_store %arg6[%swap3A_330], %swap3A_333 {strides = array<i32>} : memref<4096xf32, #tpu.memory_space<vmem>>, vector<16xf32>,
    %broadcast_in_dim3A_334 = arith.constant 0.000000e+00 : f32
    %broadcast_in_dim3A_335 = vector.broadcast %broadcast_in_dim3A_334 : f32 to vector<16xf32>
    %swap3A_336 = arith.constant 752 : index
    %swap3A_337 = tpu.vector_load %arg6[%swap3A_336] {strides = array<i32>} : memref<4096xf32, #tpu.memory_space<vmem>>, vector<16xf32>,
    %swap3A_338 = vector.shape_cast %swap3A_337 : vector<16xf32> to vector<16xf32>
    %swap3A_339 = vector.shape_cast %broadcast_in_dim3A_335 : vector<16xf32> to vector<16xf32>
    tpu.vector_store %arg6[%swap3A_336], %swap3A_339 {strides = array<i32>} : memref<4096xf32, #tpu.memory_space<vmem>>, vector<16xf32>,
    %broadcast_in_dim3A_340 = arith.constant 0.000000e+00 : f32
    %broadcast_in_dim3A_341 = vector.broadcast %broadcast_in_dim3A_340 : f32 to vector<16xf32>
    %swap3A_342 = arith.constant 768 : index
    %swap3A_343 = tpu.vector_load %arg6[%swap3A_342] {strides = array<i32>} : memref<4096xf32, #tpu.memory_space<vmem>>, vector<16xf32>,
    %swap3A_344 = vector.shape_cast %swap3A_343 : vector<16xf32> to vector<16xf32>
    %swap3A_345 = vector.shape_cast %broadcast_in_dim3A_341 : vector<16xf32> to vector<16xf32>
    tpu.vector_store %arg6[%swap3A_342], %swap3A_345 {strides = array<i32>} : memref<4096xf32, #tpu.memory_space<vmem>>, vector<16xf32>,
    %broadcast_in_dim3A_346 = arith.constant 0.000000e+00 : f32
    %broadcast_in_dim3A_347 = vector.broadcast %broadcast_in_dim3A_346 : f32 to vector<16xf32>
    %swap3A_348 = arith.constant 784 : index
    %swap3A_349 = tpu.vector_load %arg6[%swap3A_348] {strides = array<i32>} : memref<4096xf32, #tpu.memory_space<vmem>>, vector<16xf32>,
    %swap3A_350 = vector.shape_cast %swap3A_349 : vector<16xf32> to vector<16xf32>
    %swap3A_351 = vector.shape_cast %broadcast_in_dim3A_347 : vector<16xf32> to vector<16xf32>
    tpu.vector_store %arg6[%swap3A_348], %swap3A_351 {strides = array<i32>} : memref<4096xf32, #tpu.memory_space<vmem>>, vector<16xf32>,
    %broadcast_in_dim3A_352 = arith.constant 0.000000e+00 : f32
    %broadcast_in_dim3A_353 = vector.broadcast %broadcast_in_dim3A_352 : f32 to vector<16xf32>
    %swap3A_354 = arith.constant 800 : index
    %swap3A_355 = tpu.vector_load %arg6[%swap3A_354] {strides = array<i32>} : memref<4096xf32, #tpu.memory_space<vmem>>, vector<16xf32>,
    %swap3A_356 = vector.shape_cast %swap3A_355 : vector<16xf32> to vector<16xf32>
    %swap3A_357 = vector.shape_cast %broadcast_in_dim3A_353 : vector<16xf32> to vector<16xf32>
    tpu.vector_store %arg6[%swap3A_354], %swap3A_357 {strides = array<i32>} : memref<4096xf32, #tpu.memory_space<vmem>>, vector<16xf32>,
    %broadcast_in_dim3A_358 = arith.constant 0.000000e+00 : f32
    %broadcast_in_dim3A_359 = vector.broadcast %broadcast_in_dim3A_358 : f32 to vector<16xf32>
    %swap3A_360 = arith.constant 816 : index
    %swap3A_361 = tpu.vector_load %arg6[%swap3A_360] {strides = array<i32>} : memref<4096xf32, #tpu.memory_space<vmem>>, vector<16xf32>,
    %swap3A_362 = vector.shape_cast %swap3A_361 : vector<16xf32> to vector<16xf32>
    %swap3A_363 = vector.shape_cast %broadcast_in_dim3A_359 : vector<16xf32> to vector<16xf32>
    tpu.vector_store %arg6[%swap3A_360], %swap3A_363 {strides = array<i32>} : memref<4096xf32, #tpu.memory_space<vmem>>, vector<16xf32>,
    %broadcast_in_dim3A_364 = arith.constant 0.000000e+00 : f32
    %broadcast_in_dim3A_365 = vector.broadcast %broadcast_in_dim3A_364 : f32 to vector<16xf32>
    %swap3A_366 = arith.constant 832 : index
    %swap3A_367 = tpu.vector_load %arg6[%swap3A_366] {strides = array<i32>} : memref<4096xf32, #tpu.memory_space<vmem>>, vector<16xf32>,
    %swap3A_368 = vector.shape_cast %swap3A_367 : vector<16xf32> to vector<16xf32>
    %swap3A_369 = vector.shape_cast %broadcast_in_dim3A_365 : vector<16xf32> to vector<16xf32>
    tpu.vector_store %arg6[%swap3A_366], %swap3A_369 {strides = array<i32>} : memref<4096xf32, #tpu.memory_space<vmem>>, vector<16xf32>,
    %broadcast_in_dim3A_370 = arith.constant 0.000000e+00 : f32
    %broadcast_in_dim3A_371 = vector.broadcast %broadcast_in_dim3A_370 : f32 to vector<16xf32>
    %swap3A_372 = arith.constant 848 : index
    %swap3A_373 = tpu.vector_load %arg6[%swap3A_372] {strides = array<i32>} : memref<4096xf32, #tpu.memory_space<vmem>>, vector<16xf32>,
    %swap3A_374 = vector.shape_cast %swap3A_373 : vector<16xf32> to vector<16xf32>
    %swap3A_375 = vector.shape_cast %broadcast_in_dim3A_371 : vector<16xf32> to vector<16xf32>
    tpu.vector_store %arg6[%swap3A_372], %swap3A_375 {strides = array<i32>} : memref<4096xf32, #tpu.memory_space<vmem>>, vector<16xf32>,
    %broadcast_in_dim3A_376 = arith.constant 0.000000e+00 : f32
    %broadcast_in_dim3A_377 = vector.broadcast %broadcast_in_dim3A_376 : f32 to vector<16xf32>
    %swap3A_378 = arith.constant 864 : index
    %swap3A_379 = tpu.vector_load %arg6[%swap3A_378] {strides = array<i32>} : memref<4096xf32, #tpu.memory_space<vmem>>, vector<16xf32>,
    %swap3A_380 = vector.shape_cast %swap3A_379 : vector<16xf32> to vector<16xf32>
    %swap3A_381 = vector.shape_cast %broadcast_in_dim3A_377 : vector<16xf32> to vector<16xf32>
    tpu.vector_store %arg6[%swap3A_378], %swap3A_381 {strides = array<i32>} : memref<4096xf32, #tpu.memory_space<vmem>>, vector<16xf32>,
    %broadcast_in_dim3A_382 = arith.constant 0.000000e+00 : f32
    %broadcast_in_dim3A_383 = vector.broadcast %broadcast_in_dim3A_382 : f32 to vector<16xf32>
    %swap3A_384 = arith.constant 880 : index
    %swap3A_385 = tpu.vector_load %arg6[%swap3A_384] {strides = array<i32>} : memref<4096xf32, #tpu.memory_space<vmem>>, vector<16xf32>,
    %swap3A_386 = vector.shape_cast %swap3A_385 : vector<16xf32> to vector<16xf32>
    %swap3A_387 = vector.shape_cast %broadcast_in_dim3A_383 : vector<16xf32> to vector<16xf32>
    tpu.vector_store %arg6[%swap3A_384], %swap3A_387 {strides = array<i32>} : memref<4096xf32, #tpu.memory_space<vmem>>, vector<16xf32>,
    %broadcast_in_dim3A_388 = arith.constant 0.000000e+00 : f32
    %broadcast_in_dim3A_389 = vector.broadcast %broadcast_in_dim3A_388 : f32 to vector<16xf32>
    %swap3A_390 = arith.constant 896 : index
    %swap3A_391 = tpu.vector_load %arg6[%swap3A_390] {strides = array<i32>} : memref<4096xf32, #tpu.memory_space<vmem>>, vector<16xf32>,
    %swap3A_392 = vector.shape_cast %swap3A_391 : vector<16xf32> to vector<16xf32>
    %swap3A_393 = vector.shape_cast %broadcast_in_dim3A_389 : vector<16xf32> to vector<16xf32>
    tpu.vector_store %arg6[%swap3A_390], %swap3A_393 {strides = array<i32>} : memref<4096xf32, #tpu.memory_space<vmem>>, vector<16xf32>,
    %broadcast_in_dim3A_394 = arith.constant 0.000000e+00 : f32
    %broadcast_in_dim3A_395 = vector.broadcast %broadcast_in_dim3A_394 : f32 to vector<16xf32>
    %swap3A_396 = arith.constant 912 : index
    %swap3A_397 = tpu.vector_load %arg6[%swap3A_396] {strides = array<i32>} : memref<4096xf32, #tpu.memory_space<vmem>>, vector<16xf32>,
    %swap3A_398 = vector.shape_cast %swap3A_397 : vector<16xf32> to vector<16xf32>
    %swap3A_399 = vector.shape_cast %broadcast_in_dim3A_395 : vector<16xf32> to vector<16xf32>
    tpu.vector_store %arg6[%swap3A_396], %swap3A_399 {strides = array<i32>} : memref<4096xf32, #tpu.memory_space<vmem>>, vector<16xf32>,
    %broadcast_in_dim3A_400 = arith.constant 0.000000e+00 : f32
    %broadcast_in_dim3A_401 = vector.broadcast %broadcast_in_dim3A_400 : f32 to vector<16xf32>
    %swap3A_402 = arith.constant 928 : index
    %swap3A_403 = tpu.vector_load %arg6[%swap3A_402] {strides = array<i32>} : memref<4096xf32, #tpu.memory_space<vmem>>, vector<16xf32>,
    %swap3A_404 = vector.shape_cast %swap3A_403 : vector<16xf32> to vector<16xf32>
    %swap3A_405 = vector.shape_cast %broadcast_in_dim3A_401 : vector<16xf32> to vector<16xf32>
    tpu.vector_store %arg6[%swap3A_402], %swap3A_405 {strides = array<i32>} : memref<4096xf32, #tpu.memory_space<vmem>>, vector<16xf32>,
    %broadcast_in_dim3A_406 = arith.constant 0.000000e+00 : f32
    %broadcast_in_dim3A_407 = vector.broadcast %broadcast_in_dim3A_406 : f32 to vector<16xf32>
    %swap3A_408 = arith.constant 944 : index
    %swap3A_409 = tpu.vector_load %arg6[%swap3A_408] {strides = array<i32>} : memref<4096xf32, #tpu.memory_space<vmem>>, vector<16xf32>,
    %swap3A_410 = vector.shape_cast %swap3A_409 : vector<16xf32> to vector<16xf32>
    %swap3A_411 = vector.shape_cast %broadcast_in_dim3A_407 : vector<16xf32> to vector<16xf32>
    tpu.vector_store %arg6[%swap3A_408], %swap3A_411 {strides = array<i32>} : memref<4096xf32, #tpu.memory_space<vmem>>, vector<16xf32>,
    %broadcast_in_dim3A_412 = arith.constant 0.000000e+00 : f32
    %broadcast_in_dim3A_413 = vector.broadcast %broadcast_in_dim3A_412 : f32 to vector<16xf32>
    %swap3A_414 = arith.constant 960 : index
    %swap3A_415 = tpu.vector_load %arg6[%swap3A_414] {strides = array<i32>} : memref<4096xf32, #tpu.memory_space<vmem>>, vector<16xf32>,
    %swap3A_416 = vector.shape_cast %swap3A_415 : vector<16xf32> to vector<16xf32>
    %swap3A_417 = vector.shape_cast %broadcast_in_dim3A_413 : vector<16xf32> to vector<16xf32>
    tpu.vector_store %arg6[%swap3A_414], %swap3A_417 {strides = array<i32>} : memref<4096xf32, #tpu.memory_space<vmem>>, vector<16xf32>,
    %broadcast_in_dim3A_418 = arith.constant 0.000000e+00 : f32
    %broadcast_in_dim3A_419 = vector.broadcast %broadcast_in_dim3A_418 : f32 to vector<16xf32>
    %swap3A_420 = arith.constant 976 : index
    %swap3A_421 = tpu.vector_load %arg6[%swap3A_420] {strides = array<i32>} : memref<4096xf32, #tpu.memory_space<vmem>>, vector<16xf32>,
    %swap3A_422 = vector.shape_cast %swap3A_421 : vector<16xf32> to vector<16xf32>
    %swap3A_423 = vector.shape_cast %broadcast_in_dim3A_419 : vector<16xf32> to vector<16xf32>
    tpu.vector_store %arg6[%swap3A_420], %swap3A_423 {strides = array<i32>} : memref<4096xf32, #tpu.memory_space<vmem>>, vector<16xf32>,
    %broadcast_in_dim3A_424 = arith.constant 0.000000e+00 : f32
    %broadcast_in_dim3A_425 = vector.broadcast %broadcast_in_dim3A_424 : f32 to vector<16xf32>
    %swap3A_426 = arith.constant 992 : index
    %swap3A_427 = tpu.vector_load %arg6[%swap3A_426] {strides = array<i32>} : memref<4096xf32, #tpu.memory_space<vmem>>, vector<16xf32>,
    %swap3A_428 = vector.shape_cast %swap3A_427 : vector<16xf32> to vector<16xf32>
    %swap3A_429 = vector.shape_cast %broadcast_in_dim3A_425 : vector<16xf32> to vector<16xf32>
    tpu.vector_store %arg6[%swap3A_426], %swap3A_429 {strides = array<i32>} : memref<4096xf32, #tpu.memory_space<vmem>>, vector<16xf32>,
    %broadcast_in_dim3A_430 = arith.constant 0.000000e+00 : f32
    %broadcast_in_dim3A_431 = vector.broadcast %broadcast_in_dim3A_430 : f32 to vector<16xf32>
    %swap3A_432 = arith.constant 1008 : index
    %swap3A_433 = tpu.vector_load %arg6[%swap3A_432] {strides = array<i32>} : memref<4096xf32, #tpu.memory_space<vmem>>, vector<16xf32>,
    %swap3A_434 = vector.shape_cast %swap3A_433 : vector<16xf32> to vector<16xf32>
    %swap3A_435 = vector.shape_cast %broadcast_in_dim3A_431 : vector<16xf32> to vector<16xf32>
    tpu.vector_store %arg6[%swap3A_432], %swap3A_435 {strides = array<i32>} : memref<4096xf32, #tpu.memory_space<vmem>>, vector<16xf32>,
    %broadcast_in_dim3A_436 = arith.constant 0.000000e+00 : f32
    %broadcast_in_dim3A_437 = vector.broadcast %broadcast_in_dim3A_436 : f32 to vector<16xf32>
    %swap3A_438 = arith.constant 1024 : index
    %swap3A_439 = tpu.vector_load %arg6[%swap3A_438] {strides = array<i32>} : memref<4096xf32, #tpu.memory_space<vmem>>, vector<16xf32>,
    %swap3A_440 = vector.shape_cast %swap3A_439 : vector<16xf32> to vector<16xf32>
    %swap3A_441 = vector.shape_cast %broadcast_in_dim3A_437 : vector<16xf32> to vector<16xf32>
    tpu.vector_store %arg6[%swap3A_438], %swap3A_441 {strides = array<i32>} : memref<4096xf32, #tpu.memory_space<vmem>>, vector<16xf32>,
    %broadcast_in_dim3A_442 = arith.constant 0.000000e+00 : f32
    %broadcast_in_dim3A_443 = vector.broadcast %broadcast_in_dim3A_442 : f32 to vector<16xf32>
    %swap3A_444 = arith.constant 1040 : index
    %swap3A_445 = tpu.vector_load %arg6[%swap3A_444] {strides = array<i32>} : memref<4096xf32, #tpu.memory_space<vmem>>, vector<16xf32>,
    %swap3A_446 = vector.shape_cast %swap3A_445 : vector<16xf32> to vector<16xf32>
    %swap3A_447 = vector.shape_cast %broadcast_in_dim3A_443 : vector<16xf32> to vector<16xf32>
    tpu.vector_store %arg6[%swap3A_444], %swap3A_447 {strides = array<i32>} : memref<4096xf32, #tpu.memory_space<vmem>>, vector<16xf32>,
    %broadcast_in_dim3A_448 = arith.constant 0.000000e+00 : f32
    %broadcast_in_dim3A_449 = vector.broadcast %broadcast_in_dim3A_448 : f32 to vector<16xf32>
    %swap3A_450 = arith.constant 1056 : index
    %swap3A_451 = tpu.vector_load %arg6[%swap3A_450] {strides = array<i32>} : memref<4096xf32, #tpu.memory_space<vmem>>, vector<16xf32>,
    %swap3A_452 = vector.shape_cast %swap3A_451 : vector<16xf32> to vector<16xf32>
    %swap3A_453 = vector.shape_cast %broadcast_in_dim3A_449 : vector<16xf32> to vector<16xf32>
    tpu.vector_store %arg6[%swap3A_450], %swap3A_453 {strides = array<i32>} : memref<4096xf32, #tpu.memory_space<vmem>>, vector<16xf32>,
    %broadcast_in_dim3A_454 = arith.constant 0.000000e+00 : f32
    %broadcast_in_dim3A_455 = vector.broadcast %broadcast_in_dim3A_454 : f32 to vector<16xf32>
    %swap3A_456 = arith.constant 1072 : index
    %swap3A_457 = tpu.vector_load %arg6[%swap3A_456] {strides = array<i32>} : memref<4096xf32, #tpu.memory_space<vmem>>, vector<16xf32>,
    %swap3A_458 = vector.shape_cast %swap3A_457 : vector<16xf32> to vector<16xf32>
    %swap3A_459 = vector.shape_cast %broadcast_in_dim3A_455 : vector<16xf32> to vector<16xf32>
    tpu.vector_store %arg6[%swap3A_456], %swap3A_459 {strides = array<i32>} : memref<4096xf32, #tpu.memory_space<vmem>>, vector<16xf32>,
    %broadcast_in_dim3A_460 = arith.constant 0.000000e+00 : f32
    %broadcast_in_dim3A_461 = vector.broadcast %broadcast_in_dim3A_460 : f32 to vector<16xf32>
    %swap3A_462 = arith.constant 1088 : index
    %swap3A_463 = tpu.vector_load %arg6[%swap3A_462] {strides = array<i32>} : memref<4096xf32, #tpu.memory_space<vmem>>, vector<16xf32>,
    %swap3A_464 = vector.shape_cast %swap3A_463 : vector<16xf32> to vector<16xf32>
    %swap3A_465 = vector.shape_cast %broadcast_in_dim3A_461 : vector<16xf32> to vector<16xf32>
    tpu.vector_store %arg6[%swap3A_462], %swap3A_465 {strides = array<i32>} : memref<4096xf32, #tpu.memory_space<vmem>>, vector<16xf32>,
    %broadcast_in_dim3A_466 = arith.constant 0.000000e+00 : f32
    %broadcast_in_dim3A_467 = vector.broadcast %broadcast_in_dim3A_466 : f32 to vector<16xf32>
    %swap3A_468 = arith.constant 1104 : index
    %swap3A_469 = tpu.vector_load %arg6[%swap3A_468] {strides = array<i32>} : memref<4096xf32, #tpu.memory_space<vmem>>, vector<16xf32>,
    %swap3A_470 = vector.shape_cast %swap3A_469 : vector<16xf32> to vector<16xf32>
    %swap3A_471 = vector.shape_cast %broadcast_in_dim3A_467 : vector<16xf32> to vector<16xf32>
    tpu.vector_store %arg6[%swap3A_468], %swap3A_471 {strides = array<i32>} : memref<4096xf32, #tpu.memory_space<vmem>>, vector<16xf32>,
    %broadcast_in_dim3A_472 = arith.constant 0.000000e+00 : f32
    %broadcast_in_dim3A_473 = vector.broadcast %broadcast_in_dim3A_472 : f32 to vector<16xf32>
    %swap3A_474 = arith.constant 1120 : index
    %swap3A_475 = tpu.vector_load %arg6[%swap3A_474] {strides = array<i32>} : memref<4096xf32, #tpu.memory_space<vmem>>, vector<16xf32>,
    %swap3A_476 = vector.shape_cast %swap3A_475 : vector<16xf32> to vector<16xf32>
    %swap3A_477 = vector.shape_cast %broadcast_in_dim3A_473 : vector<16xf32> to vector<16xf32>
    tpu.vector_store %arg6[%swap3A_474], %swap3A_477 {strides = array<i32>} : memref<4096xf32, #tpu.memory_space<vmem>>, vector<16xf32>,
    %broadcast_in_dim3A_478 = arith.constant 0.000000e+00 : f32
    %broadcast_in_dim3A_479 = vector.broadcast %broadcast_in_dim3A_478 : f32 to vector<16xf32>
    %swap3A_480 = arith.constant 1136 : index
    %swap3A_481 = tpu.vector_load %arg6[%swap3A_480] {strides = array<i32>} : memref<4096xf32, #tpu.memory_space<vmem>>, vector<16xf32>,
    %swap3A_482 = vector.shape_cast %swap3A_481 : vector<16xf32> to vector<16xf32>
    %swap3A_483 = vector.shape_cast %broadcast_in_dim3A_479 : vector<16xf32> to vector<16xf32>
    tpu.vector_store %arg6[%swap3A_480], %swap3A_483 {strides = array<i32>} : memref<4096xf32, #tpu.memory_space<vmem>>, vector<16xf32>,
    %broadcast_in_dim3A_484 = arith.constant 0.000000e+00 : f32
    %broadcast_in_dim3A_485 = vector.broadcast %broadcast_in_dim3A_484 : f32 to vector<16xf32>
    %swap3A_486 = arith.constant 1152 : index
    %swap3A_487 = tpu.vector_load %arg6[%swap3A_486] {strides = array<i32>} : memref<4096xf32, #tpu.memory_space<vmem>>, vector<16xf32>,
    %swap3A_488 = vector.shape_cast %swap3A_487 : vector<16xf32> to vector<16xf32>
    %swap3A_489 = vector.shape_cast %broadcast_in_dim3A_485 : vector<16xf32> to vector<16xf32>
    tpu.vector_store %arg6[%swap3A_486], %swap3A_489 {strides = array<i32>} : memref<4096xf32, #tpu.memory_space<vmem>>, vector<16xf32>,
    %broadcast_in_dim3A_490 = arith.constant 0.000000e+00 : f32
    %broadcast_in_dim3A_491 = vector.broadcast %broadcast_in_dim3A_490 : f32 to vector<16xf32>
    %swap3A_492 = arith.constant 1168 : index
    %swap3A_493 = tpu.vector_load %arg6[%swap3A_492] {strides = array<i32>} : memref<4096xf32, #tpu.memory_space<vmem>>, vector<16xf32>,
    %swap3A_494 = vector.shape_cast %swap3A_493 : vector<16xf32> to vector<16xf32>
    %swap3A_495 = vector.shape_cast %broadcast_in_dim3A_491 : vector<16xf32> to vector<16xf32>
    tpu.vector_store %arg6[%swap3A_492], %swap3A_495 {strides = array<i32>} : memref<4096xf32, #tpu.memory_space<vmem>>, vector<16xf32>,
    %broadcast_in_dim3A_496 = arith.constant 0.000000e+00 : f32
    %broadcast_in_dim3A_497 = vector.broadcast %broadcast_in_dim3A_496 : f32 to vector<16xf32>
    %swap3A_498 = arith.constant 1184 : index
    %swap3A_499 = tpu.vector_load %arg6[%swap3A_498] {strides = array<i32>} : memref<4096xf32, #tpu.memory_space<vmem>>, vector<16xf32>,
    %swap3A_500 = vector.shape_cast %swap3A_499 : vector<16xf32> to vector<16xf32>
    %swap3A_501 = vector.shape_cast %broadcast_in_dim3A_497 : vector<16xf32> to vector<16xf32>
    tpu.vector_store %arg6[%swap3A_498], %swap3A_501 {strides = array<i32>} : memref<4096xf32, #tpu.memory_space<vmem>>, vector<16xf32>,
    %broadcast_in_dim3A_502 = arith.constant 0.000000e+00 : f32
    %broadcast_in_dim3A_503 = vector.broadcast %broadcast_in_dim3A_502 : f32 to vector<16xf32>
    %swap3A_504 = arith.constant 1200 : index
    %swap3A_505 = tpu.vector_load %arg6[%swap3A_504] {strides = array<i32>} : memref<4096xf32, #tpu.memory_space<vmem>>, vector<16xf32>,
    %swap3A_506 = vector.shape_cast %swap3A_505 : vector<16xf32> to vector<16xf32>
    %swap3A_507 = vector.shape_cast %broadcast_in_dim3A_503 : vector<16xf32> to vector<16xf32>
    tpu.vector_store %arg6[%swap3A_504], %swap3A_507 {strides = array<i32>} : memref<4096xf32, #tpu.memory_space<vmem>>, vector<16xf32>,
    %broadcast_in_dim3A_508 = arith.constant 0.000000e+00 : f32
    %broadcast_in_dim3A_509 = vector.broadcast %broadcast_in_dim3A_508 : f32 to vector<16xf32>
    %swap3A_510 = arith.constant 1216 : index
    %swap3A_511 = tpu.vector_load %arg6[%swap3A_510] {strides = array<i32>} : memref<4096xf32, #tpu.memory_space<vmem>>, vector<16xf32>,
    %swap3A_512 = vector.shape_cast %swap3A_511 : vector<16xf32> to vector<16xf32>
    %swap3A_513 = vector.shape_cast %broadcast_in_dim3A_509 : vector<16xf32> to vector<16xf32>
    tpu.vector_store %arg6[%swap3A_510], %swap3A_513 {strides = array<i32>} : memref<4096xf32, #tpu.memory_space<vmem>>, vector<16xf32>,
    %broadcast_in_dim3A_514 = arith.constant 0.000000e+00 : f32
    %broadcast_in_dim3A_515 = vector.broadcast %broadcast_in_dim3A_514 : f32 to vector<16xf32>
    %swap3A_516 = arith.constant 1232 : index
    %swap3A_517 = tpu.vector_load %arg6[%swap3A_516] {strides = array<i32>} : memref<4096xf32, #tpu.memory_space<vmem>>, vector<16xf32>,
    %swap3A_518 = vector.shape_cast %swap3A_517 : vector<16xf32> to vector<16xf32>
    %swap3A_519 = vector.shape_cast %broadcast_in_dim3A_515 : vector<16xf32> to vector<16xf32>
    tpu.vector_store %arg6[%swap3A_516], %swap3A_519 {strides = array<i32>} : memref<4096xf32, #tpu.memory_space<vmem>>, vector<16xf32>,
    %broadcast_in_dim3A_520 = arith.constant 0.000000e+00 : f32
    %broadcast_in_dim3A_521 = vector.broadcast %broadcast_in_dim3A_520 : f32 to vector<16xf32>
    %swap3A_522 = arith.constant 1248 : index
    %swap3A_523 = tpu.vector_load %arg6[%swap3A_522] {strides = array<i32>} : memref<4096xf32, #tpu.memory_space<vmem>>, vector<16xf32>,
    %swap3A_524 = vector.shape_cast %swap3A_523 : vector<16xf32> to vector<16xf32>
    %swap3A_525 = vector.shape_cast %broadcast_in_dim3A_521 : vector<16xf32> to vector<16xf32>
    tpu.vector_store %arg6[%swap3A_522], %swap3A_525 {strides = array<i32>} : memref<4096xf32, #tpu.memory_space<vmem>>, vector<16xf32>,
    %broadcast_in_dim3A_526 = arith.constant 0.000000e+00 : f32
    %broadcast_in_dim3A_527 = vector.broadcast %broadcast_in_dim3A_526 : f32 to vector<16xf32>
    %swap3A_528 = arith.constant 1264 : index
    %swap3A_529 = tpu.vector_load %arg6[%swap3A_528] {strides = array<i32>} : memref<4096xf32, #tpu.memory_space<vmem>>, vector<16xf32>,
    %swap3A_530 = vector.shape_cast %swap3A_529 : vector<16xf32> to vector<16xf32>
    %swap3A_531 = vector.shape_cast %broadcast_in_dim3A_527 : vector<16xf32> to vector<16xf32>
    tpu.vector_store %arg6[%swap3A_528], %swap3A_531 {strides = array<i32>} : memref<4096xf32, #tpu.memory_space<vmem>>, vector<16xf32>,
    %broadcast_in_dim3A_532 = arith.constant 0.000000e+00 : f32
    %broadcast_in_dim3A_533 = vector.broadcast %broadcast_in_dim3A_532 : f32 to vector<16xf32>
    %swap3A_534 = arith.constant 1280 : index
    %swap3A_535 = tpu.vector_load %arg6[%swap3A_534] {strides = array<i32>} : memref<4096xf32, #tpu.memory_space<vmem>>, vector<16xf32>,
    %swap3A_536 = vector.shape_cast %swap3A_535 : vector<16xf32> to vector<16xf32>
    %swap3A_537 = vector.shape_cast %broadcast_in_dim3A_533 : vector<16xf32> to vector<16xf32>
    tpu.vector_store %arg6[%swap3A_534], %swap3A_537 {strides = array<i32>} : memref<4096xf32, #tpu.memory_space<vmem>>, vector<16xf32>,
    %broadcast_in_dim3A_538 = arith.constant 0.000000e+00 : f32
    %broadcast_in_dim3A_539 = vector.broadcast %broadcast_in_dim3A_538 : f32 to vector<16xf32>
    %swap3A_540 = arith.constant 1296 : index
    %swap3A_541 = tpu.vector_load %arg6[%swap3A_540] {strides = array<i32>} : memref<4096xf32, #tpu.memory_space<vmem>>, vector<16xf32>,
    %swap3A_542 = vector.shape_cast %swap3A_541 : vector<16xf32> to vector<16xf32>
    %swap3A_543 = vector.shape_cast %broadcast_in_dim3A_539 : vector<16xf32> to vector<16xf32>
    tpu.vector_store %arg6[%swap3A_540], %swap3A_543 {strides = array<i32>} : memref<4096xf32, #tpu.memory_space<vmem>>, vector<16xf32>,
    %broadcast_in_dim3A_544 = arith.constant 0.000000e+00 : f32
    %broadcast_in_dim3A_545 = vector.broadcast %broadcast_in_dim3A_544 : f32 to vector<16xf32>
    %swap3A_546 = arith.constant 1312 : index
    %swap3A_547 = tpu.vector_load %arg6[%swap3A_546] {strides = array<i32>} : memref<4096xf32, #tpu.memory_space<vmem>>, vector<16xf32>,
    %swap3A_548 = vector.shape_cast %swap3A_547 : vector<16xf32> to vector<16xf32>
    %swap3A_549 = vector.shape_cast %broadcast_in_dim3A_545 : vector<16xf32> to vector<16xf32>
    tpu.vector_store %arg6[%swap3A_546], %swap3A_549 {strides = array<i32>} : memref<4096xf32, #tpu.memory_space<vmem>>, vector<16xf32>,
    %broadcast_in_dim3A_550 = arith.constant 0.000000e+00 : f32
    %broadcast_in_dim3A_551 = vector.broadcast %broadcast_in_dim3A_550 : f32 to vector<16xf32>
    %swap3A_552 = arith.constant 1328 : index
    %swap3A_553 = tpu.vector_load %arg6[%swap3A_552] {strides = array<i32>} : memref<4096xf32, #tpu.memory_space<vmem>>, vector<16xf32>,
    %swap3A_554 = vector.shape_cast %swap3A_553 : vector<16xf32> to vector<16xf32>
    %swap3A_555 = vector.shape_cast %broadcast_in_dim3A_551 : vector<16xf32> to vector<16xf32>
    tpu.vector_store %arg6[%swap3A_552], %swap3A_555 {strides = array<i32>} : memref<4096xf32, #tpu.memory_space<vmem>>, vector<16xf32>,
    %broadcast_in_dim3A_556 = arith.constant 0.000000e+00 : f32
    %broadcast_in_dim3A_557 = vector.broadcast %broadcast_in_dim3A_556 : f32 to vector<16xf32>
    %swap3A_558 = arith.constant 1344 : index
    %swap3A_559 = tpu.vector_load %arg6[%swap3A_558] {strides = array<i32>} : memref<4096xf32, #tpu.memory_space<vmem>>, vector<16xf32>,
    %swap3A_560 = vector.shape_cast %swap3A_559 : vector<16xf32> to vector<16xf32>
    %swap3A_561 = vector.shape_cast %broadcast_in_dim3A_557 : vector<16xf32> to vector<16xf32>
    tpu.vector_store %arg6[%swap3A_558], %swap3A_561 {strides = array<i32>} : memref<4096xf32, #tpu.memory_space<vmem>>, vector<16xf32>,
    %broadcast_in_dim3A_562 = arith.constant 0.000000e+00 : f32
    %broadcast_in_dim3A_563 = vector.broadcast %broadcast_in_dim3A_562 : f32 to vector<16xf32>
    %swap3A_564 = arith.constant 1360 : index
    %swap3A_565 = tpu.vector_load %arg6[%swap3A_564] {strides = array<i32>} : memref<4096xf32, #tpu.memory_space<vmem>>, vector<16xf32>,
    %swap3A_566 = vector.shape_cast %swap3A_565 : vector<16xf32> to vector<16xf32>
    %swap3A_567 = vector.shape_cast %broadcast_in_dim3A_563 : vector<16xf32> to vector<16xf32>
    tpu.vector_store %arg6[%swap3A_564], %swap3A_567 {strides = array<i32>} : memref<4096xf32, #tpu.memory_space<vmem>>, vector<16xf32>,
    %broadcast_in_dim3A_568 = arith.constant 0.000000e+00 : f32
    %broadcast_in_dim3A_569 = vector.broadcast %broadcast_in_dim3A_568 : f32 to vector<16xf32>
    %swap3A_570 = arith.constant 1376 : index
    %swap3A_571 = tpu.vector_load %arg6[%swap3A_570] {strides = array<i32>} : memref<4096xf32, #tpu.memory_space<vmem>>, vector<16xf32>,
    %swap3A_572 = vector.shape_cast %swap3A_571 : vector<16xf32> to vector<16xf32>
    %swap3A_573 = vector.shape_cast %broadcast_in_dim3A_569 : vector<16xf32> to vector<16xf32>
    tpu.vector_store %arg6[%swap3A_570], %swap3A_573 {strides = array<i32>} : memref<4096xf32, #tpu.memory_space<vmem>>, vector<16xf32>,
    %broadcast_in_dim3A_574 = arith.constant 0.000000e+00 : f32
    %broadcast_in_dim3A_575 = vector.broadcast %broadcast_in_dim3A_574 : f32 to vector<16xf32>
    %swap3A_576 = arith.constant 1392 : index
    %swap3A_577 = tpu.vector_load %arg6[%swap3A_576] {strides = array<i32>} : memref<4096xf32, #tpu.memory_space<vmem>>, vector<16xf32>,
    %swap3A_578 = vector.shape_cast %swap3A_577 : vector<16xf32> to vector<16xf32>
    %swap3A_579 = vector.shape_cast %broadcast_in_dim3A_575 : vector<16xf32> to vector<16xf32>
    tpu.vector_store %arg6[%swap3A_576], %swap3A_579 {strides = array<i32>} : memref<4096xf32, #tpu.memory_space<vmem>>, vector<16xf32>,
    %broadcast_in_dim3A_580 = arith.constant 0.000000e+00 : f32
    %broadcast_in_dim3A_581 = vector.broadcast %broadcast_in_dim3A_580 : f32 to vector<16xf32>
    %swap3A_582 = arith.constant 1408 : index
    %swap3A_583 = tpu.vector_load %arg6[%swap3A_582] {strides = array<i32>} : memref<4096xf32, #tpu.memory_space<vmem>>, vector<16xf32>,
    %swap3A_584 = vector.shape_cast %swap3A_583 : vector<16xf32> to vector<16xf32>
    %swap3A_585 = vector.shape_cast %broadcast_in_dim3A_581 : vector<16xf32> to vector<16xf32>
    tpu.vector_store %arg6[%swap3A_582], %swap3A_585 {strides = array<i32>} : memref<4096xf32, #tpu.memory_space<vmem>>, vector<16xf32>,
    %broadcast_in_dim3A_586 = arith.constant 0.000000e+00 : f32
    %broadcast_in_dim3A_587 = vector.broadcast %broadcast_in_dim3A_586 : f32 to vector<16xf32>
    %swap3A_588 = arith.constant 1424 : index
    %swap3A_589 = tpu.vector_load %arg6[%swap3A_588] {strides = array<i32>} : memref<4096xf32, #tpu.memory_space<vmem>>, vector<16xf32>,
    %swap3A_590 = vector.shape_cast %swap3A_589 : vector<16xf32> to vector<16xf32>
    %swap3A_591 = vector.shape_cast %broadcast_in_dim3A_587 : vector<16xf32> to vector<16xf32>
    tpu.vector_store %arg6[%swap3A_588], %swap3A_591 {strides = array<i32>} : memref<4096xf32, #tpu.memory_space<vmem>>, vector<16xf32>,
    %broadcast_in_dim3A_592 = arith.constant 0.000000e+00 : f32
    %broadcast_in_dim3A_593 = vector.broadcast %broadcast_in_dim3A_592 : f32 to vector<16xf32>
    %swap3A_594 = arith.constant 1440 : index
    %swap3A_595 = tpu.vector_load %arg6[%swap3A_594] {strides = array<i32>} : memref<4096xf32, #tpu.memory_space<vmem>>, vector<16xf32>,
    %swap3A_596 = vector.shape_cast %swap3A_595 : vector<16xf32> to vector<16xf32>
    %swap3A_597 = vector.shape_cast %broadcast_in_dim3A_593 : vector<16xf32> to vector<16xf32>
    tpu.vector_store %arg6[%swap3A_594], %swap3A_597 {strides = array<i32>} : memref<4096xf32, #tpu.memory_space<vmem>>, vector<16xf32>,
    %broadcast_in_dim3A_598 = arith.constant 0.000000e+00 : f32
    %broadcast_in_dim3A_599 = vector.broadcast %broadcast_in_dim3A_598 : f32 to vector<16xf32>
    %swap3A_600 = arith.constant 1456 : index
    %swap3A_601 = tpu.vector_load %arg6[%swap3A_600] {strides = array<i32>} : memref<4096xf32, #tpu.memory_space<vmem>>, vector<16xf32>,
    %swap3A_602 = vector.shape_cast %swap3A_601 : vector<16xf32> to vector<16xf32>
    %swap3A_603 = vector.shape_cast %broadcast_in_dim3A_599 : vector<16xf32> to vector<16xf32>
    tpu.vector_store %arg6[%swap3A_600], %swap3A_603 {strides = array<i32>} : memref<4096xf32, #tpu.memory_space<vmem>>, vector<16xf32>,
    %broadcast_in_dim3A_604 = arith.constant 0.000000e+00 : f32
    %broadcast_in_dim3A_605 = vector.broadcast %broadcast_in_dim3A_604 : f32 to vector<16xf32>
    %swap3A_606 = arith.constant 1472 : index
    %swap3A_607 = tpu.vector_load %arg6[%swap3A_606] {strides = array<i32>} : memref<4096xf32, #tpu.memory_space<vmem>>, vector<16xf32>,
    %swap3A_608 = vector.shape_cast %swap3A_607 : vector<16xf32> to vector<16xf32>
    %swap3A_609 = vector.shape_cast %broadcast_in_dim3A_605 : vector<16xf32> to vector<16xf32>
    tpu.vector_store %arg6[%swap3A_606], %swap3A_609 {strides = array<i32>} : memref<4096xf32, #tpu.memory_space<vmem>>, vector<16xf32>,
    %broadcast_in_dim3A_610 = arith.constant 0.000000e+00 : f32
    %broadcast_in_dim3A_611 = vector.broadcast %broadcast_in_dim3A_610 : f32 to vector<16xf32>
    %swap3A_612 = arith.constant 1488 : index
    %swap3A_613 = tpu.vector_load %arg6[%swap3A_612] {strides = array<i32>} : memref<4096xf32, #tpu.memory_space<vmem>>, vector<16xf32>,
    %swap3A_614 = vector.shape_cast %swap3A_613 : vector<16xf32> to vector<16xf32>
    %swap3A_615 = vector.shape_cast %broadcast_in_dim3A_611 : vector<16xf32> to vector<16xf32>
    tpu.vector_store %arg6[%swap3A_612], %swap3A_615 {strides = array<i32>} : memref<4096xf32, #tpu.memory_space<vmem>>, vector<16xf32>,
    %broadcast_in_dim3A_616 = arith.constant 0.000000e+00 : f32
    %broadcast_in_dim3A_617 = vector.broadcast %broadcast_in_dim3A_616 : f32 to vector<16xf32>
    %swap3A_618 = arith.constant 1504 : index
    %swap3A_619 = tpu.vector_load %arg6[%swap3A_618] {strides = array<i32>} : memref<4096xf32, #tpu.memory_space<vmem>>, vector<16xf32>,
    %swap3A_620 = vector.shape_cast %swap3A_619 : vector<16xf32> to vector<16xf32>
    %swap3A_621 = vector.shape_cast %broadcast_in_dim3A_617 : vector<16xf32> to vector<16xf32>
    tpu.vector_store %arg6[%swap3A_618], %swap3A_621 {strides = array<i32>} : memref<4096xf32, #tpu.memory_space<vmem>>, vector<16xf32>,
    %broadcast_in_dim3A_622 = arith.constant 0.000000e+00 : f32
    %broadcast_in_dim3A_623 = vector.broadcast %broadcast_in_dim3A_622 : f32 to vector<16xf32>
    %swap3A_624 = arith.constant 1520 : index
    %swap3A_625 = tpu.vector_load %arg6[%swap3A_624] {strides = array<i32>} : memref<4096xf32, #tpu.memory_space<vmem>>, vector<16xf32>,
    %swap3A_626 = vector.shape_cast %swap3A_625 : vector<16xf32> to vector<16xf32>
    %swap3A_627 = vector.shape_cast %broadcast_in_dim3A_623 : vector<16xf32> to vector<16xf32>
    tpu.vector_store %arg6[%swap3A_624], %swap3A_627 {strides = array<i32>} : memref<4096xf32, #tpu.memory_space<vmem>>, vector<16xf32>,
    %broadcast_in_dim3A_628 = arith.constant 0.000000e+00 : f32
    %broadcast_in_dim3A_629 = vector.broadcast %broadcast_in_dim3A_628 : f32 to vector<16xf32>
    %swap3A_630 = arith.constant 1536 : index
    %swap3A_631 = tpu.vector_load %arg6[%swap3A_630] {strides = array<i32>} : memref<4096xf32, #tpu.memory_space<vmem>>, vector<16xf32>,
    %swap3A_632 = vector.shape_cast %swap3A_631 : vector<16xf32> to vector<16xf32>
    %swap3A_633 = vector.shape_cast %broadcast_in_dim3A_629 : vector<16xf32> to vector<16xf32>
    tpu.vector_store %arg6[%swap3A_630], %swap3A_633 {strides = array<i32>} : memref<4096xf32, #tpu.memory_space<vmem>>, vector<16xf32>,
    %broadcast_in_dim3A_634 = arith.constant 0.000000e+00 : f32
    %broadcast_in_dim3A_635 = vector.broadcast %broadcast_in_dim3A_634 : f32 to vector<16xf32>
    %swap3A_636 = arith.constant 1552 : index
    %swap3A_637 = tpu.vector_load %arg6[%swap3A_636] {strides = array<i32>} : memref<4096xf32, #tpu.memory_space<vmem>>, vector<16xf32>,
    %swap3A_638 = vector.shape_cast %swap3A_637 : vector<16xf32> to vector<16xf32>
    %swap3A_639 = vector.shape_cast %broadcast_in_dim3A_635 : vector<16xf32> to vector<16xf32>
    tpu.vector_store %arg6[%swap3A_636], %swap3A_639 {strides = array<i32>} : memref<4096xf32, #tpu.memory_space<vmem>>, vector<16xf32>,
    %broadcast_in_dim3A_640 = arith.constant 0.000000e+00 : f32
    %broadcast_in_dim3A_641 = vector.broadcast %broadcast_in_dim3A_640 : f32 to vector<16xf32>
    %swap3A_642 = arith.constant 1568 : index
    %swap3A_643 = tpu.vector_load %arg6[%swap3A_642] {strides = array<i32>} : memref<4096xf32, #tpu.memory_space<vmem>>, vector<16xf32>,
    %swap3A_644 = vector.shape_cast %swap3A_643 : vector<16xf32> to vector<16xf32>
    %swap3A_645 = vector.shape_cast %broadcast_in_dim3A_641 : vector<16xf32> to vector<16xf32>
    tpu.vector_store %arg6[%swap3A_642], %swap3A_645 {strides = array<i32>} : memref<4096xf32, #tpu.memory_space<vmem>>, vector<16xf32>,
    %broadcast_in_dim3A_646 = arith.constant 0.000000e+00 : f32
    %broadcast_in_dim3A_647 = vector.broadcast %broadcast_in_dim3A_646 : f32 to vector<16xf32>
    %swap3A_648 = arith.constant 1584 : index
    %swap3A_649 = tpu.vector_load %arg6[%swap3A_648] {strides = array<i32>} : memref<4096xf32, #tpu.memory_space<vmem>>, vector<16xf32>,
    %swap3A_650 = vector.shape_cast %swap3A_649 : vector<16xf32> to vector<16xf32>
    %swap3A_651 = vector.shape_cast %broadcast_in_dim3A_647 : vector<16xf32> to vector<16xf32>
    tpu.vector_store %arg6[%swap3A_648], %swap3A_651 {strides = array<i32>} : memref<4096xf32, #tpu.memory_space<vmem>>, vector<16xf32>,
    %broadcast_in_dim3A_652 = arith.constant 0.000000e+00 : f32
    %broadcast_in_dim3A_653 = vector.broadcast %broadcast_in_dim3A_652 : f32 to vector<16xf32>
    %swap3A_654 = arith.constant 1600 : index
    %swap3A_655 = tpu.vector_load %arg6[%swap3A_654] {strides = array<i32>} : memref<4096xf32, #tpu.memory_space<vmem>>, vector<16xf32>,
    %swap3A_656 = vector.shape_cast %swap3A_655 : vector<16xf32> to vector<16xf32>
    %swap3A_657 = vector.shape_cast %broadcast_in_dim3A_653 : vector<16xf32> to vector<16xf32>
    tpu.vector_store %arg6[%swap3A_654], %swap3A_657 {strides = array<i32>} : memref<4096xf32, #tpu.memory_space<vmem>>, vector<16xf32>,
    %broadcast_in_dim3A_658 = arith.constant 0.000000e+00 : f32
    %broadcast_in_dim3A_659 = vector.broadcast %broadcast_in_dim3A_658 : f32 to vector<16xf32>
    %swap3A_660 = arith.constant 1616 : index
    %swap3A_661 = tpu.vector_load %arg6[%swap3A_660] {strides = array<i32>} : memref<4096xf32, #tpu.memory_space<vmem>>, vector<16xf32>,
    %swap3A_662 = vector.shape_cast %swap3A_661 : vector<16xf32> to vector<16xf32>
    %swap3A_663 = vector.shape_cast %broadcast_in_dim3A_659 : vector<16xf32> to vector<16xf32>
    tpu.vector_store %arg6[%swap3A_660], %swap3A_663 {strides = array<i32>} : memref<4096xf32, #tpu.memory_space<vmem>>, vector<16xf32>,
    %broadcast_in_dim3A_664 = arith.constant 0.000000e+00 : f32
    %broadcast_in_dim3A_665 = vector.broadcast %broadcast_in_dim3A_664 : f32 to vector<16xf32>
    %swap3A_666 = arith.constant 1632 : index
    %swap3A_667 = tpu.vector_load %arg6[%swap3A_666] {strides = array<i32>} : memref<4096xf32, #tpu.memory_space<vmem>>, vector<16xf32>,
    %swap3A_668 = vector.shape_cast %swap3A_667 : vector<16xf32> to vector<16xf32>
    %swap3A_669 = vector.shape_cast %broadcast_in_dim3A_665 : vector<16xf32> to vector<16xf32>
    tpu.vector_store %arg6[%swap3A_666], %swap3A_669 {strides = array<i32>} : memref<4096xf32, #tpu.memory_space<vmem>>, vector<16xf32>,
    %broadcast_in_dim3A_670 = arith.constant 0.000000e+00 : f32
    %broadcast_in_dim3A_671 = vector.broadcast %broadcast_in_dim3A_670 : f32 to vector<16xf32>
    %swap3A_672 = arith.constant 1648 : index
    %swap3A_673 = tpu.vector_load %arg6[%swap3A_672] {strides = array<i32>} : memref<4096xf32, #tpu.memory_space<vmem>>, vector<16xf32>,
    %swap3A_674 = vector.shape_cast %swap3A_673 : vector<16xf32> to vector<16xf32>
    %swap3A_675 = vector.shape_cast %broadcast_in_dim3A_671 : vector<16xf32> to vector<16xf32>
    tpu.vector_store %arg6[%swap3A_672], %swap3A_675 {strides = array<i32>} : memref<4096xf32, #tpu.memory_space<vmem>>, vector<16xf32>,
    %broadcast_in_dim3A_676 = arith.constant 0.000000e+00 : f32
    %broadcast_in_dim3A_677 = vector.broadcast %broadcast_in_dim3A_676 : f32 to vector<16xf32>
    %swap3A_678 = arith.constant 1664 : index
    %swap3A_679 = tpu.vector_load %arg6[%swap3A_678] {strides = array<i32>} : memref<4096xf32, #tpu.memory_space<vmem>>, vector<16xf32>,
    %swap3A_680 = vector.shape_cast %swap3A_679 : vector<16xf32> to vector<16xf32>
    %swap3A_681 = vector.shape_cast %broadcast_in_dim3A_677 : vector<16xf32> to vector<16xf32>
    tpu.vector_store %arg6[%swap3A_678], %swap3A_681 {strides = array<i32>} : memref<4096xf32, #tpu.memory_space<vmem>>, vector<16xf32>,
    %broadcast_in_dim3A_682 = arith.constant 0.000000e+00 : f32
    %broadcast_in_dim3A_683 = vector.broadcast %broadcast_in_dim3A_682 : f32 to vector<16xf32>
    %swap3A_684 = arith.constant 1680 : index
    %swap3A_685 = tpu.vector_load %arg6[%swap3A_684] {strides = array<i32>} : memref<4096xf32, #tpu.memory_space<vmem>>, vector<16xf32>,
    %swap3A_686 = vector.shape_cast %swap3A_685 : vector<16xf32> to vector<16xf32>
    %swap3A_687 = vector.shape_cast %broadcast_in_dim3A_683 : vector<16xf32> to vector<16xf32>
    tpu.vector_store %arg6[%swap3A_684], %swap3A_687 {strides = array<i32>} : memref<4096xf32, #tpu.memory_space<vmem>>, vector<16xf32>,
    %broadcast_in_dim3A_688 = arith.constant 0.000000e+00 : f32
    %broadcast_in_dim3A_689 = vector.broadcast %broadcast_in_dim3A_688 : f32 to vector<16xf32>
    %swap3A_690 = arith.constant 1696 : index
    %swap3A_691 = tpu.vector_load %arg6[%swap3A_690] {strides = array<i32>} : memref<4096xf32, #tpu.memory_space<vmem>>, vector<16xf32>,
    %swap3A_692 = vector.shape_cast %swap3A_691 : vector<16xf32> to vector<16xf32>
    %swap3A_693 = vector.shape_cast %broadcast_in_dim3A_689 : vector<16xf32> to vector<16xf32>
    tpu.vector_store %arg6[%swap3A_690], %swap3A_693 {strides = array<i32>} : memref<4096xf32, #tpu.memory_space<vmem>>, vector<16xf32>,
    %broadcast_in_dim3A_694 = arith.constant 0.000000e+00 : f32
    %broadcast_in_dim3A_695 = vector.broadcast %broadcast_in_dim3A_694 : f32 to vector<16xf32>
    %swap3A_696 = arith.constant 1712 : index
    %swap3A_697 = tpu.vector_load %arg6[%swap3A_696] {strides = array<i32>} : memref<4096xf32, #tpu.memory_space<vmem>>, vector<16xf32>,
    %swap3A_698 = vector.shape_cast %swap3A_697 : vector<16xf32> to vector<16xf32>
    %swap3A_699 = vector.shape_cast %broadcast_in_dim3A_695 : vector<16xf32> to vector<16xf32>
    tpu.vector_store %arg6[%swap3A_696], %swap3A_699 {strides = array<i32>} : memref<4096xf32, #tpu.memory_space<vmem>>, vector<16xf32>,
    %broadcast_in_dim3A_700 = arith.constant 0.000000e+00 : f32
    %broadcast_in_dim3A_701 = vector.broadcast %broadcast_in_dim3A_700 : f32 to vector<16xf32>
    %swap3A_702 = arith.constant 1728 : index
    %swap3A_703 = tpu.vector_load %arg6[%swap3A_702] {strides = array<i32>} : memref<4096xf32, #tpu.memory_space<vmem>>, vector<16xf32>,
    %swap3A_704 = vector.shape_cast %swap3A_703 : vector<16xf32> to vector<16xf32>
    %swap3A_705 = vector.shape_cast %broadcast_in_dim3A_701 : vector<16xf32> to vector<16xf32>
    tpu.vector_store %arg6[%swap3A_702], %swap3A_705 {strides = array<i32>} : memref<4096xf32, #tpu.memory_space<vmem>>, vector<16xf32>,
    %broadcast_in_dim3A_706 = arith.constant 0.000000e+00 : f32
    %broadcast_in_dim3A_707 = vector.broadcast %broadcast_in_dim3A_706 : f32 to vector<16xf32>
    %swap3A_708 = arith.constant 1744 : index
    %swap3A_709 = tpu.vector_load %arg6[%swap3A_708] {strides = array<i32>} : memref<4096xf32, #tpu.memory_space<vmem>>, vector<16xf32>,
    %swap3A_710 = vector.shape_cast %swap3A_709 : vector<16xf32> to vector<16xf32>
    %swap3A_711 = vector.shape_cast %broadcast_in_dim3A_707 : vector<16xf32> to vector<16xf32>
    tpu.vector_store %arg6[%swap3A_708], %swap3A_711 {strides = array<i32>} : memref<4096xf32, #tpu.memory_space<vmem>>, vector<16xf32>,
    %broadcast_in_dim3A_712 = arith.constant 0.000000e+00 : f32
    %broadcast_in_dim3A_713 = vector.broadcast %broadcast_in_dim3A_712 : f32 to vector<16xf32>
    %swap3A_714 = arith.constant 1760 : index
    %swap3A_715 = tpu.vector_load %arg6[%swap3A_714] {strides = array<i32>} : memref<4096xf32, #tpu.memory_space<vmem>>, vector<16xf32>,
    %swap3A_716 = vector.shape_cast %swap3A_715 : vector<16xf32> to vector<16xf32>
    %swap3A_717 = vector.shape_cast %broadcast_in_dim3A_713 : vector<16xf32> to vector<16xf32>
    tpu.vector_store %arg6[%swap3A_714], %swap3A_717 {strides = array<i32>} : memref<4096xf32, #tpu.memory_space<vmem>>, vector<16xf32>,
    %broadcast_in_dim3A_718 = arith.constant 0.000000e+00 : f32
    %broadcast_in_dim3A_719 = vector.broadcast %broadcast_in_dim3A_718 : f32 to vector<16xf32>
    %swap3A_720 = arith.constant 1776 : index
    %swap3A_721 = tpu.vector_load %arg6[%swap3A_720] {strides = array<i32>} : memref<4096xf32, #tpu.memory_space<vmem>>, vector<16xf32>,
    %swap3A_722 = vector.shape_cast %swap3A_721 : vector<16xf32> to vector<16xf32>
    %swap3A_723 = vector.shape_cast %broadcast_in_dim3A_719 : vector<16xf32> to vector<16xf32>
    tpu.vector_store %arg6[%swap3A_720], %swap3A_723 {strides = array<i32>} : memref<4096xf32, #tpu.memory_space<vmem>>, vector<16xf32>,
    %broadcast_in_dim3A_724 = arith.constant 0.000000e+00 : f32
    %broadcast_in_dim3A_725 = vector.broadcast %broadcast_in_dim3A_724 : f32 to vector<16xf32>
    %swap3A_726 = arith.constant 1792 : index
    %swap3A_727 = tpu.vector_load %arg6[%swap3A_726] {strides = array<i32>} : memref<4096xf32, #tpu.memory_space<vmem>>, vector<16xf32>,
    %swap3A_728 = vector.shape_cast %swap3A_727 : vector<16xf32> to vector<16xf32>
    %swap3A_729 = vector.shape_cast %broadcast_in_dim3A_725 : vector<16xf32> to vector<16xf32>
    tpu.vector_store %arg6[%swap3A_726], %swap3A_729 {strides = array<i32>} : memref<4096xf32, #tpu.memory_space<vmem>>, vector<16xf32>,
    %broadcast_in_dim3A_730 = arith.constant 0.000000e+00 : f32
    %broadcast_in_dim3A_731 = vector.broadcast %broadcast_in_dim3A_730 : f32 to vector<16xf32>
    %swap3A_732 = arith.constant 1808 : index
    %swap3A_733 = tpu.vector_load %arg6[%swap3A_732] {strides = array<i32>} : memref<4096xf32, #tpu.memory_space<vmem>>, vector<16xf32>,
    %swap3A_734 = vector.shape_cast %swap3A_733 : vector<16xf32> to vector<16xf32>
    %swap3A_735 = vector.shape_cast %broadcast_in_dim3A_731 : vector<16xf32> to vector<16xf32>
    tpu.vector_store %arg6[%swap3A_732], %swap3A_735 {strides = array<i32>} : memref<4096xf32, #tpu.memory_space<vmem>>, vector<16xf32>,
    %broadcast_in_dim3A_736 = arith.constant 0.000000e+00 : f32
    %broadcast_in_dim3A_737 = vector.broadcast %broadcast_in_dim3A_736 : f32 to vector<16xf32>
    %swap3A_738 = arith.constant 1824 : index
    %swap3A_739 = tpu.vector_load %arg6[%swap3A_738] {strides = array<i32>} : memref<4096xf32, #tpu.memory_space<vmem>>, vector<16xf32>,
    %swap3A_740 = vector.shape_cast %swap3A_739 : vector<16xf32> to vector<16xf32>
    %swap3A_741 = vector.shape_cast %broadcast_in_dim3A_737 : vector<16xf32> to vector<16xf32>
    tpu.vector_store %arg6[%swap3A_738], %swap3A_741 {strides = array<i32>} : memref<4096xf32, #tpu.memory_space<vmem>>, vector<16xf32>,
    %broadcast_in_dim3A_742 = arith.constant 0.000000e+00 : f32
    %broadcast_in_dim3A_743 = vector.broadcast %broadcast_in_dim3A_742 : f32 to vector<16xf32>
    %swap3A_744 = arith.constant 1840 : index
    %swap3A_745 = tpu.vector_load %arg6[%swap3A_744] {strides = array<i32>} : memref<4096xf32, #tpu.memory_space<vmem>>, vector<16xf32>,
    %swap3A_746 = vector.shape_cast %swap3A_745 : vector<16xf32> to vector<16xf32>
    %swap3A_747 = vector.shape_cast %broadcast_in_dim3A_743 : vector<16xf32> to vector<16xf32>
    tpu.vector_store %arg6[%swap3A_744], %swap3A_747 {strides = array<i32>} : memref<4096xf32, #tpu.memory_space<vmem>>, vector<16xf32>,
    %broadcast_in_dim3A_748 = arith.constant 0.000000e+00 : f32
    %broadcast_in_dim3A_749 = vector.broadcast %broadcast_in_dim3A_748 : f32 to vector<16xf32>
    %swap3A_750 = arith.constant 1856 : index
    %swap3A_751 = tpu.vector_load %arg6[%swap3A_750] {strides = array<i32>} : memref<4096xf32, #tpu.memory_space<vmem>>, vector<16xf32>,
    %swap3A_752 = vector.shape_cast %swap3A_751 : vector<16xf32> to vector<16xf32>
    %swap3A_753 = vector.shape_cast %broadcast_in_dim3A_749 : vector<16xf32> to vector<16xf32>
    tpu.vector_store %arg6[%swap3A_750], %swap3A_753 {strides = array<i32>} : memref<4096xf32, #tpu.memory_space<vmem>>, vector<16xf32>,
    %broadcast_in_dim3A_754 = arith.constant 0.000000e+00 : f32
    %broadcast_in_dim3A_755 = vector.broadcast %broadcast_in_dim3A_754 : f32 to vector<16xf32>
    %swap3A_756 = arith.constant 1872 : index
    %swap3A_757 = tpu.vector_load %arg6[%swap3A_756] {strides = array<i32>} : memref<4096xf32, #tpu.memory_space<vmem>>, vector<16xf32>,
    %swap3A_758 = vector.shape_cast %swap3A_757 : vector<16xf32> to vector<16xf32>
    %swap3A_759 = vector.shape_cast %broadcast_in_dim3A_755 : vector<16xf32> to vector<16xf32>
    tpu.vector_store %arg6[%swap3A_756], %swap3A_759 {strides = array<i32>} : memref<4096xf32, #tpu.memory_space<vmem>>, vector<16xf32>,
    %broadcast_in_dim3A_760 = arith.constant 0.000000e+00 : f32
    %broadcast_in_dim3A_761 = vector.broadcast %broadcast_in_dim3A_760 : f32 to vector<16xf32>
    %swap3A_762 = arith.constant 1888 : index
    %swap3A_763 = tpu.vector_load %arg6[%swap3A_762] {strides = array<i32>} : memref<4096xf32, #tpu.memory_space<vmem>>, vector<16xf32>,
    %swap3A_764 = vector.shape_cast %swap3A_763 : vector<16xf32> to vector<16xf32>
    %swap3A_765 = vector.shape_cast %broadcast_in_dim3A_761 : vector<16xf32> to vector<16xf32>
    tpu.vector_store %arg6[%swap3A_762], %swap3A_765 {strides = array<i32>} : memref<4096xf32, #tpu.memory_space<vmem>>, vector<16xf32>,
    %broadcast_in_dim3A_766 = arith.constant 0.000000e+00 : f32
    %broadcast_in_dim3A_767 = vector.broadcast %broadcast_in_dim3A_766 : f32 to vector<16xf32>
    %swap3A_768 = arith.constant 1904 : index
    %swap3A_769 = tpu.vector_load %arg6[%swap3A_768] {strides = array<i32>} : memref<4096xf32, #tpu.memory_space<vmem>>, vector<16xf32>,
    %swap3A_770 = vector.shape_cast %swap3A_769 : vector<16xf32> to vector<16xf32>
    %swap3A_771 = vector.shape_cast %broadcast_in_dim3A_767 : vector<16xf32> to vector<16xf32>
    tpu.vector_store %arg6[%swap3A_768], %swap3A_771 {strides = array<i32>} : memref<4096xf32, #tpu.memory_space<vmem>>, vector<16xf32>,
    %broadcast_in_dim3A_772 = arith.constant 0.000000e+00 : f32
    %broadcast_in_dim3A_773 = vector.broadcast %broadcast_in_dim3A_772 : f32 to vector<16xf32>
    %swap3A_774 = arith.constant 1920 : index
    %swap3A_775 = tpu.vector_load %arg6[%swap3A_774] {strides = array<i32>} : memref<4096xf32, #tpu.memory_space<vmem>>, vector<16xf32>,
    %swap3A_776 = vector.shape_cast %swap3A_775 : vector<16xf32> to vector<16xf32>
    %swap3A_777 = vector.shape_cast %broadcast_in_dim3A_773 : vector<16xf32> to vector<16xf32>
    tpu.vector_store %arg6[%swap3A_774], %swap3A_777 {strides = array<i32>} : memref<4096xf32, #tpu.memory_space<vmem>>, vector<16xf32>,
    %broadcast_in_dim3A_778 = arith.constant 0.000000e+00 : f32
    %broadcast_in_dim3A_779 = vector.broadcast %broadcast_in_dim3A_778 : f32 to vector<16xf32>
    %swap3A_780 = arith.constant 1936 : index
    %swap3A_781 = tpu.vector_load %arg6[%swap3A_780] {strides = array<i32>} : memref<4096xf32, #tpu.memory_space<vmem>>, vector<16xf32>,
    %swap3A_782 = vector.shape_cast %swap3A_781 : vector<16xf32> to vector<16xf32>
    %swap3A_783 = vector.shape_cast %broadcast_in_dim3A_779 : vector<16xf32> to vector<16xf32>
    tpu.vector_store %arg6[%swap3A_780], %swap3A_783 {strides = array<i32>} : memref<4096xf32, #tpu.memory_space<vmem>>, vector<16xf32>,
    %broadcast_in_dim3A_784 = arith.constant 0.000000e+00 : f32
    %broadcast_in_dim3A_785 = vector.broadcast %broadcast_in_dim3A_784 : f32 to vector<16xf32>
    %swap3A_786 = arith.constant 1952 : index
    %swap3A_787 = tpu.vector_load %arg6[%swap3A_786] {strides = array<i32>} : memref<4096xf32, #tpu.memory_space<vmem>>, vector<16xf32>,
    %swap3A_788 = vector.shape_cast %swap3A_787 : vector<16xf32> to vector<16xf32>
    %swap3A_789 = vector.shape_cast %broadcast_in_dim3A_785 : vector<16xf32> to vector<16xf32>
    tpu.vector_store %arg6[%swap3A_786], %swap3A_789 {strides = array<i32>} : memref<4096xf32, #tpu.memory_space<vmem>>, vector<16xf32>,
    %broadcast_in_dim3A_790 = arith.constant 0.000000e+00 : f32
    %broadcast_in_dim3A_791 = vector.broadcast %broadcast_in_dim3A_790 : f32 to vector<16xf32>
    %swap3A_792 = arith.constant 1968 : index
    %swap3A_793 = tpu.vector_load %arg6[%swap3A_792] {strides = array<i32>} : memref<4096xf32, #tpu.memory_space<vmem>>, vector<16xf32>,
    %swap3A_794 = vector.shape_cast %swap3A_793 : vector<16xf32> to vector<16xf32>
    %swap3A_795 = vector.shape_cast %broadcast_in_dim3A_791 : vector<16xf32> to vector<16xf32>
    tpu.vector_store %arg6[%swap3A_792], %swap3A_795 {strides = array<i32>} : memref<4096xf32, #tpu.memory_space<vmem>>, vector<16xf32>,
    %broadcast_in_dim3A_796 = arith.constant 0.000000e+00 : f32
    %broadcast_in_dim3A_797 = vector.broadcast %broadcast_in_dim3A_796 : f32 to vector<16xf32>
    %swap3A_798 = arith.constant 1984 : index
    %swap3A_799 = tpu.vector_load %arg6[%swap3A_798] {strides = array<i32>} : memref<4096xf32, #tpu.memory_space<vmem>>, vector<16xf32>,
    %swap3A_800 = vector.shape_cast %swap3A_799 : vector<16xf32> to vector<16xf32>
    %swap3A_801 = vector.shape_cast %broadcast_in_dim3A_797 : vector<16xf32> to vector<16xf32>
    tpu.vector_store %arg6[%swap3A_798], %swap3A_801 {strides = array<i32>} : memref<4096xf32, #tpu.memory_space<vmem>>, vector<16xf32>,
    %broadcast_in_dim3A_802 = arith.constant 0.000000e+00 : f32
    %broadcast_in_dim3A_803 = vector.broadcast %broadcast_in_dim3A_802 : f32 to vector<16xf32>
    %swap3A_804 = arith.constant 2000 : index
    %swap3A_805 = tpu.vector_load %arg6[%swap3A_804] {strides = array<i32>} : memref<4096xf32, #tpu.memory_space<vmem>>, vector<16xf32>,
    %swap3A_806 = vector.shape_cast %swap3A_805 : vector<16xf32> to vector<16xf32>
    %swap3A_807 = vector.shape_cast %broadcast_in_dim3A_803 : vector<16xf32> to vector<16xf32>
    tpu.vector_store %arg6[%swap3A_804], %swap3A_807 {strides = array<i32>} : memref<4096xf32, #tpu.memory_space<vmem>>, vector<16xf32>,
    %broadcast_in_dim3A_808 = arith.constant 0.000000e+00 : f32
    %broadcast_in_dim3A_809 = vector.broadcast %broadcast_in_dim3A_808 : f32 to vector<16xf32>
    %swap3A_810 = arith.constant 2016 : index
    %swap3A_811 = tpu.vector_load %arg6[%swap3A_810] {strides = array<i32>} : memref<4096xf32, #tpu.memory_space<vmem>>, vector<16xf32>,
    %swap3A_812 = vector.shape_cast %swap3A_811 : vector<16xf32> to vector<16xf32>
    %swap3A_813 = vector.shape_cast %broadcast_in_dim3A_809 : vector<16xf32> to vector<16xf32>
    tpu.vector_store %arg6[%swap3A_810], %swap3A_813 {strides = array<i32>} : memref<4096xf32, #tpu.memory_space<vmem>>, vector<16xf32>,
    %broadcast_in_dim3A_814 = arith.constant 0.000000e+00 : f32
    %broadcast_in_dim3A_815 = vector.broadcast %broadcast_in_dim3A_814 : f32 to vector<16xf32>
    %swap3A_816 = arith.constant 2032 : index
    %swap3A_817 = tpu.vector_load %arg6[%swap3A_816] {strides = array<i32>} : memref<4096xf32, #tpu.memory_space<vmem>>, vector<16xf32>,
    %swap3A_818 = vector.shape_cast %swap3A_817 : vector<16xf32> to vector<16xf32>
    %swap3A_819 = vector.shape_cast %broadcast_in_dim3A_815 : vector<16xf32> to vector<16xf32>
    tpu.vector_store %arg6[%swap3A_816], %swap3A_819 {strides = array<i32>} : memref<4096xf32, #tpu.memory_space<vmem>>, vector<16xf32>,
    %broadcast_in_dim3A_820 = arith.constant 0.000000e+00 : f32
    %broadcast_in_dim3A_821 = vector.broadcast %broadcast_in_dim3A_820 : f32 to vector<16xf32>
    %swap3A_822 = arith.constant 2048 : index
    %swap3A_823 = tpu.vector_load %arg6[%swap3A_822] {strides = array<i32>} : memref<4096xf32, #tpu.memory_space<vmem>>, vector<16xf32>,
    %swap3A_824 = vector.shape_cast %swap3A_823 : vector<16xf32> to vector<16xf32>
    %swap3A_825 = vector.shape_cast %broadcast_in_dim3A_821 : vector<16xf32> to vector<16xf32>
    tpu.vector_store %arg6[%swap3A_822], %swap3A_825 {strides = array<i32>} : memref<4096xf32, #tpu.memory_space<vmem>>, vector<16xf32>,
    %broadcast_in_dim3A_826 = arith.constant 0.000000e+00 : f32
    %broadcast_in_dim3A_827 = vector.broadcast %broadcast_in_dim3A_826 : f32 to vector<16xf32>
    %swap3A_828 = arith.constant 2064 : index
    %swap3A_829 = tpu.vector_load %arg6[%swap3A_828] {strides = array<i32>} : memref<4096xf32, #tpu.memory_space<vmem>>, vector<16xf32>,
    %swap3A_830 = vector.shape_cast %swap3A_829 : vector<16xf32> to vector<16xf32>
    %swap3A_831 = vector.shape_cast %broadcast_in_dim3A_827 : vector<16xf32> to vector<16xf32>
    tpu.vector_store %arg6[%swap3A_828], %swap3A_831 {strides = array<i32>} : memref<4096xf32, #tpu.memory_space<vmem>>, vector<16xf32>,
    %broadcast_in_dim3A_832 = arith.constant 0.000000e+00 : f32
    %broadcast_in_dim3A_833 = vector.broadcast %broadcast_in_dim3A_832 : f32 to vector<16xf32>
    %swap3A_834 = arith.constant 2080 : index
    %swap3A_835 = tpu.vector_load %arg6[%swap3A_834] {strides = array<i32>} : memref<4096xf32, #tpu.memory_space<vmem>>, vector<16xf32>,
    %swap3A_836 = vector.shape_cast %swap3A_835 : vector<16xf32> to vector<16xf32>
    %swap3A_837 = vector.shape_cast %broadcast_in_dim3A_833 : vector<16xf32> to vector<16xf32>
    tpu.vector_store %arg6[%swap3A_834], %swap3A_837 {strides = array<i32>} : memref<4096xf32, #tpu.memory_space<vmem>>, vector<16xf32>,
    %broadcast_in_dim3A_838 = arith.constant 0.000000e+00 : f32
    %broadcast_in_dim3A_839 = vector.broadcast %broadcast_in_dim3A_838 : f32 to vector<16xf32>
    %swap3A_840 = arith.constant 2096 : index
    %swap3A_841 = tpu.vector_load %arg6[%swap3A_840] {strides = array<i32>} : memref<4096xf32, #tpu.memory_space<vmem>>, vector<16xf32>,
    %swap3A_842 = vector.shape_cast %swap3A_841 : vector<16xf32> to vector<16xf32>
    %swap3A_843 = vector.shape_cast %broadcast_in_dim3A_839 : vector<16xf32> to vector<16xf32>
    tpu.vector_store %arg6[%swap3A_840], %swap3A_843 {strides = array<i32>} : memref<4096xf32, #tpu.memory_space<vmem>>, vector<16xf32>,
    %broadcast_in_dim3A_844 = arith.constant 0.000000e+00 : f32
    %broadcast_in_dim3A_845 = vector.broadcast %broadcast_in_dim3A_844 : f32 to vector<16xf32>
    %swap3A_846 = arith.constant 2112 : index
    %swap3A_847 = tpu.vector_load %arg6[%swap3A_846] {strides = array<i32>} : memref<4096xf32, #tpu.memory_space<vmem>>, vector<16xf32>,
    %swap3A_848 = vector.shape_cast %swap3A_847 : vector<16xf32> to vector<16xf32>
    %swap3A_849 = vector.shape_cast %broadcast_in_dim3A_845 : vector<16xf32> to vector<16xf32>
    tpu.vector_store %arg6[%swap3A_846], %swap3A_849 {strides = array<i32>} : memref<4096xf32, #tpu.memory_space<vmem>>, vector<16xf32>,
    %broadcast_in_dim3A_850 = arith.constant 0.000000e+00 : f32
    %broadcast_in_dim3A_851 = vector.broadcast %broadcast_in_dim3A_850 : f32 to vector<16xf32>
    %swap3A_852 = arith.constant 2128 : index
    %swap3A_853 = tpu.vector_load %arg6[%swap3A_852] {strides = array<i32>} : memref<4096xf32, #tpu.memory_space<vmem>>, vector<16xf32>,
    %swap3A_854 = vector.shape_cast %swap3A_853 : vector<16xf32> to vector<16xf32>
    %swap3A_855 = vector.shape_cast %broadcast_in_dim3A_851 : vector<16xf32> to vector<16xf32>
    tpu.vector_store %arg6[%swap3A_852], %swap3A_855 {strides = array<i32>} : memref<4096xf32, #tpu.memory_space<vmem>>, vector<16xf32>,
    %broadcast_in_dim3A_856 = arith.constant 0.000000e+00 : f32
    %broadcast_in_dim3A_857 = vector.broadcast %broadcast_in_dim3A_856 : f32 to vector<16xf32>
    %swap3A_858 = arith.constant 2144 : index
    %swap3A_859 = tpu.vector_load %arg6[%swap3A_858] {strides = array<i32>} : memref<4096xf32, #tpu.memory_space<vmem>>, vector<16xf32>,
    %swap3A_860 = vector.shape_cast %swap3A_859 : vector<16xf32> to vector<16xf32>
    %swap3A_861 = vector.shape_cast %broadcast_in_dim3A_857 : vector<16xf32> to vector<16xf32>
    tpu.vector_store %arg6[%swap3A_858], %swap3A_861 {strides = array<i32>} : memref<4096xf32, #tpu.memory_space<vmem>>, vector<16xf32>,
    %broadcast_in_dim3A_862 = arith.constant 0.000000e+00 : f32
    %broadcast_in_dim3A_863 = vector.broadcast %broadcast_in_dim3A_862 : f32 to vector<16xf32>
    %swap3A_864 = arith.constant 2160 : index
    %swap3A_865 = tpu.vector_load %arg6[%swap3A_864] {strides = array<i32>} : memref<4096xf32, #tpu.memory_space<vmem>>, vector<16xf32>,
    %swap3A_866 = vector.shape_cast %swap3A_865 : vector<16xf32> to vector<16xf32>
    %swap3A_867 = vector.shape_cast %broadcast_in_dim3A_863 : vector<16xf32> to vector<16xf32>
    tpu.vector_store %arg6[%swap3A_864], %swap3A_867 {strides = array<i32>} : memref<4096xf32, #tpu.memory_space<vmem>>, vector<16xf32>,
    %broadcast_in_dim3A_868 = arith.constant 0.000000e+00 : f32
    %broadcast_in_dim3A_869 = vector.broadcast %broadcast_in_dim3A_868 : f32 to vector<16xf32>
    %swap3A_870 = arith.constant 2176 : index
    %swap3A_871 = tpu.vector_load %arg6[%swap3A_870] {strides = array<i32>} : memref<4096xf32, #tpu.memory_space<vmem>>, vector<16xf32>,
    %swap3A_872 = vector.shape_cast %swap3A_871 : vector<16xf32> to vector<16xf32>
    %swap3A_873 = vector.shape_cast %broadcast_in_dim3A_869 : vector<16xf32> to vector<16xf32>
    tpu.vector_store %arg6[%swap3A_870], %swap3A_873 {strides = array<i32>} : memref<4096xf32, #tpu.memory_space<vmem>>, vector<16xf32>,
    %broadcast_in_dim3A_874 = arith.constant 0.000000e+00 : f32
    %broadcast_in_dim3A_875 = vector.broadcast %broadcast_in_dim3A_874 : f32 to vector<16xf32>
    %swap3A_876 = arith.constant 2192 : index
    %swap3A_877 = tpu.vector_load %arg6[%swap3A_876] {strides = array<i32>} : memref<4096xf32, #tpu.memory_space<vmem>>, vector<16xf32>,
    %swap3A_878 = vector.shape_cast %swap3A_877 : vector<16xf32> to vector<16xf32>
    %swap3A_879 = vector.shape_cast %broadcast_in_dim3A_875 : vector<16xf32> to vector<16xf32>
    tpu.vector_store %arg6[%swap3A_876], %swap3A_879 {strides = array<i32>} : memref<4096xf32, #tpu.memory_space<vmem>>, vector<16xf32>,
    %broadcast_in_dim3A_880 = arith.constant 0.000000e+00 : f32
    %broadcast_in_dim3A_881 = vector.broadcast %broadcast_in_dim3A_880 : f32 to vector<16xf32>
    %swap3A_882 = arith.constant 2208 : index
    %swap3A_883 = tpu.vector_load %arg6[%swap3A_882] {strides = array<i32>} : memref<4096xf32, #tpu.memory_space<vmem>>, vector<16xf32>,
    %swap3A_884 = vector.shape_cast %swap3A_883 : vector<16xf32> to vector<16xf32>
    %swap3A_885 = vector.shape_cast %broadcast_in_dim3A_881 : vector<16xf32> to vector<16xf32>
    tpu.vector_store %arg6[%swap3A_882], %swap3A_885 {strides = array<i32>} : memref<4096xf32, #tpu.memory_space<vmem>>, vector<16xf32>,
    %broadcast_in_dim3A_886 = arith.constant 0.000000e+00 : f32
    %broadcast_in_dim3A_887 = vector.broadcast %broadcast_in_dim3A_886 : f32 to vector<16xf32>
    %swap3A_888 = arith.constant 2224 : index
    %swap3A_889 = tpu.vector_load %arg6[%swap3A_888] {strides = array<i32>} : memref<4096xf32, #tpu.memory_space<vmem>>, vector<16xf32>,
    %swap3A_890 = vector.shape_cast %swap3A_889 : vector<16xf32> to vector<16xf32>
    %swap3A_891 = vector.shape_cast %broadcast_in_dim3A_887 : vector<16xf32> to vector<16xf32>
    tpu.vector_store %arg6[%swap3A_888], %swap3A_891 {strides = array<i32>} : memref<4096xf32, #tpu.memory_space<vmem>>, vector<16xf32>,
    %broadcast_in_dim3A_892 = arith.constant 0.000000e+00 : f32
    %broadcast_in_dim3A_893 = vector.broadcast %broadcast_in_dim3A_892 : f32 to vector<16xf32>
    %swap3A_894 = arith.constant 2240 : index
    %swap3A_895 = tpu.vector_load %arg6[%swap3A_894] {strides = array<i32>} : memref<4096xf32, #tpu.memory_space<vmem>>, vector<16xf32>,
    %swap3A_896 = vector.shape_cast %swap3A_895 : vector<16xf32> to vector<16xf32>
    %swap3A_897 = vector.shape_cast %broadcast_in_dim3A_893 : vector<16xf32> to vector<16xf32>
    tpu.vector_store %arg6[%swap3A_894], %swap3A_897 {strides = array<i32>} : memref<4096xf32, #tpu.memory_space<vmem>>, vector<16xf32>,
    %broadcast_in_dim3A_898 = arith.constant 0.000000e+00 : f32
    %broadcast_in_dim3A_899 = vector.broadcast %broadcast_in_dim3A_898 : f32 to vector<16xf32>
    %swap3A_900 = arith.constant 2256 : index
    %swap3A_901 = tpu.vector_load %arg6[%swap3A_900] {strides = array<i32>} : memref<4096xf32, #tpu.memory_space<vmem>>, vector<16xf32>,
    %swap3A_902 = vector.shape_cast %swap3A_901 : vector<16xf32> to vector<16xf32>
    %swap3A_903 = vector.shape_cast %broadcast_in_dim3A_899 : vector<16xf32> to vector<16xf32>
    tpu.vector_store %arg6[%swap3A_900], %swap3A_903 {strides = array<i32>} : memref<4096xf32, #tpu.memory_space<vmem>>, vector<16xf32>,
    %broadcast_in_dim3A_904 = arith.constant 0.000000e+00 : f32
    %broadcast_in_dim3A_905 = vector.broadcast %broadcast_in_dim3A_904 : f32 to vector<16xf32>
    %swap3A_906 = arith.constant 2272 : index
    %swap3A_907 = tpu.vector_load %arg6[%swap3A_906] {strides = array<i32>} : memref<4096xf32, #tpu.memory_space<vmem>>, vector<16xf32>,
    %swap3A_908 = vector.shape_cast %swap3A_907 : vector<16xf32> to vector<16xf32>
    %swap3A_909 = vector.shape_cast %broadcast_in_dim3A_905 : vector<16xf32> to vector<16xf32>
    tpu.vector_store %arg6[%swap3A_906], %swap3A_909 {strides = array<i32>} : memref<4096xf32, #tpu.memory_space<vmem>>, vector<16xf32>,
    %broadcast_in_dim3A_910 = arith.constant 0.000000e+00 : f32
    %broadcast_in_dim3A_911 = vector.broadcast %broadcast_in_dim3A_910 : f32 to vector<16xf32>
    %swap3A_912 = arith.constant 2288 : index
    %swap3A_913 = tpu.vector_load %arg6[%swap3A_912] {strides = array<i32>} : memref<4096xf32, #tpu.memory_space<vmem>>, vector<16xf32>,
    %swap3A_914 = vector.shape_cast %swap3A_913 : vector<16xf32> to vector<16xf32>
    %swap3A_915 = vector.shape_cast %broadcast_in_dim3A_911 : vector<16xf32> to vector<16xf32>
    tpu.vector_store %arg6[%swap3A_912], %swap3A_915 {strides = array<i32>} : memref<4096xf32, #tpu.memory_space<vmem>>, vector<16xf32>,
    %broadcast_in_dim3A_916 = arith.constant 0.000000e+00 : f32
    %broadcast_in_dim3A_917 = vector.broadcast %broadcast_in_dim3A_916 : f32 to vector<16xf32>
    %swap3A_918 = arith.constant 2304 : index
    %swap3A_919 = tpu.vector_load %arg6[%swap3A_918] {strides = array<i32>} : memref<4096xf32, #tpu.memory_space<vmem>>, vector<16xf32>,
    %swap3A_920 = vector.shape_cast %swap3A_919 : vector<16xf32> to vector<16xf32>
    %swap3A_921 = vector.shape_cast %broadcast_in_dim3A_917 : vector<16xf32> to vector<16xf32>
    tpu.vector_store %arg6[%swap3A_918], %swap3A_921 {strides = array<i32>} : memref<4096xf32, #tpu.memory_space<vmem>>, vector<16xf32>,
    %broadcast_in_dim3A_922 = arith.constant 0.000000e+00 : f32
    %broadcast_in_dim3A_923 = vector.broadcast %broadcast_in_dim3A_922 : f32 to vector<16xf32>
    %swap3A_924 = arith.constant 2320 : index
    %swap3A_925 = tpu.vector_load %arg6[%swap3A_924] {strides = array<i32>} : memref<4096xf32, #tpu.memory_space<vmem>>, vector<16xf32>,
    %swap3A_926 = vector.shape_cast %swap3A_925 : vector<16xf32> to vector<16xf32>
    %swap3A_927 = vector.shape_cast %broadcast_in_dim3A_923 : vector<16xf32> to vector<16xf32>
    tpu.vector_store %arg6[%swap3A_924], %swap3A_927 {strides = array<i32>} : memref<4096xf32, #tpu.memory_space<vmem>>, vector<16xf32>,
    %broadcast_in_dim3A_928 = arith.constant 0.000000e+00 : f32
    %broadcast_in_dim3A_929 = vector.broadcast %broadcast_in_dim3A_928 : f32 to vector<16xf32>
    %swap3A_930 = arith.constant 2336 : index
    %swap3A_931 = tpu.vector_load %arg6[%swap3A_930] {strides = array<i32>} : memref<4096xf32, #tpu.memory_space<vmem>>, vector<16xf32>,
    %swap3A_932 = vector.shape_cast %swap3A_931 : vector<16xf32> to vector<16xf32>
    %swap3A_933 = vector.shape_cast %broadcast_in_dim3A_929 : vector<16xf32> to vector<16xf32>
    tpu.vector_store %arg6[%swap3A_930], %swap3A_933 {strides = array<i32>} : memref<4096xf32, #tpu.memory_space<vmem>>, vector<16xf32>,
    %broadcast_in_dim3A_934 = arith.constant 0.000000e+00 : f32
    %broadcast_in_dim3A_935 = vector.broadcast %broadcast_in_dim3A_934 : f32 to vector<16xf32>
    %swap3A_936 = arith.constant 2352 : index
    %swap3A_937 = tpu.vector_load %arg6[%swap3A_936] {strides = array<i32>} : memref<4096xf32, #tpu.memory_space<vmem>>, vector<16xf32>,
    %swap3A_938 = vector.shape_cast %swap3A_937 : vector<16xf32> to vector<16xf32>
    %swap3A_939 = vector.shape_cast %broadcast_in_dim3A_935 : vector<16xf32> to vector<16xf32>
    tpu.vector_store %arg6[%swap3A_936], %swap3A_939 {strides = array<i32>} : memref<4096xf32, #tpu.memory_space<vmem>>, vector<16xf32>,
    %broadcast_in_dim3A_940 = arith.constant 0.000000e+00 : f32
    %broadcast_in_dim3A_941 = vector.broadcast %broadcast_in_dim3A_940 : f32 to vector<16xf32>
    %swap3A_942 = arith.constant 2368 : index
    %swap3A_943 = tpu.vector_load %arg6[%swap3A_942] {strides = array<i32>} : memref<4096xf32, #tpu.memory_space<vmem>>, vector<16xf32>,
    %swap3A_944 = vector.shape_cast %swap3A_943 : vector<16xf32> to vector<16xf32>
    %swap3A_945 = vector.shape_cast %broadcast_in_dim3A_941 : vector<16xf32> to vector<16xf32>
    tpu.vector_store %arg6[%swap3A_942], %swap3A_945 {strides = array<i32>} : memref<4096xf32, #tpu.memory_space<vmem>>, vector<16xf32>,
    %broadcast_in_dim3A_946 = arith.constant 0.000000e+00 : f32
    %broadcast_in_dim3A_947 = vector.broadcast %broadcast_in_dim3A_946 : f32 to vector<16xf32>
    %swap3A_948 = arith.constant 2384 : index
    %swap3A_949 = tpu.vector_load %arg6[%swap3A_948] {strides = array<i32>} : memref<4096xf32, #tpu.memory_space<vmem>>, vector<16xf32>,
    %swap3A_950 = vector.shape_cast %swap3A_949 : vector<16xf32> to vector<16xf32>
    %swap3A_951 = vector.shape_cast %broadcast_in_dim3A_947 : vector<16xf32> to vector<16xf32>
    tpu.vector_store %arg6[%swap3A_948], %swap3A_951 {strides = array<i32>} : memref<4096xf32, #tpu.memory_space<vmem>>, vector<16xf32>,
    %broadcast_in_dim3A_952 = arith.constant 0.000000e+00 : f32
    %broadcast_in_dim3A_953 = vector.broadcast %broadcast_in_dim3A_952 : f32 to vector<16xf32>
    %swap3A_954 = arith.constant 2400 : index
    %swap3A_955 = tpu.vector_load %arg6[%swap3A_954] {strides = array<i32>} : memref<4096xf32, #tpu.memory_space<vmem>>, vector<16xf32>,
    %swap3A_956 = vector.shape_cast %swap3A_955 : vector<16xf32> to vector<16xf32>
    %swap3A_957 = vector.shape_cast %broadcast_in_dim3A_953 : vector<16xf32> to vector<16xf32>
    tpu.vector_store %arg6[%swap3A_954], %swap3A_957 {strides = array<i32>} : memref<4096xf32, #tpu.memory_space<vmem>>, vector<16xf32>,
    %broadcast_in_dim3A_958 = arith.constant 0.000000e+00 : f32
    %broadcast_in_dim3A_959 = vector.broadcast %broadcast_in_dim3A_958 : f32 to vector<16xf32>
    %swap3A_960 = arith.constant 2416 : index
    %swap3A_961 = tpu.vector_load %arg6[%swap3A_960] {strides = array<i32>} : memref<4096xf32, #tpu.memory_space<vmem>>, vector<16xf32>,
    %swap3A_962 = vector.shape_cast %swap3A_961 : vector<16xf32> to vector<16xf32>
    %swap3A_963 = vector.shape_cast %broadcast_in_dim3A_959 : vector<16xf32> to vector<16xf32>
    tpu.vector_store %arg6[%swap3A_960], %swap3A_963 {strides = array<i32>} : memref<4096xf32, #tpu.memory_space<vmem>>, vector<16xf32>,
    %broadcast_in_dim3A_964 = arith.constant 0.000000e+00 : f32
    %broadcast_in_dim3A_965 = vector.broadcast %broadcast_in_dim3A_964 : f32 to vector<16xf32>
    %swap3A_966 = arith.constant 2432 : index
    %swap3A_967 = tpu.vector_load %arg6[%swap3A_966] {strides = array<i32>} : memref<4096xf32, #tpu.memory_space<vmem>>, vector<16xf32>,
    %swap3A_968 = vector.shape_cast %swap3A_967 : vector<16xf32> to vector<16xf32>
    %swap3A_969 = vector.shape_cast %broadcast_in_dim3A_965 : vector<16xf32> to vector<16xf32>
    tpu.vector_store %arg6[%swap3A_966], %swap3A_969 {strides = array<i32>} : memref<4096xf32, #tpu.memory_space<vmem>>, vector<16xf32>,
    %broadcast_in_dim3A_970 = arith.constant 0.000000e+00 : f32
    %broadcast_in_dim3A_971 = vector.broadcast %broadcast_in_dim3A_970 : f32 to vector<16xf32>
    %swap3A_972 = arith.constant 2448 : index
    %swap3A_973 = tpu.vector_load %arg6[%swap3A_972] {strides = array<i32>} : memref<4096xf32, #tpu.memory_space<vmem>>, vector<16xf32>,
    %swap3A_974 = vector.shape_cast %swap3A_973 : vector<16xf32> to vector<16xf32>
    %swap3A_975 = vector.shape_cast %broadcast_in_dim3A_971 : vector<16xf32> to vector<16xf32>
    tpu.vector_store %arg6[%swap3A_972], %swap3A_975 {strides = array<i32>} : memref<4096xf32, #tpu.memory_space<vmem>>, vector<16xf32>,
    %broadcast_in_dim3A_976 = arith.constant 0.000000e+00 : f32
    %broadcast_in_dim3A_977 = vector.broadcast %broadcast_in_dim3A_976 : f32 to vector<16xf32>
    %swap3A_978 = arith.constant 2464 : index
    %swap3A_979 = tpu.vector_load %arg6[%swap3A_978] {strides = array<i32>} : memref<4096xf32, #tpu.memory_space<vmem>>, vector<16xf32>,
    %swap3A_980 = vector.shape_cast %swap3A_979 : vector<16xf32> to vector<16xf32>
    %swap3A_981 = vector.shape_cast %broadcast_in_dim3A_977 : vector<16xf32> to vector<16xf32>
    tpu.vector_store %arg6[%swap3A_978], %swap3A_981 {strides = array<i32>} : memref<4096xf32, #tpu.memory_space<vmem>>, vector<16xf32>,
    %broadcast_in_dim3A_982 = arith.constant 0.000000e+00 : f32
    %broadcast_in_dim3A_983 = vector.broadcast %broadcast_in_dim3A_982 : f32 to vector<16xf32>
    %swap3A_984 = arith.constant 2480 : index
    %swap3A_985 = tpu.vector_load %arg6[%swap3A_984] {strides = array<i32>} : memref<4096xf32, #tpu.memory_space<vmem>>, vector<16xf32>,
    %swap3A_986 = vector.shape_cast %swap3A_985 : vector<16xf32> to vector<16xf32>
    %swap3A_987 = vector.shape_cast %broadcast_in_dim3A_983 : vector<16xf32> to vector<16xf32>
    tpu.vector_store %arg6[%swap3A_984], %swap3A_987 {strides = array<i32>} : memref<4096xf32, #tpu.memory_space<vmem>>, vector<16xf32>,
    %broadcast_in_dim3A_988 = arith.constant 0.000000e+00 : f32
    %broadcast_in_dim3A_989 = vector.broadcast %broadcast_in_dim3A_988 : f32 to vector<16xf32>
    %swap3A_990 = arith.constant 2496 : index
    %swap3A_991 = tpu.vector_load %arg6[%swap3A_990] {strides = array<i32>} : memref<4096xf32, #tpu.memory_space<vmem>>, vector<16xf32>,
    %swap3A_992 = vector.shape_cast %swap3A_991 : vector<16xf32> to vector<16xf32>
    %swap3A_993 = vector.shape_cast %broadcast_in_dim3A_989 : vector<16xf32> to vector<16xf32>
    tpu.vector_store %arg6[%swap3A_990], %swap3A_993 {strides = array<i32>} : memref<4096xf32, #tpu.memory_space<vmem>>, vector<16xf32>,
    %broadcast_in_dim3A_994 = arith.constant 0.000000e+00 : f32
    %broadcast_in_dim3A_995 = vector.broadcast %broadcast_in_dim3A_994 : f32 to vector<16xf32>
    %swap3A_996 = arith.constant 2512 : index
    %swap3A_997 = tpu.vector_load %arg6[%swap3A_996] {strides = array<i32>} : memref<4096xf32, #tpu.memory_space<vmem>>, vector<16xf32>,
    %swap3A_998 = vector.shape_cast %swap3A_997 : vector<16xf32> to vector<16xf32>
    %swap3A_999 = vector.shape_cast %broadcast_in_dim3A_995 : vector<16xf32> to vector<16xf32>
    tpu.vector_store %arg6[%swap3A_996], %swap3A_999 {strides = array<i32>} : memref<4096xf32, #tpu.memory_space<vmem>>, vector<16xf32>,
    %broadcast_in_dim3A_1000 = arith.constant 0.000000e+00 : f32
    %broadcast_in_dim3A_1001 = vector.broadcast %broadcast_in_dim3A_1000 : f32 to vector<16xf32>
    %swap3A_1002 = arith.constant 2528 : index
    %swap3A_1003 = tpu.vector_load %arg6[%swap3A_1002] {strides = array<i32>} : memref<4096xf32, #tpu.memory_space<vmem>>, vector<16xf32>,
    %swap3A_1004 = vector.shape_cast %swap3A_1003 : vector<16xf32> to vector<16xf32>
    %swap3A_1005 = vector.shape_cast %broadcast_in_dim3A_1001 : vector<16xf32> to vector<16xf32>
    tpu.vector_store %arg6[%swap3A_1002], %swap3A_1005 {strides = array<i32>} : memref<4096xf32, #tpu.memory_space<vmem>>, vector<16xf32>,
    %broadcast_in_dim3A_1006 = arith.constant 0.000000e+00 : f32
    %broadcast_in_dim3A_1007 = vector.broadcast %broadcast_in_dim3A_1006 : f32 to vector<16xf32>
    %swap3A_1008 = arith.constant 2544 : index
    %swap3A_1009 = tpu.vector_load %arg6[%swap3A_1008] {strides = array<i32>} : memref<4096xf32, #tpu.memory_space<vmem>>, vector<16xf32>,
    %swap3A_1010 = vector.shape_cast %swap3A_1009 : vector<16xf32> to vector<16xf32>
    %swap3A_1011 = vector.shape_cast %broadcast_in_dim3A_1007 : vector<16xf32> to vector<16xf32>
    tpu.vector_store %arg6[%swap3A_1008], %swap3A_1011 {strides = array<i32>} : memref<4096xf32, #tpu.memory_space<vmem>>, vector<16xf32>,
    %broadcast_in_dim3A_1012 = arith.constant 0.000000e+00 : f32
    %broadcast_in_dim3A_1013 = vector.broadcast %broadcast_in_dim3A_1012 : f32 to vector<16xf32>
    %swap3A_1014 = arith.constant 2560 : index
    %swap3A_1015 = tpu.vector_load %arg6[%swap3A_1014] {strides = array<i32>} : memref<4096xf32, #tpu.memory_space<vmem>>, vector<16xf32>,
    %swap3A_1016 = vector.shape_cast %swap3A_1015 : vector<16xf32> to vector<16xf32>
    %swap3A_1017 = vector.shape_cast %broadcast_in_dim3A_1013 : vector<16xf32> to vector<16xf32>
    tpu.vector_store %arg6[%swap3A_1014], %swap3A_1017 {strides = array<i32>} : memref<4096xf32, #tpu.memory_space<vmem>>, vector<16xf32>,
    %broadcast_in_dim3A_1018 = arith.constant 0.000000e+00 : f32
    %broadcast_in_dim3A_1019 = vector.broadcast %broadcast_in_dim3A_1018 : f32 to vector<16xf32>
    %swap3A_1020 = arith.constant 2576 : index
    %swap3A_1021 = tpu.vector_load %arg6[%swap3A_1020] {strides = array<i32>} : memref<4096xf32, #tpu.memory_space<vmem>>, vector<16xf32>,
    %swap3A_1022 = vector.shape_cast %swap3A_1021 : vector<16xf32> to vector<16xf32>
    %swap3A_1023 = vector.shape_cast %broadcast_in_dim3A_1019 : vector<16xf32> to vector<16xf32>
    tpu.vector_store %arg6[%swap3A_1020], %swap3A_1023 {strides = array<i32>} : memref<4096xf32, #tpu.memory_space<vmem>>, vector<16xf32>,
    %broadcast_in_dim3A_1024 = arith.constant 0.000000e+00 : f32
    %broadcast_in_dim3A_1025 = vector.broadcast %broadcast_in_dim3A_1024 : f32 to vector<16xf32>
    %swap3A_1026 = arith.constant 2592 : index
    %swap3A_1027 = tpu.vector_load %arg6[%swap3A_1026] {strides = array<i32>} : memref<4096xf32, #tpu.memory_space<vmem>>, vector<16xf32>,
    %swap3A_1028 = vector.shape_cast %swap3A_1027 : vector<16xf32> to vector<16xf32>
    %swap3A_1029 = vector.shape_cast %broadcast_in_dim3A_1025 : vector<16xf32> to vector<16xf32>
    tpu.vector_store %arg6[%swap3A_1026], %swap3A_1029 {strides = array<i32>} : memref<4096xf32, #tpu.memory_space<vmem>>, vector<16xf32>,
    %broadcast_in_dim3A_1030 = arith.constant 0.000000e+00 : f32
    %broadcast_in_dim3A_1031 = vector.broadcast %broadcast_in_dim3A_1030 : f32 to vector<16xf32>
    %swap3A_1032 = arith.constant 2608 : index
    %swap3A_1033 = tpu.vector_load %arg6[%swap3A_1032] {strides = array<i32>} : memref<4096xf32, #tpu.memory_space<vmem>>, vector<16xf32>,
    %swap3A_1034 = vector.shape_cast %swap3A_1033 : vector<16xf32> to vector<16xf32>
    %swap3A_1035 = vector.shape_cast %broadcast_in_dim3A_1031 : vector<16xf32> to vector<16xf32>
    tpu.vector_store %arg6[%swap3A_1032], %swap3A_1035 {strides = array<i32>} : memref<4096xf32, #tpu.memory_space<vmem>>, vector<16xf32>,
    %broadcast_in_dim3A_1036 = arith.constant 0.000000e+00 : f32
    %broadcast_in_dim3A_1037 = vector.broadcast %broadcast_in_dim3A_1036 : f32 to vector<16xf32>
    %swap3A_1038 = arith.constant 2624 : index
    %swap3A_1039 = tpu.vector_load %arg6[%swap3A_1038] {strides = array<i32>} : memref<4096xf32, #tpu.memory_space<vmem>>, vector<16xf32>,
    %swap3A_1040 = vector.shape_cast %swap3A_1039 : vector<16xf32> to vector<16xf32>
    %swap3A_1041 = vector.shape_cast %broadcast_in_dim3A_1037 : vector<16xf32> to vector<16xf32>
    tpu.vector_store %arg6[%swap3A_1038], %swap3A_1041 {strides = array<i32>} : memref<4096xf32, #tpu.memory_space<vmem>>, vector<16xf32>,
    %broadcast_in_dim3A_1042 = arith.constant 0.000000e+00 : f32
    %broadcast_in_dim3A_1043 = vector.broadcast %broadcast_in_dim3A_1042 : f32 to vector<16xf32>
    %swap3A_1044 = arith.constant 2640 : index
    %swap3A_1045 = tpu.vector_load %arg6[%swap3A_1044] {strides = array<i32>} : memref<4096xf32, #tpu.memory_space<vmem>>, vector<16xf32>,
    %swap3A_1046 = vector.shape_cast %swap3A_1045 : vector<16xf32> to vector<16xf32>
    %swap3A_1047 = vector.shape_cast %broadcast_in_dim3A_1043 : vector<16xf32> to vector<16xf32>
    tpu.vector_store %arg6[%swap3A_1044], %swap3A_1047 {strides = array<i32>} : memref<4096xf32, #tpu.memory_space<vmem>>, vector<16xf32>,
    %broadcast_in_dim3A_1048 = arith.constant 0.000000e+00 : f32
    %broadcast_in_dim3A_1049 = vector.broadcast %broadcast_in_dim3A_1048 : f32 to vector<16xf32>
    %swap3A_1050 = arith.constant 2656 : index
    %swap3A_1051 = tpu.vector_load %arg6[%swap3A_1050] {strides = array<i32>} : memref<4096xf32, #tpu.memory_space<vmem>>, vector<16xf32>,
    %swap3A_1052 = vector.shape_cast %swap3A_1051 : vector<16xf32> to vector<16xf32>
    %swap3A_1053 = vector.shape_cast %broadcast_in_dim3A_1049 : vector<16xf32> to vector<16xf32>
    tpu.vector_store %arg6[%swap3A_1050], %swap3A_1053 {strides = array<i32>} : memref<4096xf32, #tpu.memory_space<vmem>>, vector<16xf32>,
    %broadcast_in_dim3A_1054 = arith.constant 0.000000e+00 : f32
    %broadcast_in_dim3A_1055 = vector.broadcast %broadcast_in_dim3A_1054 : f32 to vector<16xf32>
    %swap3A_1056 = arith.constant 2672 : index
    %swap3A_1057 = tpu.vector_load %arg6[%swap3A_1056] {strides = array<i32>} : memref<4096xf32, #tpu.memory_space<vmem>>, vector<16xf32>,
    %swap3A_1058 = vector.shape_cast %swap3A_1057 : vector<16xf32> to vector<16xf32>
    %swap3A_1059 = vector.shape_cast %broadcast_in_dim3A_1055 : vector<16xf32> to vector<16xf32>
    tpu.vector_store %arg6[%swap3A_1056], %swap3A_1059 {strides = array<i32>} : memref<4096xf32, #tpu.memory_space<vmem>>, vector<16xf32>,
    %broadcast_in_dim3A_1060 = arith.constant 0.000000e+00 : f32
    %broadcast_in_dim3A_1061 = vector.broadcast %broadcast_in_dim3A_1060 : f32 to vector<16xf32>
    %swap3A_1062 = arith.constant 2688 : index
    %swap3A_1063 = tpu.vector_load %arg6[%swap3A_1062] {strides = array<i32>} : memref<4096xf32, #tpu.memory_space<vmem>>, vector<16xf32>,
    %swap3A_1064 = vector.shape_cast %swap3A_1063 : vector<16xf32> to vector<16xf32>
    %swap3A_1065 = vector.shape_cast %broadcast_in_dim3A_1061 : vector<16xf32> to vector<16xf32>
    tpu.vector_store %arg6[%swap3A_1062], %swap3A_1065 {strides = array<i32>} : memref<4096xf32, #tpu.memory_space<vmem>>, vector<16xf32>,
    %broadcast_in_dim3A_1066 = arith.constant 0.000000e+00 : f32
    %broadcast_in_dim3A_1067 = vector.broadcast %broadcast_in_dim3A_1066 : f32 to vector<16xf32>
    %swap3A_1068 = arith.constant 2704 : index
    %swap3A_1069 = tpu.vector_load %arg6[%swap3A_1068] {strides = array<i32>} : memref<4096xf32, #tpu.memory_space<vmem>>, vector<16xf32>,
    %swap3A_1070 = vector.shape_cast %swap3A_1069 : vector<16xf32> to vector<16xf32>
    %swap3A_1071 = vector.shape_cast %broadcast_in_dim3A_1067 : vector<16xf32> to vector<16xf32>
    tpu.vector_store %arg6[%swap3A_1068], %swap3A_1071 {strides = array<i32>} : memref<4096xf32, #tpu.memory_space<vmem>>, vector<16xf32>,
    %broadcast_in_dim3A_1072 = arith.constant 0.000000e+00 : f32
    %broadcast_in_dim3A_1073 = vector.broadcast %broadcast_in_dim3A_1072 : f32 to vector<16xf32>
    %swap3A_1074 = arith.constant 2720 : index
    %swap3A_1075 = tpu.vector_load %arg6[%swap3A_1074] {strides = array<i32>} : memref<4096xf32, #tpu.memory_space<vmem>>, vector<16xf32>,
    %swap3A_1076 = vector.shape_cast %swap3A_1075 : vector<16xf32> to vector<16xf32>
    %swap3A_1077 = vector.shape_cast %broadcast_in_dim3A_1073 : vector<16xf32> to vector<16xf32>
    tpu.vector_store %arg6[%swap3A_1074], %swap3A_1077 {strides = array<i32>} : memref<4096xf32, #tpu.memory_space<vmem>>, vector<16xf32>,
    %broadcast_in_dim3A_1078 = arith.constant 0.000000e+00 : f32
    %broadcast_in_dim3A_1079 = vector.broadcast %broadcast_in_dim3A_1078 : f32 to vector<16xf32>
    %swap3A_1080 = arith.constant 2736 : index
    %swap3A_1081 = tpu.vector_load %arg6[%swap3A_1080] {strides = array<i32>} : memref<4096xf32, #tpu.memory_space<vmem>>, vector<16xf32>,
    %swap3A_1082 = vector.shape_cast %swap3A_1081 : vector<16xf32> to vector<16xf32>
    %swap3A_1083 = vector.shape_cast %broadcast_in_dim3A_1079 : vector<16xf32> to vector<16xf32>
    tpu.vector_store %arg6[%swap3A_1080], %swap3A_1083 {strides = array<i32>} : memref<4096xf32, #tpu.memory_space<vmem>>, vector<16xf32>,
    %broadcast_in_dim3A_1084 = arith.constant 0.000000e+00 : f32
    %broadcast_in_dim3A_1085 = vector.broadcast %broadcast_in_dim3A_1084 : f32 to vector<16xf32>
    %swap3A_1086 = arith.constant 2752 : index
    %swap3A_1087 = tpu.vector_load %arg6[%swap3A_1086] {strides = array<i32>} : memref<4096xf32, #tpu.memory_space<vmem>>, vector<16xf32>,
    %swap3A_1088 = vector.shape_cast %swap3A_1087 : vector<16xf32> to vector<16xf32>
    %swap3A_1089 = vector.shape_cast %broadcast_in_dim3A_1085 : vector<16xf32> to vector<16xf32>
    tpu.vector_store %arg6[%swap3A_1086], %swap3A_1089 {strides = array<i32>} : memref<4096xf32, #tpu.memory_space<vmem>>, vector<16xf32>,
    %broadcast_in_dim3A_1090 = arith.constant 0.000000e+00 : f32
    %broadcast_in_dim3A_1091 = vector.broadcast %broadcast_in_dim3A_1090 : f32 to vector<16xf32>
    %swap3A_1092 = arith.constant 2768 : index
    %swap3A_1093 = tpu.vector_load %arg6[%swap3A_1092] {strides = array<i32>} : memref<4096xf32, #tpu.memory_space<vmem>>, vector<16xf32>,
    %swap3A_1094 = vector.shape_cast %swap3A_1093 : vector<16xf32> to vector<16xf32>
    %swap3A_1095 = vector.shape_cast %broadcast_in_dim3A_1091 : vector<16xf32> to vector<16xf32>
    tpu.vector_store %arg6[%swap3A_1092], %swap3A_1095 {strides = array<i32>} : memref<4096xf32, #tpu.memory_space<vmem>>, vector<16xf32>,
    %broadcast_in_dim3A_1096 = arith.constant 0.000000e+00 : f32
    %broadcast_in_dim3A_1097 = vector.broadcast %broadcast_in_dim3A_1096 : f32 to vector<16xf32>
    %swap3A_1098 = arith.constant 2784 : index
    %swap3A_1099 = tpu.vector_load %arg6[%swap3A_1098] {strides = array<i32>} : memref<4096xf32, #tpu.memory_space<vmem>>, vector<16xf32>,
    %swap3A_1100 = vector.shape_cast %swap3A_1099 : vector<16xf32> to vector<16xf32>
    %swap3A_1101 = vector.shape_cast %broadcast_in_dim3A_1097 : vector<16xf32> to vector<16xf32>
    tpu.vector_store %arg6[%swap3A_1098], %swap3A_1101 {strides = array<i32>} : memref<4096xf32, #tpu.memory_space<vmem>>, vector<16xf32>,
    %broadcast_in_dim3A_1102 = arith.constant 0.000000e+00 : f32
    %broadcast_in_dim3A_1103 = vector.broadcast %broadcast_in_dim3A_1102 : f32 to vector<16xf32>
    %swap3A_1104 = arith.constant 2800 : index
    %swap3A_1105 = tpu.vector_load %arg6[%swap3A_1104] {strides = array<i32>} : memref<4096xf32, #tpu.memory_space<vmem>>, vector<16xf32>,
    %swap3A_1106 = vector.shape_cast %swap3A_1105 : vector<16xf32> to vector<16xf32>
    %swap3A_1107 = vector.shape_cast %broadcast_in_dim3A_1103 : vector<16xf32> to vector<16xf32>
    tpu.vector_store %arg6[%swap3A_1104], %swap3A_1107 {strides = array<i32>} : memref<4096xf32, #tpu.memory_space<vmem>>, vector<16xf32>,
    %broadcast_in_dim3A_1108 = arith.constant 0.000000e+00 : f32
    %broadcast_in_dim3A_1109 = vector.broadcast %broadcast_in_dim3A_1108 : f32 to vector<16xf32>
    %swap3A_1110 = arith.constant 2816 : index
    %swap3A_1111 = tpu.vector_load %arg6[%swap3A_1110] {strides = array<i32>} : memref<4096xf32, #tpu.memory_space<vmem>>, vector<16xf32>,
    %swap3A_1112 = vector.shape_cast %swap3A_1111 : vector<16xf32> to vector<16xf32>
    %swap3A_1113 = vector.shape_cast %broadcast_in_dim3A_1109 : vector<16xf32> to vector<16xf32>
    tpu.vector_store %arg6[%swap3A_1110], %swap3A_1113 {strides = array<i32>} : memref<4096xf32, #tpu.memory_space<vmem>>, vector<16xf32>,
    %broadcast_in_dim3A_1114 = arith.constant 0.000000e+00 : f32
    %broadcast_in_dim3A_1115 = vector.broadcast %broadcast_in_dim3A_1114 : f32 to vector<16xf32>
    %swap3A_1116 = arith.constant 2832 : index
    %swap3A_1117 = tpu.vector_load %arg6[%swap3A_1116] {strides = array<i32>} : memref<4096xf32, #tpu.memory_space<vmem>>, vector<16xf32>,
    %swap3A_1118 = vector.shape_cast %swap3A_1117 : vector<16xf32> to vector<16xf32>
    %swap3A_1119 = vector.shape_cast %broadcast_in_dim3A_1115 : vector<16xf32> to vector<16xf32>
    tpu.vector_store %arg6[%swap3A_1116], %swap3A_1119 {strides = array<i32>} : memref<4096xf32, #tpu.memory_space<vmem>>, vector<16xf32>,
    %broadcast_in_dim3A_1120 = arith.constant 0.000000e+00 : f32
    %broadcast_in_dim3A_1121 = vector.broadcast %broadcast_in_dim3A_1120 : f32 to vector<16xf32>
    %swap3A_1122 = arith.constant 2848 : index
    %swap3A_1123 = tpu.vector_load %arg6[%swap3A_1122] {strides = array<i32>} : memref<4096xf32, #tpu.memory_space<vmem>>, vector<16xf32>,
    %swap3A_1124 = vector.shape_cast %swap3A_1123 : vector<16xf32> to vector<16xf32>
    %swap3A_1125 = vector.shape_cast %broadcast_in_dim3A_1121 : vector<16xf32> to vector<16xf32>
    tpu.vector_store %arg6[%swap3A_1122], %swap3A_1125 {strides = array<i32>} : memref<4096xf32, #tpu.memory_space<vmem>>, vector<16xf32>,
    %broadcast_in_dim3A_1126 = arith.constant 0.000000e+00 : f32
    %broadcast_in_dim3A_1127 = vector.broadcast %broadcast_in_dim3A_1126 : f32 to vector<16xf32>
    %swap3A_1128 = arith.constant 2864 : index
    %swap3A_1129 = tpu.vector_load %arg6[%swap3A_1128] {strides = array<i32>} : memref<4096xf32, #tpu.memory_space<vmem>>, vector<16xf32>,
    %swap3A_1130 = vector.shape_cast %swap3A_1129 : vector<16xf32> to vector<16xf32>
    %swap3A_1131 = vector.shape_cast %broadcast_in_dim3A_1127 : vector<16xf32> to vector<16xf32>
    tpu.vector_store %arg6[%swap3A_1128], %swap3A_1131 {strides = array<i32>} : memref<4096xf32, #tpu.memory_space<vmem>>, vector<16xf32>,
    %broadcast_in_dim3A_1132 = arith.constant 0.000000e+00 : f32
    %broadcast_in_dim3A_1133 = vector.broadcast %broadcast_in_dim3A_1132 : f32 to vector<16xf32>
    %swap3A_1134 = arith.constant 2880 : index
    %swap3A_1135 = tpu.vector_load %arg6[%swap3A_1134] {strides = array<i32>} : memref<4096xf32, #tpu.memory_space<vmem>>, vector<16xf32>,
    %swap3A_1136 = vector.shape_cast %swap3A_1135 : vector<16xf32> to vector<16xf32>
    %swap3A_1137 = vector.shape_cast %broadcast_in_dim3A_1133 : vector<16xf32> to vector<16xf32>
    tpu.vector_store %arg6[%swap3A_1134], %swap3A_1137 {strides = array<i32>} : memref<4096xf32, #tpu.memory_space<vmem>>, vector<16xf32>,
    %broadcast_in_dim3A_1138 = arith.constant 0.000000e+00 : f32
    %broadcast_in_dim3A_1139 = vector.broadcast %broadcast_in_dim3A_1138 : f32 to vector<16xf32>
    %swap3A_1140 = arith.constant 2896 : index
    %swap3A_1141 = tpu.vector_load %arg6[%swap3A_1140] {strides = array<i32>} : memref<4096xf32, #tpu.memory_space<vmem>>, vector<16xf32>,
    %swap3A_1142 = vector.shape_cast %swap3A_1141 : vector<16xf32> to vector<16xf32>
    %swap3A_1143 = vector.shape_cast %broadcast_in_dim3A_1139 : vector<16xf32> to vector<16xf32>
    tpu.vector_store %arg6[%swap3A_1140], %swap3A_1143 {strides = array<i32>} : memref<4096xf32, #tpu.memory_space<vmem>>, vector<16xf32>,
    %broadcast_in_dim3A_1144 = arith.constant 0.000000e+00 : f32
    %broadcast_in_dim3A_1145 = vector.broadcast %broadcast_in_dim3A_1144 : f32 to vector<16xf32>
    %swap3A_1146 = arith.constant 2912 : index
    %swap3A_1147 = tpu.vector_load %arg6[%swap3A_1146] {strides = array<i32>} : memref<4096xf32, #tpu.memory_space<vmem>>, vector<16xf32>,
    %swap3A_1148 = vector.shape_cast %swap3A_1147 : vector<16xf32> to vector<16xf32>
    %swap3A_1149 = vector.shape_cast %broadcast_in_dim3A_1145 : vector<16xf32> to vector<16xf32>
    tpu.vector_store %arg6[%swap3A_1146], %swap3A_1149 {strides = array<i32>} : memref<4096xf32, #tpu.memory_space<vmem>>, vector<16xf32>,
    %broadcast_in_dim3A_1150 = arith.constant 0.000000e+00 : f32
    %broadcast_in_dim3A_1151 = vector.broadcast %broadcast_in_dim3A_1150 : f32 to vector<16xf32>
    %swap3A_1152 = arith.constant 2928 : index
    %swap3A_1153 = tpu.vector_load %arg6[%swap3A_1152] {strides = array<i32>} : memref<4096xf32, #tpu.memory_space<vmem>>, vector<16xf32>,
    %swap3A_1154 = vector.shape_cast %swap3A_1153 : vector<16xf32> to vector<16xf32>
    %swap3A_1155 = vector.shape_cast %broadcast_in_dim3A_1151 : vector<16xf32> to vector<16xf32>
    tpu.vector_store %arg6[%swap3A_1152], %swap3A_1155 {strides = array<i32>} : memref<4096xf32, #tpu.memory_space<vmem>>, vector<16xf32>,
    %broadcast_in_dim3A_1156 = arith.constant 0.000000e+00 : f32
    %broadcast_in_dim3A_1157 = vector.broadcast %broadcast_in_dim3A_1156 : f32 to vector<16xf32>
    %swap3A_1158 = arith.constant 2944 : index
    %swap3A_1159 = tpu.vector_load %arg6[%swap3A_1158] {strides = array<i32>} : memref<4096xf32, #tpu.memory_space<vmem>>, vector<16xf32>,
    %swap3A_1160 = vector.shape_cast %swap3A_1159 : vector<16xf32> to vector<16xf32>
    %swap3A_1161 = vector.shape_cast %broadcast_in_dim3A_1157 : vector<16xf32> to vector<16xf32>
    tpu.vector_store %arg6[%swap3A_1158], %swap3A_1161 {strides = array<i32>} : memref<4096xf32, #tpu.memory_space<vmem>>, vector<16xf32>,
    %broadcast_in_dim3A_1162 = arith.constant 0.000000e+00 : f32
    %broadcast_in_dim3A_1163 = vector.broadcast %broadcast_in_dim3A_1162 : f32 to vector<16xf32>
    %swap3A_1164 = arith.constant 2960 : index
    %swap3A_1165 = tpu.vector_load %arg6[%swap3A_1164] {strides = array<i32>} : memref<4096xf32, #tpu.memory_space<vmem>>, vector<16xf32>,
    %swap3A_1166 = vector.shape_cast %swap3A_1165 : vector<16xf32> to vector<16xf32>
    %swap3A_1167 = vector.shape_cast %broadcast_in_dim3A_1163 : vector<16xf32> to vector<16xf32>
    tpu.vector_store %arg6[%swap3A_1164], %swap3A_1167 {strides = array<i32>} : memref<4096xf32, #tpu.memory_space<vmem>>, vector<16xf32>,
    %broadcast_in_dim3A_1168 = arith.constant 0.000000e+00 : f32
    %broadcast_in_dim3A_1169 = vector.broadcast %broadcast_in_dim3A_1168 : f32 to vector<16xf32>
    %swap3A_1170 = arith.constant 2976 : index
    %swap3A_1171 = tpu.vector_load %arg6[%swap3A_1170] {strides = array<i32>} : memref<4096xf32, #tpu.memory_space<vmem>>, vector<16xf32>,
    %swap3A_1172 = vector.shape_cast %swap3A_1171 : vector<16xf32> to vector<16xf32>
    %swap3A_1173 = vector.shape_cast %broadcast_in_dim3A_1169 : vector<16xf32> to vector<16xf32>
    tpu.vector_store %arg6[%swap3A_1170], %swap3A_1173 {strides = array<i32>} : memref<4096xf32, #tpu.memory_space<vmem>>, vector<16xf32>,
    %broadcast_in_dim3A_1174 = arith.constant 0.000000e+00 : f32
    %broadcast_in_dim3A_1175 = vector.broadcast %broadcast_in_dim3A_1174 : f32 to vector<16xf32>
    %swap3A_1176 = arith.constant 2992 : index
    %swap3A_1177 = tpu.vector_load %arg6[%swap3A_1176] {strides = array<i32>} : memref<4096xf32, #tpu.memory_space<vmem>>, vector<16xf32>,
    %swap3A_1178 = vector.shape_cast %swap3A_1177 : vector<16xf32> to vector<16xf32>
    %swap3A_1179 = vector.shape_cast %broadcast_in_dim3A_1175 : vector<16xf32> to vector<16xf32>
    tpu.vector_store %arg6[%swap3A_1176], %swap3A_1179 {strides = array<i32>} : memref<4096xf32, #tpu.memory_space<vmem>>, vector<16xf32>,
    %broadcast_in_dim3A_1180 = arith.constant 0.000000e+00 : f32
    %broadcast_in_dim3A_1181 = vector.broadcast %broadcast_in_dim3A_1180 : f32 to vector<16xf32>
    %swap3A_1182 = arith.constant 3008 : index
    %swap3A_1183 = tpu.vector_load %arg6[%swap3A_1182] {strides = array<i32>} : memref<4096xf32, #tpu.memory_space<vmem>>, vector<16xf32>,
    %swap3A_1184 = vector.shape_cast %swap3A_1183 : vector<16xf32> to vector<16xf32>
    %swap3A_1185 = vector.shape_cast %broadcast_in_dim3A_1181 : vector<16xf32> to vector<16xf32>
    tpu.vector_store %arg6[%swap3A_1182], %swap3A_1185 {strides = array<i32>} : memref<4096xf32, #tpu.memory_space<vmem>>, vector<16xf32>,
    %broadcast_in_dim3A_1186 = arith.constant 0.000000e+00 : f32
    %broadcast_in_dim3A_1187 = vector.broadcast %broadcast_in_dim3A_1186 : f32 to vector<16xf32>
    %swap3A_1188 = arith.constant 3024 : index
    %swap3A_1189 = tpu.vector_load %arg6[%swap3A_1188] {strides = array<i32>} : memref<4096xf32, #tpu.memory_space<vmem>>, vector<16xf32>,
    %swap3A_1190 = vector.shape_cast %swap3A_1189 : vector<16xf32> to vector<16xf32>
    %swap3A_1191 = vector.shape_cast %broadcast_in_dim3A_1187 : vector<16xf32> to vector<16xf32>
    tpu.vector_store %arg6[%swap3A_1188], %swap3A_1191 {strides = array<i32>} : memref<4096xf32, #tpu.memory_space<vmem>>, vector<16xf32>,
    %broadcast_in_dim3A_1192 = arith.constant 0.000000e+00 : f32
    %broadcast_in_dim3A_1193 = vector.broadcast %broadcast_in_dim3A_1192 : f32 to vector<16xf32>
    %swap3A_1194 = arith.constant 3040 : index
    %swap3A_1195 = tpu.vector_load %arg6[%swap3A_1194] {strides = array<i32>} : memref<4096xf32, #tpu.memory_space<vmem>>, vector<16xf32>,
    %swap3A_1196 = vector.shape_cast %swap3A_1195 : vector<16xf32> to vector<16xf32>
    %swap3A_1197 = vector.shape_cast %broadcast_in_dim3A_1193 : vector<16xf32> to vector<16xf32>
    tpu.vector_store %arg6[%swap3A_1194], %swap3A_1197 {strides = array<i32>} : memref<4096xf32, #tpu.memory_space<vmem>>, vector<16xf32>,
    %broadcast_in_dim3A_1198 = arith.constant 0.000000e+00 : f32
    %broadcast_in_dim3A_1199 = vector.broadcast %broadcast_in_dim3A_1198 : f32 to vector<16xf32>
    %swap3A_1200 = arith.constant 3056 : index
    %swap3A_1201 = tpu.vector_load %arg6[%swap3A_1200] {strides = array<i32>} : memref<4096xf32, #tpu.memory_space<vmem>>, vector<16xf32>,
    %swap3A_1202 = vector.shape_cast %swap3A_1201 : vector<16xf32> to vector<16xf32>
    %swap3A_1203 = vector.shape_cast %broadcast_in_dim3A_1199 : vector<16xf32> to vector<16xf32>
    tpu.vector_store %arg6[%swap3A_1200], %swap3A_1203 {strides = array<i32>} : memref<4096xf32, #tpu.memory_space<vmem>>, vector<16xf32>,
    %broadcast_in_dim3A_1204 = arith.constant 0.000000e+00 : f32
    %broadcast_in_dim3A_1205 = vector.broadcast %broadcast_in_dim3A_1204 : f32 to vector<16xf32>
    %swap3A_1206 = arith.constant 3072 : index
    %swap3A_1207 = tpu.vector_load %arg6[%swap3A_1206] {strides = array<i32>} : memref<4096xf32, #tpu.memory_space<vmem>>, vector<16xf32>,
    %swap3A_1208 = vector.shape_cast %swap3A_1207 : vector<16xf32> to vector<16xf32>
    %swap3A_1209 = vector.shape_cast %broadcast_in_dim3A_1205 : vector<16xf32> to vector<16xf32>
    tpu.vector_store %arg6[%swap3A_1206], %swap3A_1209 {strides = array<i32>} : memref<4096xf32, #tpu.memory_space<vmem>>, vector<16xf32>,
    %broadcast_in_dim3A_1210 = arith.constant 0.000000e+00 : f32
    %broadcast_in_dim3A_1211 = vector.broadcast %broadcast_in_dim3A_1210 : f32 to vector<16xf32>
    %swap3A_1212 = arith.constant 3088 : index
    %swap3A_1213 = tpu.vector_load %arg6[%swap3A_1212] {strides = array<i32>} : memref<4096xf32, #tpu.memory_space<vmem>>, vector<16xf32>,
    %swap3A_1214 = vector.shape_cast %swap3A_1213 : vector<16xf32> to vector<16xf32>
    %swap3A_1215 = vector.shape_cast %broadcast_in_dim3A_1211 : vector<16xf32> to vector<16xf32>
    tpu.vector_store %arg6[%swap3A_1212], %swap3A_1215 {strides = array<i32>} : memref<4096xf32, #tpu.memory_space<vmem>>, vector<16xf32>,
    %broadcast_in_dim3A_1216 = arith.constant 0.000000e+00 : f32
    %broadcast_in_dim3A_1217 = vector.broadcast %broadcast_in_dim3A_1216 : f32 to vector<16xf32>
    %swap3A_1218 = arith.constant 3104 : index
    %swap3A_1219 = tpu.vector_load %arg6[%swap3A_1218] {strides = array<i32>} : memref<4096xf32, #tpu.memory_space<vmem>>, vector<16xf32>,
    %swap3A_1220 = vector.shape_cast %swap3A_1219 : vector<16xf32> to vector<16xf32>
    %swap3A_1221 = vector.shape_cast %broadcast_in_dim3A_1217 : vector<16xf32> to vector<16xf32>
    tpu.vector_store %arg6[%swap3A_1218], %swap3A_1221 {strides = array<i32>} : memref<4096xf32, #tpu.memory_space<vmem>>, vector<16xf32>,
    %broadcast_in_dim3A_1222 = arith.constant 0.000000e+00 : f32
    %broadcast_in_dim3A_1223 = vector.broadcast %broadcast_in_dim3A_1222 : f32 to vector<16xf32>
    %swap3A_1224 = arith.constant 3120 : index
    %swap3A_1225 = tpu.vector_load %arg6[%swap3A_1224] {strides = array<i32>} : memref<4096xf32, #tpu.memory_space<vmem>>, vector<16xf32>,
    %swap3A_1226 = vector.shape_cast %swap3A_1225 : vector<16xf32> to vector<16xf32>
    %swap3A_1227 = vector.shape_cast %broadcast_in_dim3A_1223 : vector<16xf32> to vector<16xf32>
    tpu.vector_store %arg6[%swap3A_1224], %swap3A_1227 {strides = array<i32>} : memref<4096xf32, #tpu.memory_space<vmem>>, vector<16xf32>,
    %broadcast_in_dim3A_1228 = arith.constant 0.000000e+00 : f32
    %broadcast_in_dim3A_1229 = vector.broadcast %broadcast_in_dim3A_1228 : f32 to vector<16xf32>
    %swap3A_1230 = arith.constant 3136 : index
    %swap3A_1231 = tpu.vector_load %arg6[%swap3A_1230] {strides = array<i32>} : memref<4096xf32, #tpu.memory_space<vmem>>, vector<16xf32>,
    %swap3A_1232 = vector.shape_cast %swap3A_1231 : vector<16xf32> to vector<16xf32>
    %swap3A_1233 = vector.shape_cast %broadcast_in_dim3A_1229 : vector<16xf32> to vector<16xf32>
    tpu.vector_store %arg6[%swap3A_1230], %swap3A_1233 {strides = array<i32>} : memref<4096xf32, #tpu.memory_space<vmem>>, vector<16xf32>,
    %broadcast_in_dim3A_1234 = arith.constant 0.000000e+00 : f32
    %broadcast_in_dim3A_1235 = vector.broadcast %broadcast_in_dim3A_1234 : f32 to vector<16xf32>
    %swap3A_1236 = arith.constant 3152 : index
    %swap3A_1237 = tpu.vector_load %arg6[%swap3A_1236] {strides = array<i32>} : memref<4096xf32, #tpu.memory_space<vmem>>, vector<16xf32>,
    %swap3A_1238 = vector.shape_cast %swap3A_1237 : vector<16xf32> to vector<16xf32>
    %swap3A_1239 = vector.shape_cast %broadcast_in_dim3A_1235 : vector<16xf32> to vector<16xf32>
    tpu.vector_store %arg6[%swap3A_1236], %swap3A_1239 {strides = array<i32>} : memref<4096xf32, #tpu.memory_space<vmem>>, vector<16xf32>,
    %broadcast_in_dim3A_1240 = arith.constant 0.000000e+00 : f32
    %broadcast_in_dim3A_1241 = vector.broadcast %broadcast_in_dim3A_1240 : f32 to vector<16xf32>
    %swap3A_1242 = arith.constant 3168 : index
    %swap3A_1243 = tpu.vector_load %arg6[%swap3A_1242] {strides = array<i32>} : memref<4096xf32, #tpu.memory_space<vmem>>, vector<16xf32>,
    %swap3A_1244 = vector.shape_cast %swap3A_1243 : vector<16xf32> to vector<16xf32>
    %swap3A_1245 = vector.shape_cast %broadcast_in_dim3A_1241 : vector<16xf32> to vector<16xf32>
    tpu.vector_store %arg6[%swap3A_1242], %swap3A_1245 {strides = array<i32>} : memref<4096xf32, #tpu.memory_space<vmem>>, vector<16xf32>,
    %broadcast_in_dim3A_1246 = arith.constant 0.000000e+00 : f32
    %broadcast_in_dim3A_1247 = vector.broadcast %broadcast_in_dim3A_1246 : f32 to vector<16xf32>
    %swap3A_1248 = arith.constant 3184 : index
    %swap3A_1249 = tpu.vector_load %arg6[%swap3A_1248] {strides = array<i32>} : memref<4096xf32, #tpu.memory_space<vmem>>, vector<16xf32>,
    %swap3A_1250 = vector.shape_cast %swap3A_1249 : vector<16xf32> to vector<16xf32>
    %swap3A_1251 = vector.shape_cast %broadcast_in_dim3A_1247 : vector<16xf32> to vector<16xf32>
    tpu.vector_store %arg6[%swap3A_1248], %swap3A_1251 {strides = array<i32>} : memref<4096xf32, #tpu.memory_space<vmem>>, vector<16xf32>,
    %broadcast_in_dim3A_1252 = arith.constant 0.000000e+00 : f32
    %broadcast_in_dim3A_1253 = vector.broadcast %broadcast_in_dim3A_1252 : f32 to vector<16xf32>
    %swap3A_1254 = arith.constant 3200 : index
    %swap3A_1255 = tpu.vector_load %arg6[%swap3A_1254] {strides = array<i32>} : memref<4096xf32, #tpu.memory_space<vmem>>, vector<16xf32>,
    %swap3A_1256 = vector.shape_cast %swap3A_1255 : vector<16xf32> to vector<16xf32>
    %swap3A_1257 = vector.shape_cast %broadcast_in_dim3A_1253 : vector<16xf32> to vector<16xf32>
    tpu.vector_store %arg6[%swap3A_1254], %swap3A_1257 {strides = array<i32>} : memref<4096xf32, #tpu.memory_space<vmem>>, vector<16xf32>,
    %broadcast_in_dim3A_1258 = arith.constant 0.000000e+00 : f32
    %broadcast_in_dim3A_1259 = vector.broadcast %broadcast_in_dim3A_1258 : f32 to vector<16xf32>
    %swap3A_1260 = arith.constant 3216 : index
    %swap3A_1261 = tpu.vector_load %arg6[%swap3A_1260] {strides = array<i32>} : memref<4096xf32, #tpu.memory_space<vmem>>, vector<16xf32>,
    %swap3A_1262 = vector.shape_cast %swap3A_1261 : vector<16xf32> to vector<16xf32>
    %swap3A_1263 = vector.shape_cast %broadcast_in_dim3A_1259 : vector<16xf32> to vector<16xf32>
    tpu.vector_store %arg6[%swap3A_1260], %swap3A_1263 {strides = array<i32>} : memref<4096xf32, #tpu.memory_space<vmem>>, vector<16xf32>,
    %broadcast_in_dim3A_1264 = arith.constant 0.000000e+00 : f32
    %broadcast_in_dim3A_1265 = vector.broadcast %broadcast_in_dim3A_1264 : f32 to vector<16xf32>
    %swap3A_1266 = arith.constant 3232 : index
    %swap3A_1267 = tpu.vector_load %arg6[%swap3A_1266] {strides = array<i32>} : memref<4096xf32, #tpu.memory_space<vmem>>, vector<16xf32>,
    %swap3A_1268 = vector.shape_cast %swap3A_1267 : vector<16xf32> to vector<16xf32>
    %swap3A_1269 = vector.shape_cast %broadcast_in_dim3A_1265 : vector<16xf32> to vector<16xf32>
    tpu.vector_store %arg6[%swap3A_1266], %swap3A_1269 {strides = array<i32>} : memref<4096xf32, #tpu.memory_space<vmem>>, vector<16xf32>,
    %broadcast_in_dim3A_1270 = arith.constant 0.000000e+00 : f32
    %broadcast_in_dim3A_1271 = vector.broadcast %broadcast_in_dim3A_1270 : f32 to vector<16xf32>
    %swap3A_1272 = arith.constant 3248 : index
    %swap3A_1273 = tpu.vector_load %arg6[%swap3A_1272] {strides = array<i32>} : memref<4096xf32, #tpu.memory_space<vmem>>, vector<16xf32>,
    %swap3A_1274 = vector.shape_cast %swap3A_1273 : vector<16xf32> to vector<16xf32>
    %swap3A_1275 = vector.shape_cast %broadcast_in_dim3A_1271 : vector<16xf32> to vector<16xf32>
    tpu.vector_store %arg6[%swap3A_1272], %swap3A_1275 {strides = array<i32>} : memref<4096xf32, #tpu.memory_space<vmem>>, vector<16xf32>,
    %broadcast_in_dim3A_1276 = arith.constant 0.000000e+00 : f32
    %broadcast_in_dim3A_1277 = vector.broadcast %broadcast_in_dim3A_1276 : f32 to vector<16xf32>
    %swap3A_1278 = arith.constant 3264 : index
    %swap3A_1279 = tpu.vector_load %arg6[%swap3A_1278] {strides = array<i32>} : memref<4096xf32, #tpu.memory_space<vmem>>, vector<16xf32>,
    %swap3A_1280 = vector.shape_cast %swap3A_1279 : vector<16xf32> to vector<16xf32>
    %swap3A_1281 = vector.shape_cast %broadcast_in_dim3A_1277 : vector<16xf32> to vector<16xf32>
    tpu.vector_store %arg6[%swap3A_1278], %swap3A_1281 {strides = array<i32>} : memref<4096xf32, #tpu.memory_space<vmem>>, vector<16xf32>,
    %broadcast_in_dim3A_1282 = arith.constant 0.000000e+00 : f32
    %broadcast_in_dim3A_1283 = vector.broadcast %broadcast_in_dim3A_1282 : f32 to vector<16xf32>
    %swap3A_1284 = arith.constant 3280 : index
    %swap3A_1285 = tpu.vector_load %arg6[%swap3A_1284] {strides = array<i32>} : memref<4096xf32, #tpu.memory_space<vmem>>, vector<16xf32>,
    %swap3A_1286 = vector.shape_cast %swap3A_1285 : vector<16xf32> to vector<16xf32>
    %swap3A_1287 = vector.shape_cast %broadcast_in_dim3A_1283 : vector<16xf32> to vector<16xf32>
    tpu.vector_store %arg6[%swap3A_1284], %swap3A_1287 {strides = array<i32>} : memref<4096xf32, #tpu.memory_space<vmem>>, vector<16xf32>,
    %broadcast_in_dim3A_1288 = arith.constant 0.000000e+00 : f32
    %broadcast_in_dim3A_1289 = vector.broadcast %broadcast_in_dim3A_1288 : f32 to vector<16xf32>
    %swap3A_1290 = arith.constant 3296 : index
    %swap3A_1291 = tpu.vector_load %arg6[%swap3A_1290] {strides = array<i32>} : memref<4096xf32, #tpu.memory_space<vmem>>, vector<16xf32>,
    %swap3A_1292 = vector.shape_cast %swap3A_1291 : vector<16xf32> to vector<16xf32>
    %swap3A_1293 = vector.shape_cast %broadcast_in_dim3A_1289 : vector<16xf32> to vector<16xf32>
    tpu.vector_store %arg6[%swap3A_1290], %swap3A_1293 {strides = array<i32>} : memref<4096xf32, #tpu.memory_space<vmem>>, vector<16xf32>,
    %broadcast_in_dim3A_1294 = arith.constant 0.000000e+00 : f32
    %broadcast_in_dim3A_1295 = vector.broadcast %broadcast_in_dim3A_1294 : f32 to vector<16xf32>
    %swap3A_1296 = arith.constant 3312 : index
    %swap3A_1297 = tpu.vector_load %arg6[%swap3A_1296] {strides = array<i32>} : memref<4096xf32, #tpu.memory_space<vmem>>, vector<16xf32>,
    %swap3A_1298 = vector.shape_cast %swap3A_1297 : vector<16xf32> to vector<16xf32>
    %swap3A_1299 = vector.shape_cast %broadcast_in_dim3A_1295 : vector<16xf32> to vector<16xf32>
    tpu.vector_store %arg6[%swap3A_1296], %swap3A_1299 {strides = array<i32>} : memref<4096xf32, #tpu.memory_space<vmem>>, vector<16xf32>,
    %broadcast_in_dim3A_1300 = arith.constant 0.000000e+00 : f32
    %broadcast_in_dim3A_1301 = vector.broadcast %broadcast_in_dim3A_1300 : f32 to vector<16xf32>
    %swap3A_1302 = arith.constant 3328 : index
    %swap3A_1303 = tpu.vector_load %arg6[%swap3A_1302] {strides = array<i32>} : memref<4096xf32, #tpu.memory_space<vmem>>, vector<16xf32>,
    %swap3A_1304 = vector.shape_cast %swap3A_1303 : vector<16xf32> to vector<16xf32>
    %swap3A_1305 = vector.shape_cast %broadcast_in_dim3A_1301 : vector<16xf32> to vector<16xf32>
    tpu.vector_store %arg6[%swap3A_1302], %swap3A_1305 {strides = array<i32>} : memref<4096xf32, #tpu.memory_space<vmem>>, vector<16xf32>,
    %broadcast_in_dim3A_1306 = arith.constant 0.000000e+00 : f32
    %broadcast_in_dim3A_1307 = vector.broadcast %broadcast_in_dim3A_1306 : f32 to vector<16xf32>
    %swap3A_1308 = arith.constant 3344 : index
    %swap3A_1309 = tpu.vector_load %arg6[%swap3A_1308] {strides = array<i32>} : memref<4096xf32, #tpu.memory_space<vmem>>, vector<16xf32>,
    %swap3A_1310 = vector.shape_cast %swap3A_1309 : vector<16xf32> to vector<16xf32>
    %swap3A_1311 = vector.shape_cast %broadcast_in_dim3A_1307 : vector<16xf32> to vector<16xf32>
    tpu.vector_store %arg6[%swap3A_1308], %swap3A_1311 {strides = array<i32>} : memref<4096xf32, #tpu.memory_space<vmem>>, vector<16xf32>,
    %broadcast_in_dim3A_1312 = arith.constant 0.000000e+00 : f32
    %broadcast_in_dim3A_1313 = vector.broadcast %broadcast_in_dim3A_1312 : f32 to vector<16xf32>
    %swap3A_1314 = arith.constant 3360 : index
    %swap3A_1315 = tpu.vector_load %arg6[%swap3A_1314] {strides = array<i32>} : memref<4096xf32, #tpu.memory_space<vmem>>, vector<16xf32>,
    %swap3A_1316 = vector.shape_cast %swap3A_1315 : vector<16xf32> to vector<16xf32>
    %swap3A_1317 = vector.shape_cast %broadcast_in_dim3A_1313 : vector<16xf32> to vector<16xf32>
    tpu.vector_store %arg6[%swap3A_1314], %swap3A_1317 {strides = array<i32>} : memref<4096xf32, #tpu.memory_space<vmem>>, vector<16xf32>,
    %broadcast_in_dim3A_1318 = arith.constant 0.000000e+00 : f32
    %broadcast_in_dim3A_1319 = vector.broadcast %broadcast_in_dim3A_1318 : f32 to vector<16xf32>
    %swap3A_1320 = arith.constant 3376 : index
    %swap3A_1321 = tpu.vector_load %arg6[%swap3A_1320] {strides = array<i32>} : memref<4096xf32, #tpu.memory_space<vmem>>, vector<16xf32>,
    %swap3A_1322 = vector.shape_cast %swap3A_1321 : vector<16xf32> to vector<16xf32>
    %swap3A_1323 = vector.shape_cast %broadcast_in_dim3A_1319 : vector<16xf32> to vector<16xf32>
    tpu.vector_store %arg6[%swap3A_1320], %swap3A_1323 {strides = array<i32>} : memref<4096xf32, #tpu.memory_space<vmem>>, vector<16xf32>,
    %broadcast_in_dim3A_1324 = arith.constant 0.000000e+00 : f32
    %broadcast_in_dim3A_1325 = vector.broadcast %broadcast_in_dim3A_1324 : f32 to vector<16xf32>
    %swap3A_1326 = arith.constant 3392 : index
    %swap3A_1327 = tpu.vector_load %arg6[%swap3A_1326] {strides = array<i32>} : memref<4096xf32, #tpu.memory_space<vmem>>, vector<16xf32>,
    %swap3A_1328 = vector.shape_cast %swap3A_1327 : vector<16xf32> to vector<16xf32>
    %swap3A_1329 = vector.shape_cast %broadcast_in_dim3A_1325 : vector<16xf32> to vector<16xf32>
    tpu.vector_store %arg6[%swap3A_1326], %swap3A_1329 {strides = array<i32>} : memref<4096xf32, #tpu.memory_space<vmem>>, vector<16xf32>,
    %broadcast_in_dim3A_1330 = arith.constant 0.000000e+00 : f32
    %broadcast_in_dim3A_1331 = vector.broadcast %broadcast_in_dim3A_1330 : f32 to vector<16xf32>
    %swap3A_1332 = arith.constant 3408 : index
    %swap3A_1333 = tpu.vector_load %arg6[%swap3A_1332] {strides = array<i32>} : memref<4096xf32, #tpu.memory_space<vmem>>, vector<16xf32>,
    %swap3A_1334 = vector.shape_cast %swap3A_1333 : vector<16xf32> to vector<16xf32>
    %swap3A_1335 = vector.shape_cast %broadcast_in_dim3A_1331 : vector<16xf32> to vector<16xf32>
    tpu.vector_store %arg6[%swap3A_1332], %swap3A_1335 {strides = array<i32>} : memref<4096xf32, #tpu.memory_space<vmem>>, vector<16xf32>,
    %broadcast_in_dim3A_1336 = arith.constant 0.000000e+00 : f32
    %broadcast_in_dim3A_1337 = vector.broadcast %broadcast_in_dim3A_1336 : f32 to vector<16xf32>
    %swap3A_1338 = arith.constant 3424 : index
    %swap3A_1339 = tpu.vector_load %arg6[%swap3A_1338] {strides = array<i32>} : memref<4096xf32, #tpu.memory_space<vmem>>, vector<16xf32>,
    %swap3A_1340 = vector.shape_cast %swap3A_1339 : vector<16xf32> to vector<16xf32>
    %swap3A_1341 = vector.shape_cast %broadcast_in_dim3A_1337 : vector<16xf32> to vector<16xf32>
    tpu.vector_store %arg6[%swap3A_1338], %swap3A_1341 {strides = array<i32>} : memref<4096xf32, #tpu.memory_space<vmem>>, vector<16xf32>,
    %broadcast_in_dim3A_1342 = arith.constant 0.000000e+00 : f32
    %broadcast_in_dim3A_1343 = vector.broadcast %broadcast_in_dim3A_1342 : f32 to vector<16xf32>
    %swap3A_1344 = arith.constant 3440 : index
    %swap3A_1345 = tpu.vector_load %arg6[%swap3A_1344] {strides = array<i32>} : memref<4096xf32, #tpu.memory_space<vmem>>, vector<16xf32>,
    %swap3A_1346 = vector.shape_cast %swap3A_1345 : vector<16xf32> to vector<16xf32>
    %swap3A_1347 = vector.shape_cast %broadcast_in_dim3A_1343 : vector<16xf32> to vector<16xf32>
    tpu.vector_store %arg6[%swap3A_1344], %swap3A_1347 {strides = array<i32>} : memref<4096xf32, #tpu.memory_space<vmem>>, vector<16xf32>,
    %broadcast_in_dim3A_1348 = arith.constant 0.000000e+00 : f32
    %broadcast_in_dim3A_1349 = vector.broadcast %broadcast_in_dim3A_1348 : f32 to vector<16xf32>
    %swap3A_1350 = arith.constant 3456 : index
    %swap3A_1351 = tpu.vector_load %arg6[%swap3A_1350] {strides = array<i32>} : memref<4096xf32, #tpu.memory_space<vmem>>, vector<16xf32>,
    %swap3A_1352 = vector.shape_cast %swap3A_1351 : vector<16xf32> to vector<16xf32>
    %swap3A_1353 = vector.shape_cast %broadcast_in_dim3A_1349 : vector<16xf32> to vector<16xf32>
    tpu.vector_store %arg6[%swap3A_1350], %swap3A_1353 {strides = array<i32>} : memref<4096xf32, #tpu.memory_space<vmem>>, vector<16xf32>,
    %broadcast_in_dim3A_1354 = arith.constant 0.000000e+00 : f32
    %broadcast_in_dim3A_1355 = vector.broadcast %broadcast_in_dim3A_1354 : f32 to vector<16xf32>
    %swap3A_1356 = arith.constant 3472 : index
    %swap3A_1357 = tpu.vector_load %arg6[%swap3A_1356] {strides = array<i32>} : memref<4096xf32, #tpu.memory_space<vmem>>, vector<16xf32>,
    %swap3A_1358 = vector.shape_cast %swap3A_1357 : vector<16xf32> to vector<16xf32>
    %swap3A_1359 = vector.shape_cast %broadcast_in_dim3A_1355 : vector<16xf32> to vector<16xf32>
    tpu.vector_store %arg6[%swap3A_1356], %swap3A_1359 {strides = array<i32>} : memref<4096xf32, #tpu.memory_space<vmem>>, vector<16xf32>,
    %broadcast_in_dim3A_1360 = arith.constant 0.000000e+00 : f32
    %broadcast_in_dim3A_1361 = vector.broadcast %broadcast_in_dim3A_1360 : f32 to vector<16xf32>
    %swap3A_1362 = arith.constant 3488 : index
    %swap3A_1363 = tpu.vector_load %arg6[%swap3A_1362] {strides = array<i32>} : memref<4096xf32, #tpu.memory_space<vmem>>, vector<16xf32>,
    %swap3A_1364 = vector.shape_cast %swap3A_1363 : vector<16xf32> to vector<16xf32>
    %swap3A_1365 = vector.shape_cast %broadcast_in_dim3A_1361 : vector<16xf32> to vector<16xf32>
    tpu.vector_store %arg6[%swap3A_1362], %swap3A_1365 {strides = array<i32>} : memref<4096xf32, #tpu.memory_space<vmem>>, vector<16xf32>,
    %broadcast_in_dim3A_1366 = arith.constant 0.000000e+00 : f32
    %broadcast_in_dim3A_1367 = vector.broadcast %broadcast_in_dim3A_1366 : f32 to vector<16xf32>
    %swap3A_1368 = arith.constant 3504 : index
    %swap3A_1369 = tpu.vector_load %arg6[%swap3A_1368] {strides = array<i32>} : memref<4096xf32, #tpu.memory_space<vmem>>, vector<16xf32>,
    %swap3A_1370 = vector.shape_cast %swap3A_1369 : vector<16xf32> to vector<16xf32>
    %swap3A_1371 = vector.shape_cast %broadcast_in_dim3A_1367 : vector<16xf32> to vector<16xf32>
    tpu.vector_store %arg6[%swap3A_1368], %swap3A_1371 {strides = array<i32>} : memref<4096xf32, #tpu.memory_space<vmem>>, vector<16xf32>,
    %broadcast_in_dim3A_1372 = arith.constant 0.000000e+00 : f32
    %broadcast_in_dim3A_1373 = vector.broadcast %broadcast_in_dim3A_1372 : f32 to vector<16xf32>
    %swap3A_1374 = arith.constant 3520 : index
    %swap3A_1375 = tpu.vector_load %arg6[%swap3A_1374] {strides = array<i32>} : memref<4096xf32, #tpu.memory_space<vmem>>, vector<16xf32>,
    %swap3A_1376 = vector.shape_cast %swap3A_1375 : vector<16xf32> to vector<16xf32>
    %swap3A_1377 = vector.shape_cast %broadcast_in_dim3A_1373 : vector<16xf32> to vector<16xf32>
    tpu.vector_store %arg6[%swap3A_1374], %swap3A_1377 {strides = array<i32>} : memref<4096xf32, #tpu.memory_space<vmem>>, vector<16xf32>,
    %broadcast_in_dim3A_1378 = arith.constant 0.000000e+00 : f32
    %broadcast_in_dim3A_1379 = vector.broadcast %broadcast_in_dim3A_1378 : f32 to vector<16xf32>
    %swap3A_1380 = arith.constant 3536 : index
    %swap3A_1381 = tpu.vector_load %arg6[%swap3A_1380] {strides = array<i32>} : memref<4096xf32, #tpu.memory_space<vmem>>, vector<16xf32>,
    %swap3A_1382 = vector.shape_cast %swap3A_1381 : vector<16xf32> to vector<16xf32>
    %swap3A_1383 = vector.shape_cast %broadcast_in_dim3A_1379 : vector<16xf32> to vector<16xf32>
    tpu.vector_store %arg6[%swap3A_1380], %swap3A_1383 {strides = array<i32>} : memref<4096xf32, #tpu.memory_space<vmem>>, vector<16xf32>,
    %broadcast_in_dim3A_1384 = arith.constant 0.000000e+00 : f32
    %broadcast_in_dim3A_1385 = vector.broadcast %broadcast_in_dim3A_1384 : f32 to vector<16xf32>
    %swap3A_1386 = arith.constant 3552 : index
    %swap3A_1387 = tpu.vector_load %arg6[%swap3A_1386] {strides = array<i32>} : memref<4096xf32, #tpu.memory_space<vmem>>, vector<16xf32>,
    %swap3A_1388 = vector.shape_cast %swap3A_1387 : vector<16xf32> to vector<16xf32>
    %swap3A_1389 = vector.shape_cast %broadcast_in_dim3A_1385 : vector<16xf32> to vector<16xf32>
    tpu.vector_store %arg6[%swap3A_1386], %swap3A_1389 {strides = array<i32>} : memref<4096xf32, #tpu.memory_space<vmem>>, vector<16xf32>,
    %broadcast_in_dim3A_1390 = arith.constant 0.000000e+00 : f32
    %broadcast_in_dim3A_1391 = vector.broadcast %broadcast_in_dim3A_1390 : f32 to vector<16xf32>
    %swap3A_1392 = arith.constant 3568 : index
    %swap3A_1393 = tpu.vector_load %arg6[%swap3A_1392] {strides = array<i32>} : memref<4096xf32, #tpu.memory_space<vmem>>, vector<16xf32>,
    %swap3A_1394 = vector.shape_cast %swap3A_1393 : vector<16xf32> to vector<16xf32>
    %swap3A_1395 = vector.shape_cast %broadcast_in_dim3A_1391 : vector<16xf32> to vector<16xf32>
    tpu.vector_store %arg6[%swap3A_1392], %swap3A_1395 {strides = array<i32>} : memref<4096xf32, #tpu.memory_space<vmem>>, vector<16xf32>,
    %broadcast_in_dim3A_1396 = arith.constant 0.000000e+00 : f32
    %broadcast_in_dim3A_1397 = vector.broadcast %broadcast_in_dim3A_1396 : f32 to vector<16xf32>
    %swap3A_1398 = arith.constant 3584 : index
    %swap3A_1399 = tpu.vector_load %arg6[%swap3A_1398] {strides = array<i32>} : memref<4096xf32, #tpu.memory_space<vmem>>, vector<16xf32>,
    %swap3A_1400 = vector.shape_cast %swap3A_1399 : vector<16xf32> to vector<16xf32>
    %swap3A_1401 = vector.shape_cast %broadcast_in_dim3A_1397 : vector<16xf32> to vector<16xf32>
    tpu.vector_store %arg6[%swap3A_1398], %swap3A_1401 {strides = array<i32>} : memref<4096xf32, #tpu.memory_space<vmem>>, vector<16xf32>,
    %broadcast_in_dim3A_1402 = arith.constant 0.000000e+00 : f32
    %broadcast_in_dim3A_1403 = vector.broadcast %broadcast_in_dim3A_1402 : f32 to vector<16xf32>
    %swap3A_1404 = arith.constant 3600 : index
    %swap3A_1405 = tpu.vector_load %arg6[%swap3A_1404] {strides = array<i32>} : memref<4096xf32, #tpu.memory_space<vmem>>, vector<16xf32>,
    %swap3A_1406 = vector.shape_cast %swap3A_1405 : vector<16xf32> to vector<16xf32>
    %swap3A_1407 = vector.shape_cast %broadcast_in_dim3A_1403 : vector<16xf32> to vector<16xf32>
    tpu.vector_store %arg6[%swap3A_1404], %swap3A_1407 {strides = array<i32>} : memref<4096xf32, #tpu.memory_space<vmem>>, vector<16xf32>,
    %broadcast_in_dim3A_1408 = arith.constant 0.000000e+00 : f32
    %broadcast_in_dim3A_1409 = vector.broadcast %broadcast_in_dim3A_1408 : f32 to vector<16xf32>
    %swap3A_1410 = arith.constant 3616 : index
    %swap3A_1411 = tpu.vector_load %arg6[%swap3A_1410] {strides = array<i32>} : memref<4096xf32, #tpu.memory_space<vmem>>, vector<16xf32>,
    %swap3A_1412 = vector.shape_cast %swap3A_1411 : vector<16xf32> to vector<16xf32>
    %swap3A_1413 = vector.shape_cast %broadcast_in_dim3A_1409 : vector<16xf32> to vector<16xf32>
    tpu.vector_store %arg6[%swap3A_1410], %swap3A_1413 {strides = array<i32>} : memref<4096xf32, #tpu.memory_space<vmem>>, vector<16xf32>,
    %broadcast_in_dim3A_1414 = arith.constant 0.000000e+00 : f32
    %broadcast_in_dim3A_1415 = vector.broadcast %broadcast_in_dim3A_1414 : f32 to vector<16xf32>
    %swap3A_1416 = arith.constant 3632 : index
    %swap3A_1417 = tpu.vector_load %arg6[%swap3A_1416] {strides = array<i32>} : memref<4096xf32, #tpu.memory_space<vmem>>, vector<16xf32>,
    %swap3A_1418 = vector.shape_cast %swap3A_1417 : vector<16xf32> to vector<16xf32>
    %swap3A_1419 = vector.shape_cast %broadcast_in_dim3A_1415 : vector<16xf32> to vector<16xf32>
    tpu.vector_store %arg6[%swap3A_1416], %swap3A_1419 {strides = array<i32>} : memref<4096xf32, #tpu.memory_space<vmem>>, vector<16xf32>,
    %broadcast_in_dim3A_1420 = arith.constant 0.000000e+00 : f32
    %broadcast_in_dim3A_1421 = vector.broadcast %broadcast_in_dim3A_1420 : f32 to vector<16xf32>
    %swap3A_1422 = arith.constant 3648 : index
    %swap3A_1423 = tpu.vector_load %arg6[%swap3A_1422] {strides = array<i32>} : memref<4096xf32, #tpu.memory_space<vmem>>, vector<16xf32>,
    %swap3A_1424 = vector.shape_cast %swap3A_1423 : vector<16xf32> to vector<16xf32>
    %swap3A_1425 = vector.shape_cast %broadcast_in_dim3A_1421 : vector<16xf32> to vector<16xf32>
    tpu.vector_store %arg6[%swap3A_1422], %swap3A_1425 {strides = array<i32>} : memref<4096xf32, #tpu.memory_space<vmem>>, vector<16xf32>,
    %broadcast_in_dim3A_1426 = arith.constant 0.000000e+00 : f32
    %broadcast_in_dim3A_1427 = vector.broadcast %broadcast_in_dim3A_1426 : f32 to vector<16xf32>
    %swap3A_1428 = arith.constant 3664 : index
    %swap3A_1429 = tpu.vector_load %arg6[%swap3A_1428] {strides = array<i32>} : memref<4096xf32, #tpu.memory_space<vmem>>, vector<16xf32>,
    %swap3A_1430 = vector.shape_cast %swap3A_1429 : vector<16xf32> to vector<16xf32>
    %swap3A_1431 = vector.shape_cast %broadcast_in_dim3A_1427 : vector<16xf32> to vector<16xf32>
    tpu.vector_store %arg6[%swap3A_1428], %swap3A_1431 {strides = array<i32>} : memref<4096xf32, #tpu.memory_space<vmem>>, vector<16xf32>,
    %broadcast_in_dim3A_1432 = arith.constant 0.000000e+00 : f32
    %broadcast_in_dim3A_1433 = vector.broadcast %broadcast_in_dim3A_1432 : f32 to vector<16xf32>
    %swap3A_1434 = arith.constant 3680 : index
    %swap3A_1435 = tpu.vector_load %arg6[%swap3A_1434] {strides = array<i32>} : memref<4096xf32, #tpu.memory_space<vmem>>, vector<16xf32>,
    %swap3A_1436 = vector.shape_cast %swap3A_1435 : vector<16xf32> to vector<16xf32>
    %swap3A_1437 = vector.shape_cast %broadcast_in_dim3A_1433 : vector<16xf32> to vector<16xf32>
    tpu.vector_store %arg6[%swap3A_1434], %swap3A_1437 {strides = array<i32>} : memref<4096xf32, #tpu.memory_space<vmem>>, vector<16xf32>,
    %broadcast_in_dim3A_1438 = arith.constant 0.000000e+00 : f32
    %broadcast_in_dim3A_1439 = vector.broadcast %broadcast_in_dim3A_1438 : f32 to vector<16xf32>
    %swap3A_1440 = arith.constant 3696 : index
    %swap3A_1441 = tpu.vector_load %arg6[%swap3A_1440] {strides = array<i32>} : memref<4096xf32, #tpu.memory_space<vmem>>, vector<16xf32>,
    %swap3A_1442 = vector.shape_cast %swap3A_1441 : vector<16xf32> to vector<16xf32>
    %swap3A_1443 = vector.shape_cast %broadcast_in_dim3A_1439 : vector<16xf32> to vector<16xf32>
    tpu.vector_store %arg6[%swap3A_1440], %swap3A_1443 {strides = array<i32>} : memref<4096xf32, #tpu.memory_space<vmem>>, vector<16xf32>,
    %broadcast_in_dim3A_1444 = arith.constant 0.000000e+00 : f32
    %broadcast_in_dim3A_1445 = vector.broadcast %broadcast_in_dim3A_1444 : f32 to vector<16xf32>
    %swap3A_1446 = arith.constant 3712 : index
    %swap3A_1447 = tpu.vector_load %arg6[%swap3A_1446] {strides = array<i32>} : memref<4096xf32, #tpu.memory_space<vmem>>, vector<16xf32>,
    %swap3A_1448 = vector.shape_cast %swap3A_1447 : vector<16xf32> to vector<16xf32>
    %swap3A_1449 = vector.shape_cast %broadcast_in_dim3A_1445 : vector<16xf32> to vector<16xf32>
    tpu.vector_store %arg6[%swap3A_1446], %swap3A_1449 {strides = array<i32>} : memref<4096xf32, #tpu.memory_space<vmem>>, vector<16xf32>,
    %broadcast_in_dim3A_1450 = arith.constant 0.000000e+00 : f32
    %broadcast_in_dim3A_1451 = vector.broadcast %broadcast_in_dim3A_1450 : f32 to vector<16xf32>
    %swap3A_1452 = arith.constant 3728 : index
    %swap3A_1453 = tpu.vector_load %arg6[%swap3A_1452] {strides = array<i32>} : memref<4096xf32, #tpu.memory_space<vmem>>, vector<16xf32>,
    %swap3A_1454 = vector.shape_cast %swap3A_1453 : vector<16xf32> to vector<16xf32>
    %swap3A_1455 = vector.shape_cast %broadcast_in_dim3A_1451 : vector<16xf32> to vector<16xf32>
    tpu.vector_store %arg6[%swap3A_1452], %swap3A_1455 {strides = array<i32>} : memref<4096xf32, #tpu.memory_space<vmem>>, vector<16xf32>,
    %broadcast_in_dim3A_1456 = arith.constant 0.000000e+00 : f32
    %broadcast_in_dim3A_1457 = vector.broadcast %broadcast_in_dim3A_1456 : f32 to vector<16xf32>
    %swap3A_1458 = arith.constant 3744 : index
    %swap3A_1459 = tpu.vector_load %arg6[%swap3A_1458] {strides = array<i32>} : memref<4096xf32, #tpu.memory_space<vmem>>, vector<16xf32>,
    %swap3A_1460 = vector.shape_cast %swap3A_1459 : vector<16xf32> to vector<16xf32>
    %swap3A_1461 = vector.shape_cast %broadcast_in_dim3A_1457 : vector<16xf32> to vector<16xf32>
    tpu.vector_store %arg6[%swap3A_1458], %swap3A_1461 {strides = array<i32>} : memref<4096xf32, #tpu.memory_space<vmem>>, vector<16xf32>,
    %broadcast_in_dim3A_1462 = arith.constant 0.000000e+00 : f32
    %broadcast_in_dim3A_1463 = vector.broadcast %broadcast_in_dim3A_1462 : f32 to vector<16xf32>
    %swap3A_1464 = arith.constant 3760 : index
    %swap3A_1465 = tpu.vector_load %arg6[%swap3A_1464] {strides = array<i32>} : memref<4096xf32, #tpu.memory_space<vmem>>, vector<16xf32>,
    %swap3A_1466 = vector.shape_cast %swap3A_1465 : vector<16xf32> to vector<16xf32>
    %swap3A_1467 = vector.shape_cast %broadcast_in_dim3A_1463 : vector<16xf32> to vector<16xf32>
    tpu.vector_store %arg6[%swap3A_1464], %swap3A_1467 {strides = array<i32>} : memref<4096xf32, #tpu.memory_space<vmem>>, vector<16xf32>,
    %broadcast_in_dim3A_1468 = arith.constant 0.000000e+00 : f32
    %broadcast_in_dim3A_1469 = vector.broadcast %broadcast_in_dim3A_1468 : f32 to vector<16xf32>
    %swap3A_1470 = arith.constant 3776 : index
    %swap3A_1471 = tpu.vector_load %arg6[%swap3A_1470] {strides = array<i32>} : memref<4096xf32, #tpu.memory_space<vmem>>, vector<16xf32>,
    %swap3A_1472 = vector.shape_cast %swap3A_1471 : vector<16xf32> to vector<16xf32>
    %swap3A_1473 = vector.shape_cast %broadcast_in_dim3A_1469 : vector<16xf32> to vector<16xf32>
    tpu.vector_store %arg6[%swap3A_1470], %swap3A_1473 {strides = array<i32>} : memref<4096xf32, #tpu.memory_space<vmem>>, vector<16xf32>,
    %broadcast_in_dim3A_1474 = arith.constant 0.000000e+00 : f32
    %broadcast_in_dim3A_1475 = vector.broadcast %broadcast_in_dim3A_1474 : f32 to vector<16xf32>
    %swap3A_1476 = arith.constant 3792 : index
    %swap3A_1477 = tpu.vector_load %arg6[%swap3A_1476] {strides = array<i32>} : memref<4096xf32, #tpu.memory_space<vmem>>, vector<16xf32>,
    %swap3A_1478 = vector.shape_cast %swap3A_1477 : vector<16xf32> to vector<16xf32>
    %swap3A_1479 = vector.shape_cast %broadcast_in_dim3A_1475 : vector<16xf32> to vector<16xf32>
    tpu.vector_store %arg6[%swap3A_1476], %swap3A_1479 {strides = array<i32>} : memref<4096xf32, #tpu.memory_space<vmem>>, vector<16xf32>,
    %broadcast_in_dim3A_1480 = arith.constant 0.000000e+00 : f32
    %broadcast_in_dim3A_1481 = vector.broadcast %broadcast_in_dim3A_1480 : f32 to vector<16xf32>
    %swap3A_1482 = arith.constant 3808 : index
    %swap3A_1483 = tpu.vector_load %arg6[%swap3A_1482] {strides = array<i32>} : memref<4096xf32, #tpu.memory_space<vmem>>, vector<16xf32>,
    %swap3A_1484 = vector.shape_cast %swap3A_1483 : vector<16xf32> to vector<16xf32>
    %swap3A_1485 = vector.shape_cast %broadcast_in_dim3A_1481 : vector<16xf32> to vector<16xf32>
    tpu.vector_store %arg6[%swap3A_1482], %swap3A_1485 {strides = array<i32>} : memref<4096xf32, #tpu.memory_space<vmem>>, vector<16xf32>,
    %broadcast_in_dim3A_1486 = arith.constant 0.000000e+00 : f32
    %broadcast_in_dim3A_1487 = vector.broadcast %broadcast_in_dim3A_1486 : f32 to vector<16xf32>
    %swap3A_1488 = arith.constant 3824 : index
    %swap3A_1489 = tpu.vector_load %arg6[%swap3A_1488] {strides = array<i32>} : memref<4096xf32, #tpu.memory_space<vmem>>, vector<16xf32>,
    %swap3A_1490 = vector.shape_cast %swap3A_1489 : vector<16xf32> to vector<16xf32>
    %swap3A_1491 = vector.shape_cast %broadcast_in_dim3A_1487 : vector<16xf32> to vector<16xf32>
    tpu.vector_store %arg6[%swap3A_1488], %swap3A_1491 {strides = array<i32>} : memref<4096xf32, #tpu.memory_space<vmem>>, vector<16xf32>,
    %broadcast_in_dim3A_1492 = arith.constant 0.000000e+00 : f32
    %broadcast_in_dim3A_1493 = vector.broadcast %broadcast_in_dim3A_1492 : f32 to vector<16xf32>
    %swap3A_1494 = arith.constant 3840 : index
    %swap3A_1495 = tpu.vector_load %arg6[%swap3A_1494] {strides = array<i32>} : memref<4096xf32, #tpu.memory_space<vmem>>, vector<16xf32>,
    %swap3A_1496 = vector.shape_cast %swap3A_1495 : vector<16xf32> to vector<16xf32>
    %swap3A_1497 = vector.shape_cast %broadcast_in_dim3A_1493 : vector<16xf32> to vector<16xf32>
    tpu.vector_store %arg6[%swap3A_1494], %swap3A_1497 {strides = array<i32>} : memref<4096xf32, #tpu.memory_space<vmem>>, vector<16xf32>,
    %broadcast_in_dim3A_1498 = arith.constant 0.000000e+00 : f32
    %broadcast_in_dim3A_1499 = vector.broadcast %broadcast_in_dim3A_1498 : f32 to vector<16xf32>
    %swap3A_1500 = arith.constant 3856 : index
    %swap3A_1501 = tpu.vector_load %arg6[%swap3A_1500] {strides = array<i32>} : memref<4096xf32, #tpu.memory_space<vmem>>, vector<16xf32>,
    %swap3A_1502 = vector.shape_cast %swap3A_1501 : vector<16xf32> to vector<16xf32>
    %swap3A_1503 = vector.shape_cast %broadcast_in_dim3A_1499 : vector<16xf32> to vector<16xf32>
    tpu.vector_store %arg6[%swap3A_1500], %swap3A_1503 {strides = array<i32>} : memref<4096xf32, #tpu.memory_space<vmem>>, vector<16xf32>,
    %broadcast_in_dim3A_1504 = arith.constant 0.000000e+00 : f32
    %broadcast_in_dim3A_1505 = vector.broadcast %broadcast_in_dim3A_1504 : f32 to vector<16xf32>
    %swap3A_1506 = arith.constant 3872 : index
    %swap3A_1507 = tpu.vector_load %arg6[%swap3A_1506] {strides = array<i32>} : memref<4096xf32, #tpu.memory_space<vmem>>, vector<16xf32>,
    %swap3A_1508 = vector.shape_cast %swap3A_1507 : vector<16xf32> to vector<16xf32>
    %swap3A_1509 = vector.shape_cast %broadcast_in_dim3A_1505 : vector<16xf32> to vector<16xf32>
    tpu.vector_store %arg6[%swap3A_1506], %swap3A_1509 {strides = array<i32>} : memref<4096xf32, #tpu.memory_space<vmem>>, vector<16xf32>,
    %broadcast_in_dim3A_1510 = arith.constant 0.000000e+00 : f32
    %broadcast_in_dim3A_1511 = vector.broadcast %broadcast_in_dim3A_1510 : f32 to vector<16xf32>
    %swap3A_1512 = arith.constant 3888 : index
    %swap3A_1513 = tpu.vector_load %arg6[%swap3A_1512] {strides = array<i32>} : memref<4096xf32, #tpu.memory_space<vmem>>, vector<16xf32>,
    %swap3A_1514 = vector.shape_cast %swap3A_1513 : vector<16xf32> to vector<16xf32>
    %swap3A_1515 = vector.shape_cast %broadcast_in_dim3A_1511 : vector<16xf32> to vector<16xf32>
    tpu.vector_store %arg6[%swap3A_1512], %swap3A_1515 {strides = array<i32>} : memref<4096xf32, #tpu.memory_space<vmem>>, vector<16xf32>,
    %broadcast_in_dim3A_1516 = arith.constant 0.000000e+00 : f32
    %broadcast_in_dim3A_1517 = vector.broadcast %broadcast_in_dim3A_1516 : f32 to vector<16xf32>
    %swap3A_1518 = arith.constant 3904 : index
    %swap3A_1519 = tpu.vector_load %arg6[%swap3A_1518] {strides = array<i32>} : memref<4096xf32, #tpu.memory_space<vmem>>, vector<16xf32>,
    %swap3A_1520 = vector.shape_cast %swap3A_1519 : vector<16xf32> to vector<16xf32>
    %swap3A_1521 = vector.shape_cast %broadcast_in_dim3A_1517 : vector<16xf32> to vector<16xf32>
    tpu.vector_store %arg6[%swap3A_1518], %swap3A_1521 {strides = array<i32>} : memref<4096xf32, #tpu.memory_space<vmem>>, vector<16xf32>,
    %broadcast_in_dim3A_1522 = arith.constant 0.000000e+00 : f32
    %broadcast_in_dim3A_1523 = vector.broadcast %broadcast_in_dim3A_1522 : f32 to vector<16xf32>
    %swap3A_1524 = arith.constant 3920 : index
    %swap3A_1525 = tpu.vector_load %arg6[%swap3A_1524] {strides = array<i32>} : memref<4096xf32, #tpu.memory_space<vmem>>, vector<16xf32>,
    %swap3A_1526 = vector.shape_cast %swap3A_1525 : vector<16xf32> to vector<16xf32>
    %swap3A_1527 = vector.shape_cast %broadcast_in_dim3A_1523 : vector<16xf32> to vector<16xf32>
    tpu.vector_store %arg6[%swap3A_1524], %swap3A_1527 {strides = array<i32>} : memref<4096xf32, #tpu.memory_space<vmem>>, vector<16xf32>,
    %broadcast_in_dim3A_1528 = arith.constant 0.000000e+00 : f32
    %broadcast_in_dim3A_1529 = vector.broadcast %broadcast_in_dim3A_1528 : f32 to vector<16xf32>
    %swap3A_1530 = arith.constant 3936 : index
    %swap3A_1531 = tpu.vector_load %arg6[%swap3A_1530] {strides = array<i32>} : memref<4096xf32, #tpu.memory_space<vmem>>, vector<16xf32>,
    %swap3A_1532 = vector.shape_cast %swap3A_1531 : vector<16xf32> to vector<16xf32>
    %swap3A_1533 = vector.shape_cast %broadcast_in_dim3A_1529 : vector<16xf32> to vector<16xf32>
    tpu.vector_store %arg6[%swap3A_1530], %swap3A_1533 {strides = array<i32>} : memref<4096xf32, #tpu.memory_space<vmem>>, vector<16xf32>,
    %broadcast_in_dim3A_1534 = arith.constant 0.000000e+00 : f32
    %broadcast_in_dim3A_1535 = vector.broadcast %broadcast_in_dim3A_1534 : f32 to vector<16xf32>
    %swap3A_1536 = arith.constant 3952 : index
    %swap3A_1537 = tpu.vector_load %arg6[%swap3A_1536] {strides = array<i32>} : memref<4096xf32, #tpu.memory_space<vmem>>, vector<16xf32>,
    %swap3A_1538 = vector.shape_cast %swap3A_1537 : vector<16xf32> to vector<16xf32>
    %swap3A_1539 = vector.shape_cast %broadcast_in_dim3A_1535 : vector<16xf32> to vector<16xf32>
    tpu.vector_store %arg6[%swap3A_1536], %swap3A_1539 {strides = array<i32>} : memref<4096xf32, #tpu.memory_space<vmem>>, vector<16xf32>,
    %broadcast_in_dim3A_1540 = arith.constant 0.000000e+00 : f32
    %broadcast_in_dim3A_1541 = vector.broadcast %broadcast_in_dim3A_1540 : f32 to vector<16xf32>
    %swap3A_1542 = arith.constant 3968 : index
    %swap3A_1543 = tpu.vector_load %arg6[%swap3A_1542] {strides = array<i32>} : memref<4096xf32, #tpu.memory_space<vmem>>, vector<16xf32>,
    %swap3A_1544 = vector.shape_cast %swap3A_1543 : vector<16xf32> to vector<16xf32>
    %swap3A_1545 = vector.shape_cast %broadcast_in_dim3A_1541 : vector<16xf32> to vector<16xf32>
    tpu.vector_store %arg6[%swap3A_1542], %swap3A_1545 {strides = array<i32>} : memref<4096xf32, #tpu.memory_space<vmem>>, vector<16xf32>,
    %broadcast_in_dim3A_1546 = arith.constant 0.000000e+00 : f32
    %broadcast_in_dim3A_1547 = vector.broadcast %broadcast_in_dim3A_1546 : f32 to vector<16xf32>
    %swap3A_1548 = arith.constant 3984 : index
    %swap3A_1549 = tpu.vector_load %arg6[%swap3A_1548] {strides = array<i32>} : memref<4096xf32, #tpu.memory_space<vmem>>, vector<16xf32>,
    %swap3A_1550 = vector.shape_cast %swap3A_1549 : vector<16xf32> to vector<16xf32>
    %swap3A_1551 = vector.shape_cast %broadcast_in_dim3A_1547 : vector<16xf32> to vector<16xf32>
    tpu.vector_store %arg6[%swap3A_1548], %swap3A_1551 {strides = array<i32>} : memref<4096xf32, #tpu.memory_space<vmem>>, vector<16xf32>,
    %broadcast_in_dim3A_1552 = arith.constant 0.000000e+00 : f32
    %broadcast_in_dim3A_1553 = vector.broadcast %broadcast_in_dim3A_1552 : f32 to vector<16xf32>
    %swap3A_1554 = arith.constant 4000 : index
    %swap3A_1555 = tpu.vector_load %arg6[%swap3A_1554] {strides = array<i32>} : memref<4096xf32, #tpu.memory_space<vmem>>, vector<16xf32>,
    %swap3A_1556 = vector.shape_cast %swap3A_1555 : vector<16xf32> to vector<16xf32>
    %swap3A_1557 = vector.shape_cast %broadcast_in_dim3A_1553 : vector<16xf32> to vector<16xf32>
    tpu.vector_store %arg6[%swap3A_1554], %swap3A_1557 {strides = array<i32>} : memref<4096xf32, #tpu.memory_space<vmem>>, vector<16xf32>,
    %broadcast_in_dim3A_1558 = arith.constant 0.000000e+00 : f32
    %broadcast_in_dim3A_1559 = vector.broadcast %broadcast_in_dim3A_1558 : f32 to vector<16xf32>
    %swap3A_1560 = arith.constant 4016 : index
    %swap3A_1561 = tpu.vector_load %arg6[%swap3A_1560] {strides = array<i32>} : memref<4096xf32, #tpu.memory_space<vmem>>, vector<16xf32>,
    %swap3A_1562 = vector.shape_cast %swap3A_1561 : vector<16xf32> to vector<16xf32>
    %swap3A_1563 = vector.shape_cast %broadcast_in_dim3A_1559 : vector<16xf32> to vector<16xf32>
    tpu.vector_store %arg6[%swap3A_1560], %swap3A_1563 {strides = array<i32>} : memref<4096xf32, #tpu.memory_space<vmem>>, vector<16xf32>,
    %broadcast_in_dim3A_1564 = arith.constant 0.000000e+00 : f32
    %broadcast_in_dim3A_1565 = vector.broadcast %broadcast_in_dim3A_1564 : f32 to vector<16xf32>
    %swap3A_1566 = arith.constant 4032 : index
    %swap3A_1567 = tpu.vector_load %arg6[%swap3A_1566] {strides = array<i32>} : memref<4096xf32, #tpu.memory_space<vmem>>, vector<16xf32>,
    %swap3A_1568 = vector.shape_cast %swap3A_1567 : vector<16xf32> to vector<16xf32>
    %swap3A_1569 = vector.shape_cast %broadcast_in_dim3A_1565 : vector<16xf32> to vector<16xf32>
    tpu.vector_store %arg6[%swap3A_1566], %swap3A_1569 {strides = array<i32>} : memref<4096xf32, #tpu.memory_space<vmem>>, vector<16xf32>,
    %broadcast_in_dim3A_1570 = arith.constant 0.000000e+00 : f32
    %broadcast_in_dim3A_1571 = vector.broadcast %broadcast_in_dim3A_1570 : f32 to vector<16xf32>
    %swap3A_1572 = arith.constant 4048 : index
    %swap3A_1573 = tpu.vector_load %arg6[%swap3A_1572] {strides = array<i32>} : memref<4096xf32, #tpu.memory_space<vmem>>, vector<16xf32>,
    %swap3A_1574 = vector.shape_cast %swap3A_1573 : vector<16xf32> to vector<16xf32>
    %swap3A_1575 = vector.shape_cast %broadcast_in_dim3A_1571 : vector<16xf32> to vector<16xf32>
    tpu.vector_store %arg6[%swap3A_1572], %swap3A_1575 {strides = array<i32>} : memref<4096xf32, #tpu.memory_space<vmem>>, vector<16xf32>,
    %broadcast_in_dim3A_1576 = arith.constant 0.000000e+00 : f32
    %broadcast_in_dim3A_1577 = vector.broadcast %broadcast_in_dim3A_1576 : f32 to vector<16xf32>
    %swap3A_1578 = arith.constant 4064 : index
    %swap3A_1579 = tpu.vector_load %arg6[%swap3A_1578] {strides = array<i32>} : memref<4096xf32, #tpu.memory_space<vmem>>, vector<16xf32>,
    %swap3A_1580 = vector.shape_cast %swap3A_1579 : vector<16xf32> to vector<16xf32>
    %swap3A_1581 = vector.shape_cast %broadcast_in_dim3A_1577 : vector<16xf32> to vector<16xf32>
    tpu.vector_store %arg6[%swap3A_1578], %swap3A_1581 {strides = array<i32>} : memref<4096xf32, #tpu.memory_space<vmem>>, vector<16xf32>,
    %broadcast_in_dim3A_1582 = arith.constant 0.000000e+00 : f32
    %broadcast_in_dim3A_1583 = vector.broadcast %broadcast_in_dim3A_1582 : f32 to vector<16xf32>
    %swap3A_1584 = arith.constant 4080 : index
    %swap3A_1585 = tpu.vector_load %arg6[%swap3A_1584] {strides = array<i32>} : memref<4096xf32, #tpu.memory_space<vmem>>, vector<16xf32>,
    %swap3A_1586 = vector.shape_cast %swap3A_1585 : vector<16xf32> to vector<16xf32>
    %swap3A_1587 = vector.shape_cast %broadcast_in_dim3A_1583 : vector<16xf32> to vector<16xf32>
    tpu.vector_store %arg6[%swap3A_1584], %swap3A_1587 {strides = array<i32>} : memref<4096xf32, #tpu.memory_space<vmem>>, vector<16xf32>,
    %mul3A_1588 = arith.constant 65536 : i32
    %mul3A_1589 = arith.muli %arg1, %mul3A_1588 : i32
    %add3A_1590 = arith.constant 0 : i32
    %add3A_1591 = arith.addi %mul3A_1589, %add3A_1590 : i32
    "tpu.region"() ({
      %run_scoped3A = tpu.sem_alloc : memref<!tpu.dma_semaphore, #tpu.memory_space<semaphore_mem>>
      %dma_start3A_1668 = tpu.memref_slice %arg7[%add3A_1591] : memref<1048576xf32, #tpu.memory_space<vmem_shared>> -> memref<4096xf32, #tpu.memory_space<vmem_shared>>
      %dma_start3A_1669 = tpu.memref_slice %arg7[%add3A_1591] : memref<1048576xf32, #tpu.memory_space<vmem_shared>> -> memref<4096xf32, #tpu.memory_space<vmem_shared>>
      tpu.enqueue_dma source(%arg6 : memref<4096xf32, #tpu.memory_space<vmem>>) target(%dma_start3A_1669 : memref<4096xf32, #tpu.memory_space<vmem_shared>>) target_semaphore(%run_scoped3A : memref<!tpu.dma_semaphore, #tpu.memory_space<semaphore_mem>>)
      %dma_wait3A_1670 = tpu.memref_slice %arg7[%add3A_1591] : memref<1048576xf32, #tpu.memory_space<vmem_shared>> -> memref<4096xf32, #tpu.memory_space<vmem_shared>>
      %dma_wait3A_1671 = tpu.memref_slice %arg7[%add3A_1591] : memref<1048576xf32, #tpu.memory_space<vmem_shared>> -> memref<4096xf32, #tpu.memory_space<vmem_shared>>
      tpu.wait_dma2 semaphore(%run_scoped3A : memref<!tpu.dma_semaphore, #tpu.memory_space<semaphore_mem>>) src(%arg6 : memref<4096xf32, #tpu.memory_space<vmem>>) dst(%dma_wait3A_1671 : memref<4096xf32, #tpu.memory_space<vmem_shared>>)
      tpu.yield
    }) : () -> ()
    %mul3A_1592 = arith.constant 65536 : i32
    %mul3A_1593 = arith.muli %arg1, %mul3A_1592 : i32
    %add3A_1594 = arith.constant 4096 : i32
    %add3A_1595 = arith.addi %mul3A_1593, %add3A_1594 : i32
    "tpu.region"() ({
      %run_scoped3A = tpu.sem_alloc : memref<!tpu.dma_semaphore, #tpu.memory_space<semaphore_mem>>
      %dma_start3A_1668 = tpu.memref_slice %arg7[%add3A_1595] : memref<1048576xf32, #tpu.memory_space<vmem_shared>> -> memref<4096xf32, #tpu.memory_space<vmem_shared>>
      %dma_start3A_1669 = tpu.memref_slice %arg7[%add3A_1595] : memref<1048576xf32, #tpu.memory_space<vmem_shared>> -> memref<4096xf32, #tpu.memory_space<vmem_shared>>
      tpu.enqueue_dma source(%arg6 : memref<4096xf32, #tpu.memory_space<vmem>>) target(%dma_start3A_1669 : memref<4096xf32, #tpu.memory_space<vmem_shared>>) target_semaphore(%run_scoped3A : memref<!tpu.dma_semaphore, #tpu.memory_space<semaphore_mem>>)
      %dma_wait3A_1670 = tpu.memref_slice %arg7[%add3A_1595] : memref<1048576xf32, #tpu.memory_space<vmem_shared>> -> memref<4096xf32, #tpu.memory_space<vmem_shared>>
      %dma_wait3A_1671 = tpu.memref_slice %arg7[%add3A_1595] : memref<1048576xf32, #tpu.memory_space<vmem_shared>> -> memref<4096xf32, #tpu.memory_space<vmem_shared>>
      tpu.wait_dma2 semaphore(%run_scoped3A : memref<!tpu.dma_semaphore, #tpu.memory_space<semaphore_mem>>) src(%arg6 : memref<4096xf32, #tpu.memory_space<vmem>>) dst(%dma_wait3A_1671 : memref<4096xf32, #tpu.memory_space<vmem_shared>>)
      tpu.yield
    }) : () -> ()
    %mul3A_1596 = arith.constant 65536 : i32
    %mul3A_1597 = arith.muli %arg1, %mul3A_1596 : i32
    %add3A_1598 = arith.constant 8192 : i32
    %add3A_1599 = arith.addi %mul3A_1597, %add3A_1598 : i32
    "tpu.region"() ({
      %run_scoped3A = tpu.sem_alloc : memref<!tpu.dma_semaphore, #tpu.memory_space<semaphore_mem>>
      %dma_start3A_1668 = tpu.memref_slice %arg7[%add3A_1599] : memref<1048576xf32, #tpu.memory_space<vmem_shared>> -> memref<4096xf32, #tpu.memory_space<vmem_shared>>
      %dma_start3A_1669 = tpu.memref_slice %arg7[%add3A_1599] : memref<1048576xf32, #tpu.memory_space<vmem_shared>> -> memref<4096xf32, #tpu.memory_space<vmem_shared>>
      tpu.enqueue_dma source(%arg6 : memref<4096xf32, #tpu.memory_space<vmem>>) target(%dma_start3A_1669 : memref<4096xf32, #tpu.memory_space<vmem_shared>>) target_semaphore(%run_scoped3A : memref<!tpu.dma_semaphore, #tpu.memory_space<semaphore_mem>>)
      %dma_wait3A_1670 = tpu.memref_slice %arg7[%add3A_1599] : memref<1048576xf32, #tpu.memory_space<vmem_shared>> -> memref<4096xf32, #tpu.memory_space<vmem_shared>>
      %dma_wait3A_1671 = tpu.memref_slice %arg7[%add3A_1599] : memref<1048576xf32, #tpu.memory_space<vmem_shared>> -> memref<4096xf32, #tpu.memory_space<vmem_shared>>
      tpu.wait_dma2 semaphore(%run_scoped3A : memref<!tpu.dma_semaphore, #tpu.memory_space<semaphore_mem>>) src(%arg6 : memref<4096xf32, #tpu.memory_space<vmem>>) dst(%dma_wait3A_1671 : memref<4096xf32, #tpu.memory_space<vmem_shared>>)
      tpu.yield
    }) : () -> ()
    %mul3A_1600 = arith.constant 65536 : i32
    %mul3A_1601 = arith.muli %arg1, %mul3A_1600 : i32
    %add3A_1602 = arith.constant 12288 : i32
    %add3A_1603 = arith.addi %mul3A_1601, %add3A_1602 : i32
    "tpu.region"() ({
      %run_scoped3A = tpu.sem_alloc : memref<!tpu.dma_semaphore, #tpu.memory_space<semaphore_mem>>
      %dma_start3A_1668 = tpu.memref_slice %arg7[%add3A_1603] : memref<1048576xf32, #tpu.memory_space<vmem_shared>> -> memref<4096xf32, #tpu.memory_space<vmem_shared>>
      %dma_start3A_1669 = tpu.memref_slice %arg7[%add3A_1603] : memref<1048576xf32, #tpu.memory_space<vmem_shared>> -> memref<4096xf32, #tpu.memory_space<vmem_shared>>
      tpu.enqueue_dma source(%arg6 : memref<4096xf32, #tpu.memory_space<vmem>>) target(%dma_start3A_1669 : memref<4096xf32, #tpu.memory_space<vmem_shared>>) target_semaphore(%run_scoped3A : memref<!tpu.dma_semaphore, #tpu.memory_space<semaphore_mem>>)
      %dma_wait3A_1670 = tpu.memref_slice %arg7[%add3A_1603] : memref<1048576xf32, #tpu.memory_space<vmem_shared>> -> memref<4096xf32, #tpu.memory_space<vmem_shared>>
      %dma_wait3A_1671 = tpu.memref_slice %arg7[%add3A_1603] : memref<1048576xf32, #tpu.memory_space<vmem_shared>> -> memref<4096xf32, #tpu.memory_space<vmem_shared>>
      tpu.wait_dma2 semaphore(%run_scoped3A : memref<!tpu.dma_semaphore, #tpu.memory_space<semaphore_mem>>) src(%arg6 : memref<4096xf32, #tpu.memory_space<vmem>>) dst(%dma_wait3A_1671 : memref<4096xf32, #tpu.memory_space<vmem_shared>>)
      tpu.yield
    }) : () -> ()
    %mul3A_1604 = arith.constant 65536 : i32
    %mul3A_1605 = arith.muli %arg1, %mul3A_1604 : i32
    %add3A_1606 = arith.constant 16384 : i32
    %add3A_1607 = arith.addi %mul3A_1605, %add3A_1606 : i32
    "tpu.region"() ({
      %run_scoped3A = tpu.sem_alloc : memref<!tpu.dma_semaphore, #tpu.memory_space<semaphore_mem>>
      %dma_start3A_1668 = tpu.memref_slice %arg7[%add3A_1607] : memref<1048576xf32, #tpu.memory_space<vmem_shared>> -> memref<4096xf32, #tpu.memory_space<vmem_shared>>
      %dma_start3A_1669 = tpu.memref_slice %arg7[%add3A_1607] : memref<1048576xf32, #tpu.memory_space<vmem_shared>> -> memref<4096xf32, #tpu.memory_space<vmem_shared>>
      tpu.enqueue_dma source(%arg6 : memref<4096xf32, #tpu.memory_space<vmem>>) target(%dma_start3A_1669 : memref<4096xf32, #tpu.memory_space<vmem_shared>>) target_semaphore(%run_scoped3A : memref<!tpu.dma_semaphore, #tpu.memory_space<semaphore_mem>>)
      %dma_wait3A_1670 = tpu.memref_slice %arg7[%add3A_1607] : memref<1048576xf32, #tpu.memory_space<vmem_shared>> -> memref<4096xf32, #tpu.memory_space<vmem_shared>>
      %dma_wait3A_1671 = tpu.memref_slice %arg7[%add3A_1607] : memref<1048576xf32, #tpu.memory_space<vmem_shared>> -> memref<4096xf32, #tpu.memory_space<vmem_shared>>
      tpu.wait_dma2 semaphore(%run_scoped3A : memref<!tpu.dma_semaphore, #tpu.memory_space<semaphore_mem>>) src(%arg6 : memref<4096xf32, #tpu.memory_space<vmem>>) dst(%dma_wait3A_1671 : memref<4096xf32, #tpu.memory_space<vmem_shared>>)
      tpu.yield
    }) : () -> ()
    %mul3A_1608 = arith.constant 65536 : i32
    %mul3A_1609 = arith.muli %arg1, %mul3A_1608 : i32
    %add3A_1610 = arith.constant 20480 : i32
    %add3A_1611 = arith.addi %mul3A_1609, %add3A_1610 : i32
    "tpu.region"() ({
      %run_scoped3A = tpu.sem_alloc : memref<!tpu.dma_semaphore, #tpu.memory_space<semaphore_mem>>
      %dma_start3A_1668 = tpu.memref_slice %arg7[%add3A_1611] : memref<1048576xf32, #tpu.memory_space<vmem_shared>> -> memref<4096xf32, #tpu.memory_space<vmem_shared>>
      %dma_start3A_1669 = tpu.memref_slice %arg7[%add3A_1611] : memref<1048576xf32, #tpu.memory_space<vmem_shared>> -> memref<4096xf32, #tpu.memory_space<vmem_shared>>
      tpu.enqueue_dma source(%arg6 : memref<4096xf32, #tpu.memory_space<vmem>>) target(%dma_start3A_1669 : memref<4096xf32, #tpu.memory_space<vmem_shared>>) target_semaphore(%run_scoped3A : memref<!tpu.dma_semaphore, #tpu.memory_space<semaphore_mem>>)
      %dma_wait3A_1670 = tpu.memref_slice %arg7[%add3A_1611] : memref<1048576xf32, #tpu.memory_space<vmem_shared>> -> memref<4096xf32, #tpu.memory_space<vmem_shared>>
      %dma_wait3A_1671 = tpu.memref_slice %arg7[%add3A_1611] : memref<1048576xf32, #tpu.memory_space<vmem_shared>> -> memref<4096xf32, #tpu.memory_space<vmem_shared>>
      tpu.wait_dma2 semaphore(%run_scoped3A : memref<!tpu.dma_semaphore, #tpu.memory_space<semaphore_mem>>) src(%arg6 : memref<4096xf32, #tpu.memory_space<vmem>>) dst(%dma_wait3A_1671 : memref<4096xf32, #tpu.memory_space<vmem_shared>>)
      tpu.yield
    }) : () -> ()
    %mul3A_1612 = arith.constant 65536 : i32
    %mul3A_1613 = arith.muli %arg1, %mul3A_1612 : i32
    %add3A_1614 = arith.constant 24576 : i32
    %add3A_1615 = arith.addi %mul3A_1613, %add3A_1614 : i32
    "tpu.region"() ({
      %run_scoped3A = tpu.sem_alloc : memref<!tpu.dma_semaphore, #tpu.memory_space<semaphore_mem>>
      %dma_start3A_1668 = tpu.memref_slice %arg7[%add3A_1615] : memref<1048576xf32, #tpu.memory_space<vmem_shared>> -> memref<4096xf32, #tpu.memory_space<vmem_shared>>
      %dma_start3A_1669 = tpu.memref_slice %arg7[%add3A_1615] : memref<1048576xf32, #tpu.memory_space<vmem_shared>> -> memref<4096xf32, #tpu.memory_space<vmem_shared>>
      tpu.enqueue_dma source(%arg6 : memref<4096xf32, #tpu.memory_space<vmem>>) target(%dma_start3A_1669 : memref<4096xf32, #tpu.memory_space<vmem_shared>>) target_semaphore(%run_scoped3A : memref<!tpu.dma_semaphore, #tpu.memory_space<semaphore_mem>>)
      %dma_wait3A_1670 = tpu.memref_slice %arg7[%add3A_1615] : memref<1048576xf32, #tpu.memory_space<vmem_shared>> -> memref<4096xf32, #tpu.memory_space<vmem_shared>>
      %dma_wait3A_1671 = tpu.memref_slice %arg7[%add3A_1615] : memref<1048576xf32, #tpu.memory_space<vmem_shared>> -> memref<4096xf32, #tpu.memory_space<vmem_shared>>
      tpu.wait_dma2 semaphore(%run_scoped3A : memref<!tpu.dma_semaphore, #tpu.memory_space<semaphore_mem>>) src(%arg6 : memref<4096xf32, #tpu.memory_space<vmem>>) dst(%dma_wait3A_1671 : memref<4096xf32, #tpu.memory_space<vmem_shared>>)
      tpu.yield
    }) : () -> ()
    %mul3A_1616 = arith.constant 65536 : i32
    %mul3A_1617 = arith.muli %arg1, %mul3A_1616 : i32
    %add3A_1618 = arith.constant 28672 : i32
    %add3A_1619 = arith.addi %mul3A_1617, %add3A_1618 : i32
    "tpu.region"() ({
      %run_scoped3A = tpu.sem_alloc : memref<!tpu.dma_semaphore, #tpu.memory_space<semaphore_mem>>
      %dma_start3A_1668 = tpu.memref_slice %arg7[%add3A_1619] : memref<1048576xf32, #tpu.memory_space<vmem_shared>> -> memref<4096xf32, #tpu.memory_space<vmem_shared>>
      %dma_start3A_1669 = tpu.memref_slice %arg7[%add3A_1619] : memref<1048576xf32, #tpu.memory_space<vmem_shared>> -> memref<4096xf32, #tpu.memory_space<vmem_shared>>
      tpu.enqueue_dma source(%arg6 : memref<4096xf32, #tpu.memory_space<vmem>>) target(%dma_start3A_1669 : memref<4096xf32, #tpu.memory_space<vmem_shared>>) target_semaphore(%run_scoped3A : memref<!tpu.dma_semaphore, #tpu.memory_space<semaphore_mem>>)
      %dma_wait3A_1670 = tpu.memref_slice %arg7[%add3A_1619] : memref<1048576xf32, #tpu.memory_space<vmem_shared>> -> memref<4096xf32, #tpu.memory_space<vmem_shared>>
      %dma_wait3A_1671 = tpu.memref_slice %arg7[%add3A_1619] : memref<1048576xf32, #tpu.memory_space<vmem_shared>> -> memref<4096xf32, #tpu.memory_space<vmem_shared>>
      tpu.wait_dma2 semaphore(%run_scoped3A : memref<!tpu.dma_semaphore, #tpu.memory_space<semaphore_mem>>) src(%arg6 : memref<4096xf32, #tpu.memory_space<vmem>>) dst(%dma_wait3A_1671 : memref<4096xf32, #tpu.memory_space<vmem_shared>>)
      tpu.yield
    }) : () -> ()
    %mul3A_1620 = arith.constant 65536 : i32
    %mul3A_1621 = arith.muli %arg1, %mul3A_1620 : i32
    %add3A_1622 = arith.constant 32768 : i32
    %add3A_1623 = arith.addi %mul3A_1621, %add3A_1622 : i32
    "tpu.region"() ({
      %run_scoped3A = tpu.sem_alloc : memref<!tpu.dma_semaphore, #tpu.memory_space<semaphore_mem>>
      %dma_start3A_1668 = tpu.memref_slice %arg7[%add3A_1623] : memref<1048576xf32, #tpu.memory_space<vmem_shared>> -> memref<4096xf32, #tpu.memory_space<vmem_shared>>
      %dma_start3A_1669 = tpu.memref_slice %arg7[%add3A_1623] : memref<1048576xf32, #tpu.memory_space<vmem_shared>> -> memref<4096xf32, #tpu.memory_space<vmem_shared>>
      tpu.enqueue_dma source(%arg6 : memref<4096xf32, #tpu.memory_space<vmem>>) target(%dma_start3A_1669 : memref<4096xf32, #tpu.memory_space<vmem_shared>>) target_semaphore(%run_scoped3A : memref<!tpu.dma_semaphore, #tpu.memory_space<semaphore_mem>>)
      %dma_wait3A_1670 = tpu.memref_slice %arg7[%add3A_1623] : memref<1048576xf32, #tpu.memory_space<vmem_shared>> -> memref<4096xf32, #tpu.memory_space<vmem_shared>>
      %dma_wait3A_1671 = tpu.memref_slice %arg7[%add3A_1623] : memref<1048576xf32, #tpu.memory_space<vmem_shared>> -> memref<4096xf32, #tpu.memory_space<vmem_shared>>
      tpu.wait_dma2 semaphore(%run_scoped3A : memref<!tpu.dma_semaphore, #tpu.memory_space<semaphore_mem>>) src(%arg6 : memref<4096xf32, #tpu.memory_space<vmem>>) dst(%dma_wait3A_1671 : memref<4096xf32, #tpu.memory_space<vmem_shared>>)
      tpu.yield
    }) : () -> ()
    %mul3A_1624 = arith.constant 65536 : i32
    %mul3A_1625 = arith.muli %arg1, %mul3A_1624 : i32
    %add3A_1626 = arith.constant 36864 : i32
    %add3A_1627 = arith.addi %mul3A_1625, %add3A_1626 : i32
    "tpu.region"() ({
      %run_scoped3A = tpu.sem_alloc : memref<!tpu.dma_semaphore, #tpu.memory_space<semaphore_mem>>
      %dma_start3A_1668 = tpu.memref_slice %arg7[%add3A_1627] : memref<1048576xf32, #tpu.memory_space<vmem_shared>> -> memref<4096xf32, #tpu.memory_space<vmem_shared>>
      %dma_start3A_1669 = tpu.memref_slice %arg7[%add3A_1627] : memref<1048576xf32, #tpu.memory_space<vmem_shared>> -> memref<4096xf32, #tpu.memory_space<vmem_shared>>
      tpu.enqueue_dma source(%arg6 : memref<4096xf32, #tpu.memory_space<vmem>>) target(%dma_start3A_1669 : memref<4096xf32, #tpu.memory_space<vmem_shared>>) target_semaphore(%run_scoped3A : memref<!tpu.dma_semaphore, #tpu.memory_space<semaphore_mem>>)
      %dma_wait3A_1670 = tpu.memref_slice %arg7[%add3A_1627] : memref<1048576xf32, #tpu.memory_space<vmem_shared>> -> memref<4096xf32, #tpu.memory_space<vmem_shared>>
      %dma_wait3A_1671 = tpu.memref_slice %arg7[%add3A_1627] : memref<1048576xf32, #tpu.memory_space<vmem_shared>> -> memref<4096xf32, #tpu.memory_space<vmem_shared>>
      tpu.wait_dma2 semaphore(%run_scoped3A : memref<!tpu.dma_semaphore, #tpu.memory_space<semaphore_mem>>) src(%arg6 : memref<4096xf32, #tpu.memory_space<vmem>>) dst(%dma_wait3A_1671 : memref<4096xf32, #tpu.memory_space<vmem_shared>>)
      tpu.yield
    }) : () -> ()
    %mul3A_1628 = arith.constant 65536 : i32
    %mul3A_1629 = arith.muli %arg1, %mul3A_1628 : i32
    %add3A_1630 = arith.constant 40960 : i32
    %add3A_1631 = arith.addi %mul3A_1629, %add3A_1630 : i32
    "tpu.region"() ({
      %run_scoped3A = tpu.sem_alloc : memref<!tpu.dma_semaphore, #tpu.memory_space<semaphore_mem>>
      %dma_start3A_1668 = tpu.memref_slice %arg7[%add3A_1631] : memref<1048576xf32, #tpu.memory_space<vmem_shared>> -> memref<4096xf32, #tpu.memory_space<vmem_shared>>
      %dma_start3A_1669 = tpu.memref_slice %arg7[%add3A_1631] : memref<1048576xf32, #tpu.memory_space<vmem_shared>> -> memref<4096xf32, #tpu.memory_space<vmem_shared>>
      tpu.enqueue_dma source(%arg6 : memref<4096xf32, #tpu.memory_space<vmem>>) target(%dma_start3A_1669 : memref<4096xf32, #tpu.memory_space<vmem_shared>>) target_semaphore(%run_scoped3A : memref<!tpu.dma_semaphore, #tpu.memory_space<semaphore_mem>>)
      %dma_wait3A_1670 = tpu.memref_slice %arg7[%add3A_1631] : memref<1048576xf32, #tpu.memory_space<vmem_shared>> -> memref<4096xf32, #tpu.memory_space<vmem_shared>>
      %dma_wait3A_1671 = tpu.memref_slice %arg7[%add3A_1631] : memref<1048576xf32, #tpu.memory_space<vmem_shared>> -> memref<4096xf32, #tpu.memory_space<vmem_shared>>
      tpu.wait_dma2 semaphore(%run_scoped3A : memref<!tpu.dma_semaphore, #tpu.memory_space<semaphore_mem>>) src(%arg6 : memref<4096xf32, #tpu.memory_space<vmem>>) dst(%dma_wait3A_1671 : memref<4096xf32, #tpu.memory_space<vmem_shared>>)
      tpu.yield
    }) : () -> ()
    %mul3A_1632 = arith.constant 65536 : i32
    %mul3A_1633 = arith.muli %arg1, %mul3A_1632 : i32
    %add3A_1634 = arith.constant 45056 : i32
    %add3A_1635 = arith.addi %mul3A_1633, %add3A_1634 : i32
    "tpu.region"() ({
      %run_scoped3A = tpu.sem_alloc : memref<!tpu.dma_semaphore, #tpu.memory_space<semaphore_mem>>
      %dma_start3A_1668 = tpu.memref_slice %arg7[%add3A_1635] : memref<1048576xf32, #tpu.memory_space<vmem_shared>> -> memref<4096xf32, #tpu.memory_space<vmem_shared>>
      %dma_start3A_1669 = tpu.memref_slice %arg7[%add3A_1635] : memref<1048576xf32, #tpu.memory_space<vmem_shared>> -> memref<4096xf32, #tpu.memory_space<vmem_shared>>
      tpu.enqueue_dma source(%arg6 : memref<4096xf32, #tpu.memory_space<vmem>>) target(%dma_start3A_1669 : memref<4096xf32, #tpu.memory_space<vmem_shared>>) target_semaphore(%run_scoped3A : memref<!tpu.dma_semaphore, #tpu.memory_space<semaphore_mem>>)
      %dma_wait3A_1670 = tpu.memref_slice %arg7[%add3A_1635] : memref<1048576xf32, #tpu.memory_space<vmem_shared>> -> memref<4096xf32, #tpu.memory_space<vmem_shared>>
      %dma_wait3A_1671 = tpu.memref_slice %arg7[%add3A_1635] : memref<1048576xf32, #tpu.memory_space<vmem_shared>> -> memref<4096xf32, #tpu.memory_space<vmem_shared>>
      tpu.wait_dma2 semaphore(%run_scoped3A : memref<!tpu.dma_semaphore, #tpu.memory_space<semaphore_mem>>) src(%arg6 : memref<4096xf32, #tpu.memory_space<vmem>>) dst(%dma_wait3A_1671 : memref<4096xf32, #tpu.memory_space<vmem_shared>>)
      tpu.yield
    }) : () -> ()
    %mul3A_1636 = arith.constant 65536 : i32
    %mul3A_1637 = arith.muli %arg1, %mul3A_1636 : i32
    %add3A_1638 = arith.constant 49152 : i32
    %add3A_1639 = arith.addi %mul3A_1637, %add3A_1638 : i32
    "tpu.region"() ({
      %run_scoped3A = tpu.sem_alloc : memref<!tpu.dma_semaphore, #tpu.memory_space<semaphore_mem>>
      %dma_start3A_1668 = tpu.memref_slice %arg7[%add3A_1639] : memref<1048576xf32, #tpu.memory_space<vmem_shared>> -> memref<4096xf32, #tpu.memory_space<vmem_shared>>
      %dma_start3A_1669 = tpu.memref_slice %arg7[%add3A_1639] : memref<1048576xf32, #tpu.memory_space<vmem_shared>> -> memref<4096xf32, #tpu.memory_space<vmem_shared>>
      tpu.enqueue_dma source(%arg6 : memref<4096xf32, #tpu.memory_space<vmem>>) target(%dma_start3A_1669 : memref<4096xf32, #tpu.memory_space<vmem_shared>>) target_semaphore(%run_scoped3A : memref<!tpu.dma_semaphore, #tpu.memory_space<semaphore_mem>>)
      %dma_wait3A_1670 = tpu.memref_slice %arg7[%add3A_1639] : memref<1048576xf32, #tpu.memory_space<vmem_shared>> -> memref<4096xf32, #tpu.memory_space<vmem_shared>>
      %dma_wait3A_1671 = tpu.memref_slice %arg7[%add3A_1639] : memref<1048576xf32, #tpu.memory_space<vmem_shared>> -> memref<4096xf32, #tpu.memory_space<vmem_shared>>
      tpu.wait_dma2 semaphore(%run_scoped3A : memref<!tpu.dma_semaphore, #tpu.memory_space<semaphore_mem>>) src(%arg6 : memref<4096xf32, #tpu.memory_space<vmem>>) dst(%dma_wait3A_1671 : memref<4096xf32, #tpu.memory_space<vmem_shared>>)
      tpu.yield
    }) : () -> ()
    %mul3A_1640 = arith.constant 65536 : i32
    %mul3A_1641 = arith.muli %arg1, %mul3A_1640 : i32
    %add3A_1642 = arith.constant 53248 : i32
    %add3A_1643 = arith.addi %mul3A_1641, %add3A_1642 : i32
    "tpu.region"() ({
      %run_scoped3A = tpu.sem_alloc : memref<!tpu.dma_semaphore, #tpu.memory_space<semaphore_mem>>
      %dma_start3A_1668 = tpu.memref_slice %arg7[%add3A_1643] : memref<1048576xf32, #tpu.memory_space<vmem_shared>> -> memref<4096xf32, #tpu.memory_space<vmem_shared>>
      %dma_start3A_1669 = tpu.memref_slice %arg7[%add3A_1643] : memref<1048576xf32, #tpu.memory_space<vmem_shared>> -> memref<4096xf32, #tpu.memory_space<vmem_shared>>
      tpu.enqueue_dma source(%arg6 : memref<4096xf32, #tpu.memory_space<vmem>>) target(%dma_start3A_1669 : memref<4096xf32, #tpu.memory_space<vmem_shared>>) target_semaphore(%run_scoped3A : memref<!tpu.dma_semaphore, #tpu.memory_space<semaphore_mem>>)
      %dma_wait3A_1670 = tpu.memref_slice %arg7[%add3A_1643] : memref<1048576xf32, #tpu.memory_space<vmem_shared>> -> memref<4096xf32, #tpu.memory_space<vmem_shared>>
      %dma_wait3A_1671 = tpu.memref_slice %arg7[%add3A_1643] : memref<1048576xf32, #tpu.memory_space<vmem_shared>> -> memref<4096xf32, #tpu.memory_space<vmem_shared>>
      tpu.wait_dma2 semaphore(%run_scoped3A : memref<!tpu.dma_semaphore, #tpu.memory_space<semaphore_mem>>) src(%arg6 : memref<4096xf32, #tpu.memory_space<vmem>>) dst(%dma_wait3A_1671 : memref<4096xf32, #tpu.memory_space<vmem_shared>>)
      tpu.yield
    }) : () -> ()
    %mul3A_1644 = arith.constant 65536 : i32
    %mul3A_1645 = arith.muli %arg1, %mul3A_1644 : i32
    %add3A_1646 = arith.constant 57344 : i32
    %add3A_1647 = arith.addi %mul3A_1645, %add3A_1646 : i32
    "tpu.region"() ({
      %run_scoped3A = tpu.sem_alloc : memref<!tpu.dma_semaphore, #tpu.memory_space<semaphore_mem>>
      %dma_start3A_1668 = tpu.memref_slice %arg7[%add3A_1647] : memref<1048576xf32, #tpu.memory_space<vmem_shared>> -> memref<4096xf32, #tpu.memory_space<vmem_shared>>
      %dma_start3A_1669 = tpu.memref_slice %arg7[%add3A_1647] : memref<1048576xf32, #tpu.memory_space<vmem_shared>> -> memref<4096xf32, #tpu.memory_space<vmem_shared>>
      tpu.enqueue_dma source(%arg6 : memref<4096xf32, #tpu.memory_space<vmem>>) target(%dma_start3A_1669 : memref<4096xf32, #tpu.memory_space<vmem_shared>>) target_semaphore(%run_scoped3A : memref<!tpu.dma_semaphore, #tpu.memory_space<semaphore_mem>>)
      %dma_wait3A_1670 = tpu.memref_slice %arg7[%add3A_1647] : memref<1048576xf32, #tpu.memory_space<vmem_shared>> -> memref<4096xf32, #tpu.memory_space<vmem_shared>>
      %dma_wait3A_1671 = tpu.memref_slice %arg7[%add3A_1647] : memref<1048576xf32, #tpu.memory_space<vmem_shared>> -> memref<4096xf32, #tpu.memory_space<vmem_shared>>
      tpu.wait_dma2 semaphore(%run_scoped3A : memref<!tpu.dma_semaphore, #tpu.memory_space<semaphore_mem>>) src(%arg6 : memref<4096xf32, #tpu.memory_space<vmem>>) dst(%dma_wait3A_1671 : memref<4096xf32, #tpu.memory_space<vmem_shared>>)
      tpu.yield
    }) : () -> ()
    %mul3A_1648 = arith.constant 65536 : i32
    %mul3A_1649 = arith.muli %arg1, %mul3A_1648 : i32
    %add3A_1650 = arith.constant 61440 : i32
    %add3A_1651 = arith.addi %mul3A_1649, %add3A_1650 : i32
    "tpu.region"() ({
      %run_scoped3A = tpu.sem_alloc : memref<!tpu.dma_semaphore, #tpu.memory_space<semaphore_mem>>
      %dma_start3A_1668 = tpu.memref_slice %arg7[%add3A_1651] : memref<1048576xf32, #tpu.memory_space<vmem_shared>> -> memref<4096xf32, #tpu.memory_space<vmem_shared>>
      %dma_start3A_1669 = tpu.memref_slice %arg7[%add3A_1651] : memref<1048576xf32, #tpu.memory_space<vmem_shared>> -> memref<4096xf32, #tpu.memory_space<vmem_shared>>
      tpu.enqueue_dma source(%arg6 : memref<4096xf32, #tpu.memory_space<vmem>>) target(%dma_start3A_1669 : memref<4096xf32, #tpu.memory_space<vmem_shared>>) target_semaphore(%run_scoped3A : memref<!tpu.dma_semaphore, #tpu.memory_space<semaphore_mem>>)
      %dma_wait3A_1670 = tpu.memref_slice %arg7[%add3A_1651] : memref<1048576xf32, #tpu.memory_space<vmem_shared>> -> memref<4096xf32, #tpu.memory_space<vmem_shared>>
      %dma_wait3A_1671 = tpu.memref_slice %arg7[%add3A_1651] : memref<1048576xf32, #tpu.memory_space<vmem_shared>> -> memref<4096xf32, #tpu.memory_space<vmem_shared>>
      tpu.wait_dma2 semaphore(%run_scoped3A : memref<!tpu.dma_semaphore, #tpu.memory_space<semaphore_mem>>) src(%arg6 : memref<4096xf32, #tpu.memory_space<vmem>>) dst(%dma_wait3A_1671 : memref<4096xf32, #tpu.memory_space<vmem_shared>>)
      tpu.yield
    }) : () -> ()
    %dma_wait3A = arith.constant 0 : i32
    %dma_wait3A_1652 = tpu.memref_slice %arg2[%mul3A_2, %dma_wait3A] : memref<8192x128xi32, #tpu.memory_space<hbm>> -> memref<256x128xi32, #tpu.memory_space<hbm>>
    %dma_wait3A_1653 = arith.constant 0 : i32
    %dma_wait3A_1654 = tpu.memref_slice %arg2[%mul3A_2, %dma_wait3A_1653] : memref<8192x128xi32, #tpu.memory_space<hbm>> -> memref<256x128xi32, #tpu.memory_space<hbm>>
    tpu.wait_dma2 semaphore(%arg8 : memref<!tpu.dma_semaphore, #tpu.memory_space<semaphore_mem>>) src(%dma_wait3A_1654 : memref<256x128xi32, #tpu.memory_space<hbm>>) dst(%arg4 : memref<256x128xi32, #tpu.memory_space<vmem>>)
    %barrier3A = arith.constant 0 : index
    tpu.barrier barrier_id(%barrier3A)
    %scan3A = arith.constant 0 : i32
    %scan3A_1655 = arith.constant 0 : i32
    %scan3A_1656 = arith.constant 8 : i32
    %scan3A_1657 = arith.addi %scan3A_1655, %scan3A_1656 : i32
    %scan3A_1658 = arith.constant 1 : i32
    scf.for %scan3A_1668 = %scan3A_1655 to %scan3A_1657 step %scan3A_1658  : i32 {
      %mul3A_1669 = arith.constant 32 : i32
      %mul3A_1670 = arith.muli %scan3A_1668, %mul3A_1669 : i32
      %add3A_1671 = arith.constant 0 : i32
      %add3A_1672 = arith.addi %mul3A_1670, %add3A_1671 : i32
      %dma_start3A_1673 = arith.constant 0 : i32
      %dma_start3A_1674 = tpu.memref_slice %arg4[%add3A_1672, %dma_start3A_1673] : memref<256x128xi32, #tpu.memory_space<vmem>> -> memref<1x128xi32, #tpu.memory_space<vmem>>
      %dma_start3A_1675 = tpu.memref_squeeze %dma_start3A_1674 : memref<1x128xi32, #tpu.memory_space<vmem>> -> memref<128xi32, #tpu.memory_space<vmem>>
      %dma_start3A_1676 = arith.constant 0 : i32
      %dma_start3A_1677 = tpu.memref_slice %arg7[%dma_start3A_1676] : memref<1048576xf32, #tpu.memory_space<vmem_shared>> -> memref<1048576xf32, #tpu.memory_space<vmem_shared>>
      tpu.enqueue_indirect_dma source(%arg5 : memref<128xf32, #tpu.memory_space<vmem>>) target(%dma_start3A_1677 : memref<1048576xf32, #tpu.memory_space<vmem_shared>>) offsets(%dma_start3A_1675 : memref<128xi32, #tpu.memory_space<vmem>>) semaphore(%arg9 : memref<!tpu.dma_semaphore, #tpu.memory_space<semaphore_mem>>) {add = true}
      %mul3A_1678 = arith.constant 32 : i32
      %mul3A_1679 = arith.muli %scan3A_1668, %mul3A_1678 : i32
      %add3A_1680 = arith.constant 1 : i32
      %add3A_1681 = arith.addi %mul3A_1679, %add3A_1680 : i32
      %dma_start3A_1682 = arith.constant 0 : i32
      %dma_start3A_1683 = tpu.memref_slice %arg4[%add3A_1681, %dma_start3A_1682] : memref<256x128xi32, #tpu.memory_space<vmem>> -> memref<1x128xi32, #tpu.memory_space<vmem>>
      %dma_start3A_1684 = tpu.memref_squeeze %dma_start3A_1683 : memref<1x128xi32, #tpu.memory_space<vmem>> -> memref<128xi32, #tpu.memory_space<vmem>>
      %dma_start3A_1685 = arith.constant 0 : i32
      %dma_start3A_1686 = tpu.memref_slice %arg7[%dma_start3A_1685] : memref<1048576xf32, #tpu.memory_space<vmem_shared>> -> memref<1048576xf32, #tpu.memory_space<vmem_shared>>
      tpu.enqueue_indirect_dma source(%arg5 : memref<128xf32, #tpu.memory_space<vmem>>) target(%dma_start3A_1686 : memref<1048576xf32, #tpu.memory_space<vmem_shared>>) offsets(%dma_start3A_1684 : memref<128xi32, #tpu.memory_space<vmem>>) semaphore(%arg9 : memref<!tpu.dma_semaphore, #tpu.memory_space<semaphore_mem>>) {add = true}
      %mul3A_1687 = arith.constant 32 : i32
      %mul3A_1688 = arith.muli %scan3A_1668, %mul3A_1687 : i32
      %add3A_1689 = arith.constant 2 : i32
      %add3A_1690 = arith.addi %mul3A_1688, %add3A_1689 : i32
      %dma_start3A_1691 = arith.constant 0 : i32
      %dma_start3A_1692 = tpu.memref_slice %arg4[%add3A_1690, %dma_start3A_1691] : memref<256x128xi32, #tpu.memory_space<vmem>> -> memref<1x128xi32, #tpu.memory_space<vmem>>
      %dma_start3A_1693 = tpu.memref_squeeze %dma_start3A_1692 : memref<1x128xi32, #tpu.memory_space<vmem>> -> memref<128xi32, #tpu.memory_space<vmem>>
      %dma_start3A_1694 = arith.constant 0 : i32
      %dma_start3A_1695 = tpu.memref_slice %arg7[%dma_start3A_1694] : memref<1048576xf32, #tpu.memory_space<vmem_shared>> -> memref<1048576xf32, #tpu.memory_space<vmem_shared>>
      tpu.enqueue_indirect_dma source(%arg5 : memref<128xf32, #tpu.memory_space<vmem>>) target(%dma_start3A_1695 : memref<1048576xf32, #tpu.memory_space<vmem_shared>>) offsets(%dma_start3A_1693 : memref<128xi32, #tpu.memory_space<vmem>>) semaphore(%arg9 : memref<!tpu.dma_semaphore, #tpu.memory_space<semaphore_mem>>) {add = true}
      %mul3A_1696 = arith.constant 32 : i32
      %mul3A_1697 = arith.muli %scan3A_1668, %mul3A_1696 : i32
      %add3A_1698 = arith.constant 3 : i32
      %add3A_1699 = arith.addi %mul3A_1697, %add3A_1698 : i32
      %dma_start3A_1700 = arith.constant 0 : i32
      %dma_start3A_1701 = tpu.memref_slice %arg4[%add3A_1699, %dma_start3A_1700] : memref<256x128xi32, #tpu.memory_space<vmem>> -> memref<1x128xi32, #tpu.memory_space<vmem>>
      %dma_start3A_1702 = tpu.memref_squeeze %dma_start3A_1701 : memref<1x128xi32, #tpu.memory_space<vmem>> -> memref<128xi32, #tpu.memory_space<vmem>>
      %dma_start3A_1703 = arith.constant 0 : i32
      %dma_start3A_1704 = tpu.memref_slice %arg7[%dma_start3A_1703] : memref<1048576xf32, #tpu.memory_space<vmem_shared>> -> memref<1048576xf32, #tpu.memory_space<vmem_shared>>
      tpu.enqueue_indirect_dma source(%arg5 : memref<128xf32, #tpu.memory_space<vmem>>) target(%dma_start3A_1704 : memref<1048576xf32, #tpu.memory_space<vmem_shared>>) offsets(%dma_start3A_1702 : memref<128xi32, #tpu.memory_space<vmem>>) semaphore(%arg9 : memref<!tpu.dma_semaphore, #tpu.memory_space<semaphore_mem>>) {add = true}
      %mul3A_1705 = arith.constant 32 : i32
      %mul3A_1706 = arith.muli %scan3A_1668, %mul3A_1705 : i32
      %add3A_1707 = arith.constant 4 : i32
      %add3A_1708 = arith.addi %mul3A_1706, %add3A_1707 : i32
      %dma_start3A_1709 = arith.constant 0 : i32
      %dma_start3A_1710 = tpu.memref_slice %arg4[%add3A_1708, %dma_start3A_1709] : memref<256x128xi32, #tpu.memory_space<vmem>> -> memref<1x128xi32, #tpu.memory_space<vmem>>
      %dma_start3A_1711 = tpu.memref_squeeze %dma_start3A_1710 : memref<1x128xi32, #tpu.memory_space<vmem>> -> memref<128xi32, #tpu.memory_space<vmem>>
      %dma_start3A_1712 = arith.constant 0 : i32
      %dma_start3A_1713 = tpu.memref_slice %arg7[%dma_start3A_1712] : memref<1048576xf32, #tpu.memory_space<vmem_shared>> -> memref<1048576xf32, #tpu.memory_space<vmem_shared>>
      tpu.enqueue_indirect_dma source(%arg5 : memref<128xf32, #tpu.memory_space<vmem>>) target(%dma_start3A_1713 : memref<1048576xf32, #tpu.memory_space<vmem_shared>>) offsets(%dma_start3A_1711 : memref<128xi32, #tpu.memory_space<vmem>>) semaphore(%arg9 : memref<!tpu.dma_semaphore, #tpu.memory_space<semaphore_mem>>) {add = true}
      %mul3A_1714 = arith.constant 32 : i32
      %mul3A_1715 = arith.muli %scan3A_1668, %mul3A_1714 : i32
      %add3A_1716 = arith.constant 5 : i32
      %add3A_1717 = arith.addi %mul3A_1715, %add3A_1716 : i32
      %dma_start3A_1718 = arith.constant 0 : i32
      %dma_start3A_1719 = tpu.memref_slice %arg4[%add3A_1717, %dma_start3A_1718] : memref<256x128xi32, #tpu.memory_space<vmem>> -> memref<1x128xi32, #tpu.memory_space<vmem>>
      %dma_start3A_1720 = tpu.memref_squeeze %dma_start3A_1719 : memref<1x128xi32, #tpu.memory_space<vmem>> -> memref<128xi32, #tpu.memory_space<vmem>>
      %dma_start3A_1721 = arith.constant 0 : i32
      %dma_start3A_1722 = tpu.memref_slice %arg7[%dma_start3A_1721] : memref<1048576xf32, #tpu.memory_space<vmem_shared>> -> memref<1048576xf32, #tpu.memory_space<vmem_shared>>
      tpu.enqueue_indirect_dma source(%arg5 : memref<128xf32, #tpu.memory_space<vmem>>) target(%dma_start3A_1722 : memref<1048576xf32, #tpu.memory_space<vmem_shared>>) offsets(%dma_start3A_1720 : memref<128xi32, #tpu.memory_space<vmem>>) semaphore(%arg9 : memref<!tpu.dma_semaphore, #tpu.memory_space<semaphore_mem>>) {add = true}
      %mul3A_1723 = arith.constant 32 : i32
      %mul3A_1724 = arith.muli %scan3A_1668, %mul3A_1723 : i32
      %add3A_1725 = arith.constant 6 : i32
      %add3A_1726 = arith.addi %mul3A_1724, %add3A_1725 : i32
      %dma_start3A_1727 = arith.constant 0 : i32
      %dma_start3A_1728 = tpu.memref_slice %arg4[%add3A_1726, %dma_start3A_1727] : memref<256x128xi32, #tpu.memory_space<vmem>> -> memref<1x128xi32, #tpu.memory_space<vmem>>
      %dma_start3A_1729 = tpu.memref_squeeze %dma_start3A_1728 : memref<1x128xi32, #tpu.memory_space<vmem>> -> memref<128xi32, #tpu.memory_space<vmem>>
      %dma_start3A_1730 = arith.constant 0 : i32
      %dma_start3A_1731 = tpu.memref_slice %arg7[%dma_start3A_1730] : memref<1048576xf32, #tpu.memory_space<vmem_shared>> -> memref<1048576xf32, #tpu.memory_space<vmem_shared>>
      tpu.enqueue_indirect_dma source(%arg5 : memref<128xf32, #tpu.memory_space<vmem>>) target(%dma_start3A_1731 : memref<1048576xf32, #tpu.memory_space<vmem_shared>>) offsets(%dma_start3A_1729 : memref<128xi32, #tpu.memory_space<vmem>>) semaphore(%arg9 : memref<!tpu.dma_semaphore, #tpu.memory_space<semaphore_mem>>) {add = true}
      %mul3A_1732 = arith.constant 32 : i32
      %mul3A_1733 = arith.muli %scan3A_1668, %mul3A_1732 : i32
      %add3A_1734 = arith.constant 7 : i32
      %add3A_1735 = arith.addi %mul3A_1733, %add3A_1734 : i32
      %dma_start3A_1736 = arith.constant 0 : i32
      %dma_start3A_1737 = tpu.memref_slice %arg4[%add3A_1735, %dma_start3A_1736] : memref<256x128xi32, #tpu.memory_space<vmem>> -> memref<1x128xi32, #tpu.memory_space<vmem>>
      %dma_start3A_1738 = tpu.memref_squeeze %dma_start3A_1737 : memref<1x128xi32, #tpu.memory_space<vmem>> -> memref<128xi32, #tpu.memory_space<vmem>>
      %dma_start3A_1739 = arith.constant 0 : i32
      %dma_start3A_1740 = tpu.memref_slice %arg7[%dma_start3A_1739] : memref<1048576xf32, #tpu.memory_space<vmem_shared>> -> memref<1048576xf32, #tpu.memory_space<vmem_shared>>
      tpu.enqueue_indirect_dma source(%arg5 : memref<128xf32, #tpu.memory_space<vmem>>) target(%dma_start3A_1740 : memref<1048576xf32, #tpu.memory_space<vmem_shared>>) offsets(%dma_start3A_1738 : memref<128xi32, #tpu.memory_space<vmem>>) semaphore(%arg9 : memref<!tpu.dma_semaphore, #tpu.memory_space<semaphore_mem>>) {add = true}
      %mul3A_1741 = arith.constant 32 : i32
      %mul3A_1742 = arith.muli %scan3A_1668, %mul3A_1741 : i32
      %add3A_1743 = arith.constant 8 : i32
      %add3A_1744 = arith.addi %mul3A_1742, %add3A_1743 : i32
      %dma_start3A_1745 = arith.constant 0 : i32
      %dma_start3A_1746 = tpu.memref_slice %arg4[%add3A_1744, %dma_start3A_1745] : memref<256x128xi32, #tpu.memory_space<vmem>> -> memref<1x128xi32, #tpu.memory_space<vmem>>
      %dma_start3A_1747 = tpu.memref_squeeze %dma_start3A_1746 : memref<1x128xi32, #tpu.memory_space<vmem>> -> memref<128xi32, #tpu.memory_space<vmem>>
      %dma_start3A_1748 = arith.constant 0 : i32
      %dma_start3A_1749 = tpu.memref_slice %arg7[%dma_start3A_1748] : memref<1048576xf32, #tpu.memory_space<vmem_shared>> -> memref<1048576xf32, #tpu.memory_space<vmem_shared>>
      tpu.enqueue_indirect_dma source(%arg5 : memref<128xf32, #tpu.memory_space<vmem>>) target(%dma_start3A_1749 : memref<1048576xf32, #tpu.memory_space<vmem_shared>>) offsets(%dma_start3A_1747 : memref<128xi32, #tpu.memory_space<vmem>>) semaphore(%arg9 : memref<!tpu.dma_semaphore, #tpu.memory_space<semaphore_mem>>) {add = true}
      %mul3A_1750 = arith.constant 32 : i32
      %mul3A_1751 = arith.muli %scan3A_1668, %mul3A_1750 : i32
      %add3A_1752 = arith.constant 9 : i32
      %add3A_1753 = arith.addi %mul3A_1751, %add3A_1752 : i32
      %dma_start3A_1754 = arith.constant 0 : i32
      %dma_start3A_1755 = tpu.memref_slice %arg4[%add3A_1753, %dma_start3A_1754] : memref<256x128xi32, #tpu.memory_space<vmem>> -> memref<1x128xi32, #tpu.memory_space<vmem>>
      %dma_start3A_1756 = tpu.memref_squeeze %dma_start3A_1755 : memref<1x128xi32, #tpu.memory_space<vmem>> -> memref<128xi32, #tpu.memory_space<vmem>>
      %dma_start3A_1757 = arith.constant 0 : i32
      %dma_start3A_1758 = tpu.memref_slice %arg7[%dma_start3A_1757] : memref<1048576xf32, #tpu.memory_space<vmem_shared>> -> memref<1048576xf32, #tpu.memory_space<vmem_shared>>
      tpu.enqueue_indirect_dma source(%arg5 : memref<128xf32, #tpu.memory_space<vmem>>) target(%dma_start3A_1758 : memref<1048576xf32, #tpu.memory_space<vmem_shared>>) offsets(%dma_start3A_1756 : memref<128xi32, #tpu.memory_space<vmem>>) semaphore(%arg9 : memref<!tpu.dma_semaphore, #tpu.memory_space<semaphore_mem>>) {add = true}
      %mul3A_1759 = arith.constant 32 : i32
      %mul3A_1760 = arith.muli %scan3A_1668, %mul3A_1759 : i32
      %add3A_1761 = arith.constant 10 : i32
      %add3A_1762 = arith.addi %mul3A_1760, %add3A_1761 : i32
      %dma_start3A_1763 = arith.constant 0 : i32
      %dma_start3A_1764 = tpu.memref_slice %arg4[%add3A_1762, %dma_start3A_1763] : memref<256x128xi32, #tpu.memory_space<vmem>> -> memref<1x128xi32, #tpu.memory_space<vmem>>
      %dma_start3A_1765 = tpu.memref_squeeze %dma_start3A_1764 : memref<1x128xi32, #tpu.memory_space<vmem>> -> memref<128xi32, #tpu.memory_space<vmem>>
      %dma_start3A_1766 = arith.constant 0 : i32
      %dma_start3A_1767 = tpu.memref_slice %arg7[%dma_start3A_1766] : memref<1048576xf32, #tpu.memory_space<vmem_shared>> -> memref<1048576xf32, #tpu.memory_space<vmem_shared>>
      tpu.enqueue_indirect_dma source(%arg5 : memref<128xf32, #tpu.memory_space<vmem>>) target(%dma_start3A_1767 : memref<1048576xf32, #tpu.memory_space<vmem_shared>>) offsets(%dma_start3A_1765 : memref<128xi32, #tpu.memory_space<vmem>>) semaphore(%arg9 : memref<!tpu.dma_semaphore, #tpu.memory_space<semaphore_mem>>) {add = true}
      %mul3A_1768 = arith.constant 32 : i32
      %mul3A_1769 = arith.muli %scan3A_1668, %mul3A_1768 : i32
      %add3A_1770 = arith.constant 11 : i32
      %add3A_1771 = arith.addi %mul3A_1769, %add3A_1770 : i32
      %dma_start3A_1772 = arith.constant 0 : i32
      %dma_start3A_1773 = tpu.memref_slice %arg4[%add3A_1771, %dma_start3A_1772] : memref<256x128xi32, #tpu.memory_space<vmem>> -> memref<1x128xi32, #tpu.memory_space<vmem>>
      %dma_start3A_1774 = tpu.memref_squeeze %dma_start3A_1773 : memref<1x128xi32, #tpu.memory_space<vmem>> -> memref<128xi32, #tpu.memory_space<vmem>>
      %dma_start3A_1775 = arith.constant 0 : i32
      %dma_start3A_1776 = tpu.memref_slice %arg7[%dma_start3A_1775] : memref<1048576xf32, #tpu.memory_space<vmem_shared>> -> memref<1048576xf32, #tpu.memory_space<vmem_shared>>
      tpu.enqueue_indirect_dma source(%arg5 : memref<128xf32, #tpu.memory_space<vmem>>) target(%dma_start3A_1776 : memref<1048576xf32, #tpu.memory_space<vmem_shared>>) offsets(%dma_start3A_1774 : memref<128xi32, #tpu.memory_space<vmem>>) semaphore(%arg9 : memref<!tpu.dma_semaphore, #tpu.memory_space<semaphore_mem>>) {add = true}
      %mul3A_1777 = arith.constant 32 : i32
      %mul3A_1778 = arith.muli %scan3A_1668, %mul3A_1777 : i32
      %add3A_1779 = arith.constant 12 : i32
      %add3A_1780 = arith.addi %mul3A_1778, %add3A_1779 : i32
      %dma_start3A_1781 = arith.constant 0 : i32
      %dma_start3A_1782 = tpu.memref_slice %arg4[%add3A_1780, %dma_start3A_1781] : memref<256x128xi32, #tpu.memory_space<vmem>> -> memref<1x128xi32, #tpu.memory_space<vmem>>
      %dma_start3A_1783 = tpu.memref_squeeze %dma_start3A_1782 : memref<1x128xi32, #tpu.memory_space<vmem>> -> memref<128xi32, #tpu.memory_space<vmem>>
      %dma_start3A_1784 = arith.constant 0 : i32
      %dma_start3A_1785 = tpu.memref_slice %arg7[%dma_start3A_1784] : memref<1048576xf32, #tpu.memory_space<vmem_shared>> -> memref<1048576xf32, #tpu.memory_space<vmem_shared>>
      tpu.enqueue_indirect_dma source(%arg5 : memref<128xf32, #tpu.memory_space<vmem>>) target(%dma_start3A_1785 : memref<1048576xf32, #tpu.memory_space<vmem_shared>>) offsets(%dma_start3A_1783 : memref<128xi32, #tpu.memory_space<vmem>>) semaphore(%arg9 : memref<!tpu.dma_semaphore, #tpu.memory_space<semaphore_mem>>) {add = true}
      %mul3A_1786 = arith.constant 32 : i32
      %mul3A_1787 = arith.muli %scan3A_1668, %mul3A_1786 : i32
      %add3A_1788 = arith.constant 13 : i32
      %add3A_1789 = arith.addi %mul3A_1787, %add3A_1788 : i32
      %dma_start3A_1790 = arith.constant 0 : i32
      %dma_start3A_1791 = tpu.memref_slice %arg4[%add3A_1789, %dma_start3A_1790] : memref<256x128xi32, #tpu.memory_space<vmem>> -> memref<1x128xi32, #tpu.memory_space<vmem>>
      %dma_start3A_1792 = tpu.memref_squeeze %dma_start3A_1791 : memref<1x128xi32, #tpu.memory_space<vmem>> -> memref<128xi32, #tpu.memory_space<vmem>>
      %dma_start3A_1793 = arith.constant 0 : i32
      %dma_start3A_1794 = tpu.memref_slice %arg7[%dma_start3A_1793] : memref<1048576xf32, #tpu.memory_space<vmem_shared>> -> memref<1048576xf32, #tpu.memory_space<vmem_shared>>
      tpu.enqueue_indirect_dma source(%arg5 : memref<128xf32, #tpu.memory_space<vmem>>) target(%dma_start3A_1794 : memref<1048576xf32, #tpu.memory_space<vmem_shared>>) offsets(%dma_start3A_1792 : memref<128xi32, #tpu.memory_space<vmem>>) semaphore(%arg9 : memref<!tpu.dma_semaphore, #tpu.memory_space<semaphore_mem>>) {add = true}
      %mul3A_1795 = arith.constant 32 : i32
      %mul3A_1796 = arith.muli %scan3A_1668, %mul3A_1795 : i32
      %add3A_1797 = arith.constant 14 : i32
      %add3A_1798 = arith.addi %mul3A_1796, %add3A_1797 : i32
      %dma_start3A_1799 = arith.constant 0 : i32
      %dma_start3A_1800 = tpu.memref_slice %arg4[%add3A_1798, %dma_start3A_1799] : memref<256x128xi32, #tpu.memory_space<vmem>> -> memref<1x128xi32, #tpu.memory_space<vmem>>
      %dma_start3A_1801 = tpu.memref_squeeze %dma_start3A_1800 : memref<1x128xi32, #tpu.memory_space<vmem>> -> memref<128xi32, #tpu.memory_space<vmem>>
      %dma_start3A_1802 = arith.constant 0 : i32
      %dma_start3A_1803 = tpu.memref_slice %arg7[%dma_start3A_1802] : memref<1048576xf32, #tpu.memory_space<vmem_shared>> -> memref<1048576xf32, #tpu.memory_space<vmem_shared>>
      tpu.enqueue_indirect_dma source(%arg5 : memref<128xf32, #tpu.memory_space<vmem>>) target(%dma_start3A_1803 : memref<1048576xf32, #tpu.memory_space<vmem_shared>>) offsets(%dma_start3A_1801 : memref<128xi32, #tpu.memory_space<vmem>>) semaphore(%arg9 : memref<!tpu.dma_semaphore, #tpu.memory_space<semaphore_mem>>) {add = true}
      %mul3A_1804 = arith.constant 32 : i32
      %mul3A_1805 = arith.muli %scan3A_1668, %mul3A_1804 : i32
      %add3A_1806 = arith.constant 15 : i32
      %add3A_1807 = arith.addi %mul3A_1805, %add3A_1806 : i32
      %dma_start3A_1808 = arith.constant 0 : i32
      %dma_start3A_1809 = tpu.memref_slice %arg4[%add3A_1807, %dma_start3A_1808] : memref<256x128xi32, #tpu.memory_space<vmem>> -> memref<1x128xi32, #tpu.memory_space<vmem>>
      %dma_start3A_1810 = tpu.memref_squeeze %dma_start3A_1809 : memref<1x128xi32, #tpu.memory_space<vmem>> -> memref<128xi32, #tpu.memory_space<vmem>>
      %dma_start3A_1811 = arith.constant 0 : i32
      %dma_start3A_1812 = tpu.memref_slice %arg7[%dma_start3A_1811] : memref<1048576xf32, #tpu.memory_space<vmem_shared>> -> memref<1048576xf32, #tpu.memory_space<vmem_shared>>
      tpu.enqueue_indirect_dma source(%arg5 : memref<128xf32, #tpu.memory_space<vmem>>) target(%dma_start3A_1812 : memref<1048576xf32, #tpu.memory_space<vmem_shared>>) offsets(%dma_start3A_1810 : memref<128xi32, #tpu.memory_space<vmem>>) semaphore(%arg9 : memref<!tpu.dma_semaphore, #tpu.memory_space<semaphore_mem>>) {add = true}
      %mul3A_1813 = arith.constant 32 : i32
      %mul3A_1814 = arith.muli %scan3A_1668, %mul3A_1813 : i32
      %add3A_1815 = arith.constant 16 : i32
      %add3A_1816 = arith.addi %mul3A_1814, %add3A_1815 : i32
      %dma_start3A_1817 = arith.constant 0 : i32
      %dma_start3A_1818 = tpu.memref_slice %arg4[%add3A_1816, %dma_start3A_1817] : memref<256x128xi32, #tpu.memory_space<vmem>> -> memref<1x128xi32, #tpu.memory_space<vmem>>
      %dma_start3A_1819 = tpu.memref_squeeze %dma_start3A_1818 : memref<1x128xi32, #tpu.memory_space<vmem>> -> memref<128xi32, #tpu.memory_space<vmem>>
      %dma_start3A_1820 = arith.constant 0 : i32
      %dma_start3A_1821 = tpu.memref_slice %arg7[%dma_start3A_1820] : memref<1048576xf32, #tpu.memory_space<vmem_shared>> -> memref<1048576xf32, #tpu.memory_space<vmem_shared>>
      tpu.enqueue_indirect_dma source(%arg5 : memref<128xf32, #tpu.memory_space<vmem>>) target(%dma_start3A_1821 : memref<1048576xf32, #tpu.memory_space<vmem_shared>>) offsets(%dma_start3A_1819 : memref<128xi32, #tpu.memory_space<vmem>>) semaphore(%arg9 : memref<!tpu.dma_semaphore, #tpu.memory_space<semaphore_mem>>) {add = true}
      %mul3A_1822 = arith.constant 32 : i32
      %mul3A_1823 = arith.muli %scan3A_1668, %mul3A_1822 : i32
      %add3A_1824 = arith.constant 17 : i32
      %add3A_1825 = arith.addi %mul3A_1823, %add3A_1824 : i32
      %dma_start3A_1826 = arith.constant 0 : i32
      %dma_start3A_1827 = tpu.memref_slice %arg4[%add3A_1825, %dma_start3A_1826] : memref<256x128xi32, #tpu.memory_space<vmem>> -> memref<1x128xi32, #tpu.memory_space<vmem>>
      %dma_start3A_1828 = tpu.memref_squeeze %dma_start3A_1827 : memref<1x128xi32, #tpu.memory_space<vmem>> -> memref<128xi32, #tpu.memory_space<vmem>>
      %dma_start3A_1829 = arith.constant 0 : i32
      %dma_start3A_1830 = tpu.memref_slice %arg7[%dma_start3A_1829] : memref<1048576xf32, #tpu.memory_space<vmem_shared>> -> memref<1048576xf32, #tpu.memory_space<vmem_shared>>
      tpu.enqueue_indirect_dma source(%arg5 : memref<128xf32, #tpu.memory_space<vmem>>) target(%dma_start3A_1830 : memref<1048576xf32, #tpu.memory_space<vmem_shared>>) offsets(%dma_start3A_1828 : memref<128xi32, #tpu.memory_space<vmem>>) semaphore(%arg9 : memref<!tpu.dma_semaphore, #tpu.memory_space<semaphore_mem>>) {add = true}
      %mul3A_1831 = arith.constant 32 : i32
      %mul3A_1832 = arith.muli %scan3A_1668, %mul3A_1831 : i32
      %add3A_1833 = arith.constant 18 : i32
      %add3A_1834 = arith.addi %mul3A_1832, %add3A_1833 : i32
      %dma_start3A_1835 = arith.constant 0 : i32
      %dma_start3A_1836 = tpu.memref_slice %arg4[%add3A_1834, %dma_start3A_1835] : memref<256x128xi32, #tpu.memory_space<vmem>> -> memref<1x128xi32, #tpu.memory_space<vmem>>
      %dma_start3A_1837 = tpu.memref_squeeze %dma_start3A_1836 : memref<1x128xi32, #tpu.memory_space<vmem>> -> memref<128xi32, #tpu.memory_space<vmem>>
      %dma_start3A_1838 = arith.constant 0 : i32
      %dma_start3A_1839 = tpu.memref_slice %arg7[%dma_start3A_1838] : memref<1048576xf32, #tpu.memory_space<vmem_shared>> -> memref<1048576xf32, #tpu.memory_space<vmem_shared>>
      tpu.enqueue_indirect_dma source(%arg5 : memref<128xf32, #tpu.memory_space<vmem>>) target(%dma_start3A_1839 : memref<1048576xf32, #tpu.memory_space<vmem_shared>>) offsets(%dma_start3A_1837 : memref<128xi32, #tpu.memory_space<vmem>>) semaphore(%arg9 : memref<!tpu.dma_semaphore, #tpu.memory_space<semaphore_mem>>) {add = true}
      %mul3A_1840 = arith.constant 32 : i32
      %mul3A_1841 = arith.muli %scan3A_1668, %mul3A_1840 : i32
      %add3A_1842 = arith.constant 19 : i32
      %add3A_1843 = arith.addi %mul3A_1841, %add3A_1842 : i32
      %dma_start3A_1844 = arith.constant 0 : i32
      %dma_start3A_1845 = tpu.memref_slice %arg4[%add3A_1843, %dma_start3A_1844] : memref<256x128xi32, #tpu.memory_space<vmem>> -> memref<1x128xi32, #tpu.memory_space<vmem>>
      %dma_start3A_1846 = tpu.memref_squeeze %dma_start3A_1845 : memref<1x128xi32, #tpu.memory_space<vmem>> -> memref<128xi32, #tpu.memory_space<vmem>>
      %dma_start3A_1847 = arith.constant 0 : i32
      %dma_start3A_1848 = tpu.memref_slice %arg7[%dma_start3A_1847] : memref<1048576xf32, #tpu.memory_space<vmem_shared>> -> memref<1048576xf32, #tpu.memory_space<vmem_shared>>
      tpu.enqueue_indirect_dma source(%arg5 : memref<128xf32, #tpu.memory_space<vmem>>) target(%dma_start3A_1848 : memref<1048576xf32, #tpu.memory_space<vmem_shared>>) offsets(%dma_start3A_1846 : memref<128xi32, #tpu.memory_space<vmem>>) semaphore(%arg9 : memref<!tpu.dma_semaphore, #tpu.memory_space<semaphore_mem>>) {add = true}
      %mul3A_1849 = arith.constant 32 : i32
      %mul3A_1850 = arith.muli %scan3A_1668, %mul3A_1849 : i32
      %add3A_1851 = arith.constant 20 : i32
      %add3A_1852 = arith.addi %mul3A_1850, %add3A_1851 : i32
      %dma_start3A_1853 = arith.constant 0 : i32
      %dma_start3A_1854 = tpu.memref_slice %arg4[%add3A_1852, %dma_start3A_1853] : memref<256x128xi32, #tpu.memory_space<vmem>> -> memref<1x128xi32, #tpu.memory_space<vmem>>
      %dma_start3A_1855 = tpu.memref_squeeze %dma_start3A_1854 : memref<1x128xi32, #tpu.memory_space<vmem>> -> memref<128xi32, #tpu.memory_space<vmem>>
      %dma_start3A_1856 = arith.constant 0 : i32
      %dma_start3A_1857 = tpu.memref_slice %arg7[%dma_start3A_1856] : memref<1048576xf32, #tpu.memory_space<vmem_shared>> -> memref<1048576xf32, #tpu.memory_space<vmem_shared>>
      tpu.enqueue_indirect_dma source(%arg5 : memref<128xf32, #tpu.memory_space<vmem>>) target(%dma_start3A_1857 : memref<1048576xf32, #tpu.memory_space<vmem_shared>>) offsets(%dma_start3A_1855 : memref<128xi32, #tpu.memory_space<vmem>>) semaphore(%arg9 : memref<!tpu.dma_semaphore, #tpu.memory_space<semaphore_mem>>) {add = true}
      %mul3A_1858 = arith.constant 32 : i32
      %mul3A_1859 = arith.muli %scan3A_1668, %mul3A_1858 : i32
      %add3A_1860 = arith.constant 21 : i32
      %add3A_1861 = arith.addi %mul3A_1859, %add3A_1860 : i32
      %dma_start3A_1862 = arith.constant 0 : i32
      %dma_start3A_1863 = tpu.memref_slice %arg4[%add3A_1861, %dma_start3A_1862] : memref<256x128xi32, #tpu.memory_space<vmem>> -> memref<1x128xi32, #tpu.memory_space<vmem>>
      %dma_start3A_1864 = tpu.memref_squeeze %dma_start3A_1863 : memref<1x128xi32, #tpu.memory_space<vmem>> -> memref<128xi32, #tpu.memory_space<vmem>>
      %dma_start3A_1865 = arith.constant 0 : i32
      %dma_start3A_1866 = tpu.memref_slice %arg7[%dma_start3A_1865] : memref<1048576xf32, #tpu.memory_space<vmem_shared>> -> memref<1048576xf32, #tpu.memory_space<vmem_shared>>
      tpu.enqueue_indirect_dma source(%arg5 : memref<128xf32, #tpu.memory_space<vmem>>) target(%dma_start3A_1866 : memref<1048576xf32, #tpu.memory_space<vmem_shared>>) offsets(%dma_start3A_1864 : memref<128xi32, #tpu.memory_space<vmem>>) semaphore(%arg9 : memref<!tpu.dma_semaphore, #tpu.memory_space<semaphore_mem>>) {add = true}
      %mul3A_1867 = arith.constant 32 : i32
      %mul3A_1868 = arith.muli %scan3A_1668, %mul3A_1867 : i32
      %add3A_1869 = arith.constant 22 : i32
      %add3A_1870 = arith.addi %mul3A_1868, %add3A_1869 : i32
      %dma_start3A_1871 = arith.constant 0 : i32
      %dma_start3A_1872 = tpu.memref_slice %arg4[%add3A_1870, %dma_start3A_1871] : memref<256x128xi32, #tpu.memory_space<vmem>> -> memref<1x128xi32, #tpu.memory_space<vmem>>
      %dma_start3A_1873 = tpu.memref_squeeze %dma_start3A_1872 : memref<1x128xi32, #tpu.memory_space<vmem>> -> memref<128xi32, #tpu.memory_space<vmem>>
      %dma_start3A_1874 = arith.constant 0 : i32
      %dma_start3A_1875 = tpu.memref_slice %arg7[%dma_start3A_1874] : memref<1048576xf32, #tpu.memory_space<vmem_shared>> -> memref<1048576xf32, #tpu.memory_space<vmem_shared>>
      tpu.enqueue_indirect_dma source(%arg5 : memref<128xf32, #tpu.memory_space<vmem>>) target(%dma_start3A_1875 : memref<1048576xf32, #tpu.memory_space<vmem_shared>>) offsets(%dma_start3A_1873 : memref<128xi32, #tpu.memory_space<vmem>>) semaphore(%arg9 : memref<!tpu.dma_semaphore, #tpu.memory_space<semaphore_mem>>) {add = true}
      %mul3A_1876 = arith.constant 32 : i32
      %mul3A_1877 = arith.muli %scan3A_1668, %mul3A_1876 : i32
      %add3A_1878 = arith.constant 23 : i32
      %add3A_1879 = arith.addi %mul3A_1877, %add3A_1878 : i32
      %dma_start3A_1880 = arith.constant 0 : i32
      %dma_start3A_1881 = tpu.memref_slice %arg4[%add3A_1879, %dma_start3A_1880] : memref<256x128xi32, #tpu.memory_space<vmem>> -> memref<1x128xi32, #tpu.memory_space<vmem>>
      %dma_start3A_1882 = tpu.memref_squeeze %dma_start3A_1881 : memref<1x128xi32, #tpu.memory_space<vmem>> -> memref<128xi32, #tpu.memory_space<vmem>>
      %dma_start3A_1883 = arith.constant 0 : i32
      %dma_start3A_1884 = tpu.memref_slice %arg7[%dma_start3A_1883] : memref<1048576xf32, #tpu.memory_space<vmem_shared>> -> memref<1048576xf32, #tpu.memory_space<vmem_shared>>
      tpu.enqueue_indirect_dma source(%arg5 : memref<128xf32, #tpu.memory_space<vmem>>) target(%dma_start3A_1884 : memref<1048576xf32, #tpu.memory_space<vmem_shared>>) offsets(%dma_start3A_1882 : memref<128xi32, #tpu.memory_space<vmem>>) semaphore(%arg9 : memref<!tpu.dma_semaphore, #tpu.memory_space<semaphore_mem>>) {add = true}
      %mul3A_1885 = arith.constant 32 : i32
      %mul3A_1886 = arith.muli %scan3A_1668, %mul3A_1885 : i32
      %add3A_1887 = arith.constant 24 : i32
      %add3A_1888 = arith.addi %mul3A_1886, %add3A_1887 : i32
      %dma_start3A_1889 = arith.constant 0 : i32
      %dma_start3A_1890 = tpu.memref_slice %arg4[%add3A_1888, %dma_start3A_1889] : memref<256x128xi32, #tpu.memory_space<vmem>> -> memref<1x128xi32, #tpu.memory_space<vmem>>
      %dma_start3A_1891 = tpu.memref_squeeze %dma_start3A_1890 : memref<1x128xi32, #tpu.memory_space<vmem>> -> memref<128xi32, #tpu.memory_space<vmem>>
      %dma_start3A_1892 = arith.constant 0 : i32
      %dma_start3A_1893 = tpu.memref_slice %arg7[%dma_start3A_1892] : memref<1048576xf32, #tpu.memory_space<vmem_shared>> -> memref<1048576xf32, #tpu.memory_space<vmem_shared>>
      tpu.enqueue_indirect_dma source(%arg5 : memref<128xf32, #tpu.memory_space<vmem>>) target(%dma_start3A_1893 : memref<1048576xf32, #tpu.memory_space<vmem_shared>>) offsets(%dma_start3A_1891 : memref<128xi32, #tpu.memory_space<vmem>>) semaphore(%arg9 : memref<!tpu.dma_semaphore, #tpu.memory_space<semaphore_mem>>) {add = true}
      %mul3A_1894 = arith.constant 32 : i32
      %mul3A_1895 = arith.muli %scan3A_1668, %mul3A_1894 : i32
      %add3A_1896 = arith.constant 25 : i32
      %add3A_1897 = arith.addi %mul3A_1895, %add3A_1896 : i32
      %dma_start3A_1898 = arith.constant 0 : i32
      %dma_start3A_1899 = tpu.memref_slice %arg4[%add3A_1897, %dma_start3A_1898] : memref<256x128xi32, #tpu.memory_space<vmem>> -> memref<1x128xi32, #tpu.memory_space<vmem>>
      %dma_start3A_1900 = tpu.memref_squeeze %dma_start3A_1899 : memref<1x128xi32, #tpu.memory_space<vmem>> -> memref<128xi32, #tpu.memory_space<vmem>>
      %dma_start3A_1901 = arith.constant 0 : i32
      %dma_start3A_1902 = tpu.memref_slice %arg7[%dma_start3A_1901] : memref<1048576xf32, #tpu.memory_space<vmem_shared>> -> memref<1048576xf32, #tpu.memory_space<vmem_shared>>
      tpu.enqueue_indirect_dma source(%arg5 : memref<128xf32, #tpu.memory_space<vmem>>) target(%dma_start3A_1902 : memref<1048576xf32, #tpu.memory_space<vmem_shared>>) offsets(%dma_start3A_1900 : memref<128xi32, #tpu.memory_space<vmem>>) semaphore(%arg9 : memref<!tpu.dma_semaphore, #tpu.memory_space<semaphore_mem>>) {add = true}
      %mul3A_1903 = arith.constant 32 : i32
      %mul3A_1904 = arith.muli %scan3A_1668, %mul3A_1903 : i32
      %add3A_1905 = arith.constant 26 : i32
      %add3A_1906 = arith.addi %mul3A_1904, %add3A_1905 : i32
      %dma_start3A_1907 = arith.constant 0 : i32
      %dma_start3A_1908 = tpu.memref_slice %arg4[%add3A_1906, %dma_start3A_1907] : memref<256x128xi32, #tpu.memory_space<vmem>> -> memref<1x128xi32, #tpu.memory_space<vmem>>
      %dma_start3A_1909 = tpu.memref_squeeze %dma_start3A_1908 : memref<1x128xi32, #tpu.memory_space<vmem>> -> memref<128xi32, #tpu.memory_space<vmem>>
      %dma_start3A_1910 = arith.constant 0 : i32
      %dma_start3A_1911 = tpu.memref_slice %arg7[%dma_start3A_1910] : memref<1048576xf32, #tpu.memory_space<vmem_shared>> -> memref<1048576xf32, #tpu.memory_space<vmem_shared>>
      tpu.enqueue_indirect_dma source(%arg5 : memref<128xf32, #tpu.memory_space<vmem>>) target(%dma_start3A_1911 : memref<1048576xf32, #tpu.memory_space<vmem_shared>>) offsets(%dma_start3A_1909 : memref<128xi32, #tpu.memory_space<vmem>>) semaphore(%arg9 : memref<!tpu.dma_semaphore, #tpu.memory_space<semaphore_mem>>) {add = true}
      %mul3A_1912 = arith.constant 32 : i32
      %mul3A_1913 = arith.muli %scan3A_1668, %mul3A_1912 : i32
      %add3A_1914 = arith.constant 27 : i32
      %add3A_1915 = arith.addi %mul3A_1913, %add3A_1914 : i32
      %dma_start3A_1916 = arith.constant 0 : i32
      %dma_start3A_1917 = tpu.memref_slice %arg4[%add3A_1915, %dma_start3A_1916] : memref<256x128xi32, #tpu.memory_space<vmem>> -> memref<1x128xi32, #tpu.memory_space<vmem>>
      %dma_start3A_1918 = tpu.memref_squeeze %dma_start3A_1917 : memref<1x128xi32, #tpu.memory_space<vmem>> -> memref<128xi32, #tpu.memory_space<vmem>>
      %dma_start3A_1919 = arith.constant 0 : i32
      %dma_start3A_1920 = tpu.memref_slice %arg7[%dma_start3A_1919] : memref<1048576xf32, #tpu.memory_space<vmem_shared>> -> memref<1048576xf32, #tpu.memory_space<vmem_shared>>
      tpu.enqueue_indirect_dma source(%arg5 : memref<128xf32, #tpu.memory_space<vmem>>) target(%dma_start3A_1920 : memref<1048576xf32, #tpu.memory_space<vmem_shared>>) offsets(%dma_start3A_1918 : memref<128xi32, #tpu.memory_space<vmem>>) semaphore(%arg9 : memref<!tpu.dma_semaphore, #tpu.memory_space<semaphore_mem>>) {add = true}
      %mul3A_1921 = arith.constant 32 : i32
      %mul3A_1922 = arith.muli %scan3A_1668, %mul3A_1921 : i32
      %add3A_1923 = arith.constant 28 : i32
      %add3A_1924 = arith.addi %mul3A_1922, %add3A_1923 : i32
      %dma_start3A_1925 = arith.constant 0 : i32
      %dma_start3A_1926 = tpu.memref_slice %arg4[%add3A_1924, %dma_start3A_1925] : memref<256x128xi32, #tpu.memory_space<vmem>> -> memref<1x128xi32, #tpu.memory_space<vmem>>
      %dma_start3A_1927 = tpu.memref_squeeze %dma_start3A_1926 : memref<1x128xi32, #tpu.memory_space<vmem>> -> memref<128xi32, #tpu.memory_space<vmem>>
      %dma_start3A_1928 = arith.constant 0 : i32
      %dma_start3A_1929 = tpu.memref_slice %arg7[%dma_start3A_1928] : memref<1048576xf32, #tpu.memory_space<vmem_shared>> -> memref<1048576xf32, #tpu.memory_space<vmem_shared>>
      tpu.enqueue_indirect_dma source(%arg5 : memref<128xf32, #tpu.memory_space<vmem>>) target(%dma_start3A_1929 : memref<1048576xf32, #tpu.memory_space<vmem_shared>>) offsets(%dma_start3A_1927 : memref<128xi32, #tpu.memory_space<vmem>>) semaphore(%arg9 : memref<!tpu.dma_semaphore, #tpu.memory_space<semaphore_mem>>) {add = true}
      %mul3A_1930 = arith.constant 32 : i32
      %mul3A_1931 = arith.muli %scan3A_1668, %mul3A_1930 : i32
      %add3A_1932 = arith.constant 29 : i32
      %add3A_1933 = arith.addi %mul3A_1931, %add3A_1932 : i32
      %dma_start3A_1934 = arith.constant 0 : i32
      %dma_start3A_1935 = tpu.memref_slice %arg4[%add3A_1933, %dma_start3A_1934] : memref<256x128xi32, #tpu.memory_space<vmem>> -> memref<1x128xi32, #tpu.memory_space<vmem>>
      %dma_start3A_1936 = tpu.memref_squeeze %dma_start3A_1935 : memref<1x128xi32, #tpu.memory_space<vmem>> -> memref<128xi32, #tpu.memory_space<vmem>>
      %dma_start3A_1937 = arith.constant 0 : i32
      %dma_start3A_1938 = tpu.memref_slice %arg7[%dma_start3A_1937] : memref<1048576xf32, #tpu.memory_space<vmem_shared>> -> memref<1048576xf32, #tpu.memory_space<vmem_shared>>
      tpu.enqueue_indirect_dma source(%arg5 : memref<128xf32, #tpu.memory_space<vmem>>) target(%dma_start3A_1938 : memref<1048576xf32, #tpu.memory_space<vmem_shared>>) offsets(%dma_start3A_1936 : memref<128xi32, #tpu.memory_space<vmem>>) semaphore(%arg9 : memref<!tpu.dma_semaphore, #tpu.memory_space<semaphore_mem>>) {add = true}
      %mul3A_1939 = arith.constant 32 : i32
      %mul3A_1940 = arith.muli %scan3A_1668, %mul3A_1939 : i32
      %add3A_1941 = arith.constant 30 : i32
      %add3A_1942 = arith.addi %mul3A_1940, %add3A_1941 : i32
      %dma_start3A_1943 = arith.constant 0 : i32
      %dma_start3A_1944 = tpu.memref_slice %arg4[%add3A_1942, %dma_start3A_1943] : memref<256x128xi32, #tpu.memory_space<vmem>> -> memref<1x128xi32, #tpu.memory_space<vmem>>
      %dma_start3A_1945 = tpu.memref_squeeze %dma_start3A_1944 : memref<1x128xi32, #tpu.memory_space<vmem>> -> memref<128xi32, #tpu.memory_space<vmem>>
      %dma_start3A_1946 = arith.constant 0 : i32
      %dma_start3A_1947 = tpu.memref_slice %arg7[%dma_start3A_1946] : memref<1048576xf32, #tpu.memory_space<vmem_shared>> -> memref<1048576xf32, #tpu.memory_space<vmem_shared>>
      tpu.enqueue_indirect_dma source(%arg5 : memref<128xf32, #tpu.memory_space<vmem>>) target(%dma_start3A_1947 : memref<1048576xf32, #tpu.memory_space<vmem_shared>>) offsets(%dma_start3A_1945 : memref<128xi32, #tpu.memory_space<vmem>>) semaphore(%arg9 : memref<!tpu.dma_semaphore, #tpu.memory_space<semaphore_mem>>) {add = true}
      %mul3A_1948 = arith.constant 32 : i32
      %mul3A_1949 = arith.muli %scan3A_1668, %mul3A_1948 : i32
      %add3A_1950 = arith.constant 31 : i32
      %add3A_1951 = arith.addi %mul3A_1949, %add3A_1950 : i32
      %dma_start3A_1952 = arith.constant 0 : i32
      %dma_start3A_1953 = tpu.memref_slice %arg4[%add3A_1951, %dma_start3A_1952] : memref<256x128xi32, #tpu.memory_space<vmem>> -> memref<1x128xi32, #tpu.memory_space<vmem>>
      %dma_start3A_1954 = tpu.memref_squeeze %dma_start3A_1953 : memref<1x128xi32, #tpu.memory_space<vmem>> -> memref<128xi32, #tpu.memory_space<vmem>>
      %dma_start3A_1955 = arith.constant 0 : i32
      %dma_start3A_1956 = tpu.memref_slice %arg7[%dma_start3A_1955] : memref<1048576xf32, #tpu.memory_space<vmem_shared>> -> memref<1048576xf32, #tpu.memory_space<vmem_shared>>
      tpu.enqueue_indirect_dma source(%arg5 : memref<128xf32, #tpu.memory_space<vmem>>) target(%dma_start3A_1956 : memref<1048576xf32, #tpu.memory_space<vmem_shared>>) offsets(%dma_start3A_1954 : memref<128xi32, #tpu.memory_space<vmem>>) semaphore(%arg9 : memref<!tpu.dma_semaphore, #tpu.memory_space<semaphore_mem>>) {add = true}
      %dma_wait3A_1957 = arith.constant 0 : i32
      %dma_wait3A_1958 = tpu.memref_slice %arg4[%add3A_1672, %dma_wait3A_1957] : memref<256x128xi32, #tpu.memory_space<vmem>> -> memref<1x128xi32, #tpu.memory_space<vmem>>
      %dma_wait3A_1959 = tpu.memref_squeeze %dma_wait3A_1958 : memref<1x128xi32, #tpu.memory_space<vmem>> -> memref<128xi32, #tpu.memory_space<vmem>>
      %dma_wait3A_1960 = arith.constant 0 : i32
      %dma_wait3A_1961 = tpu.memref_slice %arg7[%dma_wait3A_1960] : memref<1048576xf32, #tpu.memory_space<vmem_shared>> -> memref<1048576xf32, #tpu.memory_space<vmem_shared>>
      tpu.wait_indirect_dma semaphore(%arg9 : memref<!tpu.dma_semaphore, #tpu.memory_space<semaphore_mem>>) src(%arg5 : memref<128xf32, #tpu.memory_space<vmem>>) dst(%dma_wait3A_1961 : memref<1048576xf32, #tpu.memory_space<vmem_shared>>)
      %dma_wait3A_1962 = arith.constant 0 : i32
      %dma_wait3A_1963 = tpu.memref_slice %arg4[%add3A_1681, %dma_wait3A_1962] : memref<256x128xi32, #tpu.memory_space<vmem>> -> memref<1x128xi32, #tpu.memory_space<vmem>>
      %dma_wait3A_1964 = tpu.memref_squeeze %dma_wait3A_1963 : memref<1x128xi32, #tpu.memory_space<vmem>> -> memref<128xi32, #tpu.memory_space<vmem>>
      %dma_wait3A_1965 = arith.constant 0 : i32
      %dma_wait3A_1966 = tpu.memref_slice %arg7[%dma_wait3A_1965] : memref<1048576xf32, #tpu.memory_space<vmem_shared>> -> memref<1048576xf32, #tpu.memory_space<vmem_shared>>
      tpu.wait_indirect_dma semaphore(%arg9 : memref<!tpu.dma_semaphore, #tpu.memory_space<semaphore_mem>>) src(%arg5 : memref<128xf32, #tpu.memory_space<vmem>>) dst(%dma_wait3A_1966 : memref<1048576xf32, #tpu.memory_space<vmem_shared>>)
      %dma_wait3A_1967 = arith.constant 0 : i32
      %dma_wait3A_1968 = tpu.memref_slice %arg4[%add3A_1690, %dma_wait3A_1967] : memref<256x128xi32, #tpu.memory_space<vmem>> -> memref<1x128xi32, #tpu.memory_space<vmem>>
      %dma_wait3A_1969 = tpu.memref_squeeze %dma_wait3A_1968 : memref<1x128xi32, #tpu.memory_space<vmem>> -> memref<128xi32, #tpu.memory_space<vmem>>
      %dma_wait3A_1970 = arith.constant 0 : i32
      %dma_wait3A_1971 = tpu.memref_slice %arg7[%dma_wait3A_1970] : memref<1048576xf32, #tpu.memory_space<vmem_shared>> -> memref<1048576xf32, #tpu.memory_space<vmem_shared>>
      tpu.wait_indirect_dma semaphore(%arg9 : memref<!tpu.dma_semaphore, #tpu.memory_space<semaphore_mem>>) src(%arg5 : memref<128xf32, #tpu.memory_space<vmem>>) dst(%dma_wait3A_1971 : memref<1048576xf32, #tpu.memory_space<vmem_shared>>)
      %dma_wait3A_1972 = arith.constant 0 : i32
      %dma_wait3A_1973 = tpu.memref_slice %arg4[%add3A_1699, %dma_wait3A_1972] : memref<256x128xi32, #tpu.memory_space<vmem>> -> memref<1x128xi32, #tpu.memory_space<vmem>>
      %dma_wait3A_1974 = tpu.memref_squeeze %dma_wait3A_1973 : memref<1x128xi32, #tpu.memory_space<vmem>> -> memref<128xi32, #tpu.memory_space<vmem>>
      %dma_wait3A_1975 = arith.constant 0 : i32
      %dma_wait3A_1976 = tpu.memref_slice %arg7[%dma_wait3A_1975] : memref<1048576xf32, #tpu.memory_space<vmem_shared>> -> memref<1048576xf32, #tpu.memory_space<vmem_shared>>
      tpu.wait_indirect_dma semaphore(%arg9 : memref<!tpu.dma_semaphore, #tpu.memory_space<semaphore_mem>>) src(%arg5 : memref<128xf32, #tpu.memory_space<vmem>>) dst(%dma_wait3A_1976 : memref<1048576xf32, #tpu.memory_space<vmem_shared>>)
      %dma_wait3A_1977 = arith.constant 0 : i32
      %dma_wait3A_1978 = tpu.memref_slice %arg4[%add3A_1708, %dma_wait3A_1977] : memref<256x128xi32, #tpu.memory_space<vmem>> -> memref<1x128xi32, #tpu.memory_space<vmem>>
      %dma_wait3A_1979 = tpu.memref_squeeze %dma_wait3A_1978 : memref<1x128xi32, #tpu.memory_space<vmem>> -> memref<128xi32, #tpu.memory_space<vmem>>
      %dma_wait3A_1980 = arith.constant 0 : i32
      %dma_wait3A_1981 = tpu.memref_slice %arg7[%dma_wait3A_1980] : memref<1048576xf32, #tpu.memory_space<vmem_shared>> -> memref<1048576xf32, #tpu.memory_space<vmem_shared>>
      tpu.wait_indirect_dma semaphore(%arg9 : memref<!tpu.dma_semaphore, #tpu.memory_space<semaphore_mem>>) src(%arg5 : memref<128xf32, #tpu.memory_space<vmem>>) dst(%dma_wait3A_1981 : memref<1048576xf32, #tpu.memory_space<vmem_shared>>)
      %dma_wait3A_1982 = arith.constant 0 : i32
      %dma_wait3A_1983 = tpu.memref_slice %arg4[%add3A_1717, %dma_wait3A_1982] : memref<256x128xi32, #tpu.memory_space<vmem>> -> memref<1x128xi32, #tpu.memory_space<vmem>>
      %dma_wait3A_1984 = tpu.memref_squeeze %dma_wait3A_1983 : memref<1x128xi32, #tpu.memory_space<vmem>> -> memref<128xi32, #tpu.memory_space<vmem>>
      %dma_wait3A_1985 = arith.constant 0 : i32
      %dma_wait3A_1986 = tpu.memref_slice %arg7[%dma_wait3A_1985] : memref<1048576xf32, #tpu.memory_space<vmem_shared>> -> memref<1048576xf32, #tpu.memory_space<vmem_shared>>
      tpu.wait_indirect_dma semaphore(%arg9 : memref<!tpu.dma_semaphore, #tpu.memory_space<semaphore_mem>>) src(%arg5 : memref<128xf32, #tpu.memory_space<vmem>>) dst(%dma_wait3A_1986 : memref<1048576xf32, #tpu.memory_space<vmem_shared>>)
      %dma_wait3A_1987 = arith.constant 0 : i32
      %dma_wait3A_1988 = tpu.memref_slice %arg4[%add3A_1726, %dma_wait3A_1987] : memref<256x128xi32, #tpu.memory_space<vmem>> -> memref<1x128xi32, #tpu.memory_space<vmem>>
      %dma_wait3A_1989 = tpu.memref_squeeze %dma_wait3A_1988 : memref<1x128xi32, #tpu.memory_space<vmem>> -> memref<128xi32, #tpu.memory_space<vmem>>
      %dma_wait3A_1990 = arith.constant 0 : i32
      %dma_wait3A_1991 = tpu.memref_slice %arg7[%dma_wait3A_1990] : memref<1048576xf32, #tpu.memory_space<vmem_shared>> -> memref<1048576xf32, #tpu.memory_space<vmem_shared>>
      tpu.wait_indirect_dma semaphore(%arg9 : memref<!tpu.dma_semaphore, #tpu.memory_space<semaphore_mem>>) src(%arg5 : memref<128xf32, #tpu.memory_space<vmem>>) dst(%dma_wait3A_1991 : memref<1048576xf32, #tpu.memory_space<vmem_shared>>)
      %dma_wait3A_1992 = arith.constant 0 : i32
      %dma_wait3A_1993 = tpu.memref_slice %arg4[%add3A_1735, %dma_wait3A_1992] : memref<256x128xi32, #tpu.memory_space<vmem>> -> memref<1x128xi32, #tpu.memory_space<vmem>>
      %dma_wait3A_1994 = tpu.memref_squeeze %dma_wait3A_1993 : memref<1x128xi32, #tpu.memory_space<vmem>> -> memref<128xi32, #tpu.memory_space<vmem>>
      %dma_wait3A_1995 = arith.constant 0 : i32
      %dma_wait3A_1996 = tpu.memref_slice %arg7[%dma_wait3A_1995] : memref<1048576xf32, #tpu.memory_space<vmem_shared>> -> memref<1048576xf32, #tpu.memory_space<vmem_shared>>
      tpu.wait_indirect_dma semaphore(%arg9 : memref<!tpu.dma_semaphore, #tpu.memory_space<semaphore_mem>>) src(%arg5 : memref<128xf32, #tpu.memory_space<vmem>>) dst(%dma_wait3A_1996 : memref<1048576xf32, #tpu.memory_space<vmem_shared>>)
      %dma_wait3A_1997 = arith.constant 0 : i32
      %dma_wait3A_1998 = tpu.memref_slice %arg4[%add3A_1744, %dma_wait3A_1997] : memref<256x128xi32, #tpu.memory_space<vmem>> -> memref<1x128xi32, #tpu.memory_space<vmem>>
      %dma_wait3A_1999 = tpu.memref_squeeze %dma_wait3A_1998 : memref<1x128xi32, #tpu.memory_space<vmem>> -> memref<128xi32, #tpu.memory_space<vmem>>
      %dma_wait3A_2000 = arith.constant 0 : i32
      %dma_wait3A_2001 = tpu.memref_slice %arg7[%dma_wait3A_2000] : memref<1048576xf32, #tpu.memory_space<vmem_shared>> -> memref<1048576xf32, #tpu.memory_space<vmem_shared>>
      tpu.wait_indirect_dma semaphore(%arg9 : memref<!tpu.dma_semaphore, #tpu.memory_space<semaphore_mem>>) src(%arg5 : memref<128xf32, #tpu.memory_space<vmem>>) dst(%dma_wait3A_2001 : memref<1048576xf32, #tpu.memory_space<vmem_shared>>)
      %dma_wait3A_2002 = arith.constant 0 : i32
      %dma_wait3A_2003 = tpu.memref_slice %arg4[%add3A_1753, %dma_wait3A_2002] : memref<256x128xi32, #tpu.memory_space<vmem>> -> memref<1x128xi32, #tpu.memory_space<vmem>>
      %dma_wait3A_2004 = tpu.memref_squeeze %dma_wait3A_2003 : memref<1x128xi32, #tpu.memory_space<vmem>> -> memref<128xi32, #tpu.memory_space<vmem>>
      %dma_wait3A_2005 = arith.constant 0 : i32
      %dma_wait3A_2006 = tpu.memref_slice %arg7[%dma_wait3A_2005] : memref<1048576xf32, #tpu.memory_space<vmem_shared>> -> memref<1048576xf32, #tpu.memory_space<vmem_shared>>
      tpu.wait_indirect_dma semaphore(%arg9 : memref<!tpu.dma_semaphore, #tpu.memory_space<semaphore_mem>>) src(%arg5 : memref<128xf32, #tpu.memory_space<vmem>>) dst(%dma_wait3A_2006 : memref<1048576xf32, #tpu.memory_space<vmem_shared>>)
      %dma_wait3A_2007 = arith.constant 0 : i32
      %dma_wait3A_2008 = tpu.memref_slice %arg4[%add3A_1762, %dma_wait3A_2007] : memref<256x128xi32, #tpu.memory_space<vmem>> -> memref<1x128xi32, #tpu.memory_space<vmem>>
      %dma_wait3A_2009 = tpu.memref_squeeze %dma_wait3A_2008 : memref<1x128xi32, #tpu.memory_space<vmem>> -> memref<128xi32, #tpu.memory_space<vmem>>
      %dma_wait3A_2010 = arith.constant 0 : i32
      %dma_wait3A_2011 = tpu.memref_slice %arg7[%dma_wait3A_2010] : memref<1048576xf32, #tpu.memory_space<vmem_shared>> -> memref<1048576xf32, #tpu.memory_space<vmem_shared>>
      tpu.wait_indirect_dma semaphore(%arg9 : memref<!tpu.dma_semaphore, #tpu.memory_space<semaphore_mem>>) src(%arg5 : memref<128xf32, #tpu.memory_space<vmem>>) dst(%dma_wait3A_2011 : memref<1048576xf32, #tpu.memory_space<vmem_shared>>)
      %dma_wait3A_2012 = arith.constant 0 : i32
      %dma_wait3A_2013 = tpu.memref_slice %arg4[%add3A_1771, %dma_wait3A_2012] : memref<256x128xi32, #tpu.memory_space<vmem>> -> memref<1x128xi32, #tpu.memory_space<vmem>>
      %dma_wait3A_2014 = tpu.memref_squeeze %dma_wait3A_2013 : memref<1x128xi32, #tpu.memory_space<vmem>> -> memref<128xi32, #tpu.memory_space<vmem>>
      %dma_wait3A_2015 = arith.constant 0 : i32
      %dma_wait3A_2016 = tpu.memref_slice %arg7[%dma_wait3A_2015] : memref<1048576xf32, #tpu.memory_space<vmem_shared>> -> memref<1048576xf32, #tpu.memory_space<vmem_shared>>
      tpu.wait_indirect_dma semaphore(%arg9 : memref<!tpu.dma_semaphore, #tpu.memory_space<semaphore_mem>>) src(%arg5 : memref<128xf32, #tpu.memory_space<vmem>>) dst(%dma_wait3A_2016 : memref<1048576xf32, #tpu.memory_space<vmem_shared>>)
      %dma_wait3A_2017 = arith.constant 0 : i32
      %dma_wait3A_2018 = tpu.memref_slice %arg4[%add3A_1780, %dma_wait3A_2017] : memref<256x128xi32, #tpu.memory_space<vmem>> -> memref<1x128xi32, #tpu.memory_space<vmem>>
      %dma_wait3A_2019 = tpu.memref_squeeze %dma_wait3A_2018 : memref<1x128xi32, #tpu.memory_space<vmem>> -> memref<128xi32, #tpu.memory_space<vmem>>
      %dma_wait3A_2020 = arith.constant 0 : i32
      %dma_wait3A_2021 = tpu.memref_slice %arg7[%dma_wait3A_2020] : memref<1048576xf32, #tpu.memory_space<vmem_shared>> -> memref<1048576xf32, #tpu.memory_space<vmem_shared>>
      tpu.wait_indirect_dma semaphore(%arg9 : memref<!tpu.dma_semaphore, #tpu.memory_space<semaphore_mem>>) src(%arg5 : memref<128xf32, #tpu.memory_space<vmem>>) dst(%dma_wait3A_2021 : memref<1048576xf32, #tpu.memory_space<vmem_shared>>)
      %dma_wait3A_2022 = arith.constant 0 : i32
      %dma_wait3A_2023 = tpu.memref_slice %arg4[%add3A_1789, %dma_wait3A_2022] : memref<256x128xi32, #tpu.memory_space<vmem>> -> memref<1x128xi32, #tpu.memory_space<vmem>>
      %dma_wait3A_2024 = tpu.memref_squeeze %dma_wait3A_2023 : memref<1x128xi32, #tpu.memory_space<vmem>> -> memref<128xi32, #tpu.memory_space<vmem>>
      %dma_wait3A_2025 = arith.constant 0 : i32
      %dma_wait3A_2026 = tpu.memref_slice %arg7[%dma_wait3A_2025] : memref<1048576xf32, #tpu.memory_space<vmem_shared>> -> memref<1048576xf32, #tpu.memory_space<vmem_shared>>
      tpu.wait_indirect_dma semaphore(%arg9 : memref<!tpu.dma_semaphore, #tpu.memory_space<semaphore_mem>>) src(%arg5 : memref<128xf32, #tpu.memory_space<vmem>>) dst(%dma_wait3A_2026 : memref<1048576xf32, #tpu.memory_space<vmem_shared>>)
      %dma_wait3A_2027 = arith.constant 0 : i32
      %dma_wait3A_2028 = tpu.memref_slice %arg4[%add3A_1798, %dma_wait3A_2027] : memref<256x128xi32, #tpu.memory_space<vmem>> -> memref<1x128xi32, #tpu.memory_space<vmem>>
      %dma_wait3A_2029 = tpu.memref_squeeze %dma_wait3A_2028 : memref<1x128xi32, #tpu.memory_space<vmem>> -> memref<128xi32, #tpu.memory_space<vmem>>
      %dma_wait3A_2030 = arith.constant 0 : i32
      %dma_wait3A_2031 = tpu.memref_slice %arg7[%dma_wait3A_2030] : memref<1048576xf32, #tpu.memory_space<vmem_shared>> -> memref<1048576xf32, #tpu.memory_space<vmem_shared>>
      tpu.wait_indirect_dma semaphore(%arg9 : memref<!tpu.dma_semaphore, #tpu.memory_space<semaphore_mem>>) src(%arg5 : memref<128xf32, #tpu.memory_space<vmem>>) dst(%dma_wait3A_2031 : memref<1048576xf32, #tpu.memory_space<vmem_shared>>)
      %dma_wait3A_2032 = arith.constant 0 : i32
      %dma_wait3A_2033 = tpu.memref_slice %arg4[%add3A_1807, %dma_wait3A_2032] : memref<256x128xi32, #tpu.memory_space<vmem>> -> memref<1x128xi32, #tpu.memory_space<vmem>>
      %dma_wait3A_2034 = tpu.memref_squeeze %dma_wait3A_2033 : memref<1x128xi32, #tpu.memory_space<vmem>> -> memref<128xi32, #tpu.memory_space<vmem>>
      %dma_wait3A_2035 = arith.constant 0 : i32
      %dma_wait3A_2036 = tpu.memref_slice %arg7[%dma_wait3A_2035] : memref<1048576xf32, #tpu.memory_space<vmem_shared>> -> memref<1048576xf32, #tpu.memory_space<vmem_shared>>
      tpu.wait_indirect_dma semaphore(%arg9 : memref<!tpu.dma_semaphore, #tpu.memory_space<semaphore_mem>>) src(%arg5 : memref<128xf32, #tpu.memory_space<vmem>>) dst(%dma_wait3A_2036 : memref<1048576xf32, #tpu.memory_space<vmem_shared>>)
      %dma_wait3A_2037 = arith.constant 0 : i32
      %dma_wait3A_2038 = tpu.memref_slice %arg4[%add3A_1816, %dma_wait3A_2037] : memref<256x128xi32, #tpu.memory_space<vmem>> -> memref<1x128xi32, #tpu.memory_space<vmem>>
      %dma_wait3A_2039 = tpu.memref_squeeze %dma_wait3A_2038 : memref<1x128xi32, #tpu.memory_space<vmem>> -> memref<128xi32, #tpu.memory_space<vmem>>
      %dma_wait3A_2040 = arith.constant 0 : i32
      %dma_wait3A_2041 = tpu.memref_slice %arg7[%dma_wait3A_2040] : memref<1048576xf32, #tpu.memory_space<vmem_shared>> -> memref<1048576xf32, #tpu.memory_space<vmem_shared>>
      tpu.wait_indirect_dma semaphore(%arg9 : memref<!tpu.dma_semaphore, #tpu.memory_space<semaphore_mem>>) src(%arg5 : memref<128xf32, #tpu.memory_space<vmem>>) dst(%dma_wait3A_2041 : memref<1048576xf32, #tpu.memory_space<vmem_shared>>)
      %dma_wait3A_2042 = arith.constant 0 : i32
      %dma_wait3A_2043 = tpu.memref_slice %arg4[%add3A_1825, %dma_wait3A_2042] : memref<256x128xi32, #tpu.memory_space<vmem>> -> memref<1x128xi32, #tpu.memory_space<vmem>>
      %dma_wait3A_2044 = tpu.memref_squeeze %dma_wait3A_2043 : memref<1x128xi32, #tpu.memory_space<vmem>> -> memref<128xi32, #tpu.memory_space<vmem>>
      %dma_wait3A_2045 = arith.constant 0 : i32
      %dma_wait3A_2046 = tpu.memref_slice %arg7[%dma_wait3A_2045] : memref<1048576xf32, #tpu.memory_space<vmem_shared>> -> memref<1048576xf32, #tpu.memory_space<vmem_shared>>
      tpu.wait_indirect_dma semaphore(%arg9 : memref<!tpu.dma_semaphore, #tpu.memory_space<semaphore_mem>>) src(%arg5 : memref<128xf32, #tpu.memory_space<vmem>>) dst(%dma_wait3A_2046 : memref<1048576xf32, #tpu.memory_space<vmem_shared>>)
      %dma_wait3A_2047 = arith.constant 0 : i32
      %dma_wait3A_2048 = tpu.memref_slice %arg4[%add3A_1834, %dma_wait3A_2047] : memref<256x128xi32, #tpu.memory_space<vmem>> -> memref<1x128xi32, #tpu.memory_space<vmem>>
      %dma_wait3A_2049 = tpu.memref_squeeze %dma_wait3A_2048 : memref<1x128xi32, #tpu.memory_space<vmem>> -> memref<128xi32, #tpu.memory_space<vmem>>
      %dma_wait3A_2050 = arith.constant 0 : i32
      %dma_wait3A_2051 = tpu.memref_slice %arg7[%dma_wait3A_2050] : memref<1048576xf32, #tpu.memory_space<vmem_shared>> -> memref<1048576xf32, #tpu.memory_space<vmem_shared>>
      tpu.wait_indirect_dma semaphore(%arg9 : memref<!tpu.dma_semaphore, #tpu.memory_space<semaphore_mem>>) src(%arg5 : memref<128xf32, #tpu.memory_space<vmem>>) dst(%dma_wait3A_2051 : memref<1048576xf32, #tpu.memory_space<vmem_shared>>)
      %dma_wait3A_2052 = arith.constant 0 : i32
      %dma_wait3A_2053 = tpu.memref_slice %arg4[%add3A_1843, %dma_wait3A_2052] : memref<256x128xi32, #tpu.memory_space<vmem>> -> memref<1x128xi32, #tpu.memory_space<vmem>>
      %dma_wait3A_2054 = tpu.memref_squeeze %dma_wait3A_2053 : memref<1x128xi32, #tpu.memory_space<vmem>> -> memref<128xi32, #tpu.memory_space<vmem>>
      %dma_wait3A_2055 = arith.constant 0 : i32
      %dma_wait3A_2056 = tpu.memref_slice %arg7[%dma_wait3A_2055] : memref<1048576xf32, #tpu.memory_space<vmem_shared>> -> memref<1048576xf32, #tpu.memory_space<vmem_shared>>
      tpu.wait_indirect_dma semaphore(%arg9 : memref<!tpu.dma_semaphore, #tpu.memory_space<semaphore_mem>>) src(%arg5 : memref<128xf32, #tpu.memory_space<vmem>>) dst(%dma_wait3A_2056 : memref<1048576xf32, #tpu.memory_space<vmem_shared>>)
      %dma_wait3A_2057 = arith.constant 0 : i32
      %dma_wait3A_2058 = tpu.memref_slice %arg4[%add3A_1852, %dma_wait3A_2057] : memref<256x128xi32, #tpu.memory_space<vmem>> -> memref<1x128xi32, #tpu.memory_space<vmem>>
      %dma_wait3A_2059 = tpu.memref_squeeze %dma_wait3A_2058 : memref<1x128xi32, #tpu.memory_space<vmem>> -> memref<128xi32, #tpu.memory_space<vmem>>
      %dma_wait3A_2060 = arith.constant 0 : i32
      %dma_wait3A_2061 = tpu.memref_slice %arg7[%dma_wait3A_2060] : memref<1048576xf32, #tpu.memory_space<vmem_shared>> -> memref<1048576xf32, #tpu.memory_space<vmem_shared>>
      tpu.wait_indirect_dma semaphore(%arg9 : memref<!tpu.dma_semaphore, #tpu.memory_space<semaphore_mem>>) src(%arg5 : memref<128xf32, #tpu.memory_space<vmem>>) dst(%dma_wait3A_2061 : memref<1048576xf32, #tpu.memory_space<vmem_shared>>)
      %dma_wait3A_2062 = arith.constant 0 : i32
      %dma_wait3A_2063 = tpu.memref_slice %arg4[%add3A_1861, %dma_wait3A_2062] : memref<256x128xi32, #tpu.memory_space<vmem>> -> memref<1x128xi32, #tpu.memory_space<vmem>>
      %dma_wait3A_2064 = tpu.memref_squeeze %dma_wait3A_2063 : memref<1x128xi32, #tpu.memory_space<vmem>> -> memref<128xi32, #tpu.memory_space<vmem>>
      %dma_wait3A_2065 = arith.constant 0 : i32
      %dma_wait3A_2066 = tpu.memref_slice %arg7[%dma_wait3A_2065] : memref<1048576xf32, #tpu.memory_space<vmem_shared>> -> memref<1048576xf32, #tpu.memory_space<vmem_shared>>
      tpu.wait_indirect_dma semaphore(%arg9 : memref<!tpu.dma_semaphore, #tpu.memory_space<semaphore_mem>>) src(%arg5 : memref<128xf32, #tpu.memory_space<vmem>>) dst(%dma_wait3A_2066 : memref<1048576xf32, #tpu.memory_space<vmem_shared>>)
      %dma_wait3A_2067 = arith.constant 0 : i32
      %dma_wait3A_2068 = tpu.memref_slice %arg4[%add3A_1870, %dma_wait3A_2067] : memref<256x128xi32, #tpu.memory_space<vmem>> -> memref<1x128xi32, #tpu.memory_space<vmem>>
      %dma_wait3A_2069 = tpu.memref_squeeze %dma_wait3A_2068 : memref<1x128xi32, #tpu.memory_space<vmem>> -> memref<128xi32, #tpu.memory_space<vmem>>
      %dma_wait3A_2070 = arith.constant 0 : i32
      %dma_wait3A_2071 = tpu.memref_slice %arg7[%dma_wait3A_2070] : memref<1048576xf32, #tpu.memory_space<vmem_shared>> -> memref<1048576xf32, #tpu.memory_space<vmem_shared>>
      tpu.wait_indirect_dma semaphore(%arg9 : memref<!tpu.dma_semaphore, #tpu.memory_space<semaphore_mem>>) src(%arg5 : memref<128xf32, #tpu.memory_space<vmem>>) dst(%dma_wait3A_2071 : memref<1048576xf32, #tpu.memory_space<vmem_shared>>)
      %dma_wait3A_2072 = arith.constant 0 : i32
      %dma_wait3A_2073 = tpu.memref_slice %arg4[%add3A_1879, %dma_wait3A_2072] : memref<256x128xi32, #tpu.memory_space<vmem>> -> memref<1x128xi32, #tpu.memory_space<vmem>>
      %dma_wait3A_2074 = tpu.memref_squeeze %dma_wait3A_2073 : memref<1x128xi32, #tpu.memory_space<vmem>> -> memref<128xi32, #tpu.memory_space<vmem>>
      %dma_wait3A_2075 = arith.constant 0 : i32
      %dma_wait3A_2076 = tpu.memref_slice %arg7[%dma_wait3A_2075] : memref<1048576xf32, #tpu.memory_space<vmem_shared>> -> memref<1048576xf32, #tpu.memory_space<vmem_shared>>
      tpu.wait_indirect_dma semaphore(%arg9 : memref<!tpu.dma_semaphore, #tpu.memory_space<semaphore_mem>>) src(%arg5 : memref<128xf32, #tpu.memory_space<vmem>>) dst(%dma_wait3A_2076 : memref<1048576xf32, #tpu.memory_space<vmem_shared>>)
      %dma_wait3A_2077 = arith.constant 0 : i32
      %dma_wait3A_2078 = tpu.memref_slice %arg4[%add3A_1888, %dma_wait3A_2077] : memref<256x128xi32, #tpu.memory_space<vmem>> -> memref<1x128xi32, #tpu.memory_space<vmem>>
      %dma_wait3A_2079 = tpu.memref_squeeze %dma_wait3A_2078 : memref<1x128xi32, #tpu.memory_space<vmem>> -> memref<128xi32, #tpu.memory_space<vmem>>
      %dma_wait3A_2080 = arith.constant 0 : i32
      %dma_wait3A_2081 = tpu.memref_slice %arg7[%dma_wait3A_2080] : memref<1048576xf32, #tpu.memory_space<vmem_shared>> -> memref<1048576xf32, #tpu.memory_space<vmem_shared>>
      tpu.wait_indirect_dma semaphore(%arg9 : memref<!tpu.dma_semaphore, #tpu.memory_space<semaphore_mem>>) src(%arg5 : memref<128xf32, #tpu.memory_space<vmem>>) dst(%dma_wait3A_2081 : memref<1048576xf32, #tpu.memory_space<vmem_shared>>)
      %dma_wait3A_2082 = arith.constant 0 : i32
      %dma_wait3A_2083 = tpu.memref_slice %arg4[%add3A_1897, %dma_wait3A_2082] : memref<256x128xi32, #tpu.memory_space<vmem>> -> memref<1x128xi32, #tpu.memory_space<vmem>>
      %dma_wait3A_2084 = tpu.memref_squeeze %dma_wait3A_2083 : memref<1x128xi32, #tpu.memory_space<vmem>> -> memref<128xi32, #tpu.memory_space<vmem>>
      %dma_wait3A_2085 = arith.constant 0 : i32
      %dma_wait3A_2086 = tpu.memref_slice %arg7[%dma_wait3A_2085] : memref<1048576xf32, #tpu.memory_space<vmem_shared>> -> memref<1048576xf32, #tpu.memory_space<vmem_shared>>
      tpu.wait_indirect_dma semaphore(%arg9 : memref<!tpu.dma_semaphore, #tpu.memory_space<semaphore_mem>>) src(%arg5 : memref<128xf32, #tpu.memory_space<vmem>>) dst(%dma_wait3A_2086 : memref<1048576xf32, #tpu.memory_space<vmem_shared>>)
      %dma_wait3A_2087 = arith.constant 0 : i32
      %dma_wait3A_2088 = tpu.memref_slice %arg4[%add3A_1906, %dma_wait3A_2087] : memref<256x128xi32, #tpu.memory_space<vmem>> -> memref<1x128xi32, #tpu.memory_space<vmem>>
      %dma_wait3A_2089 = tpu.memref_squeeze %dma_wait3A_2088 : memref<1x128xi32, #tpu.memory_space<vmem>> -> memref<128xi32, #tpu.memory_space<vmem>>
      %dma_wait3A_2090 = arith.constant 0 : i32
      %dma_wait3A_2091 = tpu.memref_slice %arg7[%dma_wait3A_2090] : memref<1048576xf32, #tpu.memory_space<vmem_shared>> -> memref<1048576xf32, #tpu.memory_space<vmem_shared>>
      tpu.wait_indirect_dma semaphore(%arg9 : memref<!tpu.dma_semaphore, #tpu.memory_space<semaphore_mem>>) src(%arg5 : memref<128xf32, #tpu.memory_space<vmem>>) dst(%dma_wait3A_2091 : memref<1048576xf32, #tpu.memory_space<vmem_shared>>)
      %dma_wait3A_2092 = arith.constant 0 : i32
      %dma_wait3A_2093 = tpu.memref_slice %arg4[%add3A_1915, %dma_wait3A_2092] : memref<256x128xi32, #tpu.memory_space<vmem>> -> memref<1x128xi32, #tpu.memory_space<vmem>>
      %dma_wait3A_2094 = tpu.memref_squeeze %dma_wait3A_2093 : memref<1x128xi32, #tpu.memory_space<vmem>> -> memref<128xi32, #tpu.memory_space<vmem>>
      %dma_wait3A_2095 = arith.constant 0 : i32
      %dma_wait3A_2096 = tpu.memref_slice %arg7[%dma_wait3A_2095] : memref<1048576xf32, #tpu.memory_space<vmem_shared>> -> memref<1048576xf32, #tpu.memory_space<vmem_shared>>
      tpu.wait_indirect_dma semaphore(%arg9 : memref<!tpu.dma_semaphore, #tpu.memory_space<semaphore_mem>>) src(%arg5 : memref<128xf32, #tpu.memory_space<vmem>>) dst(%dma_wait3A_2096 : memref<1048576xf32, #tpu.memory_space<vmem_shared>>)
      %dma_wait3A_2097 = arith.constant 0 : i32
      %dma_wait3A_2098 = tpu.memref_slice %arg4[%add3A_1924, %dma_wait3A_2097] : memref<256x128xi32, #tpu.memory_space<vmem>> -> memref<1x128xi32, #tpu.memory_space<vmem>>
      %dma_wait3A_2099 = tpu.memref_squeeze %dma_wait3A_2098 : memref<1x128xi32, #tpu.memory_space<vmem>> -> memref<128xi32, #tpu.memory_space<vmem>>
      %dma_wait3A_2100 = arith.constant 0 : i32
      %dma_wait3A_2101 = tpu.memref_slice %arg7[%dma_wait3A_2100] : memref<1048576xf32, #tpu.memory_space<vmem_shared>> -> memref<1048576xf32, #tpu.memory_space<vmem_shared>>
      tpu.wait_indirect_dma semaphore(%arg9 : memref<!tpu.dma_semaphore, #tpu.memory_space<semaphore_mem>>) src(%arg5 : memref<128xf32, #tpu.memory_space<vmem>>) dst(%dma_wait3A_2101 : memref<1048576xf32, #tpu.memory_space<vmem_shared>>)
      %dma_wait3A_2102 = arith.constant 0 : i32
      %dma_wait3A_2103 = tpu.memref_slice %arg4[%add3A_1933, %dma_wait3A_2102] : memref<256x128xi32, #tpu.memory_space<vmem>> -> memref<1x128xi32, #tpu.memory_space<vmem>>
      %dma_wait3A_2104 = tpu.memref_squeeze %dma_wait3A_2103 : memref<1x128xi32, #tpu.memory_space<vmem>> -> memref<128xi32, #tpu.memory_space<vmem>>
      %dma_wait3A_2105 = arith.constant 0 : i32
      %dma_wait3A_2106 = tpu.memref_slice %arg7[%dma_wait3A_2105] : memref<1048576xf32, #tpu.memory_space<vmem_shared>> -> memref<1048576xf32, #tpu.memory_space<vmem_shared>>
      tpu.wait_indirect_dma semaphore(%arg9 : memref<!tpu.dma_semaphore, #tpu.memory_space<semaphore_mem>>) src(%arg5 : memref<128xf32, #tpu.memory_space<vmem>>) dst(%dma_wait3A_2106 : memref<1048576xf32, #tpu.memory_space<vmem_shared>>)
      %dma_wait3A_2107 = arith.constant 0 : i32
      %dma_wait3A_2108 = tpu.memref_slice %arg4[%add3A_1942, %dma_wait3A_2107] : memref<256x128xi32, #tpu.memory_space<vmem>> -> memref<1x128xi32, #tpu.memory_space<vmem>>
      %dma_wait3A_2109 = tpu.memref_squeeze %dma_wait3A_2108 : memref<1x128xi32, #tpu.memory_space<vmem>> -> memref<128xi32, #tpu.memory_space<vmem>>
      %dma_wait3A_2110 = arith.constant 0 : i32
      %dma_wait3A_2111 = tpu.memref_slice %arg7[%dma_wait3A_2110] : memref<1048576xf32, #tpu.memory_space<vmem_shared>> -> memref<1048576xf32, #tpu.memory_space<vmem_shared>>
      tpu.wait_indirect_dma semaphore(%arg9 : memref<!tpu.dma_semaphore, #tpu.memory_space<semaphore_mem>>) src(%arg5 : memref<128xf32, #tpu.memory_space<vmem>>) dst(%dma_wait3A_2111 : memref<1048576xf32, #tpu.memory_space<vmem_shared>>)
      %dma_wait3A_2112 = arith.constant 0 : i32
      %dma_wait3A_2113 = tpu.memref_slice %arg4[%add3A_1951, %dma_wait3A_2112] : memref<256x128xi32, #tpu.memory_space<vmem>> -> memref<1x128xi32, #tpu.memory_space<vmem>>
      %dma_wait3A_2114 = tpu.memref_squeeze %dma_wait3A_2113 : memref<1x128xi32, #tpu.memory_space<vmem>> -> memref<128xi32, #tpu.memory_space<vmem>>
      %dma_wait3A_2115 = arith.constant 0 : i32
      %dma_wait3A_2116 = tpu.memref_slice %arg7[%dma_wait3A_2115] : memref<1048576xf32, #tpu.memory_space<vmem_shared>> -> memref<1048576xf32, #tpu.memory_space<vmem_shared>>
      tpu.wait_indirect_dma semaphore(%arg9 : memref<!tpu.dma_semaphore, #tpu.memory_space<semaphore_mem>>) src(%arg5 : memref<128xf32, #tpu.memory_space<vmem>>) dst(%dma_wait3A_2116 : memref<1048576xf32, #tpu.memory_space<vmem_shared>>)
    }
    %scan3A_1659 = arith.constant 8 : i32
    %barrier3A_1660 = arith.constant 0 : index
    tpu.barrier barrier_id(%barrier3A_1660)
    %mul3A_1661 = arith.constant 65536 : i32
    %mul3A_1662 = arith.muli %arg1, %mul3A_1661 : i32
    %mul3A_1663 = arith.constant 1048576 : i32
    %mul3A_1664 = arith.muli %arg0, %mul3A_1663 : i32
    %mul3A_1665 = arith.constant 65536 : i32
    %mul3A_1666 = arith.muli %arg1, %mul3A_1665 : i32
    %add3A_1667 = arith.addi %mul3A_1664, %mul3A_1666 : i32
    "tpu.region"() ({
      %run_scoped3A = tpu.sem_alloc : memref<!tpu.dma_semaphore, #tpu.memory_space<semaphore_mem>>
      %dma_start3A_1668 = tpu.memref_slice %arg3[%add3A_1667] : memref<2097152xf32, #tpu.memory_space<hbm>> -> memref<65536xf32, #tpu.memory_space<hbm>>
      %dma_start3A_1669 = tpu.memref_slice %arg7[%mul3A_1662] : memref<1048576xf32, #tpu.memory_space<vmem_shared>> -> memref<65536xf32, #tpu.memory_space<vmem_shared>>
      tpu.enqueue_dma source(%dma_start3A_1669 : memref<65536xf32, #tpu.memory_space<vmem_shared>>) target(%dma_start3A_1668 : memref<65536xf32, #tpu.memory_space<hbm>>) target_semaphore(%run_scoped3A : memref<!tpu.dma_semaphore, #tpu.memory_space<semaphore_mem>>)
      %dma_wait3A_1670 = tpu.memref_slice %arg3[%add3A_1667] : memref<2097152xf32, #tpu.memory_space<hbm>> -> memref<65536xf32, #tpu.memory_space<hbm>>
      %dma_wait3A_1671 = tpu.memref_slice %arg7[%mul3A_1662] : memref<1048576xf32, #tpu.memory_space<vmem_shared>> -> memref<65536xf32, #tpu.memory_space<vmem_shared>>
      tpu.wait_dma2 semaphore(%run_scoped3A : memref<!tpu.dma_semaphore, #tpu.memory_space<semaphore_mem>>) src(%dma_wait3A_1671 : memref<65536xf32, #tpu.memory_space<vmem_shared>>) dst(%dma_wait3A_1670 : memref<65536xf32, #tpu.memory_space<hbm>>)
      tpu.yield
    }) : () -> ()
    return
  }
}

module attributes {stable_mosaic.version = 14 : i64} {
  func.func @_dense_a(%arg0: i32, %arg1: memref<1024x128xf32, #tpu.memory_space<vmem>>, %arg2: memref<1024x128xf32, #tpu.memory_space<vmem>>, %arg3: memref<1024x128xf32, #tpu.memory_space<vmem>>, %arg4: memref<1024x128xf32, #tpu.memory_space<vmem>>, %arg5: memref<512x128xf32, #tpu.memory_space<vmem>>, %arg6: memref<1024x128xbf16, #tpu.memory_space<vmem>>) attributes {dimension_semantics = [#tpu.dimension_semantics<arbitrary>], iteration_bounds = array<i64: 16>, scalar_prefetch = 0 : i64, scratch_operands = 0 : i64, tpu.core_type = #tpu.core_type<tc>, window_params = [{transform_indices = @transform_0, window_bounds = array<i64: 1024, 128>}, {transform_indices = @transform_1, window_bounds = array<i64: 1024, 128>}, {transform_indices = @transform_2, window_bounds = array<i64: 1024, 128>}, {transform_indices = @transform_3, window_bounds = array<i64: 1024, 128>}, {transform_indices = @transform_4, window_bounds = array<i64: 512, 128>}, {transform_indices = @transform_5, window_bounds = array<i64: 1024, 128>}]} {
    %get3A = arith.constant 0 : index
    %get3A_0 = arith.constant 0 : index
    %get3A_1 = vector.load %arg5[%get3A, %get3A_0] : memref<512x128xf32, #tpu.memory_space<vmem>>, vector<512x128xf32>
    %mul3A = arith.constant 0.159154937 : f32
    %mul3A_2 = vector.broadcast %mul3A : f32 to vector<512x128xf32>
    %mul3A_3 = arith.mulf %get3A_1, %mul3A_2 : vector<512x128xf32>
    %round3A = math.roundeven %mul3A_3 : vector<512x128xf32>
    %mul3A_4 = arith.constant 6.28318548 : f32
    %mul3A_5 = vector.broadcast %mul3A_4 : f32 to vector<512x128xf32>
    %mul3A_6 = arith.mulf %mul3A_5, %round3A : vector<512x128xf32>
    %sub3A = arith.subf %get3A_1, %mul3A_6 : vector<512x128xf32>
    %mul3A_7 = arith.mulf %sub3A, %sub3A : vector<512x128xf32>
    %mul3A_8 = arith.constant -2.0533875E-8 : f32
    %mul3A_9 = vector.broadcast %mul3A_8 : f32 to vector<512x128xf32>
    %mul3A_10 = arith.mulf %mul3A_7, %mul3A_9 : vector<512x128xf32>
    %add3A = arith.constant 2.70404257E-6 : f32
    %add3A_11 = vector.broadcast %add3A : f32 to vector<512x128xf32>
    %add3A_12 = arith.addf %add3A_11, %mul3A_10 : vector<512x128xf32>
    %mul3A_13 = arith.mulf %mul3A_7, %add3A_12 : vector<512x128xf32>
    %add3A_14 = arith.constant -1.98125679E-4 : f32
    %add3A_15 = vector.broadcast %add3A_14 : f32 to vector<512x128xf32>
    %add3A_16 = arith.addf %add3A_15, %mul3A_13 : vector<512x128xf32>
    %mul3A_17 = arith.mulf %mul3A_7, %add3A_16 : vector<512x128xf32>
    %add3A_18 = arith.constant 0.00833255798 : f32
    %add3A_19 = vector.broadcast %add3A_18 : f32 to vector<512x128xf32>
    %add3A_20 = arith.addf %add3A_19, %mul3A_17 : vector<512x128xf32>
    %mul3A_21 = arith.mulf %mul3A_7, %add3A_20 : vector<512x128xf32>
    %add3A_22 = arith.constant -0.166665778 : f32
    %add3A_23 = vector.broadcast %add3A_22 : f32 to vector<512x128xf32>
    %add3A_24 = arith.addf %add3A_23, %mul3A_21 : vector<512x128xf32>
    %mul3A_25 = arith.mulf %mul3A_7, %add3A_24 : vector<512x128xf32>
    %add3A_26 = arith.constant 0.999999701 : f32
    %add3A_27 = vector.broadcast %add3A_26 : f32 to vector<512x128xf32>
    %add3A_28 = arith.addf %add3A_27, %mul3A_25 : vector<512x128xf32>
    %mul3A_29 = arith.mulf %sub3A, %add3A_28 : vector<512x128xf32>
    %mul3A_30 = arith.constant 1.73688286E-9 : f32
    %mul3A_31 = vector.broadcast %mul3A_30 : f32 to vector<512x128xf32>
    %mul3A_32 = arith.mulf %mul3A_7, %mul3A_31 : vector<512x128xf32>
    %add3A_33 = arith.constant -2.71132933E-7 : f32
    %add3A_34 = vector.broadcast %add3A_33 : f32 to vector<512x128xf32>
    %add3A_35 = arith.addf %add3A_34, %mul3A_32 : vector<512x128xf32>
    %mul3A_36 = arith.mulf %mul3A_7, %add3A_35 : vector<512x128xf32>
    %add3A_37 = arith.constant 2.4773417E-5 : f32
    %add3A_38 = vector.broadcast %add3A_37 : f32 to vector<512x128xf32>
    %add3A_39 = arith.addf %add3A_38, %mul3A_36 : vector<512x128xf32>
    %mul3A_40 = arith.mulf %mul3A_7, %add3A_39 : vector<512x128xf32>
    %add3A_41 = arith.constant -0.00138879695 : f32
    %add3A_42 = vector.broadcast %add3A_41 : f32 to vector<512x128xf32>
    %add3A_43 = arith.addf %add3A_42, %mul3A_40 : vector<512x128xf32>
    %mul3A_44 = arith.mulf %mul3A_7, %add3A_43 : vector<512x128xf32>
    %add3A_45 = arith.constant 0.0416665226 : f32
    %add3A_46 = vector.broadcast %add3A_45 : f32 to vector<512x128xf32>
    %add3A_47 = arith.addf %add3A_46, %mul3A_44 : vector<512x128xf32>
    %mul3A_48 = arith.mulf %mul3A_7, %add3A_47 : vector<512x128xf32>
    %add3A_49 = arith.constant -0.499999911 : f32
    %add3A_50 = vector.broadcast %add3A_49 : f32 to vector<512x128xf32>
    %add3A_51 = arith.addf %add3A_50, %mul3A_48 : vector<512x128xf32>
    %mul3A_52 = arith.mulf %mul3A_7, %add3A_51 : vector<512x128xf32>
    %add3A_53 = arith.constant 1.000000e+00 : f32
    %add3A_54 = vector.broadcast %add3A_53 : f32 to vector<512x128xf32>
    %add3A_55 = arith.addf %add3A_54, %mul3A_52 : vector<512x128xf32>
    %neg3A = arith.constant 0.000000e+00 : f32
    %neg3A_56 = vector.broadcast %neg3A : f32 to vector<512x128xf32>
    %neg3A_57 = arith.subf %neg3A_56, %add3A_55 : vector<512x128xf32>
    %get3A_58 = arith.constant 0 : index
    %get3A_59 = arith.constant 0 : index
    %get3A_60 = vector.load %arg1[%get3A_58, %get3A_59] : memref<1024x128xf32, #tpu.memory_space<vmem>>, vector<1024x128xf32>
    %reshape3A = vector.shape_cast %get3A_60 : vector<1024x128xf32> to vector<512x2x128xf32>
    %slice3A = vector.extract_strided_slice %reshape3A {offsets = [0, 0, 0], sizes = [512, 1, 128], strides = [1, 1, 1]} : vector<512x2x128xf32> to vector<512x1x128xf32>
    %squeeze3A = vector.shape_cast %slice3A : vector<512x1x128xf32> to vector<512x128xf32>
    %slice3A_61 = vector.extract_strided_slice %reshape3A {offsets = [0, 1, 0], sizes = [512, 1, 128], strides = [1, 1, 1]} : vector<512x2x128xf32> to vector<512x1x128xf32>
    %squeeze3A_62 = vector.shape_cast %slice3A_61 : vector<512x1x128xf32> to vector<512x128xf32>
    %iota3A = tpu.iota {dimensions = array<i32: 1>} : vector<512x128xi32>
    %lt3A = arith.constant 7 : i32
    %lt3A_63 = arith.cmpi slt, %arg0, %lt3A : i32
    %convert_element_type3A = arith.extui %lt3A_63 : i1 to i32
    %cond3A = arith.constant 0 : i32
    %cond3A_64 = arith.cmpi ne, %convert_element_type3A, %cond3A : i32
    %cond3A_65:2 = scf.if %cond3A_64 -> (vector<512x128xf32>, vector<512x128xf32>) {
      %get3A_81 = arith.constant 0 : index
      %get3A_82 = arith.constant 0 : index
      %get3A_83 = vector.load %arg2[%get3A_81, %get3A_82] : memref<1024x128xf32, #tpu.memory_space<vmem>>, vector<1024x128xf32>
      %reshape3A_84 = vector.shape_cast %get3A_83 : vector<1024x128xf32> to vector<512x2x128xf32>
      %slice3A_85 = vector.extract_strided_slice %reshape3A_84 {offsets = [0, 0, 0], sizes = [512, 1, 128], strides = [1, 1, 1]} : vector<512x2x128xf32> to vector<512x1x128xf32>
      %squeeze3A_86 = vector.shape_cast %slice3A_85 : vector<512x1x128xf32> to vector<512x128xf32>
      %slice3A_87 = vector.extract_strided_slice %reshape3A_84 {offsets = [0, 1, 0], sizes = [512, 1, 128], strides = [1, 1, 1]} : vector<512x2x128xf32> to vector<512x1x128xf32>
      %squeeze3A_88 = vector.shape_cast %slice3A_87 : vector<512x1x128xf32> to vector<512x128xf32>
      scf.yield %squeeze3A_86, %squeeze3A_88 : vector<512x128xf32>, vector<512x128xf32>
    } else {
      %eq3A = arith.constant 7 : i32
      %eq3A_81 = arith.cmpi eq, %arg0, %eq3A : i32
      %convert_element_type3A_82 = arith.extui %eq3A_81 : i1 to i32
      %cond3A_83 = arith.constant 0 : i32
      %cond3A_84 = arith.cmpi ne, %convert_element_type3A_82, %cond3A_83 : i32
      %cond3A_85:2 = scf.if %cond3A_84 -> (vector<512x128xf32>, vector<512x128xf32>) {
        %get3A_86 = arith.constant 0 : index
        %get3A_87 = arith.constant 0 : index
        %get3A_88 = vector.load %arg2[%get3A_86, %get3A_87] : memref<1024x128xf32, #tpu.memory_space<vmem>>, vector<1024x128xf32>
        %reshape3A_89 = vector.shape_cast %get3A_88 : vector<1024x128xf32> to vector<512x2x128xf32>
        %slice3A_90 = vector.extract_strided_slice %reshape3A_89 {offsets = [0, 0, 0], sizes = [512, 1, 128], strides = [1, 1, 1]} : vector<512x2x128xf32> to vector<512x1x128xf32>
        %squeeze3A_91 = vector.shape_cast %slice3A_90 : vector<512x1x128xf32> to vector<512x128xf32>
        %slice3A_92 = vector.extract_strided_slice %reshape3A_89 {offsets = [0, 1, 0], sizes = [512, 1, 128], strides = [1, 1, 1]} : vector<512x2x128xf32> to vector<512x1x128xf32>
        %squeeze3A_93 = vector.shape_cast %slice3A_92 : vector<512x1x128xf32> to vector<512x128xf32>
        %get3A_94 = arith.constant 0 : index
        %get3A_95 = arith.constant 0 : index
        %get3A_96 = vector.load %arg3[%get3A_94, %get3A_95] : memref<1024x128xf32, #tpu.memory_space<vmem>>, vector<1024x128xf32>
        %reshape3A_97 = vector.shape_cast %get3A_96 : vector<1024x128xf32> to vector<512x2x128xf32>
        %slice3A_98 = vector.extract_strided_slice %reshape3A_97 {offsets = [0, 0, 0], sizes = [512, 1, 128], strides = [1, 1, 1]} : vector<512x2x128xf32> to vector<512x1x128xf32>
        %squeeze3A_99 = vector.shape_cast %slice3A_98 : vector<512x1x128xf32> to vector<512x128xf32>
        %slice3A_100 = vector.extract_strided_slice %reshape3A_97 {offsets = [0, 1, 0], sizes = [512, 1, 128], strides = [1, 1, 1]} : vector<512x2x128xf32> to vector<512x1x128xf32>
        %squeeze3A_101 = vector.shape_cast %slice3A_100 : vector<512x1x128xf32> to vector<512x128xf32>
        %get3A_102 = arith.constant 0 : index
        %get3A_103 = arith.constant 0 : index
        %get3A_104 = vector.load %arg4[%get3A_102, %get3A_103] : memref<1024x128xf32, #tpu.memory_space<vmem>>, vector<1024x128xf32>
        %reshape3A_105 = vector.shape_cast %get3A_104 : vector<1024x128xf32> to vector<512x2x128xf32>
        %slice3A_106 = vector.extract_strided_slice %reshape3A_105 {offsets = [0, 0, 0], sizes = [512, 1, 128], strides = [1, 1, 1]} : vector<512x2x128xf32> to vector<512x1x128xf32>
        %squeeze3A_107 = vector.shape_cast %slice3A_106 : vector<512x1x128xf32> to vector<512x128xf32>
        %slice3A_108 = vector.extract_strided_slice %reshape3A_105 {offsets = [0, 1, 0], sizes = [512, 1, 128], strides = [1, 1, 1]} : vector<512x2x128xf32> to vector<512x1x128xf32>
        %squeeze3A_109 = vector.shape_cast %slice3A_108 : vector<512x1x128xf32> to vector<512x128xf32>
        %concatenate3A = tpu.concatenate %squeeze3A_99, %squeeze3A_107 in 0 : vector<512x128xf32>, vector<512x128xf32> -> vector<1024x128xf32>
        %concatenate3A_110 = tpu.concatenate %squeeze3A_101, %squeeze3A_109 in 0 : vector<512x128xf32>, vector<512x128xf32> -> vector<1024x128xf32>
        %iota3A_111 = tpu.iota {dimensions = array<i32: 0>} : vector<512x128xi32>
        %mul3A_112 = arith.constant 512 : i32
        %mul3A_113 = arith.muli %arg0, %mul3A_112 : i32
        %add3A_114 = vector.broadcast %mul3A_113 : i32 to vector<512x128xi32>
        %add3A_115 = arith.addi %add3A_114, %iota3A_111 : vector<512x128xi32>
        %mul3A_116 = arith.constant 128 : i32
        %mul3A_117 = vector.broadcast %mul3A_116 : i32 to vector<512x128xi32>
        %mul3A_118 = arith.muli %add3A_115, %mul3A_117 : vector<512x128xi32>
        %add3A_119 = arith.addi %mul3A_118, %iota3A : vector<512x128xi32>
        %ge3A = arith.constant 500000 : i32
        %ge3A_120 = vector.broadcast %ge3A : i32 to vector<512x128xi32>
        %ge3A_121 = arith.cmpi sge, %add3A_119, %ge3A_120 : vector<512x128xi32>
        %broadcast_in_dim3A = arith.constant 0.000000e+00 : f32
        %broadcast_in_dim3A_122 = vector.broadcast %broadcast_in_dim3A : f32 to vector<322x128xf32>
        %slice3A_123 = vector.extract_strided_slice %concatenate3A {offsets = [0, 0], sizes = [190, 128], strides = [1, 1]} : vector<1024x128xf32> to vector<190x128xf32>
        %concatenate3A_124 = tpu.concatenate %broadcast_in_dim3A_122, %slice3A_123 in 0 : vector<322x128xf32>, vector<190x128xf32> -> vector<512x128xf32>
        %broadcast_in_dim3A_125 = arith.constant 0.000000e+00 : f32
        %broadcast_in_dim3A_126 = vector.broadcast %broadcast_in_dim3A_125 : f32 to vector<323x128xf32>
        %slice3A_127 = vector.extract_strided_slice %concatenate3A {offsets = [0, 0], sizes = [189, 128], strides = [1, 1]} : vector<1024x128xf32> to vector<189x128xf32>
        %concatenate3A_128 = tpu.concatenate %broadcast_in_dim3A_126, %slice3A_127 in 0 : vector<323x128xf32>, vector<189x128xf32> -> vector<512x128xf32>
        %ge3A_129 = arith.constant 32 : i32
        %ge3A_130 = vector.broadcast %ge3A_129 : i32 to vector<512x128xi32>
        %ge3A_131 = arith.cmpi sge, %iota3A, %ge3A_130 : vector<512x128xi32>
        %slice3A_132 = vector.extract_strided_slice %concatenate3A_124 {offsets = [0, 96], sizes = [512, 32], strides = [1, 1]} : vector<512x128xf32> to vector<512x32xf32>
        %slice3A_133 = vector.extract_strided_slice %concatenate3A_124 {offsets = [0, 0], sizes = [512, 96], strides = [1, 1]} : vector<512x128xf32> to vector<512x96xf32>
        %concatenate3A_134 = tpu.concatenate %slice3A_132, %slice3A_133 in 1 : vector<512x32xf32>, vector<512x96xf32> -> vector<512x128xf32>
        %slice3A_135 = vector.extract_strided_slice %concatenate3A_128 {offsets = [0, 96], sizes = [512, 32], strides = [1, 1]} : vector<512x128xf32> to vector<512x32xf32>
        %slice3A_136 = vector.extract_strided_slice %concatenate3A_128 {offsets = [0, 0], sizes = [512, 96], strides = [1, 1]} : vector<512x128xf32> to vector<512x96xf32>
        %concatenate3A_137 = tpu.concatenate %slice3A_135, %slice3A_136 in 1 : vector<512x32xf32>, vector<512x96xf32> -> vector<512x128xf32>
        %select_n3A = arith.select %ge3A_131, %concatenate3A_134, %concatenate3A_137 : vector<512x128xi1>, vector<512x128xf32>
        %select_n3A_138 = arith.select %ge3A_121, %select_n3A, %squeeze3A_91 : vector<512x128xi1>, vector<512x128xf32>
        %broadcast_in_dim3A_139 = arith.constant 0.000000e+00 : f32
        %broadcast_in_dim3A_140 = vector.broadcast %broadcast_in_dim3A_139 : f32 to vector<322x128xf32>
        %slice3A_141 = vector.extract_strided_slice %concatenate3A_110 {offsets = [0, 0], sizes = [190, 128], strides = [1, 1]} : vector<1024x128xf32> to vector<190x128xf32>
        %concatenate3A_142 = tpu.concatenate %broadcast_in_dim3A_140, %slice3A_141 in 0 : vector<322x128xf32>, vector<190x128xf32> -> vector<512x128xf32>
        %broadcast_in_dim3A_143 = arith.constant 0.000000e+00 : f32
        %broadcast_in_dim3A_144 = vector.broadcast %broadcast_in_dim3A_143 : f32 to vector<323x128xf32>
        %slice3A_145 = vector.extract_strided_slice %concatenate3A_110 {offsets = [0, 0], sizes = [189, 128], strides = [1, 1]} : vector<1024x128xf32> to vector<189x128xf32>
        %concatenate3A_146 = tpu.concatenate %broadcast_in_dim3A_144, %slice3A_145 in 0 : vector<323x128xf32>, vector<189x128xf32> -> vector<512x128xf32>
        %ge3A_147 = arith.constant 32 : i32
        %ge3A_148 = vector.broadcast %ge3A_147 : i32 to vector<512x128xi32>
        %ge3A_149 = arith.cmpi sge, %iota3A, %ge3A_148 : vector<512x128xi32>
        %slice3A_150 = vector.extract_strided_slice %concatenate3A_142 {offsets = [0, 96], sizes = [512, 32], strides = [1, 1]} : vector<512x128xf32> to vector<512x32xf32>
        %slice3A_151 = vector.extract_strided_slice %concatenate3A_142 {offsets = [0, 0], sizes = [512, 96], strides = [1, 1]} : vector<512x128xf32> to vector<512x96xf32>
        %concatenate3A_152 = tpu.concatenate %slice3A_150, %slice3A_151 in 1 : vector<512x32xf32>, vector<512x96xf32> -> vector<512x128xf32>
        %slice3A_153 = vector.extract_strided_slice %concatenate3A_146 {offsets = [0, 96], sizes = [512, 32], strides = [1, 1]} : vector<512x128xf32> to vector<512x32xf32>
        %slice3A_154 = vector.extract_strided_slice %concatenate3A_146 {offsets = [0, 0], sizes = [512, 96], strides = [1, 1]} : vector<512x128xf32> to vector<512x96xf32>
        %concatenate3A_155 = tpu.concatenate %slice3A_153, %slice3A_154 in 1 : vector<512x32xf32>, vector<512x96xf32> -> vector<512x128xf32>
        %select_n3A_156 = arith.select %ge3A_149, %concatenate3A_152, %concatenate3A_155 : vector<512x128xi1>, vector<512x128xf32>
        %select_n3A_157 = arith.select %ge3A_121, %select_n3A_156, %squeeze3A_93 : vector<512x128xi1>, vector<512x128xf32>
        scf.yield %select_n3A_138, %select_n3A_157 : vector<512x128xf32>, vector<512x128xf32>
      } else {
        %get3A_86 = arith.constant 0 : index
        %get3A_87 = arith.constant 0 : index
        %get3A_88 = vector.load %arg3[%get3A_86, %get3A_87] : memref<1024x128xf32, #tpu.memory_space<vmem>>, vector<1024x128xf32>
        %reshape3A_89 = vector.shape_cast %get3A_88 : vector<1024x128xf32> to vector<512x2x128xf32>
        %slice3A_90 = vector.extract_strided_slice %reshape3A_89 {offsets = [0, 0, 0], sizes = [512, 1, 128], strides = [1, 1, 1]} : vector<512x2x128xf32> to vector<512x1x128xf32>
        %squeeze3A_91 = vector.shape_cast %slice3A_90 : vector<512x1x128xf32> to vector<512x128xf32>
        %slice3A_92 = vector.extract_strided_slice %reshape3A_89 {offsets = [0, 1, 0], sizes = [512, 1, 128], strides = [1, 1, 1]} : vector<512x2x128xf32> to vector<512x1x128xf32>
        %squeeze3A_93 = vector.shape_cast %slice3A_92 : vector<512x1x128xf32> to vector<512x128xf32>
        %get3A_94 = arith.constant 0 : index
        %get3A_95 = arith.constant 0 : index
        %get3A_96 = vector.load %arg4[%get3A_94, %get3A_95] : memref<1024x128xf32, #tpu.memory_space<vmem>>, vector<1024x128xf32>
        %reshape3A_97 = vector.shape_cast %get3A_96 : vector<1024x128xf32> to vector<512x2x128xf32>
        %slice3A_98 = vector.extract_strided_slice %reshape3A_97 {offsets = [0, 0, 0], sizes = [512, 1, 128], strides = [1, 1, 1]} : vector<512x2x128xf32> to vector<512x1x128xf32>
        %squeeze3A_99 = vector.shape_cast %slice3A_98 : vector<512x1x128xf32> to vector<512x128xf32>
        %slice3A_100 = vector.extract_strided_slice %reshape3A_97 {offsets = [0, 1, 0], sizes = [512, 1, 128], strides = [1, 1, 1]} : vector<512x2x128xf32> to vector<512x1x128xf32>
        %squeeze3A_101 = vector.shape_cast %slice3A_100 : vector<512x1x128xf32> to vector<512x128xf32>
        %concatenate3A = tpu.concatenate %squeeze3A_91, %squeeze3A_99 in 0 : vector<512x128xf32>, vector<512x128xf32> -> vector<1024x128xf32>
        %concatenate3A_102 = tpu.concatenate %squeeze3A_93, %squeeze3A_101 in 0 : vector<512x128xf32>, vector<512x128xf32> -> vector<1024x128xf32>
        %slice3A_103 = vector.extract_strided_slice %concatenate3A {offsets = [190, 0], sizes = [512, 128], strides = [1, 1]} : vector<1024x128xf32> to vector<512x128xf32>
        %slice3A_104 = vector.extract_strided_slice %concatenate3A {offsets = [189, 0], sizes = [512, 128], strides = [1, 1]} : vector<1024x128xf32> to vector<512x128xf32>
        %ge3A = arith.constant 32 : i32
        %ge3A_105 = vector.broadcast %ge3A : i32 to vector<512x128xi32>
        %ge3A_106 = arith.cmpi sge, %iota3A, %ge3A_105 : vector<512x128xi32>
        %slice3A_107 = vector.extract_strided_slice %slice3A_103 {offsets = [0, 96], sizes = [512, 32], strides = [1, 1]} : vector<512x128xf32> to vector<512x32xf32>
        %slice3A_108 = vector.extract_strided_slice %slice3A_103 {offsets = [0, 0], sizes = [512, 96], strides = [1, 1]} : vector<512x128xf32> to vector<512x96xf32>
        %concatenate3A_109 = tpu.concatenate %slice3A_107, %slice3A_108 in 1 : vector<512x32xf32>, vector<512x96xf32> -> vector<512x128xf32>
        %slice3A_110 = vector.extract_strided_slice %slice3A_104 {offsets = [0, 96], sizes = [512, 32], strides = [1, 1]} : vector<512x128xf32> to vector<512x32xf32>
        %slice3A_111 = vector.extract_strided_slice %slice3A_104 {offsets = [0, 0], sizes = [512, 96], strides = [1, 1]} : vector<512x128xf32> to vector<512x96xf32>
        %concatenate3A_112 = tpu.concatenate %slice3A_110, %slice3A_111 in 1 : vector<512x32xf32>, vector<512x96xf32> -> vector<512x128xf32>
        %select_n3A = arith.select %ge3A_106, %concatenate3A_109, %concatenate3A_112 : vector<512x128xi1>, vector<512x128xf32>
        %slice3A_113 = vector.extract_strided_slice %concatenate3A_102 {offsets = [190, 0], sizes = [512, 128], strides = [1, 1]} : vector<1024x128xf32> to vector<512x128xf32>
        %slice3A_114 = vector.extract_strided_slice %concatenate3A_102 {offsets = [189, 0], sizes = [512, 128], strides = [1, 1]} : vector<1024x128xf32> to vector<512x128xf32>
        %ge3A_115 = arith.constant 32 : i32
        %ge3A_116 = vector.broadcast %ge3A_115 : i32 to vector<512x128xi32>
        %ge3A_117 = arith.cmpi sge, %iota3A, %ge3A_116 : vector<512x128xi32>
        %slice3A_118 = vector.extract_strided_slice %slice3A_113 {offsets = [0, 96], sizes = [512, 32], strides = [1, 1]} : vector<512x128xf32> to vector<512x32xf32>
        %slice3A_119 = vector.extract_strided_slice %slice3A_113 {offsets = [0, 0], sizes = [512, 96], strides = [1, 1]} : vector<512x128xf32> to vector<512x96xf32>
        %concatenate3A_120 = tpu.concatenate %slice3A_118, %slice3A_119 in 1 : vector<512x32xf32>, vector<512x96xf32> -> vector<512x128xf32>
        %slice3A_121 = vector.extract_strided_slice %slice3A_114 {offsets = [0, 96], sizes = [512, 32], strides = [1, 1]} : vector<512x128xf32> to vector<512x32xf32>
        %slice3A_122 = vector.extract_strided_slice %slice3A_114 {offsets = [0, 0], sizes = [512, 96], strides = [1, 1]} : vector<512x128xf32> to vector<512x96xf32>
        %concatenate3A_123 = tpu.concatenate %slice3A_121, %slice3A_122 in 1 : vector<512x32xf32>, vector<512x96xf32> -> vector<512x128xf32>
        %select_n3A_124 = arith.select %ge3A_117, %concatenate3A_120, %concatenate3A_123 : vector<512x128xi1>, vector<512x128xf32>
        scf.yield %select_n3A, %select_n3A_124 : vector<512x128xf32>, vector<512x128xf32>
      }
      scf.yield %cond3A_85#0, %cond3A_85#1 : vector<512x128xf32>, vector<512x128xf32>
    }
    %mul3A_66 = arith.mulf %mul3A_29, %cond3A_65#0 : vector<512x128xf32>
    %mul3A_67 = arith.mulf %neg3A_57, %cond3A_65#1 : vector<512x128xf32>
    %sub3A_68 = arith.subf %mul3A_66, %mul3A_67 : vector<512x128xf32>
    %add3A_69 = arith.addf %sub3A_68, %squeeze3A : vector<512x128xf32>
    %convert_element_type3A_70 = arith.truncf %add3A_69 : vector<512x128xf32> to vector<512x128xbf16>
    %mul3A_71 = arith.mulf %neg3A_57, %cond3A_65#0 : vector<512x128xf32>
    %mul3A_72 = arith.mulf %mul3A_29, %cond3A_65#1 : vector<512x128xf32>
    %add3A_73 = arith.addf %mul3A_71, %mul3A_72 : vector<512x128xf32>
    %add3A_74 = arith.addf %add3A_73, %squeeze3A_62 : vector<512x128xf32>
    %convert_element_type3A_75 = arith.truncf %add3A_74 : vector<512x128xf32> to vector<512x128xbf16>
    %stack3A = vector.shape_cast %convert_element_type3A_70 : vector<512x128xbf16> to vector<512x1x128xbf16>
    %stack3A_76 = vector.shape_cast %convert_element_type3A_75 : vector<512x128xbf16> to vector<512x1x128xbf16>
    %stack3A_77 = tpu.concatenate %stack3A, %stack3A_76 in 1 : vector<512x1x128xbf16>, vector<512x1x128xbf16> -> vector<512x2x128xbf16>
    %reshape3A_78 = vector.shape_cast %stack3A_77 : vector<512x2x128xbf16> to vector<1024x128xbf16>
    %swap3A = arith.constant 0 : index
    %swap3A_79 = arith.constant 0 : index
    %swap3A_80 = vector.load %arg6[%swap3A, %swap3A_79] : memref<1024x128xbf16, #tpu.memory_space<vmem>>, vector<1024x128xbf16>
    tpu.vector_store %arg6[%swap3A, %swap3A_79], %reshape3A_78 {strides = array<i32>} : memref<1024x128xbf16, #tpu.memory_space<vmem>>, vector<1024x128xbf16>,
    return
  }
  func.func @transform_0(%arg0: i32) -> (i32, i32) {
    %c0_i32 = arith.constant 0 : i32
    %c0_i32_0 = arith.constant 0 : i32
    return %arg0, %c0_i32 : i32, i32
  }
  func.func @transform_1(%arg0: i32) -> (i32, i32) {
    %min3A = arith.constant 7 : i32
    %min3A_0 = arith.minsi %arg0, %min3A : i32
    %c0_i32 = arith.constant 0 : i32
    %c0_i32_1 = arith.constant 0 : i32
    return %min3A_0, %c0_i32 : i32, i32
  }
  func.func @transform_2(%arg0: i32) -> (i32, i32) {
    %sub3A = arith.constant 8 : i32
    %sub3A_0 = arith.subi %arg0, %sub3A : i32
    %jit3A = arith.constant 0 : i32
    %jit3A_1 = arith.constant 7 : i32
    %max3A = arith.maxsi %jit3A, %sub3A_0 : i32
    %min3A = arith.minsi %jit3A_1, %max3A : i32
    %c0_i32 = arith.constant 0 : i32
    %c0_i32_2 = arith.constant 0 : i32
    return %min3A, %c0_i32 : i32, i32
  }
  func.func @transform_3(%arg0: i32) -> (i32, i32) {
    %sub3A = arith.constant 7 : i32
    %sub3A_0 = arith.subi %arg0, %sub3A : i32
    %jit3A = arith.constant 0 : i32
    %jit3A_1 = arith.constant 7 : i32
    %max3A = arith.maxsi %jit3A, %sub3A_0 : i32
    %min3A = arith.minsi %jit3A_1, %max3A : i32
    %c0_i32 = arith.constant 0 : i32
    %c0_i32_2 = arith.constant 0 : i32
    return %min3A, %c0_i32 : i32, i32
  }
  func.func @transform_4(%arg0: i32) -> (i32, i32) {
    %c0_i32 = arith.constant 0 : i32
    %c0_i32_0 = arith.constant 0 : i32
    return %arg0, %c0_i32 : i32, i32
  }
  func.func @transform_5(%arg0: i32) -> (i32, i32) {
    %c0_i32 = arith.constant 0 : i32
    %c0_i32_0 = arith.constant 0 : i32
    return %arg0, %c0_i32 : i32, i32
  }
}

module attributes {stable_mosaic.version = 14 : i64} {
  func.func @_dense_s(%arg0: i32, %arg1: memref<1024x128xbf16, #tpu.memory_space<vmem>>, %arg2: memref<512x128xf32, #tpu.memory_space<vmem>>, %arg3: memref<1x512x128xf32, #tpu.memory_space<vmem>>, %arg4: memref<1x512x128xf32, #tpu.memory_space<vmem>>, %arg5: memref<1024x128xbf16, #tpu.memory_space<vmem>>, %arg6: memref<8x128xf32, #tpu.memory_space<vmem>>) attributes {dimension_semantics = [#tpu.dimension_semantics<arbitrary>], iteration_bounds = array<i64: 16>, scalar_prefetch = 0 : i64, scratch_operands = 0 : i64, tpu.core_type = #tpu.core_type<tc>, window_params = [{transform_indices = @transform_0, window_bounds = array<i64: 1024, 128>}, {transform_indices = @transform_1, window_bounds = array<i64: 512, 128>}, {transform_indices = @transform_2, window_bounds = array<i64: 1, 512, 128>}, {transform_indices = @transform_3, window_bounds = array<i64: 1, 512, 128>}, {transform_indices = @transform_4, window_bounds = array<i64: 1024, 128>}, {pipeline_mode = #tpu.pipeline_mode<synchronous>, transform_indices = @transform_5, window_bounds = array<i64: 8, 128>}]} {
    %get3A = arith.constant 0 : index
    %get3A_0 = arith.constant 0 : index
    %get3A_1 = vector.load %arg1[%get3A, %get3A_0] : memref<1024x128xbf16, #tpu.memory_space<vmem>>, vector<1024x128xbf16>
    %reshape3A = vector.shape_cast %get3A_1 : vector<1024x128xbf16> to vector<512x2x128xbf16>
    %slice3A = vector.extract_strided_slice %reshape3A {offsets = [0, 0, 0], sizes = [512, 1, 128], strides = [1, 1, 1]} : vector<512x2x128xbf16> to vector<512x1x128xbf16>
    %squeeze3A = vector.shape_cast %slice3A : vector<512x1x128xbf16> to vector<512x128xbf16>
    %convert_element_type3A = arith.extf %squeeze3A : vector<512x128xbf16> to vector<512x128xf32>
    %slice3A_2 = vector.extract_strided_slice %reshape3A {offsets = [0, 1, 0], sizes = [512, 1, 128], strides = [1, 1, 1]} : vector<512x2x128xbf16> to vector<512x1x128xbf16>
    %squeeze3A_3 = vector.shape_cast %slice3A_2 : vector<512x1x128xbf16> to vector<512x128xbf16>
    %convert_element_type3A_4 = arith.extf %squeeze3A_3 : vector<512x128xbf16> to vector<512x128xf32>
    %get3A_5 = arith.constant 0 : index
    %get3A_6 = arith.constant 0 : index
    %get3A_7 = arith.constant 0 : index
    %get3A_8 = vector.load %arg3[%get3A_5, %get3A_6, %get3A_7] : memref<1x512x128xf32, #tpu.memory_space<vmem>>, vector<1x512x128xf32>
    %get3A_9 = vector.shape_cast %get3A_8 : vector<1x512x128xf32> to vector<512x128xf32>
    %get3A_10 = arith.constant 0 : index
    %get3A_11 = arith.constant 0 : index
    %get3A_12 = arith.constant 0 : index
    %get3A_13 = vector.load %arg4[%get3A_10, %get3A_11, %get3A_12] : memref<1x512x128xf32, #tpu.memory_space<vmem>>, vector<1x512x128xf32>
    %get3A_14 = vector.shape_cast %get3A_13 : vector<1x512x128xf32> to vector<512x128xf32>
    %add3A = arith.addf %get3A_9, %get3A_14 : vector<512x128xf32>
    %get3A_15 = arith.constant 0 : index
    %get3A_16 = arith.constant 0 : index
    %get3A_17 = vector.load %arg2[%get3A_15, %get3A_16] : memref<512x128xf32, #tpu.memory_space<vmem>>, vector<512x128xf32>
    %mul3A = arith.mulf %add3A, %get3A_17 : vector<512x128xf32>
    %gt3A = arith.constant 0.000000e+00 : f32
    %gt3A_18 = vector.broadcast %gt3A : f32 to vector<512x128xf32>
    %gt3A_19 = arith.cmpf ogt, %mul3A, %gt3A_18 : vector<512x128xf32>
    %jit3A = arith.constant 1.000000e+30 : f32
    %broadcast_in_dim3A = vector.broadcast %jit3A : f32 to vector<512x128xf32>
    %select_n3A = arith.select %gt3A_19, %convert_element_type3A, %broadcast_in_dim3A : vector<512x128xi1>, vector<512x128xf32>
    %convert_element_type3A_20 = arith.truncf %select_n3A : vector<512x128xf32> to vector<512x128xbf16>
    %jit3A_21 = arith.constant 1.000000e+30 : f32
    %broadcast_in_dim3A_22 = vector.broadcast %jit3A_21 : f32 to vector<512x128xf32>
    %select_n3A_23 = arith.select %gt3A_19, %convert_element_type3A_4, %broadcast_in_dim3A_22 : vector<512x128xi1>, vector<512x128xf32>
    %convert_element_type3A_24 = arith.truncf %select_n3A_23 : vector<512x128xf32> to vector<512x128xbf16>
    %stack3A = vector.shape_cast %convert_element_type3A_20 : vector<512x128xbf16> to vector<512x1x128xbf16>
    %stack3A_25 = vector.shape_cast %convert_element_type3A_24 : vector<512x128xbf16> to vector<512x1x128xbf16>
    %stack3A_26 = tpu.concatenate %stack3A, %stack3A_25 in 1 : vector<512x1x128xbf16>, vector<512x1x128xbf16> -> vector<512x2x128xbf16>
    %reshape3A_27 = vector.shape_cast %stack3A_26 : vector<512x2x128xbf16> to vector<1024x128xbf16>
    %swap3A = arith.constant 0 : index
    %swap3A_28 = arith.constant 0 : index
    %swap3A_29 = vector.load %arg5[%swap3A, %swap3A_28] : memref<1024x128xbf16, #tpu.memory_space<vmem>>, vector<1024x128xbf16>
    tpu.vector_store %arg5[%swap3A, %swap3A_28], %reshape3A_27 {strides = array<i32>} : memref<1024x128xbf16, #tpu.memory_space<vmem>>, vector<1024x128xbf16>,
    %eq3A = arith.constant 0 : i32
    %eq3A_30 = arith.cmpi eq, %arg0, %eq3A : i32
    %convert_element_type3A_31 = arith.extui %eq3A_30 : i1 to i32
    %cond3A = arith.constant 0 : i32
    %cond3A_32 = arith.cmpi ne, %convert_element_type3A_31, %cond3A : i32
    scf.if %cond3A_32 {
      %broadcast_in_dim3A_52 = arith.constant 0.000000e+00 : f32
      %broadcast_in_dim3A_53 = vector.broadcast %broadcast_in_dim3A_52 : f32 to vector<8x128xf32>
      %swap3A_54 = arith.constant 0 : index
      %swap3A_55 = arith.constant 0 : index
      %swap3A_56 = vector.load %arg6[%swap3A_54, %swap3A_55] : memref<8x128xf32, #tpu.memory_space<vmem>>, vector<8x128xf32>
      tpu.vector_store %arg6[%swap3A_54, %swap3A_55], %broadcast_in_dim3A_53 {strides = array<i32>} : memref<8x128xf32, #tpu.memory_space<vmem>>, vector<8x128xf32>,
    } else {
    }
    %broadcast_in_dim3A_33 = arith.constant 0.000000e+00 : f32
    %broadcast_in_dim3A_34 = vector.broadcast %broadcast_in_dim3A_33 : f32 to vector<5x128xf32>
    %get3A_35 = arith.constant 0 : index
    %get3A_36 = arith.constant 0 : index
    %get3A_37 = vector.load %arg6[%get3A_35, %get3A_36] : memref<8x128xf32, #tpu.memory_space<vmem>>, vector<8x128xf32>
    %mul3A_38 = arith.mulf %mul3A, %convert_element_type3A : vector<512x128xf32>
    %reduce_sum3A = arith.constant dense<0.000000e+00> : vector<128xf32>
    %reduce_sum3A_39 = vector.multi_reduction <add>, %mul3A_38, %reduce_sum3A [0] : vector<512x128xf32> to vector<128xf32>
    %broadcast_in_dim3A_40 = vector.shape_cast %reduce_sum3A_39 : vector<128xf32> to vector<1x128xf32>
    %mul3A_41 = arith.mulf %mul3A, %convert_element_type3A_4 : vector<512x128xf32>
    %reduce_sum3A_42 = arith.constant dense<0.000000e+00> : vector<128xf32>
    %reduce_sum3A_43 = vector.multi_reduction <add>, %mul3A_41, %reduce_sum3A_42 [0] : vector<512x128xf32> to vector<128xf32>
    %broadcast_in_dim3A_44 = vector.shape_cast %reduce_sum3A_43 : vector<128xf32> to vector<1x128xf32>
    %reduce_sum3A_45 = arith.constant dense<0.000000e+00> : vector<128xf32>
    %reduce_sum3A_46 = vector.multi_reduction <add>, %mul3A, %reduce_sum3A_45 [0] : vector<512x128xf32> to vector<128xf32>
    %broadcast_in_dim3A_47 = vector.shape_cast %reduce_sum3A_46 : vector<128xf32> to vector<1x128xf32>
    %concatenate3A = tpu.concatenate %broadcast_in_dim3A_40, %broadcast_in_dim3A_44, %broadcast_in_dim3A_47, %broadcast_in_dim3A_34 in 0 : vector<1x128xf32>, vector<1x128xf32>, vector<1x128xf32>, vector<5x128xf32> -> vector<8x128xf32>
    %add3A_48 = arith.addf %get3A_37, %concatenate3A : vector<8x128xf32>
    %swap3A_49 = arith.constant 0 : index
    %swap3A_50 = arith.constant 0 : index
    %swap3A_51 = vector.load %arg6[%swap3A_49, %swap3A_50] : memref<8x128xf32, #tpu.memory_space<vmem>>, vector<8x128xf32>
    tpu.vector_store %arg6[%swap3A_49, %swap3A_50], %add3A_48 {strides = array<i32>} : memref<8x128xf32, #tpu.memory_space<vmem>>, vector<8x128xf32>,
    return
  }
  func.func @transform_0(%arg0: i32) -> (i32, i32) {
    %c0_i32 = arith.constant 0 : i32
    %c0_i32_0 = arith.constant 0 : i32
    return %arg0, %c0_i32 : i32, i32
  }
  func.func @transform_1(%arg0: i32) -> (i32, i32) {
    %c0_i32 = arith.constant 0 : i32
    %c0_i32_0 = arith.constant 0 : i32
    return %arg0, %c0_i32 : i32, i32
  }
  func.func @transform_2(%arg0: i32) -> (i32, i32, i32) {
    %c0_i32 = arith.constant 0 : i32
    %c0_i32_0 = arith.constant 0 : i32
    %c0_i32_1 = arith.constant 0 : i32
    return %c0_i32, %arg0, %c0_i32_0 : i32, i32, i32
  }
  func.func @transform_3(%arg0: i32) -> (i32, i32, i32) {
    %c1_i32 = arith.constant 1 : i32
    %c0_i32 = arith.constant 0 : i32
    %c0_i32_0 = arith.constant 0 : i32
    return %c1_i32, %arg0, %c0_i32 : i32, i32, i32
  }
  func.func @transform_4(%arg0: i32) -> (i32, i32) {
    %c0_i32 = arith.constant 0 : i32
    %c0_i32_0 = arith.constant 0 : i32
    return %arg0, %c0_i32 : i32, i32
  }
  func.func @transform_5(%arg0: i32) -> (i32, i32) {
    %c0_i32 = arith.constant 0 : i32
    %c0_i32_0 = arith.constant 0 : i32
    %c0_i32_1 = arith.constant 0 : i32
    return %c0_i32, %c0_i32_0 : i32, i32
  }
}

module attributes {stable_mosaic.version = 14 : i64} {
  func.func @_dense_b(%arg0: i32, %arg1: memref<8x128xf32, #tpu.memory_space<vmem>>, %arg2: memref<1x1xf32, #tpu.memory_space<smem>>, %arg3: memref<1024x128xf32, #tpu.memory_space<vmem>>, %arg4: memref<1024x128xbf16, #tpu.memory_space<vmem>>, %arg5: memref<1024x128xf32, #tpu.memory_space<vmem>>) attributes {dimension_semantics = [#tpu.dimension_semantics<arbitrary>], iteration_bounds = array<i64: 16>, scalar_prefetch = 0 : i64, scratch_operands = 0 : i64, tpu.core_type = #tpu.core_type<tc>, window_params = [{pipeline_mode = #tpu.pipeline_mode<synchronous>, transform_indices = @transform_0, window_bounds = array<i64: 8, 128>}, {transform_indices = @transform_1, window_bounds = array<i64: 1, 1>}, {transform_indices = @transform_2, window_bounds = array<i64: 1024, 128>}, {transform_indices = @transform_3, window_bounds = array<i64: 1024, 128>}, {transform_indices = @transform_4, window_bounds = array<i64: 1024, 128>}]} {
    %get3A = arith.constant 0 : index
    %get3A_0 = arith.constant 0 : index
    %get3A_1 = vector.load %arg1[%get3A, %get3A_0] : memref<8x128xf32, #tpu.memory_space<vmem>>, vector<8x128xf32>
    %slice3A = vector.extract_strided_slice %get3A_1 {offsets = [2, 0], sizes = [1, 128], strides = [1, 1]} : vector<8x128xf32> to vector<1x128xf32>
    %squeeze3A = vector.shape_cast %slice3A : vector<1x128xf32> to vector<128xf32>
    %reduce_sum3A = vector.shape_cast %squeeze3A : vector<128xf32> to vector<1x128xf32>
    %reduce_sum3A_2 = arith.constant dense<0.000000e+00> : vector<1xf32>
    %reduce_sum3A_3 = vector.multi_reduction <add>, %reduce_sum3A, %reduce_sum3A_2 [1] : vector<1x128xf32> to vector<1xf32>
    %reduce_sum3A_4 = vector.shape_cast %reduce_sum3A_3 : vector<1xf32> to vector<1x1xf32>
    %reduce_sum3A_5 = vector.extract %reduce_sum3A_4[0, 0] : f32 from vector<1x1xf32>
    %slice3A_6 = vector.extract_strided_slice %get3A_1 {offsets = [0, 0], sizes = [1, 128], strides = [1, 1]} : vector<8x128xf32> to vector<1x128xf32>
    %squeeze3A_7 = vector.shape_cast %slice3A_6 : vector<1x128xf32> to vector<128xf32>
    %reduce_sum3A_8 = vector.shape_cast %squeeze3A_7 : vector<128xf32> to vector<1x128xf32>
    %reduce_sum3A_9 = arith.constant dense<0.000000e+00> : vector<1xf32>
    %reduce_sum3A_10 = vector.multi_reduction <add>, %reduce_sum3A_8, %reduce_sum3A_9 [1] : vector<1x128xf32> to vector<1xf32>
    %reduce_sum3A_11 = vector.shape_cast %reduce_sum3A_10 : vector<1xf32> to vector<1x1xf32>
    %reduce_sum3A_12 = vector.extract %reduce_sum3A_11[0, 0] : f32 from vector<1x1xf32>
    %div3A = arith.divf %reduce_sum3A_12, %reduce_sum3A_5 : f32
    %slice3A_13 = vector.extract_strided_slice %get3A_1 {offsets = [1, 0], sizes = [1, 128], strides = [1, 1]} : vector<8x128xf32> to vector<1x128xf32>
    %squeeze3A_14 = vector.shape_cast %slice3A_13 : vector<1x128xf32> to vector<128xf32>
    %reduce_sum3A_15 = vector.shape_cast %squeeze3A_14 : vector<128xf32> to vector<1x128xf32>
    %reduce_sum3A_16 = arith.constant dense<0.000000e+00> : vector<1xf32>
    %reduce_sum3A_17 = vector.multi_reduction <add>, %reduce_sum3A_15, %reduce_sum3A_16 [1] : vector<1x128xf32> to vector<1xf32>
    %reduce_sum3A_18 = vector.shape_cast %reduce_sum3A_17 : vector<1xf32> to vector<1x1xf32>
    %reduce_sum3A_19 = vector.extract %reduce_sum3A_18[0, 0] : f32 from vector<1x1xf32>
    %div3A_20 = arith.divf %reduce_sum3A_19, %reduce_sum3A_5 : f32
    %get3A_21 = arith.constant 0 : index
    %get3A_22 = arith.constant 0 : index
    %get3A_23 = vector.load %arg4[%get3A_21, %get3A_22] : memref<1024x128xbf16, #tpu.memory_space<vmem>>, vector<1024x128xbf16>
    %convert_element_type3A = arith.extf %get3A_23 : vector<1024x128xbf16> to vector<1024x128xf32>
    %iota3A = tpu.iota {dimensions = array<i32: 0>} : vector<1024x128xi32>
    %jit3A = arith.constant 2 : i32
    %eq3A = arith.constant 0 : i32
    %eq3A_24 = arith.cmpi eq, %jit3A, %eq3A : i32
    %jit3A_25 = arith.constant 1 : i32
    %select_n3A = arith.select %eq3A_24, %jit3A_25, %jit3A : i32
    %rem3A = vector.broadcast %select_n3A : i32 to vector<1024x128xi32>
    %rem3A_26 = arith.remsi %iota3A, %rem3A : vector<1024x128xi32>
    %ne3A = arith.constant 0 : i32
    %ne3A_27 = vector.broadcast %ne3A : i32 to vector<1024x128xi32>
    %ne3A_28 = arith.cmpi ne, %rem3A_26, %ne3A_27 : vector<1024x128xi32>
    %lt3A = arith.constant 0 : i32
    %lt3A_29 = vector.broadcast %lt3A : i32 to vector<1024x128xi32>
    %lt3A_30 = arith.cmpi slt, %rem3A_26, %lt3A_29 : vector<1024x128xi32>
    %lt3A_31 = arith.constant 0 : i32
    %lt3A_32 = arith.cmpi slt, %select_n3A, %lt3A_31 : i32
    %ne3A_33 = vector.broadcast %lt3A_32 : i1 to vector<1024x128xi1>
    %ne3A_34 = vector.broadcast %ne3A_33 : vector<1024x128xi1> to vector<1024x128xi1>
    %ne3A_35 = arith.xori %lt3A_30, %ne3A_34 : vector<1024x128xi1>
    %and3A = arith.andi %ne3A_35, %ne3A_28 : vector<1024x128xi1>
    %add3A = vector.broadcast %select_n3A : i32 to vector<1024x128xi32>
    %add3A_36 = arith.addi %rem3A_26, %add3A : vector<1024x128xi32>
    %select_n3A_37 = arith.select %and3A, %add3A_36, %rem3A_26 : vector<1024x128xi1>, vector<1024x128xi32>
    %eq3A_38 = arith.constant 0 : i32
    %eq3A_39 = vector.broadcast %eq3A_38 : i32 to vector<1024x128xi32>
    %eq3A_40 = arith.cmpi eq, %select_n3A_37, %eq3A_39 : vector<1024x128xi32>
    %broadcast_in_dim3A = vector.broadcast %div3A : f32 to vector<1024x128xf32>
    %broadcast_in_dim3A_41 = vector.broadcast %div3A_20 : f32 to vector<1024x128xf32>
    %select_n3A_42 = arith.select %eq3A_40, %broadcast_in_dim3A, %broadcast_in_dim3A_41 : vector<1024x128xi1>, vector<1024x128xf32>
    %get3A_43 = arith.constant 0 : index
    %get3A_44 = arith.constant 0 : index
    %get3A_45 = memref.load %arg2[%get3A_43, %get3A_44] : memref<1x1xf32, #tpu.memory_space<smem>>
    %mul3A = arith.constant 0.00999999977 : f32
    %mul3A_46 = arith.mulf %get3A_45, %mul3A : f32
    %sub3A = arith.subf %select_n3A_42, %convert_element_type3A : vector<1024x128xf32>
    %mul3A_47 = vector.broadcast %mul3A_46 : f32 to vector<1024x128xf32>
    %mul3A_48 = arith.mulf %mul3A_47, %sub3A : vector<1024x128xf32>
    %get3A_49 = arith.constant 0 : index
    %get3A_50 = arith.constant 0 : index
    %get3A_51 = vector.load %arg3[%get3A_49, %get3A_50] : memref<1024x128xf32, #tpu.memory_space<vmem>>, vector<1024x128xf32>
    %lt3A_52 = arith.constant 5.000000e+29 : f32
    %lt3A_53 = vector.broadcast %lt3A_52 : f32 to vector<1024x128xf32>
    %lt3A_54 = arith.cmpf olt, %convert_element_type3A, %lt3A_53 : vector<1024x128xf32>
    %jit3A_55 = arith.constant 0.000000e+00 : f32
    %broadcast_in_dim3A_56 = vector.broadcast %jit3A_55 : f32 to vector<1024x128xf32>
    %select_n3A_57 = arith.select %lt3A_54, %mul3A_48, %broadcast_in_dim3A_56 : vector<1024x128xi1>, vector<1024x128xf32>
    %add3A_58 = arith.addf %get3A_51, %select_n3A_57 : vector<1024x128xf32>
    %swap3A = arith.constant 0 : index
    %swap3A_59 = arith.constant 0 : index
    %swap3A_60 = vector.load %arg5[%swap3A, %swap3A_59] : memref<1024x128xf32, #tpu.memory_space<vmem>>, vector<1024x128xf32>
    tpu.vector_store %arg5[%swap3A, %swap3A_59], %add3A_58 {strides = array<i32>} : memref<1024x128xf32, #tpu.memory_space<vmem>>, vector<1024x128xf32>,
    return
  }
  func.func @transform_0(%arg0: i32) -> (i32, i32) {
    %c0_i32 = arith.constant 0 : i32
    %c0_i32_0 = arith.constant 0 : i32
    %c0_i32_1 = arith.constant 0 : i32
    return %c0_i32, %c0_i32_0 : i32, i32
  }
  func.func @transform_1(%arg0: i32) -> (i32, i32) {
    %c0_i32 = arith.constant 0 : i32
    %c0_i32_0 = arith.constant 0 : i32
    %c0_i32_1 = arith.constant 0 : i32
    return %c0_i32, %c0_i32_0 : i32, i32
  }
  func.func @transform_2(%arg0: i32) -> (i32, i32) {
    %c0_i32 = arith.constant 0 : i32
    %c0_i32_0 = arith.constant 0 : i32
    return %arg0, %c0_i32 : i32, i32
  }
  func.func @transform_3(%arg0: i32) -> (i32, i32) {
    %c0_i32 = arith.constant 0 : i32
    %c0_i32_0 = arith.constant 0 : i32
    return %arg0, %c0_i32 : i32, i32
  }
  func.func @transform_4(%arg0: i32) -> (i32, i32) {
    %c0_i32 = arith.constant 0 : i32
    %c0_i32_0 = arith.constant 0 : i32
    return %arg0, %c0_i32 : i32, i32
  }
}

</mosaic_0001>

<sc_bundles>
// kernel: kernel.6.cloned.1.call-start
scs
__scs_entry_jumppad:
0x0: {  	(pc) =	sbr.rel $0x88, $3  }
0x1: {  	(tag) =	ssettag $0x0;
	lr =	simm.s32 $0x1  }
0x2: {  	[smem:$0x3F98] =	sst lr;
	_ =	strace $0xD0000000  }
0x3: {  	_ = 	snop  }
0x4: {  	_ = 	snop  }
0x5: {  	_ = 	snop  }
0x6: {  	_ = 	snop  }
0x7: {  	_ = 	snop  }
__scs_overlays_trampoline_lowered:
0x8: {  	[smem:$0x3FA7] =	sst s0  }
0x9: {  	[smem:$0x3FA8] =	sst s1  }
0xa: {  	[smem:$0x3FA9] =	sst s2  }
0xb: {  	[smem:$0x3FAA] =	sst s3  }
0xc: {  	[smem:$0x3FAB] =	sst s4  }
0xd: {  	[smem:$0x3FAC] =	sst s5  }
0xe: {  	[smem:$0x3FAD] =	sst s6  }
0xf: {  	[smem:$0x3FAE] =	sst s7  }
0x10: {  	[smem:$0x3FAF] =	sst s8  }
0x11: {  	[smem:$0x3FB0] =	sst s9;
	s0 =	simm.s32 @!p0 $0x0  }
0x12: {  	s1 =	sld [smem:$0x3F96];
	s0 =	simm.s32 @p0 $0x1  }
0x13: {  	[smem:$0x3FB1] =	sst s0;
	s0 =	simm.s32 @!p1 $0x0  }
0x14: {  	s2 =	sld [smem:$0x3F95];
	s0 =	simm.s32 @p1 $0x1  }
0x15: {  	[smem:$0x3FB2] =	sst s0;
	s0 =	simm.s32 @!p2 $0x0  }
0x16: {  	s3 =	sld [smem:$0x3FDB];
	s0 =	simm.s32 @p2 $0x1  }
0x17: {  	s4 =	simm.s32 $0x1BF5;
	[smem:$0x3FB4] =	sst s0  }
0x18: {  	s0 =	sld [smem:$0x3F97];
	_ =	swait.ge [sflag:s4], $0x0  }
0x19: {  	s7 =	sld [smem:$0x3F98]  }
0x1a: {  	s8 =	sadd.s32 $0xFFFFE003, lr  }
0x1b: {  	s9 =	sadd.s32 $0xFFFFFEF7, lr;
	s5 =	simm.s32 $0xFFFFFFFF;
	p2 =	slt.u32 s8, $0xFFFFF086  }
0x1c: {  	p1 =	slt.u32 s9, $0xF7A;
	s5 =	simm.s32 @!p2 $0x0  }
0x1d: {  	s5 =	simm.s32 @p1 $0x1;
	p0 =	seq.s32 s7, s2  }
0x1e: {  	s7 =	smul.u32 @!p0 $0xF7A, s2;
	p2 =	seq.s32 @!p0 s5, $0x0  }
0x1f: {  	s9 =	smul.u32 $0xF7A, s1;
	s8 =	simm.s32 @!p0 $0x1BF5;
	p2 =	por !p2, p0  }
0x20: {  	[sflag:s8] =	ssyncset.s32 @!p0 $0xFFFFF086;
	s6 =	sadd.s32 @!p0 s3, s7;
	s7 =	simm.s32 @!p0 $0x108  }
0x21: {  	s3 =	sadd.s32 s3, s9;
	s6 =	sadd.s32 @!p0 $0x88, s6;
	s7 =	simm.s32 @p2 $0x1082  }
0x22: {  	[simem:s7], [sflag:s8] =	dma.local @!p0 [hbm:s6], $0xF7A  }
0x23: {  	s9 =	sor.u32 $0xD0000000, s2;
	s6 =	simm.s32 $0x108;
	_ =	swait.ge @!p0 [sflag:s8], $0x0  }
0x24: {  	s3 =	sadd.s32 $0x88, s3;
	s6 =	simm.s32 @!p1 $0x1082;
	[sflag:s4] =	ssyncset.s32 $0xFFFFF086  }
0x25: {  	[simem:s6], [sflag:s4] =	dma.local [hbm:s3], $0xF7A  }
0x26: {  	[smem:$0x3F98] =	sst s1;
	(tag) =	ssettag s2;
	_ =	strace s9  }
0x27: {  	s1 =	sld [smem:$0x3FA8]  }
0x28: {  	s2 =	sld [smem:$0x3FA9]  }
0x29: {  	s4 =	sld [smem:$0x3FAB]  }
0x2a: {  	p0 =	seq.s32 s5, $0x0;
	s5 =	sld [smem:$0x3FAC]  }
0x2b: {  	s6 =	sld [smem:$0x3FAD]  }
0x2c: {  	s7 =	sld [smem:$0x3FAE]  }
0x2d: {  	s3 =	simm.s32 $0x108;
	s8 =	sld [smem:$0x3FAF]  }
0x2e: {  	s3 =	simm.s32 @!p0 $0x1082;
	s9 =	sld [smem:$0x3FB0]  }
0x2f: {  	lr =	sadd.s32 s0, s3;
	s0 =	sld [smem:$0x3FA7]  }
0x30: {  	s3 =	sld [smem:$0x3FAA]  }
0x31: {  	[smem:$0x3FB3] =	sst s10  }
0x32: {  	s10 =	sld [smem:$0x3FB1];
	_ =	sdelay $0x3  }
0x33: {  	p0 =	seq.s32 s10, $0x1;
	s10 =	sld [smem:$0x3FB3];
	_ =	sdelay $0x3  }
0x34: {  	[smem:$0x3FB3] =	sst s10  }
0x35: {  	s10 =	sld [smem:$0x3FB2];
	_ =	sdelay $0x3  }
0x36: {  	p1 =	seq.s32 s10, $0x1;
	s10 =	sld [smem:$0x3FB3];
	_ =	sdelay $0x3  }
0x37: {  	[smem:$0x3FB3] =	sst s10  }
0x38: {  	s10 =	sld [smem:$0x3FB4]  }
0x39: {  	_ = 	snop;
	(pc) =	sbr.ind lr, $3  }
0x3a: {  	_ = 	snop  }
0x3b: {  	_ = 	snop  }
0x3c: {  	p2 =	seq.s32 s10, $0x1;
	s10 =	sld [smem:$0x3FB3]  }
0x3d: {  	_ =	shalt  }
0x3e: {  	_ =	shalt  }
0x3f: {  	_ =	shalt  }
0x40: {  	_ =	shalt  }
0x41: {  	_ =	shalt  }
0x42: {  	_ =	shalt  }
0x43: {  	_ =	shalt  }
0x44: {  	_ =	shalt  }
0x45: {  	_ =	shalt  }
0x46: {  	_ =	shalt  }
0x47: {  	_ =	shalt  }
0x48: {  	_ =	shalt  }
0x49: {  	_ =	shalt  }
0x4a: {  	_ =	shalt  }
0x4b: {  	_ =	shalt  }
0x4c: {  	_ =	shalt  }
0x4d: {  	_ =	shalt  }
0x4e: {  	_ =	shalt  }
0x4f: {  	_ =	shalt  }
0x50: {  	_ =	shalt  }
0x51: {  	_ =	shalt  }
0x52: {  	_ =	shalt  }
0x53: {  	_ =	shalt  }
0x54: {  	_ =	shalt  }
0x55: {  	_ =	shalt  }
0x56: {  	_ =	shalt  }
0x57: {  	_ =	shalt  }
0x58: {  	_ =	shalt  }
0x59: {  	_ =	shalt  }
0x5a: {  	_ =	shalt  }
0x5b: {  	_ =	shalt  }
0x5c: {  	_ =	shalt  }
0x5d: {  	_ =	shalt  }
0x5e: {  	_ =	shalt  }
0x5f: {  	_ =	shalt  }
0x60: {  	_ =	shalt  }
0x61: {  	_ =	shalt  }
0x62: {  	_ =	shalt  }
0x63: {  	_ =	shalt  }
0x64: {  	_ =	shalt  }
0x65: {  	_ =	shalt  }
0x66: {  	_ =	shalt  }
0x67: {  	_ =	shalt  }
0x68: {  	_ =	shalt  }
0x69: {  	_ =	shalt  }
0x6a: {  	_ =	shalt  }
0x6b: {  	_ =	shalt  }
0x6c: {  	_ =	shalt  }
0x6d: {  	_ =	shalt  }
0x6e: {  	_ =	shalt  }
0x6f: {  	_ =	shalt  }
0x70: {  	_ =	shalt  }
0x71: {  	_ =	shalt  }
0x72: {  	_ =	shalt  }
0x73: {  	_ =	shalt  }
0x74: {  	_ =	shalt  }
0x75: {  	_ =	shalt  }
0x76: {  	_ =	shalt  }
0x77: {  	_ =	shalt  }
0x78: {  	_ =	shalt  }
0x79: {  	_ =	shalt  }
0x7a: {  	_ =	shalt  }
0x7b: {  	_ =	shalt  }
0x7c: {  	_ =	shalt  }
0x7d: {  	_ =	shalt  }
0x7e: {  	_ =	shalt  }
0x7f: {  	_ =	shalt  }
0x80: {  	_ =	shalt  }
0x81: {  	_ =	shalt  }
0x82: {  	_ =	shalt  }
0x83: {  	_ =	shalt  }
0x84: {  	_ =	shalt  }
0x85: {  	_ =	shalt  }
0x86: {  	_ =	shalt  }
0x87: {  	_ =	shalt  }
.Lfunc_end0:
.L_simem_size_0:
called_computation_lowered:
.L_overlay_start_0:
0x88: {  	s2 =	sld [smem:$0x3FD9]  }
0x89: {  	s3 =	sld [smem:$0x3FFE];
	_ =	sdelay $0x1  }
0x8a: {  	s1 =	srdreg.scid  }
0x8b: {  	s0 =	sand.u32 $0x1, s1  }
0x8c: {  	s16 =	sshll.u32 s0, $0xA;
	s2 =	sadd.s32 s3, s2  }
0x8d: {  	s2 =	sadd.s32 s2, s16  }
0x8e: {  	[smem:$0x3FBF] =	sst s2  }
0x8f: {  	_ = 	snop  }
0x90: {  	(tm) =	ssettm $0x1  }
0x91: {  	s17 =	sld [smem:$0x3FFB];
	_ =	sdelay $0x3  }
0x92: {  	_ =	strace s17  }
0x93: {  	s2 =	sld [smem:$0x3FFC];
	_ =	sdelay $0x3  }
0x94: {  	_ =	strace s2  }
0x95: {  	s2 =	sld [smem:$0x3FFD];
	_ =	sdelay $0x3  }
0x96: {  	_ =	strace s2  }
0x97: {  	_ =	strace $0x8FFFFFFF  }
0x98: {  	s18 =	sld [smem:$0x3FDB];
	_ =	sdelay $0x1  }
0x99: {  	s19 =	simm.s32 $_scs_section_size  }
0x9a: {  	s4 =	simm.s32 $_size__tile_overlayer_lowered;
	s5 =	simm.s32 $_tile_overlayer_lowered  }
0x9b: {  	s22 =	simm.s32 $0x1BFF;
	s21 =	sshll.u32 s5, $0x1;
	s2 =	sadd.s32 s19, s18  }
0x9c: {  	s6 =	simm.s32 $0x0;
	s20 =	sshll.u32 s4, $0x1;
	s4 =	sadd.s32 s21, s2  }
0x9d: {  	[timem:s6], [sflag:s22] =	dma.local [hbm:s4], s20  }
0x9e: {  	_ =	swait.ge [sflag:s22], s20  }
0x9f: {  	s3 =	ssub.s32 $0x0, s20;
	[sflag:s22] =	ssyncset.done $0x0  }
0xa0: {  	[sflag:s22] =	ssyncadd.s32 s3;
	_ =	sdelay $0x1  }
0xa1: {  	s23 =	simm.s32 $0x1B8B  }
0xa2: {  	_ =	swait.ge [sflag:s23], $0x1  }
0xa3: {  	[sflag:s23] =	ssyncset.done $0x0  }
0xa4: {  	s25 =	simm.s32 $0x1B8E;
	s24 =	sld [smem:$0x3FFE];
	[sflag:s23] =	ssyncadd.s32 $0xFFFFFFFF  }
0xa5: {  	s26 =	simm.s32 $execute0_lowered;
	[smem:$0x3FD2] =	sst s25  }
0xa6: {  	s4 =	sshll.u32 s26, $0x1;
	_ =	strace $0x80000046;
	[dreg:$0x1] =	wrdreg $0xFFFFFFFF  }
0xa7: {  	s28 =	simm.s32 $_size_execute0_lowered;
	s2 =	sadd.s32 s2, s4;
	[dreg:$0x0] =	wrdreg $0x0  }
0xa8: {  	s4 =	sshll.u32 s28, $0x1;
	[dreg:$0x2] =	wrdreg s2  }
0xa9: {  	[dreg:$0x3] =	wrdreg s4  }
0xaa: {  	[dreg:$0x4] =	wrdreg $0xC0  }
0xab: {  	_ =	task [dreg:s6], $0x5FFFF  }
0xac: {  	[dreg:$0x1] =	wrdreg $0xFFFFFFFF  }
0xad: {  	[dreg:$0x0] =	wrdreg $0x60  }
0xae: {  	[dreg:$0x2] =	wrdreg s24  }
0xaf: {  	[dreg:$0x3] =	wrdreg $0x90800  }
0xb0: {  	[dreg:$0x4] =	wrdreg $0x9  }
0xb1: {  	_ =	task.clear_ibuf [dreg:s6], $0x5FFFF;
	_ =	strace $0x90000046  }
0xb2: {  	s29 =	simm.s32 $0x9;
	_ =	strace $0x80000048  }
0xb3: {  	_ =	swait.ge [sflag:s29], $0x1  }
0xb4: {  	[sflag:s29] =	ssyncadd.s32 $0xFFFFFFFF  }
0xb5: {  	_ =	strace $0x90000048  }
0xb6: {  	_ =	sfence  }
0xb7: {  	s30 =	sld [smem:$0x0];
	_ =	sdelay $0x2  }
0xb8: {  	s31 =	sshll.u32 s1, $0xD;
	s1 =	sshrl.u32 s1, $0x2  }
0xb9: {  	s3 =	sand.u32 $0x4000, s31;
	s1 =	sadd.s32 s1, s30  }
0xba: {  	s0 =	sor.u32 s3, s0;
	s1 =	sshll.u32 s1, $0x11  }
0xbb: {  	s0 =	sor.u32 s1, s0  }
0xbc: {  	s0 =	sadd.s32 $0x8F2B, s0  }
0xbd: {  	[sflag:s0] =	ssyncadd.remote.s32 $0x1  }
0xbe: {  	_ =	sfence.sel $0xFFFF  }
0xbf: {  	[dreg:$0x0] =	wrdreg $0xFFFFFFFF;
	(pc) =	sbr.abs _section_cstart, $3  }
0xc0: {  	[dreg:$0x1] =	wrdreg $0xFFFFFFFF  }
0xc1: {  	_ =	task.clear_ibuf [dreg:s6], $0x2FFFF;
	_ =	strace $0x9FFFFFFF  }
0xc2: {  	(tm) =	ssettm $0x7FFFFFFF  }
0xc3: {  	_ =	shalt  }
tec
execute0_lowered:
.L_overlay_start_1:
0x0: {  	(tag) =	ssettag $0x1  }
0x1: {  	s0 =	rddreg [dreg:$0x0]  }
0x2: {  	s1 =	rddreg [dreg:$0x1];
	s3 =	simm.s32 $0x0;
	s2 =	srdreg.scid  }
0x3: {  	s26 =	stileid.u32;
	s23 =	simm.s32 $0x8080;
	s24 =	simm.s32 $0x3  }
0x4: {  	s25 =	simm.s32 $0x1;
	s28 =	simm.s32 $0x8000;
	s29 =	simm.s32 $0x2  }
0x5: {  	s30 =	simm.s32 $0x0;
	[smem:$0x7FF] =	sst s3;
	s2 =	sand.u32 $0x1, s2  }
0x6: {  	s3 =	sshll.u32 s26, $0x10;
	s26 =	simm.s32 $0x80;
	s4 =	sshll.u32 s2, $0xF  }
0x7: {  	s5 =	sshll.u32 s2, $0x14;
	_ =	strace $0x80000047;
	s2 =	ssub.s32 $0x2, s2  }
0x8: {  	s4 =	sor.u32 s4, s3;
	s5 =	sor.u32 s3, s5;
	s31 =	sshrl.u32 s2, $0x1  }
0x9: {  	s4 =	sshrl.u32 s4, $0x3;
	s5 =	sshrl.u32 s5, $0x3;
	s2 =	ssub.s32 s2, s31  }
0xa: {  	s4 =	sadd.s32 s4, s0;
	s0 =	sadd.s32 s5, s0;
	s5 =	sadd.s32 s3, s1  }
0xb: {  	s22 =	smax.u32 s2, $0x1;
	s4 =	sadd.s32 $0x2600, s4;
	s6 =	sadd.s32 $0x1000, s5  }
0xc: {  	s7 =	sadd.s32 $0x2000, s5;
	s8 =	sadd.s32 $0x3000, s5;
	s9 =	sadd.s32 $0x4000, s5  }
0xd: {  	s10 =	sadd.s32 $0x5000, s5;
	s11 =	sadd.s32 $0x6000, s5;
	s12 =	sadd.s32 $0x7000, s5  }
0xe: {  	s13 =	sadd.s32 $0x8000, s5;
	s14 =	sadd.s32 $0x9000, s5;
	s15 =	sadd.s32 $0xA000, s5  }
0xf: {  	s16 =	sadd.s32 $0xB000, s5;
	s17 =	sadd.s32 $0xC000, s5;
	s18 =	sadd.s32 $0xD000, s5  }
0x10: {  	v0 =	vimm.f32 $1.000000000e+00;
	v1 =	vimm.f32 $0.0e+00;
	s19 =	sadd.s32 $0xE000, s5;
	s20 =	sadd.s32 $0xF000, s5;
	s21 =	sadd.s32 $0x22600, s0  }
.LBB2_1:
0x11: {  	s0 =	simm.s32 $0x0  }
0x12: {  	[tilespmem:s0], [sflag:$0x1] =	stream.linear.gather [hbm4b:s4+s0], $0x8000, $0x38;
	[tilespmem:$0x19080] =	vst v63  }
0x13: {  	[tilespmem:$0x8000] =	vst v0  }
0x14: {  	[tilespmem:$0x8010] =	vst v0  }
0x15: {  	[tilespmem:$0x8020] =	vst v0  }
0x16: {  	[tilespmem:$0x8030] =	vst v0  }
0x17: {  	[tilespmem:$0x8040] =	vst v0  }
0x18: {  	[tilespmem:$0x8050] =	vst v0  }
0x19: {  	[tilespmem:$0x8060] =	vst v0  }
0x1a: {  	[tilespmem:$0x8070] =	vst v0  }
0x1b: {  	[tilespmem:$0x8080] =	vst v1  }
0x1c: {  	[tilespmem:$0x8090] =	vst v1  }
0x1d: {  	[tilespmem:$0x80A0] =	vst v1  }
0x1e: {  	[tilespmem:$0x80B0] =	vst v1  }
0x1f: {  	[tilespmem:$0x80C0] =	vst v1  }
0x20: {  	[tilespmem:$0x80D0] =	vst v1  }
0x21: {  	[tilespmem:$0x80E0] =	vst v1  }
0x22: {  	[tilespmem:$0x80F0] =	vst v1  }
0x23: {  	[tilespmem:$0x8100] =	vst v1  }
0x24: {  	[tilespmem:$0x8110] =	vst v1  }
0x25: {  	[tilespmem:$0x8120] =	vst v1  }
0x26: {  	[tilespmem:$0x8130] =	vst v1  }
0x27: {  	[tilespmem:$0x8140] =	vst v1  }
0x28: {  	[tilespmem:$0x8150] =	vst v1  }
0x29: {  	[tilespmem:$0x8160] =	vst v1  }
0x2a: {  	[tilespmem:$0x8170] =	vst v1  }
0x2b: {  	[tilespmem:$0x8180] =	vst v1  }
0x2c: {  	[tilespmem:$0x8190] =	vst v1  }
0x2d: {  	[tilespmem:$0x81A0] =	vst v1  }
0x2e: {  	[tilespmem:$0x81B0] =	vst v1  }
0x2f: {  	[tilespmem:$0x81C0] =	vst v1  }
0x30: {  	[tilespmem:$0x81D0] =	vst v1  }
0x31: {  	[tilespmem:$0x81E0] =	vst v1  }
0x32: {  	[tilespmem:$0x81F0] =	vst v1  }
0x33: {  	[tilespmem:$0x8200] =	vst v1  }
0x34: {  	[tilespmem:$0x8210] =	vst v1  }
0x35: {  	[tilespmem:$0x8220] =	vst v1  }
0x36: {  	[tilespmem:$0x8230] =	vst v1  }
0x37: {  	[tilespmem:$0x8240] =	vst v1  }
0x38: {  	[tilespmem:$0x8250] =	vst v1  }
0x39: {  	[tilespmem:$0x8260] =	vst v1  }
0x3a: {  	[tilespmem:$0x8270] =	vst v1  }
0x3b: {  	[tilespmem:$0x8280] =	vst v1  }
0x3c: {  	[tilespmem:$0x8290] =	vst v1  }
0x3d: {  	[tilespmem:$0x82A0] =	vst v1  }
0x3e: {  	[tilespmem:$0x82B0] =	vst v1  }
0x3f: {  	[tilespmem:$0x82C0] =	vst v1  }
0x40: {  	[tilespmem:$0x82D0] =	vst v1  }
0x41: {  	[tilespmem:$0x82E0] =	vst v1  }
0x42: {  	[tilespmem:$0x82F0] =	vst v1  }
0x43: {  	[tilespmem:$0x8300] =	vst v1  }
0x44: {  	[tilespmem:$0x8310] =	vst v1  }
0x45: {  	[tilespmem:$0x8320] =	vst v1  }
0x46: {  	[tilespmem:$0x8330] =	vst v1  }
0x47: {  	[tilespmem:$0x8340] =	vst v1  }
0x48: {  	[tilespmem:$0x8350] =	vst v1  }
0x49: {  	[tilespmem:$0x8360] =	vst v1  }
0x4a: {  	[tilespmem:$0x8370] =	vst v1  }
0x4b: {  	[tilespmem:$0x8380] =	vst v1  }
0x4c: {  	[tilespmem:$0x8390] =	vst v1  }
0x4d: {  	[tilespmem:$0x83A0] =	vst v1  }
0x4e: {  	[tilespmem:$0x83B0] =	vst v1  }
0x4f: {  	[tilespmem:$0x83C0] =	vst v1  }
0x50: {  	[tilespmem:$0x83D0] =	vst v1  }
0x51: {  	[tilespmem:$0x83E0] =	vst v1  }
0x52: {  	[tilespmem:$0x83F0] =	vst v1  }
0x53: {  	[tilespmem:$0x8400] =	vst v1  }
0x54: {  	[tilespmem:$0x8410] =	vst v1  }
0x55: {  	[tilespmem:$0x8420] =	vst v1  }
0x56: {  	[tilespmem:$0x8430] =	vst v1  }
0x57: {  	[tilespmem:$0x8440] =	vst v1  }
0x58: {  	[tilespmem:$0x8450] =	vst v1  }
0x59: {  	[tilespmem:$0x8460] =	vst v1  }
0x5a: {  	[tilespmem:$0x8470] =	vst v1  }
0x5b: {  	[tilespmem:$0x8480] =	vst v1  }
0x5c: {  	[tilespmem:$0x8490] =	vst v1  }
0x5d: {  	[tilespmem:$0x84A0] =	vst v1  }
0x5e: {  	[tilespmem:$0x84B0] =	vst v1  }
0x5f: {  	[tilespmem:$0x84C0] =	vst v1  }
0x60: {  	[tilespmem:$0x84D0] =	vst v1  }
0x61: {  	[tilespmem:$0x84E0] =	vst v1  }
0x62: {  	[tilespmem:$0x84F0] =	vst v1  }
0x63: {  	[tilespmem:$0x8500] =	vst v1  }
0x64: {  	[tilespmem:$0x8510] =	vst v1  }
0x65: {  	[tilespmem:$0x8520] =	vst v1  }
0x66: {  	[tilespmem:$0x8530] =	vst v1  }
0x67: {  	[tilespmem:$0x8540] =	vst v1  }
0x68: {  	[tilespmem:$0x8550] =	vst v1  }
0x69: {  	[tilespmem:$0x8560] =	vst v1  }
0x6a: {  	[tilespmem:$0x8570] =	vst v1  }
0x6b: {  	[tilespmem:$0x8580] =	vst v1  }
0x6c: {  	[tilespmem:$0x8590] =	vst v1  }
0x6d: {  	[tilespmem:$0x85A0] =	vst v1  }
0x6e: {  	[tilespmem:$0x85B0] =	vst v1  }
0x6f: {  	[tilespmem:$0x85C0] =	vst v1  }
0x70: {  	[tilespmem:$0x85D0] =	vst v1  }
0x71: {  	[tilespmem:$0x85E0] =	vst v1  }
0x72: {  	[tilespmem:$0x85F0] =	vst v1  }
0x73: {  	[tilespmem:$0x8600] =	vst v1  }
0x74: {  	[tilespmem:$0x8610] =	vst v1  }
0x75: {  	[tilespmem:$0x8620] =	vst v1  }
0x76: {  	[tilespmem:$0x8630] =	vst v1  }
0x77: {  	[tilespmem:$0x8640] =	vst v1  }
0x78: {  	[tilespmem:$0x8650] =	vst v1  }
0x79: {  	[tilespmem:$0x8660] =	vst v1  }
0x7a: {  	[tilespmem:$0x8670] =	vst v1  }
0x7b: {  	[tilespmem:$0x8680] =	vst v1  }
0x7c: {  	[tilespmem:$0x8690] =	vst v1  }
0x7d: {  	[tilespmem:$0x86A0] =	vst v1  }
0x7e: {  	[tilespmem:$0x86B0] =	vst v1  }
0x7f: {  	[tilespmem:$0x86C0] =	vst v1  }
0x80: {  	[tilespmem:$0x86D0] =	vst v1  }
0x81: {  	[tilespmem:$0x86E0] =	vst v1  }
0x82: {  	[tilespmem:$0x86F0] =	vst v1  }
0x83: {  	[tilespmem:$0x8700] =	vst v1  }
0x84: {  	[tilespmem:$0x8710] =	vst v1  }
0x85: {  	[tilespmem:$0x8720] =	vst v1  }
0x86: {  	[tilespmem:$0x8730] =	vst v1  }
0x87: {  	[tilespmem:$0x8740] =	vst v1  }
0x88: {  	[tilespmem:$0x8750] =	vst v1  }
0x89: {  	[tilespmem:$0x8760] =	vst v1  }
0x8a: {  	[tilespmem:$0x8770] =	vst v1  }
0x8b: {  	[tilespmem:$0x8780] =	vst v1  }
0x8c: {  	[tilespmem:$0x8790] =	vst v1  }
0x8d: {  	[tilespmem:$0x87A0] =	vst v1  }
0x8e: {  	[tilespmem:$0x87B0] =	vst v1  }
0x8f: {  	[tilespmem:$0x87C0] =	vst v1  }
0x90: {  	[tilespmem:$0x87D0] =	vst v1  }
0x91: {  	[tilespmem:$0x87E0] =	vst v1  }
0x92: {  	[tilespmem:$0x87F0] =	vst v1  }
0x93: {  	[tilespmem:$0x8800] =	vst v1  }
0x94: {  	[tilespmem:$0x8810] =	vst v1  }
0x95: {  	[tilespmem:$0x8820] =	vst v1  }
0x96: {  	[tilespmem:$0x8830] =	vst v1  }
0x97: {  	[tilespmem:$0x8840] =	vst v1  }
0x98: {  	[tilespmem:$0x8850] =	vst v1  }
0x99: {  	[tilespmem:$0x8860] =	vst v1  }
0x9a: {  	[tilespmem:$0x8870] =	vst v1  }
0x9b: {  	[tilespmem:$0x8880] =	vst v1  }
0x9c: {  	[tilespmem:$0x8890] =	vst v1  }
0x9d: {  	[tilespmem:$0x88A0] =	vst v1  }
0x9e: {  	[tilespmem:$0x88B0] =	vst v1  }
0x9f: {  	[tilespmem:$0x88C0] =	vst v1  }
0xa0: {  	[tilespmem:$0x88D0] =	vst v1  }
0xa1: {  	[tilespmem:$0x88E0] =	vst v1  }
0xa2: {  	[tilespmem:$0x88F0] =	vst v1  }
0xa3: {  	[tilespmem:$0x8900] =	vst v1  }
0xa4: {  	[tilespmem:$0x8910] =	vst v1  }
0xa5: {  	[tilespmem:$0x8920] =	vst v1  }
0xa6: {  	[tilespmem:$0x8930] =	vst v1  }
0xa7: {  	[tilespmem:$0x8940] =	vst v1  }
0xa8: {  	[tilespmem:$0x8950] =	vst v1  }
0xa9: {  	[tilespmem:$0x8960] =	vst v1  }
0xaa: {  	[tilespmem:$0x8970] =	vst v1  }
0xab: {  	[tilespmem:$0x8980] =	vst v1  }
0xac: {  	[tilespmem:$0x8990] =	vst v1  }
0xad: {  	[tilespmem:$0x89A0] =	vst v1  }
0xae: {  	[tilespmem:$0x89B0] =	vst v1  }
0xaf: {  	[tilespmem:$0x89C0] =	vst v1  }
0xb0: {  	[tilespmem:$0x89D0] =	vst v1  }
0xb1: {  	[tilespmem:$0x89E0] =	vst v1  }
0xb2: {  	[tilespmem:$0x89F0] =	vst v1  }
0xb3: {  	[tilespmem:$0x8A00] =	vst v1  }
0xb4: {  	[tilespmem:$0x8A10] =	vst v1  }
0xb5: {  	[tilespmem:$0x8A20] =	vst v1  }
0xb6: {  	[tilespmem:$0x8A30] =	vst v1  }
0xb7: {  	[tilespmem:$0x8A40] =	vst v1  }
0xb8: {  	[tilespmem:$0x8A50] =	vst v1  }
0xb9: {  	[tilespmem:$0x8A60] =	vst v1  }
0xba: {  	[tilespmem:$0x8A70] =	vst v1  }
0xbb: {  	[tilespmem:$0x8A80] =	vst v1  }
0xbc: {  	[tilespmem:$0x8A90] =	vst v1  }
0xbd: {  	[tilespmem:$0x8AA0] =	vst v1  }
0xbe: {  	[tilespmem:$0x8AB0] =	vst v1  }
0xbf: {  	[tilespmem:$0x8AC0] =	vst v1  }
0xc0: {  	[tilespmem:$0x8AD0] =	vst v1  }
0xc1: {  	[tilespmem:$0x8AE0] =	vst v1  }
0xc2: {  	[tilespmem:$0x8AF0] =	vst v1  }
0xc3: {  	[tilespmem:$0x8B00] =	vst v1  }
0xc4: {  	[tilespmem:$0x8B10] =	vst v1  }
0xc5: {  	[tilespmem:$0x8B20] =	vst v1  }
0xc6: {  	[tilespmem:$0x8B30] =	vst v1  }
0xc7: {  	[tilespmem:$0x8B40] =	vst v1  }
0xc8: {  	[tilespmem:$0x8B50] =	vst v1  }
0xc9: {  	[tilespmem:$0x8B60] =	vst v1  }
0xca: {  	[tilespmem:$0x8B70] =	vst v1  }
0xcb: {  	[tilespmem:$0x8B80] =	vst v1  }
0xcc: {  	[tilespmem:$0x8B90] =	vst v1  }
0xcd: {  	[tilespmem:$0x8BA0] =	vst v1  }
0xce: {  	[tilespmem:$0x8BB0] =	vst v1  }
0xcf: {  	[tilespmem:$0x8BC0] =	vst v1  }
0xd0: {  	[tilespmem:$0x8BD0] =	vst v1  }
0xd1: {  	[tilespmem:$0x8BE0] =	vst v1  }
0xd2: {  	[tilespmem:$0x8BF0] =	vst v1  }
0xd3: {  	[tilespmem:$0x8C00] =	vst v1  }
0xd4: {  	[tilespmem:$0x8C10] =	vst v1  }
0xd5: {  	[tilespmem:$0x8C20] =	vst v1  }
0xd6: {  	[tilespmem:$0x8C30] =	vst v1  }
0xd7: {  	[tilespmem:$0x8C40] =	vst v1  }
0xd8: {  	[tilespmem:$0x8C50] =	vst v1  }
0xd9: {  	[tilespmem:$0x8C60] =	vst v1  }
0xda: {  	[tilespmem:$0x8C70] =	vst v1  }
0xdb: {  	[tilespmem:$0x8C80] =	vst v1  }
0xdc: {  	[tilespmem:$0x8C90] =	vst v1  }
0xdd: {  	[tilespmem:$0x8CA0] =	vst v1  }
0xde: {  	[tilespmem:$0x8CB0] =	vst v1  }
0xdf: {  	[tilespmem:$0x8CC0] =	vst v1  }
0xe0: {  	[tilespmem:$0x8CD0] =	vst v1  }
0xe1: {  	[tilespmem:$0x8CE0] =	vst v1  }
0xe2: {  	[tilespmem:$0x8CF0] =	vst v1  }
0xe3: {  	[tilespmem:$0x8D00] =	vst v1  }
0xe4: {  	[tilespmem:$0x8D10] =	vst v1  }
0xe5: {  	[tilespmem:$0x8D20] =	vst v1  }
0xe6: {  	[tilespmem:$0x8D30] =	vst v1  }
0xe7: {  	[tilespmem:$0x8D40] =	vst v1  }
0xe8: {  	[tilespmem:$0x8D50] =	vst v1  }
0xe9: {  	[tilespmem:$0x8D60] =	vst v1  }
0xea: {  	[tilespmem:$0x8D70] =	vst v1  }
0xeb: {  	[tilespmem:$0x8D80] =	vst v1  }
0xec: {  	[tilespmem:$0x8D90] =	vst v1  }
0xed: {  	[tilespmem:$0x8DA0] =	vst v1  }
0xee: {  	[tilespmem:$0x8DB0] =	vst v1  }
0xef: {  	[tilespmem:$0x8DC0] =	vst v1  }
0xf0: {  	[tilespmem:$0x8DD0] =	vst v1  }
0xf1: {  	[tilespmem:$0x8DE0] =	vst v1  }
0xf2: {  	[tilespmem:$0x8DF0] =	vst v1  }
0xf3: {  	[tilespmem:$0x8E00] =	vst v1  }
0xf4: {  	[tilespmem:$0x8E10] =	vst v1  }
0xf5: {  	[tilespmem:$0x8E20] =	vst v1  }
0xf6: {  	[tilespmem:$0x8E30] =	vst v1  }
0xf7: {  	[tilespmem:$0x8E40] =	vst v1  }
0xf8: {  	[tilespmem:$0x8E50] =	vst v1  }
0xf9: {  	[tilespmem:$0x8E60] =	vst v1  }
0xfa: {  	[tilespmem:$0x8E70] =	vst v1  }
0xfb: {  	[tilespmem:$0x8E80] =	vst v1  }
0xfc: {  	[tilespmem:$0x8E90] =	vst v1  }
0xfd: {  	[tilespmem:$0x8EA0] =	vst v1  }
0xfe: {  	[tilespmem:$0x8EB0] =	vst v1  }
0xff: {  	[tilespmem:$0x8EC0] =	vst v1  }
0x100: {  	[tilespmem:$0x8ED0] =	vst v1  }
0x101: {  	[tilespmem:$0x8EE0] =	vst v1  }
0x102: {  	[tilespmem:$0x8EF0] =	vst v1  }
0x103: {  	[tilespmem:$0x8F00] =	vst v1  }
0x104: {  	[tilespmem:$0x8F10] =	vst v1  }
0x105: {  	[tilespmem:$0x8F20] =	vst v1  }
0x106: {  	[tilespmem:$0x8F30] =	vst v1  }
0x107: {  	[tilespmem:$0x8F40] =	vst v1  }
0x108: {  	[tilespmem:$0x8F50] =	vst v1  }
0x109: {  	[tilespmem:$0x8F60] =	vst v1  }
0x10a: {  	[tilespmem:$0x8F70] =	vst v1  }
0x10b: {  	[tilespmem:$0x8F80] =	vst v1  }
0x10c: {  	[tilespmem:$0x8F90] =	vst v1  }
0x10d: {  	[tilespmem:$0x8FA0] =	vst v1  }
0x10e: {  	[tilespmem:$0x8FB0] =	vst v1  }
0x10f: {  	[tilespmem:$0x8FC0] =	vst v1  }
0x110: {  	[tilespmem:$0x8FD0] =	vst v1  }
0x111: {  	[tilespmem:$0x8FE0] =	vst v1  }
0x112: {  	[tilespmem:$0x8FF0] =	vst v1  }
0x113: {  	[tilespmem:$0x9000] =	vst v1  }
0x114: {  	[tilespmem:$0x9010] =	vst v1  }
0x115: {  	[tilespmem:$0x9020] =	vst v1  }
0x116: {  	[tilespmem:$0x9030] =	vst v1  }
0x117: {  	[tilespmem:$0x9040] =	vst v1  }
0x118: {  	[tilespmem:$0x9050] =	vst v1  }
0x119: {  	[tilespmem:$0x9060] =	vst v1  }
0x11a: {  	[tilespmem:$0x9070] =	vst v1  }
0x11b: {  	[spmem:s5] =	stream.linear.scatter [tilespmem:s23], [sflag:$0x3], $0x1000, $0x38;
	[tilespmem:$0x19080] =	vst v63  }
0x11c: {  	_ =	swait.ge [sflag:s24], $0x1000  }
0x11d: {  	[sflag:s24] =	ssyncset.done $0x0  }
0x11e: {  	[sflag:s24] =	ssyncadd.s32 $0xFFFFF000  }
0x11f: {  	[spmem:s6] =	stream.linear.scatter [tilespmem:s23], [sflag:$0x3], $0x1000, $0x38;
	[tilespmem:$0x19080] =	vst v63  }
0x120: {  	_ =	swait.ge [sflag:s24], $0x1000  }
0x121: {  	[sflag:s24] =	ssyncset.done $0x0  }
0x122: {  	[sflag:s24] =	ssyncadd.s32 $0xFFFFF000  }
0x123: {  	[spmem:s7] =	stream.linear.scatter [tilespmem:s23], [sflag:$0x3], $0x1000, $0x38;
	[tilespmem:$0x19080] =	vst v63  }
0x124: {  	_ =	swait.ge [sflag:s24], $0x1000  }
0x125: {  	[sflag:s24] =	ssyncset.done $0x0  }
0x126: {  	[sflag:s24] =	ssyncadd.s32 $0xFFFFF000  }
0x127: {  	[spmem:s8] =	stream.linear.scatter [tilespmem:s23], [sflag:$0x3], $0x1000, $0x38;
	[tilespmem:$0x19080] =	vst v63  }
0x128: {  	_ =	swait.ge [sflag:s24], $0x1000  }
0x129: {  	[sflag:s24] =	ssyncset.done $0x0  }
0x12a: {  	[sflag:s24] =	ssyncadd.s32 $0xFFFFF000  }
0x12b: {  	[spmem:s9] =	stream.linear.scatter [tilespmem:s23], [sflag:$0x3], $0x1000, $0x38;
	[tilespmem:$0x19080] =	vst v63  }
0x12c: {  	_ =	swait.ge [sflag:s24], $0x1000  }
0x12d: {  	[sflag:s24] =	ssyncset.done $0x0  }
0x12e: {  	[sflag:s24] =	ssyncadd.s32 $0xFFFFF000  }
0x12f: {  	[spmem:s10] =	stream.linear.scatter [tilespmem:s23], [sflag:$0x3], $0x1000, $0x38;
	[tilespmem:$0x19080] =	vst v63  }
0x130: {  	_ =	swait.ge [sflag:s24], $0x1000  }
0x131: {  	[sflag:s24] =	ssyncset.done $0x0  }
0x132: {  	[sflag:s24] =	ssyncadd.s32 $0xFFFFF000  }
0x133: {  	[spmem:s11] =	stream.linear.scatter [tilespmem:s23], [sflag:$0x3], $0x1000, $0x38;
	[tilespmem:$0x19080] =	vst v63  }
0x134: {  	_ =	swait.ge [sflag:s24], $0x1000  }
0x135: {  	[sflag:s24] =	ssyncset.done $0x0  }
0x136: {  	[sflag:s24] =	ssyncadd.s32 $0xFFFFF000  }
0x137: {  	[spmem:s12] =	stream.linear.scatter [tilespmem:s23], [sflag:$0x3], $0x1000, $0x38;
	[tilespmem:$0x19080] =	vst v63  }
0x138: {  	_ =	swait.ge [sflag:s24], $0x1000  }
0x139: {  	[sflag:s24] =	ssyncset.done $0x0  }
0x13a: {  	[sflag:s24] =	ssyncadd.s32 $0xFFFFF000  }
0x13b: {  	[spmem:s13] =	stream.linear.scatter [tilespmem:s23], [sflag:$0x3], $0x1000, $0x38;
	[tilespmem:$0x19080] =	vst v63  }
0x13c: {  	_ =	swait.ge [sflag:s24], $0x1000  }
0x13d: {  	[sflag:s24] =	ssyncset.done $0x0  }
0x13e: {  	[sflag:s24] =	ssyncadd.s32 $0xFFFFF000  }
0x13f: {  	[spmem:s14] =	stream.linear.scatter [tilespmem:s23], [sflag:$0x3], $0x1000, $0x38;
	[tilespmem:$0x19080] =	vst v63  }
0x140: {  	_ =	swait.ge [sflag:s24], $0x1000  }
0x141: {  	[sflag:s24] =	ssyncset.done $0x0  }
0x142: {  	[sflag:s24] =	ssyncadd.s32 $0xFFFFF000  }
0x143: {  	[spmem:s15] =	stream.linear.scatter [tilespmem:s23], [sflag:$0x3], $0x1000, $0x38;
	[tilespmem:$0x19080] =	vst v63  }
0x144: {  	_ =	swait.ge [sflag:s24], $0x1000  }
0x145: {  	[sflag:s24] =	ssyncset.done $0x0  }
0x146: {  	[sflag:s24] =	ssyncadd.s32 $0xFFFFF000  }
0x147: {  	[spmem:s16] =	stream.linear.scatter [tilespmem:s23], [sflag:$0x3], $0x1000, $0x38;
	[tilespmem:$0x19080] =	vst v63  }
0x148: {  	_ =	swait.ge [sflag:s24], $0x1000  }
0x149: {  	[sflag:s24] =	ssyncset.done $0x0  }
0x14a: {  	[sflag:s24] =	ssyncadd.s32 $0xFFFFF000  }
0x14b: {  	[spmem:s17] =	stream.linear.scatter [tilespmem:s23], [sflag:$0x3], $0x1000, $0x38;
	[tilespmem:$0x19080] =	vst v63  }
0x14c: {  	_ =	swait.ge [sflag:s24], $0x1000  }
0x14d: {  	[sflag:s24] =	ssyncset.done $0x0  }
0x14e: {  	[sflag:s24] =	ssyncadd.s32 $0xFFFFF000  }
0x14f: {  	[spmem:s18] =	stream.linear.scatter [tilespmem:s23], [sflag:$0x3], $0x1000, $0x38;
	[tilespmem:$0x19080] =	vst v63  }
0x150: {  	_ =	swait.ge [sflag:s24], $0x1000  }
0x151: {  	[sflag:s24] =	ssyncset.done $0x0  }
0x152: {  	[sflag:s24] =	ssyncadd.s32 $0xFFFFF000  }
0x153: {  	[spmem:s19] =	stream.linear.scatter [tilespmem:s23], [sflag:$0x3], $0x1000, $0x38;
	[tilespmem:$0x19080] =	vst v63  }
0x154: {  	_ =	swait.ge [sflag:s24], $0x1000  }
0x155: {  	[sflag:s24] =	ssyncset.done $0x0  }
0x156: {  	[sflag:s24] =	ssyncadd.s32 $0xFFFFF000  }
0x157: {  	[spmem:s20] =	stream.linear.scatter [tilespmem:s23], [sflag:$0x3], $0x1000, $0x38;
	[tilespmem:$0x19080] =	vst v63  }
0x158: {  	_ =	swait.ge [sflag:s24], $0x1000  }
0x159: {  	[sflag:s24] =	ssyncset.done $0x0  }
0x15a: {  	[sflag:s24] =	ssyncadd.s32 $0xFFFFF000  }
0x15b: {  	_ =	swait.ge [sflag:s25], $0x8000  }
0x15c: {  	[sflag:s25] =	ssyncset.done $0x0  }
0x15d: {  	[sflag:s25] =	ssyncadd.s32 $0xFFFF8000  }
0x15e: {  	s2 =	simm.s32 $0x0;
	[bflag:$0x0] =	sbarrier.arrive $0xFFFF  }
0x15f: {  	[spmem:s1] =	stream.indirect.scatter.add.f32 [tilespmem:s28], [sflag:$0x2], $0x1, s2, s26, $0xb8;
	[tilespmem:$0x19080] =	vst v63  }
0x160: {  	s3 =	simm.s32 $0x80  }
0x161: {  	[spmem:s1] =	stream.indirect.scatter.add.f32 [tilespmem:s28], [sflag:$0x2], $0x1, s3, s26, $0xb8;
	[tilespmem:$0x19080] =	vst v63  }
0x162: {  	s2 =	simm.s32 $0x100  }
0x163: {  	[spmem:s1] =	stream.indirect.scatter.add.f32 [tilespmem:s28], [sflag:$0x2], $0x1, s2, s26, $0xb8;
	[tilespmem:$0x19080] =	vst v63  }
0x164: {  	s3 =	simm.s32 $0x180  }
0x165: {  	[spmem:s1] =	stream.indirect.scatter.add.f32 [tilespmem:s28], [sflag:$0x2], $0x1, s3, s26, $0xb8;
	[tilespmem:$0x19080] =	vst v63  }
0x166: {  	s2 =	simm.s32 $0x200  }
0x167: {  	[spmem:s1] =	stream.indirect.scatter.add.f32 [tilespmem:s28], [sflag:$0x2], $0x1, s2, s26, $0xb8;
	[tilespmem:$0x19080] =	vst v63  }
0x168: {  	s3 =	simm.s32 $0x280  }
0x169: {  	[spmem:s1] =	stream.indirect.scatter.add.f32 [tilespmem:s28], [sflag:$0x2], $0x1, s3, s26, $0xb8;
	[tilespmem:$0x19080] =	vst v63  }
0x16a: {  	s2 =	simm.s32 $0x300  }
0x16b: {  	[spmem:s1] =	stream.indirect.scatter.add.f32 [tilespmem:s28], [sflag:$0x2], $0x1, s2, s26, $0xb8;
	[tilespmem:$0x19080] =	vst v63  }
0x16c: {  	s3 =	simm.s32 $0x380  }
0x16d: {  	[spmem:s1] =	stream.indirect.scatter.add.f32 [tilespmem:s28], [sflag:$0x2], $0x1, s3, s26, $0xb8;
	[tilespmem:$0x19080] =	vst v63  }
0x16e: {  	s2 =	simm.s32 $0x400  }
0x16f: {  	[spmem:s1] =	stream.indirect.scatter.add.f32 [tilespmem:s28], [sflag:$0x2], $0x1, s2, s26, $0xb8;
	[tilespmem:$0x19080] =	vst v63  }
0x170: {  	s3 =	simm.s32 $0x480  }
0x171: {  	[spmem:s1] =	stream.indirect.scatter.add.f32 [tilespmem:s28], [sflag:$0x2], $0x1, s3, s26, $0xb8;
	[tilespmem:$0x19080] =	vst v63  }
0x172: {  	s2 =	simm.s32 $0x500  }
0x173: {  	[spmem:s1] =	stream.indirect.scatter.add.f32 [tilespmem:s28], [sflag:$0x2], $0x1, s2, s26, $0xb8;
	[tilespmem:$0x19080] =	vst v63  }
0x174: {  	s3 =	simm.s32 $0x580  }
0x175: {  	[spmem:s1] =	stream.indirect.scatter.add.f32 [tilespmem:s28], [sflag:$0x2], $0x1, s3, s26, $0xb8;
	[tilespmem:$0x19080] =	vst v63  }
0x176: {  	s2 =	simm.s32 $0x600  }
0x177: {  	[spmem:s1] =	stream.indirect.scatter.add.f32 [tilespmem:s28], [sflag:$0x2], $0x1, s2, s26, $0xb8;
	[tilespmem:$0x19080] =	vst v63  }
0x178: {  	s3 =	simm.s32 $0x680  }
0x179: {  	[spmem:s1] =	stream.indirect.scatter.add.f32 [tilespmem:s28], [sflag:$0x2], $0x1, s3, s26, $0xb8;
	[tilespmem:$0x19080] =	vst v63  }
0x17a: {  	s2 =	simm.s32 $0x700  }
0x17b: {  	[spmem:s1] =	stream.indirect.scatter.add.f32 [tilespmem:s28], [sflag:$0x2], $0x1, s2, s26, $0xb8;
	[tilespmem:$0x19080] =	vst v63  }
0x17c: {  	s3 =	simm.s32 $0x780  }
0x17d: {  	[spmem:s1] =	stream.indirect.scatter.add.f32 [tilespmem:s28], [sflag:$0x2], $0x1, s3, s26, $0xb8;
	[tilespmem:$0x19080] =	vst v63  }
0x17e: {  	s2 =	simm.s32 $0x800  }
0x17f: {  	[spmem:s1] =	stream.indirect.scatter.add.f32 [tilespmem:s28], [sflag:$0x2], $0x1, s2, s26, $0xb8;
	[tilespmem:$0x19080] =	vst v63  }
0x180: {  	s3 =	simm.s32 $0x880  }
0x181: {  	[spmem:s1] =	stream.indirect.scatter.add.f32 [tilespmem:s28], [sflag:$0x2], $0x1, s3, s26, $0xb8;
	[tilespmem:$0x19080] =	vst v63  }
0x182: {  	s2 =	simm.s32 $0x900  }
0x183: {  	[spmem:s1] =	stream.indirect.scatter.add.f32 [tilespmem:s28], [sflag:$0x2], $0x1, s2, s26, $0xb8;
	[tilespmem:$0x19080] =	vst v63  }
0x184: {  	s3 =	simm.s32 $0x980  }
0x185: {  	[spmem:s1] =	stream.indirect.scatter.add.f32 [tilespmem:s28], [sflag:$0x2], $0x1, s3, s26, $0xb8;
	[tilespmem:$0x19080] =	vst v63  }
0x186: {  	s2 =	simm.s32 $0xA00  }
0x187: {  	[spmem:s1] =	stream.indirect.scatter.add.f32 [tilespmem:s28], [sflag:$0x2], $0x1, s2, s26, $0xb8;
	[tilespmem:$0x19080] =	vst v63  }
0x188: {  	s3 =	simm.s32 $0xA80  }
0x189: {  	[spmem:s1] =	stream.indirect.scatter.add.f32 [tilespmem:s28], [sflag:$0x2], $0x1, s3, s26, $0xb8;
	[tilespmem:$0x19080] =	vst v63  }
0x18a: {  	s2 =	simm.s32 $0xB00  }
0x18b: {  	[spmem:s1] =	stream.indirect.scatter.add.f32 [tilespmem:s28], [sflag:$0x2], $0x1, s2, s26, $0xb8;
	[tilespmem:$0x19080] =	vst v63  }
0x18c: {  	s3 =	simm.s32 $0xB80  }
0x18d: {  	[spmem:s1] =	stream.indirect.scatter.add.f32 [tilespmem:s28], [sflag:$0x2], $0x1, s3, s26, $0xb8;
	[tilespmem:$0x19080] =	vst v63  }
0x18e: {  	s2 =	simm.s32 $0xC00  }
0x18f: {  	[spmem:s1] =	stream.indirect.scatter.add.f32 [tilespmem:s28], [sflag:$0x2], $0x1, s2, s26, $0xb8;
	[tilespmem:$0x19080] =	vst v63  }
0x190: {  	s3 =	simm.s32 $0xC80  }
0x191: {  	[spmem:s1] =	stream.indirect.scatter.add.f32 [tilespmem:s28], [sflag:$0x2], $0x1, s3, s26, $0xb8;
	[tilespmem:$0x19080] =	vst v63  }
0x192: {  	s2 =	simm.s32 $0xD00  }
0x193: {  	[spmem:s1] =	stream.indirect.scatter.add.f32 [tilespmem:s28], [sflag:$0x2], $0x1, s2, s26, $0xb8;
	[tilespmem:$0x19080] =	vst v63  }
0x194: {  	s3 =	simm.s32 $0xD80  }
0x195: {  	[spmem:s1] =	stream.indirect.scatter.add.f32 [tilespmem:s28], [sflag:$0x2], $0x1, s3, s26, $0xb8;
	[tilespmem:$0x19080] =	vst v63  }
0x196: {  	s2 =	simm.s32 $0xE00  }
0x197: {  	[spmem:s1] =	stream.indirect.scatter.add.f32 [tilespmem:s28], [sflag:$0x2], $0x1, s2, s26, $0xb8;
	[tilespmem:$0x19080] =	vst v63  }
0x198: {  	s3 =	simm.s32 $0xE80  }
0x199: {  	[spmem:s1] =	stream.indirect.scatter.add.f32 [tilespmem:s28], [sflag:$0x2], $0x1, s3, s26, $0xb8;
	[tilespmem:$0x19080] =	vst v63  }
0x19a: {  	s2 =	simm.s32 $0xF00  }
0x19b: {  	[spmem:s1] =	stream.indirect.scatter.add.f32 [tilespmem:s28], [sflag:$0x2], $0x1, s2, s26, $0xb8;
	[tilespmem:$0x19080] =	vst v63  }
0x19c: {  	s3 =	simm.s32 $0xF80  }
0x19d: {  	[spmem:s1] =	stream.indirect.scatter.add.f32 [tilespmem:s28], [sflag:$0x2], $0x1, s3, s26, $0xb8;
	[tilespmem:$0x19080] =	vst v63  }
0x19e: {  	_ =	swait.ge [sflag:s29], $0x80  }
0x19f: {  	[sflag:s29] =	ssyncset.done $0x0  }
0x1a0: {  	[sflag:s29] =	ssyncadd.s32 $0xFFFFFF80  }
0x1a1: {  	_ =	swait.ge [sflag:s29], $0x80  }
0x1a2: {  	[sflag:s29] =	ssyncset.done $0x0  }
0x1a3: {  	[sflag:s29] =	ssyncadd.s32 $0xFFFFFF80  }
0x1a4: {  	_ =	swait.ge [sflag:s29], $0x80  }
0x1a5: {  	[sflag:s29] =	ssyncset.done $0x0  }
0x1a6: {  	[sflag:s29] =	ssyncadd.s32 $0xFFFFFF80  }
0x1a7: {  	_ =	swait.ge [sflag:s29], $0x80  }
0x1a8: {  	[sflag:s29] =	ssyncset.done $0x0  }
0x1a9: {  	[sflag:s29] =	ssyncadd.s32 $0xFFFFFF80  }
0x1aa: {  	_ =	swait.ge [sflag:s29], $0x80  }
0x1ab: {  	[sflag:s29] =	ssyncset.done $0x0  }
0x1ac: {  	[sflag:s29] =	ssyncadd.s32 $0xFFFFFF80  }
0x1ad: {  	_ =	swait.ge [sflag:s29], $0x80  }
0x1ae: {  	[sflag:s29] =	ssyncset.done $0x0  }
0x1af: {  	[sflag:s29] =	ssyncadd.s32 $0xFFFFFF80  }
0x1b0: {  	_ =	swait.ge [sflag:s29], $0x80  }
0x1b1: {  	[sflag:s29] =	ssyncset.done $0x0  }
0x1b2: {  	[sflag:s29] =	ssyncadd.s32 $0xFFFFFF80  }
0x1b3: {  	_ =	swait.ge [sflag:s29], $0x80  }
0x1b4: {  	[sflag:s29] =	ssyncset.done $0x0  }
0x1b5: {  	[sflag:s29] =	ssyncadd.s32 $0xFFFFFF80  }
0x1b6: {  	_ =	swait.ge [sflag:s29], $0x80  }
0x1b7: {  	[sflag:s29] =	ssyncset.done $0x0  }
0x1b8: {  	[sflag:s29] =	ssyncadd.s32 $0xFFFFFF80  }
0x1b9: {  	_ =	swait.ge [sflag:s29], $0x80  }
0x1ba: {  	[sflag:s29] =	ssyncset.done $0x0  }
0x1bb: {  	[sflag:s29] =	ssyncadd.s32 $0xFFFFFF80  }
0x1bc: {  	_ =	swait.ge [sflag:s29], $0x80  }
0x1bd: {  	[sflag:s29] =	ssyncset.done $0x0  }
0x1be: {  	[sflag:s29] =	ssyncadd.s32 $0xFFFFFF80  }
0x1bf: {  	_ =	swait.ge [sflag:s29], $0x80  }
0x1c0: {  	[sflag:s29] =	ssyncset.done $0x0  }
0x1c1: {  	[sflag:s29] =	ssyncadd.s32 $0xFFFFFF80  }
0x1c2: {  	_ =	swait.ge [sflag:s29], $0x80  }
0x1c3: {  	[sflag:s29] =	ssyncset.done $0x0  }
0x1c4: {  	[sflag:s29] =	ssyncadd.s32 $0xFFFFFF80  }
0x1c5: {  	_ =	swait.ge [sflag:s29], $0x80  }
0x1c6: {  	[sflag:s29] =	ssyncset.done $0x0  }
0x1c7: {  	[sflag:s29] =	ssyncadd.s32 $0xFFFFFF80  }
0x1c8: {  	_ =	swait.ge [sflag:s29], $0x80  }
0x1c9: {  	[sflag:s29] =	ssyncset.done $0x0  }
0x1ca: {  	[sflag:s29] =	ssyncadd.s32 $0xFFFFFF80  }
0x1cb: {  	_ =	swait.ge [sflag:s29], $0x80  }
0x1cc: {  	[sflag:s29] =	ssyncset.done $0x0  }
0x1cd: {  	[sflag:s29] =	ssyncadd.s32 $0xFFFFFF80  }
0x1ce: {  	_ =	swait.ge [sflag:s29], $0x80  }
0x1cf: {  	[sflag:s29] =	ssyncset.done $0x0  }
0x1d0: {  	[sflag:s29] =	ssyncadd.s32 $0xFFFFFF80  }
0x1d1: {  	_ =	swait.ge [sflag:s29], $0x80  }
0x1d2: {  	[sflag:s29] =	ssyncset.done $0x0  }
0x1d3: {  	[sflag:s29] =	ssyncadd.s32 $0xFFFFFF80  }
0x1d4: {  	_ =	swait.ge [sflag:s29], $0x80  }
0x1d5: {  	[sflag:s29] =	ssyncset.done $0x0  }
0x1d6: {  	[sflag:s29] =	ssyncadd.s32 $0xFFFFFF80  }
0x1d7: {  	_ =	swait.ge [sflag:s29], $0x80  }
0x1d8: {  	[sflag:s29] =	ssyncset.done $0x0  }
0x1d9: {  	[sflag:s29] =	ssyncadd.s32 $0xFFFFFF80  }
0x1da: {  	_ =	swait.ge [sflag:s29], $0x80  }
0x1db: {  	[sflag:s29] =	ssyncset.done $0x0  }
0x1dc: {  	[sflag:s29] =	ssyncadd.s32 $0xFFFFFF80  }
0x1dd: {  	_ =	swait.ge [sflag:s29], $0x80  }
0x1de: {  	[sflag:s29] =	ssyncset.done $0x0  }
0x1df: {  	[sflag:s29] =	ssyncadd.s32 $0xFFFFFF80  }
0x1e0: {  	_ =	swait.ge [sflag:s29], $0x80  }
0x1e1: {  	[sflag:s29] =	ssyncset.done $0x0  }
0x1e2: {  	[sflag:s29] =	ssyncadd.s32 $0xFFFFFF80  }
0x1e3: {  	_ =	swait.ge [sflag:s29], $0x80  }
0x1e4: {  	[sflag:s29] =	ssyncset.done $0x0  }
0x1e5: {  	[sflag:s29] =	ssyncadd.s32 $0xFFFFFF80  }
0x1e6: {  	_ =	swait.ge [sflag:s29], $0x80  }
0x1e7: {  	[sflag:s29] =	ssyncset.done $0x0  }
0x1e8: {  	[sflag:s29] =	ssyncadd.s32 $0xFFFFFF80  }
0x1e9: {  	_ =	swait.ge [sflag:s29], $0x80  }
0x1ea: {  	[sflag:s29] =	ssyncset.done $0x0  }
0x1eb: {  	[sflag:s29] =	ssyncadd.s32 $0xFFFFFF80  }
0x1ec: {  	_ =	swait.ge [sflag:s29], $0x80  }
0x1ed: {  	[sflag:s29] =	ssyncset.done $0x0  }
0x1ee: {  	[sflag:s29] =	ssyncadd.s32 $0xFFFFFF80  }
0x1ef: {  	_ =	swait.ge [sflag:s29], $0x80  }
0x1f0: {  	[sflag:s29] =	ssyncset.done $0x0  }
0x1f1: {  	[sflag:s29] =	ssyncadd.s32 $0xFFFFFF80  }
0x1f2: {  	_ =	swait.ge [sflag:s29], $0x80  }
0x1f3: {  	[sflag:s29] =	ssyncset.done $0x0  }
0x1f4: {  	[sflag:s29] =	ssyncadd.s32 $0xFFFFFF80  }
0x1f5: {  	_ =	swait.ge [sflag:s29], $0x80  }
0x1f6: {  	[sflag:s29] =	ssyncset.done $0x0  }
0x1f7: {  	[sflag:s29] =	ssyncadd.s32 $0xFFFFFF80  }
0x1f8: {  	_ =	swait.ge [sflag:s29], $0x80  }
0x1f9: {  	[sflag:s29] =	ssyncset.done $0x0  }
0x1fa: {  	[sflag:s29] =	ssyncadd.s32 $0xFFFFFF80  }
0x1fb: {  	_ =	swait.ge [sflag:s29], $0x80  }
0x1fc: {  	s31 =	simm.s32 $0x4000;
	s0 =	simm.s32 $0x8000;
	[sflag:s29] =	ssyncset.done $0x0  }
.LBB2_2:
0x1fd: {  	s3 =	sshra.s32 s31, $0x2  }
0x1fe: {  	[sflag:s29] =	ssyncadd.s32 $0xFFFFFF80;
	s31 =	smov.u32 s0;
	s2 =	sadd.s32 $0x4000, s0  }
0x1ff: {  	[spmem:s1] =	stream.indirect.scatter.add.f32 [tilespmem:s28], [sflag:$0x2], $0x1, s3, s26, $0xb8;
	[tilespmem:$0x19080] =	vst v63  }
0x200: {  	p0 =	sne.s32 s0, $0x1C000;
	s0 =	sadd.s32 $0x80, s3  }
0x201: {  	[spmem:s1] =	stream.indirect.scatter.add.f32 [tilespmem:s28], [sflag:$0x2], $0x1, s0, s26, $0xb8;
	[tilespmem:$0x19080] =	vst v63  }
0x202: {  	s0 =	sadd.s32 $0x100, s3  }
0x203: {  	[spmem:s1] =	stream.indirect.scatter.add.f32 [tilespmem:s28], [sflag:$0x2], $0x1, s0, s26, $0xb8;
	[tilespmem:$0x19080] =	vst v63  }
0x204: {  	s0 =	sadd.s32 $0x180, s3  }
0x205: {  	[spmem:s1] =	stream.indirect.scatter.add.f32 [tilespmem:s28], [sflag:$0x2], $0x1, s0, s26, $0xb8;
	[tilespmem:$0x19080] =	vst v63  }
0x206: {  	s0 =	sadd.s32 $0x200, s3  }
0x207: {  	[spmem:s1] =	stream.indirect.scatter.add.f32 [tilespmem:s28], [sflag:$0x2], $0x1, s0, s26, $0xb8;
	[tilespmem:$0x19080] =	vst v63  }
0x208: {  	s0 =	sadd.s32 $0x280, s3  }
0x209: {  	[spmem:s1] =	stream.indirect.scatter.add.f32 [tilespmem:s28], [sflag:$0x2], $0x1, s0, s26, $0xb8;
	[tilespmem:$0x19080] =	vst v63  }
0x20a: {  	s0 =	sadd.s32 $0x300, s3  }
0x20b: {  	[spmem:s1] =	stream.indirect.scatter.add.f32 [tilespmem:s28], [sflag:$0x2], $0x1, s0, s26, $0xb8;
	[tilespmem:$0x19080] =	vst v63  }
0x20c: {  	s0 =	sadd.s32 $0x380, s3  }
0x20d: {  	[spmem:s1] =	stream.indirect.scatter.add.f32 [tilespmem:s28], [sflag:$0x2], $0x1, s0, s26, $0xb8;
	[tilespmem:$0x19080] =	vst v63  }
0x20e: {  	s0 =	sadd.s32 $0x400, s3  }
0x20f: {  	[spmem:s1] =	stream.indirect.scatter.add.f32 [tilespmem:s28], [sflag:$0x2], $0x1, s0, s26, $0xb8;
	[tilespmem:$0x19080] =	vst v63  }
0x210: {  	s0 =	sadd.s32 $0x480, s3  }
0x211: {  	[spmem:s1] =	stream.indirect.scatter.add.f32 [tilespmem:s28], [sflag:$0x2], $0x1, s0, s26, $0xb8;
	[tilespmem:$0x19080] =	vst v63  }
0x212: {  	s0 =	sadd.s32 $0x500, s3  }
0x213: {  	[spmem:s1] =	stream.indirect.scatter.add.f32 [tilespmem:s28], [sflag:$0x2], $0x1, s0, s26, $0xb8;
	[tilespmem:$0x19080] =	vst v63  }
0x214: {  	s0 =	sadd.s32 $0x580, s3  }
0x215: {  	[spmem:s1] =	stream.indirect.scatter.add.f32 [tilespmem:s28], [sflag:$0x2], $0x1, s0, s26, $0xb8;
	[tilespmem:$0x19080] =	vst v63  }
0x216: {  	s0 =	sadd.s32 $0x600, s3  }
0x217: {  	[spmem:s1] =	stream.indirect.scatter.add.f32 [tilespmem:s28], [sflag:$0x2], $0x1, s0, s26, $0xb8;
	[tilespmem:$0x19080] =	vst v63  }
0x218: {  	s0 =	sadd.s32 $0x680, s3  }
0x219: {  	[spmem:s1] =	stream.indirect.scatter.add.f32 [tilespmem:s28], [sflag:$0x2], $0x1, s0, s26, $0xb8;
	[tilespmem:$0x19080] =	vst v63  }
0x21a: {  	s0 =	sadd.s32 $0x700, s3  }
0x21b: {  	[spmem:s1] =	stream.indirect.scatter.add.f32 [tilespmem:s28], [sflag:$0x2], $0x1, s0, s26, $0xb8;
	[tilespmem:$0x19080] =	vst v63  }
0x21c: {  	s0 =	sadd.s32 $0x780, s3  }
0x21d: {  	[spmem:s1] =	stream.indirect.scatter.add.f32 [tilespmem:s28], [sflag:$0x2], $0x1, s0, s26, $0xb8;
	[tilespmem:$0x19080] =	vst v63  }
0x21e: {  	s0 =	sadd.s32 $0x800, s3  }
0x21f: {  	[spmem:s1] =	stream.indirect.scatter.add.f32 [tilespmem:s28], [sflag:$0x2], $0x1, s0, s26, $0xb8;
	[tilespmem:$0x19080] =	vst v63  }
0x220: {  	s0 =	sadd.s32 $0x880, s3  }
0x221: {  	[spmem:s1] =	stream.indirect.scatter.add.f32 [tilespmem:s28], [sflag:$0x2], $0x1, s0, s26, $0xb8;
	[tilespmem:$0x19080] =	vst v63  }
0x222: {  	s0 =	sadd.s32 $0x900, s3  }
0x223: {  	[spmem:s1] =	stream.indirect.scatter.add.f32 [tilespmem:s28], [sflag:$0x2], $0x1, s0, s26, $0xb8;
	[tilespmem:$0x19080] =	vst v63  }
0x224: {  	s0 =	sadd.s32 $0x980, s3  }
0x225: {  	[spmem:s1] =	stream.indirect.scatter.add.f32 [tilespmem:s28], [sflag:$0x2], $0x1, s0, s26, $0xb8;
	[tilespmem:$0x19080] =	vst v63  }
0x226: {  	s0 =	sadd.s32 $0xA00, s3  }
0x227: {  	[spmem:s1] =	stream.indirect.scatter.add.f32 [tilespmem:s28], [sflag:$0x2], $0x1, s0, s26, $0xb8;
	[tilespmem:$0x19080] =	vst v63  }
0x228: {  	s0 =	sadd.s32 $0xA80, s3  }
0x229: {  	[spmem:s1] =	stream.indirect.scatter.add.f32 [tilespmem:s28], [sflag:$0x2], $0x1, s0, s26, $0xb8;
	[tilespmem:$0x19080] =	vst v63  }
0x22a: {  	s0 =	sadd.s32 $0xB00, s3  }
0x22b: {  	[spmem:s1] =	stream.indirect.scatter.add.f32 [tilespmem:s28], [sflag:$0x2], $0x1, s0, s26, $0xb8;
	[tilespmem:$0x19080] =	vst v63  }
0x22c: {  	s0 =	sadd.s32 $0xB80, s3  }
0x22d: {  	[spmem:s1] =	stream.indirect.scatter.add.f32 [tilespmem:s28], [sflag:$0x2], $0x1, s0, s26, $0xb8;
	[tilespmem:$0x19080] =	vst v63  }
0x22e: {  	s0 =	sadd.s32 $0xC00, s3  }
0x22f: {  	[spmem:s1] =	stream.indirect.scatter.add.f32 [tilespmem:s28], [sflag:$0x2], $0x1, s0, s26, $0xb8;
	[tilespmem:$0x19080] =	vst v63  }
0x230: {  	s0 =	sadd.s32 $0xC80, s3  }
0x231: {  	[spmem:s1] =	stream.indirect.scatter.add.f32 [tilespmem:s28], [sflag:$0x2], $0x1, s0, s26, $0xb8;
	[tilespmem:$0x19080] =	vst v63  }
0x232: {  	s0 =	sadd.s32 $0xD00, s3  }
0x233: {  	[spmem:s1] =	stream.indirect.scatter.add.f32 [tilespmem:s28], [sflag:$0x2], $0x1, s0, s26, $0xb8;
	[tilespmem:$0x19080] =	vst v63  }
0x234: {  	s0 =	sadd.s32 $0xD80, s3  }
0x235: {  	[spmem:s1] =	stream.indirect.scatter.add.f32 [tilespmem:s28], [sflag:$0x2], $0x1, s0, s26, $0xb8;
	[tilespmem:$0x19080] =	vst v63  }
0x236: {  	s0 =	sadd.s32 $0xE00, s3  }
0x237: {  	[spmem:s1] =	stream.indirect.scatter.add.f32 [tilespmem:s28], [sflag:$0x2], $0x1, s0, s26, $0xb8;
	[tilespmem:$0x19080] =	vst v63  }
0x238: {  	s0 =	sadd.s32 $0xE80, s3  }
0x239: {  	[spmem:s1] =	stream.indirect.scatter.add.f32 [tilespmem:s28], [sflag:$0x2], $0x1, s0, s26, $0xb8;
	[tilespmem:$0x19080] =	vst v63  }
0x23a: {  	s0 =	sadd.s32 $0xF00, s3  }
0x23b: {  	[spmem:s1] =	stream.indirect.scatter.add.f32 [tilespmem:s28], [sflag:$0x2], $0x1, s0, s26, $0xb8;
	[tilespmem:$0x19080] =	vst v63  }
0x23c: {  	s0 =	sadd.s32 $0xF80, s3  }
0x23d: {  	[spmem:s1] =	stream.indirect.scatter.add.f32 [tilespmem:s28], [sflag:$0x2], $0x1, s0, s26, $0xb8;
	[tilespmem:$0x19080] =	vst v63  }
0x23e: {  	_ =	swait.ge [sflag:s29], $0x80  }
0x23f: {  	[sflag:s29] =	ssyncset.done $0x0  }
0x240: {  	[sflag:s29] =	ssyncadd.s32 $0xFFFFFF80  }
0x241: {  	_ =	swait.ge [sflag:s29], $0x80  }
0x242: {  	[sflag:s29] =	ssyncset.done $0x0  }
0x243: {  	[sflag:s29] =	ssyncadd.s32 $0xFFFFFF80  }
0x244: {  	_ =	swait.ge [sflag:s29], $0x80  }
0x245: {  	[sflag:s29] =	ssyncset.done $0x0  }
0x246: {  	[sflag:s29] =	ssyncadd.s32 $0xFFFFFF80  }
0x247: {  	_ =	swait.ge [sflag:s29], $0x80  }
0x248: {  	[sflag:s29] =	ssyncset.done $0x0  }
0x249: {  	[sflag:s29] =	ssyncadd.s32 $0xFFFFFF80  }
0x24a: {  	_ =	swait.ge [sflag:s29], $0x80  }
0x24b: {  	[sflag:s29] =	ssyncset.done $0x0  }
0x24c: {  	[sflag:s29] =	ssyncadd.s32 $0xFFFFFF80  }
0x24d: {  	_ =	swait.ge [sflag:s29], $0x80  }
0x24e: {  	[sflag:s29] =	ssyncset.done $0x0  }
0x24f: {  	[sflag:s29] =	ssyncadd.s32 $0xFFFFFF80  }
0x250: {  	_ =	swait.ge [sflag:s29], $0x80  }
0x251: {  	[sflag:s29] =	ssyncset.done $0x0  }
0x252: {  	[sflag:s29] =	ssyncadd.s32 $0xFFFFFF80  }
0x253: {  	_ =	swait.ge [sflag:s29], $0x80  }
0x254: {  	[sflag:s29] =	ssyncset.done $0x0  }
0x255: {  	[sflag:s29] =	ssyncadd.s32 $0xFFFFFF80  }
0x256: {  	_ =	swait.ge [sflag:s29], $0x80  }
0x257: {  	[sflag:s29] =	ssyncset.done $0x0  }
0x258: {  	[sflag:s29] =	ssyncadd.s32 $0xFFFFFF80  }
0x259: {  	_ =	swait.ge [sflag:s29], $0x80  }
0x25a: {  	[sflag:s29] =	ssyncset.done $0x0  }
0x25b: {  	[sflag:s29] =	ssyncadd.s32 $0xFFFFFF80  }
0x25c: {  	_ =	swait.ge [sflag:s29], $0x80  }
0x25d: {  	[sflag:s29] =	ssyncset.done $0x0  }
0x25e: {  	[sflag:s29] =	ssyncadd.s32 $0xFFFFFF80  }
0x25f: {  	_ =	swait.ge [sflag:s29], $0x80  }
0x260: {  	[sflag:s29] =	ssyncset.done $0x0  }
0x261: {  	[sflag:s29] =	ssyncadd.s32 $0xFFFFFF80  }
0x262: {  	_ =	swait.ge [sflag:s29], $0x80  }
0x263: {  	[sflag:s29] =	ssyncset.done $0x0  }
0x264: {  	[sflag:s29] =	ssyncadd.s32 $0xFFFFFF80  }
0x265: {  	_ =	swait.ge [sflag:s29], $0x80  }
0x266: {  	[sflag:s29] =	ssyncset.done $0x0  }
0x267: {  	[sflag:s29] =	ssyncadd.s32 $0xFFFFFF80  }
0x268: {  	_ =	swait.ge [sflag:s29], $0x80  }
0x269: {  	[sflag:s29] =	ssyncset.done $0x0  }
0x26a: {  	[sflag:s29] =	ssyncadd.s32 $0xFFFFFF80  }
0x26b: {  	_ =	swait.ge [sflag:s29], $0x80  }
0x26c: {  	[sflag:s29] =	ssyncset.done $0x0  }
0x26d: {  	[sflag:s29] =	ssyncadd.s32 $0xFFFFFF80  }
0x26e: {  	_ =	swait.ge [sflag:s29], $0x80  }
0x26f: {  	[sflag:s29] =	ssyncset.done $0x0  }
0x270: {  	[sflag:s29] =	ssyncadd.s32 $0xFFFFFF80  }
0x271: {  	_ =	swait.ge [sflag:s29], $0x80  }
0x272: {  	[sflag:s29] =	ssyncset.done $0x0  }
0x273: {  	[sflag:s29] =	ssyncadd.s32 $0xFFFFFF80  }
0x274: {  	_ =	swait.ge [sflag:s29], $0x80  }
0x275: {  	[sflag:s29] =	ssyncset.done $0x0  }
0x276: {  	[sflag:s29] =	ssyncadd.s32 $0xFFFFFF80  }
0x277: {  	_ =	swait.ge [sflag:s29], $0x80  }
0x278: {  	[sflag:s29] =	ssyncset.done $0x0  }
0x279: {  	[sflag:s29] =	ssyncadd.s32 $0xFFFFFF80  }
0x27a: {  	_ =	swait.ge [sflag:s29], $0x80  }
0x27b: {  	[sflag:s29] =	ssyncset.done $0x0  }
0x27c: {  	[sflag:s29] =	ssyncadd.s32 $0xFFFFFF80  }
0x27d: {  	_ =	swait.ge [sflag:s29], $0x80  }
0x27e: {  	[sflag:s29] =	ssyncset.done $0x0  }
0x27f: {  	[sflag:s29] =	ssyncadd.s32 $0xFFFFFF80  }
0x280: {  	_ =	swait.ge [sflag:s29], $0x80  }
0x281: {  	[sflag:s29] =	ssyncset.done $0x0  }
0x282: {  	[sflag:s29] =	ssyncadd.s32 $0xFFFFFF80  }
0x283: {  	_ =	swait.ge [sflag:s29], $0x80  }
0x284: {  	[sflag:s29] =	ssyncset.done $0x0  }
0x285: {  	[sflag:s29] =	ssyncadd.s32 $0xFFFFFF80  }
0x286: {  	_ =	swait.ge [sflag:s29], $0x80  }
0x287: {  	[sflag:s29] =	ssyncset.done $0x0  }
0x288: {  	[sflag:s29] =	ssyncadd.s32 $0xFFFFFF80  }
0x289: {  	_ =	swait.ge [sflag:s29], $0x80  }
0x28a: {  	[sflag:s29] =	ssyncset.done $0x0  }
0x28b: {  	[sflag:s29] =	ssyncadd.s32 $0xFFFFFF80  }
0x28c: {  	_ =	swait.ge [sflag:s29], $0x80  }
0x28d: {  	[sflag:s29] =	ssyncset.done $0x0  }
0x28e: {  	[sflag:s29] =	ssyncadd.s32 $0xFFFFFF80  }
0x28f: {  	_ =	swait.ge [sflag:s29], $0x80  }
0x290: {  	[sflag:s29] =	ssyncset.done $0x0  }
0x291: {  	[sflag:s29] =	ssyncadd.s32 $0xFFFFFF80  }
0x292: {  	_ =	swait.ge [sflag:s29], $0x80  }
0x293: {  	[sflag:s29] =	ssyncset.done $0x0  }
0x294: {  	[sflag:s29] =	ssyncadd.s32 $0xFFFFFF80  }
0x295: {  	_ =	swait.ge [sflag:s29], $0x80  }
0x296: {  	[sflag:s29] =	ssyncset.done $0x0  }
0x297: {  	[sflag:s29] =	ssyncadd.s32 $0xFFFFFF80  }
.Ltmp0:
0x298: {  	_ =	swait.ge [sflag:s29], $0x80;
	(pc) =	sbr.rel @p0 .LBB2_2-.Ltmp0, $4  }
0x299: {  	[sflag:s29] =	ssyncset.done $0x0  }
0x29a: {  	[sflag:s29] =	ssyncadd.s32 $0xFFFFFF80  }
0x29b: {  	_ =	swait.ge [sflag:s29], $0x80  }
0x29c: {  	s0 =	smov.u32 s2;
	[sflag:s29] =	ssyncset.done $0x0  }
0x29d: {  	s0 =	sshra.s32 s31, $0x2;
	[sflag:s29] =	ssyncadd.s32 $0xFFFFFF80  }
0x29e: {  	[spmem:s1] =	stream.indirect.scatter.add.f32 [tilespmem:s28], [sflag:$0x2], $0x1, s0, s26, $0xb8;
	[tilespmem:$0x19080] =	vst v63  }
0x29f: {  	s2 =	sadd.s32 $0x80, s0  }
0x2a0: {  	[spmem:s1] =	stream.indirect.scatter.add.f32 [tilespmem:s28], [sflag:$0x2], $0x1, s2, s26, $0xb8;
	[tilespmem:$0x19080] =	vst v63  }
0x2a1: {  	s31 =	sadd.s32 $0x100, s0  }
0x2a2: {  	[spmem:s1] =	stream.indirect.scatter.add.f32 [tilespmem:s28], [sflag:$0x2], $0x1, s31, s26, $0xb8;
	[tilespmem:$0x19080] =	vst v63  }
0x2a3: {  	s3 =	sadd.s32 $0x180, s0  }
0x2a4: {  	[spmem:s1] =	stream.indirect.scatter.add.f32 [tilespmem:s28], [sflag:$0x2], $0x1, s3, s26, $0xb8;
	[tilespmem:$0x19080] =	vst v63  }
0x2a5: {  	s31 =	sadd.s32 $0x200, s0  }
0x2a6: {  	[spmem:s1] =	stream.indirect.scatter.add.f32 [tilespmem:s28], [sflag:$0x2], $0x1, s31, s26, $0xb8;
	[tilespmem:$0x19080] =	vst v63  }
0x2a7: {  	s3 =	sadd.s32 $0x280, s0  }
0x2a8: {  	[spmem:s1] =	stream.indirect.scatter.add.f32 [tilespmem:s28], [sflag:$0x2], $0x1, s3, s26, $0xb8;
	[tilespmem:$0x19080] =	vst v63  }
0x2a9: {  	s31 =	sadd.s32 $0x300, s0  }
0x2aa: {  	[spmem:s1] =	stream.indirect.scatter.add.f32 [tilespmem:s28], [sflag:$0x2], $0x1, s31, s26, $0xb8;
	[tilespmem:$0x19080] =	vst v63  }
0x2ab: {  	s3 =	sadd.s32 $0x380, s0  }
0x2ac: {  	[spmem:s1] =	stream.indirect.scatter.add.f32 [tilespmem:s28], [sflag:$0x2], $0x1, s3, s26, $0xb8;
	[tilespmem:$0x19080] =	vst v63  }
0x2ad: {  	s31 =	sadd.s32 $0x400, s0  }
0x2ae: {  	[spmem:s1] =	stream.indirect.scatter.add.f32 [tilespmem:s28], [sflag:$0x2], $0x1, s31, s26, $0xb8;
	[tilespmem:$0x19080] =	vst v63  }
0x2af: {  	s3 =	sadd.s32 $0x480, s0  }
0x2b0: {  	[spmem:s1] =	stream.indirect.scatter.add.f32 [tilespmem:s28], [sflag:$0x2], $0x1, s3, s26, $0xb8;
	[tilespmem:$0x19080] =	vst v63  }
0x2b1: {  	s31 =	sadd.s32 $0x500, s0  }
0x2b2: {  	[spmem:s1] =	stream.indirect.scatter.add.f32 [tilespmem:s28], [sflag:$0x2], $0x1, s31, s26, $0xb8;
	[tilespmem:$0x19080] =	vst v63  }
0x2b3: {  	s3 =	sadd.s32 $0x580, s0  }
0x2b4: {  	[spmem:s1] =	stream.indirect.scatter.add.f32 [tilespmem:s28], [sflag:$0x2], $0x1, s3, s26, $0xb8;
	[tilespmem:$0x19080] =	vst v63  }
0x2b5: {  	s31 =	sadd.s32 $0x600, s0  }
0x2b6: {  	[spmem:s1] =	stream.indirect.scatter.add.f32 [tilespmem:s28], [sflag:$0x2], $0x1, s31, s26, $0xb8;
	[tilespmem:$0x19080] =	vst v63  }
0x2b7: {  	s3 =	sadd.s32 $0x680, s0  }
0x2b8: {  	[spmem:s1] =	stream.indirect.scatter.add.f32 [tilespmem:s28], [sflag:$0x2], $0x1, s3, s26, $0xb8;
	[tilespmem:$0x19080] =	vst v63  }
0x2b9: {  	s31 =	sadd.s32 $0x700, s0  }
0x2ba: {  	[spmem:s1] =	stream.indirect.scatter.add.f32 [tilespmem:s28], [sflag:$0x2], $0x1, s31, s26, $0xb8;
	[tilespmem:$0x19080] =	vst v63  }
0x2bb: {  	s3 =	sadd.s32 $0x780, s0  }
0x2bc: {  	[spmem:s1] =	stream.indirect.scatter.add.f32 [tilespmem:s28], [sflag:$0x2], $0x1, s3, s26, $0xb8;
	[tilespmem:$0x19080] =	vst v63  }
0x2bd: {  	s31 =	sadd.s32 $0x800, s0  }
0x2be: {  	[spmem:s1] =	stream.indirect.scatter.add.f32 [tilespmem:s28], [sflag:$0x2], $0x1, s31, s26, $0xb8;
	[tilespmem:$0x19080] =	vst v63  }
0x2bf: {  	s3 =	sadd.s32 $0x880, s0  }
0x2c0: {  	[spmem:s1] =	stream.indirect.scatter.add.f32 [tilespmem:s28], [sflag:$0x2], $0x1, s3, s26, $0xb8;
	[tilespmem:$0x19080] =	vst v63  }
0x2c1: {  	s31 =	sadd.s32 $0x900, s0  }
0x2c2: {  	[spmem:s1] =	stream.indirect.scatter.add.f32 [tilespmem:s28], [sflag:$0x2], $0x1, s31, s26, $0xb8;
	[tilespmem:$0x19080] =	vst v63  }
0x2c3: {  	s3 =	sadd.s32 $0x980, s0  }
0x2c4: {  	[spmem:s1] =	stream.indirect.scatter.add.f32 [tilespmem:s28], [sflag:$0x2], $0x1, s3, s26, $0xb8;
	[tilespmem:$0x19080] =	vst v63  }
0x2c5: {  	s31 =	sadd.s32 $0xA00, s0  }
0x2c6: {  	[spmem:s1] =	stream.indirect.scatter.add.f32 [tilespmem:s28], [sflag:$0x2], $0x1, s31, s26, $0xb8;
	[tilespmem:$0x19080] =	vst v63  }
0x2c7: {  	s3 =	sadd.s32 $0xA80, s0  }
0x2c8: {  	[spmem:s1] =	stream.indirect.scatter.add.f32 [tilespmem:s28], [sflag:$0x2], $0x1, s3, s26, $0xb8;
	[tilespmem:$0x19080] =	vst v63  }
0x2c9: {  	s31 =	sadd.s32 $0xB00, s0  }
0x2ca: {  	[spmem:s1] =	stream.indirect.scatter.add.f32 [tilespmem:s28], [sflag:$0x2], $0x1, s31, s26, $0xb8;
	[tilespmem:$0x19080] =	vst v63  }
0x2cb: {  	s3 =	sadd.s32 $0xB80, s0  }
0x2cc: {  	[spmem:s1] =	stream.indirect.scatter.add.f32 [tilespmem:s28], [sflag:$0x2], $0x1, s3, s26, $0xb8;
	[tilespmem:$0x19080] =	vst v63  }
0x2cd: {  	s31 =	sadd.s32 $0xC00, s0  }
0x2ce: {  	[spmem:s1] =	stream.indirect.scatter.add.f32 [tilespmem:s28], [sflag:$0x2], $0x1, s31, s26, $0xb8;
	[tilespmem:$0x19080] =	vst v63  }
0x2cf: {  	s3 =	sadd.s32 $0xC80, s0  }
0x2d0: {  	[spmem:s1] =	stream.indirect.scatter.add.f32 [tilespmem:s28], [sflag:$0x2], $0x1, s3, s26, $0xb8;
	[tilespmem:$0x19080] =	vst v63  }
0x2d1: {  	s31 =	sadd.s32 $0xD00, s0  }
0x2d2: {  	[spmem:s1] =	stream.indirect.scatter.add.f32 [tilespmem:s28], [sflag:$0x2], $0x1, s31, s26, $0xb8;
	[tilespmem:$0x19080] =	vst v63  }
0x2d3: {  	s3 =	sadd.s32 $0xD80, s0  }
0x2d4: {  	[spmem:s1] =	stream.indirect.scatter.add.f32 [tilespmem:s28], [sflag:$0x2], $0x1, s3, s26, $0xb8;
	[tilespmem:$0x19080] =	vst v63  }
0x2d5: {  	s31 =	sadd.s32 $0xE00, s0  }
0x2d6: {  	[spmem:s1] =	stream.indirect.scatter.add.f32 [tilespmem:s28], [sflag:$0x2], $0x1, s31, s26, $0xb8;
	[tilespmem:$0x19080] =	vst v63  }
0x2d7: {  	s3 =	sadd.s32 $0xE80, s0  }
0x2d8: {  	[spmem:s1] =	stream.indirect.scatter.add.f32 [tilespmem:s28], [sflag:$0x2], $0x1, s3, s26, $0xb8;
	[tilespmem:$0x19080] =	vst v63  }
0x2d9: {  	s31 =	sadd.s32 $0xF00, s0  }
0x2da: {  	[spmem:s1] =	stream.indirect.scatter.add.f32 [tilespmem:s28], [sflag:$0x2], $0x1, s31, s26, $0xb8;
	[tilespmem:$0x19080] =	vst v63  }
0x2db: {  	s0 =	sadd.s32 $0xF80, s0  }
0x2dc: {  	[spmem:s1] =	stream.indirect.scatter.add.f32 [tilespmem:s28], [sflag:$0x2], $0x1, s0, s26, $0xb8;
	[tilespmem:$0x19080] =	vst v63  }
0x2dd: {  	_ =	swait.ge [sflag:s29], $0x80  }
0x2de: {  	[sflag:s29] =	ssyncset.done $0x0  }
0x2df: {  	[sflag:s29] =	ssyncadd.s32 $0xFFFFFF80  }
0x2e0: {  	_ =	swait.ge [sflag:s29], $0x80  }
0x2e1: {  	[sflag:s29] =	ssyncset.done $0x0  }
0x2e2: {  	[sflag:s29] =	ssyncadd.s32 $0xFFFFFF80  }
0x2e3: {  	_ =	swait.ge [sflag:s29], $0x80  }
0x2e4: {  	[sflag:s29] =	ssyncset.done $0x0  }
0x2e5: {  	[sflag:s29] =	ssyncadd.s32 $0xFFFFFF80  }
0x2e6: {  	_ =	swait.ge [sflag:s29], $0x80  }
0x2e7: {  	[sflag:s29] =	ssyncset.done $0x0  }
0x2e8: {  	[sflag:s29] =	ssyncadd.s32 $0xFFFFFF80  }
0x2e9: {  	_ =	swait.ge [sflag:s29], $0x80  }
0x2ea: {  	[sflag:s29] =	ssyncset.done $0x0  }
0x2eb: {  	[sflag:s29] =	ssyncadd.s32 $0xFFFFFF80  }
0x2ec: {  	_ =	swait.ge [sflag:s29], $0x80  }
0x2ed: {  	[sflag:s29] =	ssyncset.done $0x0  }
0x2ee: {  	[sflag:s29] =	ssyncadd.s32 $0xFFFFFF80  }
0x2ef: {  	_ =	swait.ge [sflag:s29], $0x80  }
0x2f0: {  	[sflag:s29] =	ssyncset.done $0x0  }
0x2f1: {  	[sflag:s29] =	ssyncadd.s32 $0xFFFFFF80  }
0x2f2: {  	_ =	swait.ge [sflag:s29], $0x80  }
0x2f3: {  	[sflag:s29] =	ssyncset.done $0x0  }
0x2f4: {  	[sflag:s29] =	ssyncadd.s32 $0xFFFFFF80  }
0x2f5: {  	_ =	swait.ge [sflag:s29], $0x80  }
0x2f6: {  	[sflag:s29] =	ssyncset.done $0x0  }
0x2f7: {  	[sflag:s29] =	ssyncadd.s32 $0xFFFFFF80  }
0x2f8: {  	_ =	swait.ge [sflag:s29], $0x80  }
0x2f9: {  	[sflag:s29] =	ssyncset.done $0x0  }
0x2fa: {  	[sflag:s29] =	ssyncadd.s32 $0xFFFFFF80  }
0x2fb: {  	_ =	swait.ge [sflag:s29], $0x80  }
0x2fc: {  	[sflag:s29] =	ssyncset.done $0x0  }
0x2fd: {  	[sflag:s29] =	ssyncadd.s32 $0xFFFFFF80  }
0x2fe: {  	_ =	swait.ge [sflag:s29], $0x80  }
0x2ff: {  	[sflag:s29] =	ssyncset.done $0x0  }
0x300: {  	[sflag:s29] =	ssyncadd.s32 $0xFFFFFF80  }
0x301: {  	_ =	swait.ge [sflag:s29], $0x80  }
0x302: {  	[sflag:s29] =	ssyncset.done $0x0  }
0x303: {  	[sflag:s29] =	ssyncadd.s32 $0xFFFFFF80  }
0x304: {  	_ =	swait.ge [sflag:s29], $0x80  }
0x305: {  	[sflag:s29] =	ssyncset.done $0x0  }
0x306: {  	[sflag:s29] =	ssyncadd.s32 $0xFFFFFF80  }
0x307: {  	_ =	swait.ge [sflag:s29], $0x80  }
0x308: {  	[sflag:s29] =	ssyncset.done $0x0  }
0x309: {  	[sflag:s29] =	ssyncadd.s32 $0xFFFFFF80  }
0x30a: {  	_ =	swait.ge [sflag:s29], $0x80  }
0x30b: {  	[sflag:s29] =	ssyncset.done $0x0  }
0x30c: {  	[sflag:s29] =	ssyncadd.s32 $0xFFFFFF80  }
0x30d: {  	_ =	swait.ge [sflag:s29], $0x80  }
0x30e: {  	[sflag:s29] =	ssyncset.done $0x0  }
0x30f: {  	[sflag:s29] =	ssyncadd.s32 $0xFFFFFF80  }
0x310: {  	_ =	swait.ge [sflag:s29], $0x80  }
0x311: {  	[sflag:s29] =	ssyncset.done $0x0  }
0x312: {  	[sflag:s29] =	ssyncadd.s32 $0xFFFFFF80  }
0x313: {  	_ =	swait.ge [sflag:s29], $0x80  }
0x314: {  	[sflag:s29] =	ssyncset.done $0x0  }
0x315: {  	[sflag:s29] =	ssyncadd.s32 $0xFFFFFF80  }
0x316: {  	_ =	swait.ge [sflag:s29], $0x80  }
0x317: {  	[sflag:s29] =	ssyncset.done $0x0  }
0x318: {  	[sflag:s29] =	ssyncadd.s32 $0xFFFFFF80  }
0x319: {  	_ =	swait.ge [sflag:s29], $0x80  }
0x31a: {  	[sflag:s29] =	ssyncset.done $0x0  }
0x31b: {  	[sflag:s29] =	ssyncadd.s32 $0xFFFFFF80  }
0x31c: {  	_ =	swait.ge [sflag:s29], $0x80  }
0x31d: {  	[sflag:s29] =	ssyncset.done $0x0  }
0x31e: {  	[sflag:s29] =	ssyncadd.s32 $0xFFFFFF80  }
0x31f: {  	_ =	swait.ge [sflag:s29], $0x80  }
0x320: {  	[sflag:s29] =	ssyncset.done $0x0  }
0x321: {  	[sflag:s29] =	ssyncadd.s32 $0xFFFFFF80  }
0x322: {  	_ =	swait.ge [sflag:s29], $0x80  }
0x323: {  	[sflag:s29] =	ssyncset.done $0x0  }
0x324: {  	[sflag:s29] =	ssyncadd.s32 $0xFFFFFF80  }
0x325: {  	_ =	swait.ge [sflag:s29], $0x80  }
0x326: {  	[sflag:s29] =	ssyncset.done $0x0  }
0x327: {  	[sflag:s29] =	ssyncadd.s32 $0xFFFFFF80  }
0x328: {  	_ =	swait.ge [sflag:s29], $0x80  }
0x329: {  	[sflag:s29] =	ssyncset.done $0x0  }
0x32a: {  	[sflag:s29] =	ssyncadd.s32 $0xFFFFFF80  }
0x32b: {  	_ =	swait.ge [sflag:s29], $0x80  }
0x32c: {  	[sflag:s29] =	ssyncset.done $0x0  }
0x32d: {  	[sflag:s29] =	ssyncadd.s32 $0xFFFFFF80  }
0x32e: {  	_ =	swait.ge [sflag:s29], $0x80  }
0x32f: {  	[sflag:s29] =	ssyncset.done $0x0  }
0x330: {  	[sflag:s29] =	ssyncadd.s32 $0xFFFFFF80  }
0x331: {  	_ =	swait.ge [sflag:s29], $0x80  }
0x332: {  	[sflag:s29] =	ssyncset.done $0x0  }
0x333: {  	[sflag:s29] =	ssyncadd.s32 $0xFFFFFF80  }
0x334: {  	_ =	swait.ge [sflag:s29], $0x80  }
0x335: {  	[sflag:s29] =	ssyncset.done $0x0  }
0x336: {  	[sflag:s29] =	ssyncadd.s32 $0xFFFFFF80  }
0x337: {  	_ =	swait.ge [sflag:s29], $0x80  }
0x338: {  	[sflag:s29] =	ssyncset.done $0x0  }
0x339: {  	[sflag:s29] =	ssyncadd.s32 $0xFFFFFF80  }
0x33a: {  	s30 =	sadd.s32 $0x1, s30;
	_ =	swait.ge [sflag:s29], $0x80  }
0x33b: {  	p0 =	sne.s32 s30, s22;
	s3 =	stileid.u32;
	[sflag:s29] =	ssyncset.done $0x0  }
0x33c: {  	s31 =	sshrl.u32 s5, $0x3;
	s0 =	sshll.u32 s3, $0x6;
	[sflag:s29] =	ssyncadd.s32 $0xFFFFFF80  }
.Ltmp1:
0x33d: {  	s0 =	sor.u32 $0x1C03, s0;
	[bflag:$0x0] =	sbarrier.arrive $0xFFFF;
	(pc) =	sbr.rel @p0 .LBB2_1-.Ltmp1, $4  }
0x33e: {  	[hbm:s21], [sflag:s0] =	dma.local [spmem:s31], $0x2000  }
0x33f: {  	_ =	swait.ge [sflag:s24], $0x2000  }
0x340: {  	[sflag:s24] =	ssyncset.done $0x0  }
0x341: {  	[sflag:s24] =	ssyncadd.s32 $0xFFFFE000  }
0x342: {  	_ =	sfence.sel $0x180000  }
0x343: {  	[bflag:$0x0] =	sbarrier.arrive $0xFFFF  }
0x344: {  	_ =	strace $0x90000047  }
0x345: {  	s0 =	stileid.u32;
	[bflag:$0x2] =	sbarrier.arrive $0xFFFF  }
0x346: {  	p0 =	sne.s32 s0, $0x0;
	s0 =	rddreg [dreg:$0x2]  }
0x347: {  	s0 =	sadd.s32 @!p0 $0x100000, s0  }
0x348: {  	[sflag:s0] =	ssyncadd.tile.s32 @!p0 $0x1;
	_ =	shalt  }
.Lfunc_end2:
_tile_overlayer_lowered:
.L_overlay_start_2:
0x349: {  	(tag) =	ssettag $0x2  }
0x34a: {  	s0 =	rddreg [dreg:$0x0];
	s2 =	stileid.u32  }
0x34b: {  	s1 =	rddreg [dreg:$0x1];
	p0 =	sne.s32 s2, $0x0  }
0x34c: {  	s3 =	rddreg [dreg:$0x2];
	[bflag:$0x3] =	sbarrier.arrive $0xFFFF;
	s2 =	simm.s32 @!p0 $0x1C03  }
0x34d: {  	[timem:s3], [sflag:s2] =	dma.local @!p0 [hbm:s0], s1  }
0x34e: {  	s0 =	simm.s32 @!p0 $0x3  }
0x34f: {  	_ =	swait.ge @!p0 [sflag:s0], s1  }
0x350: {  	s1 =	ssub.s32 @!p0 $0x0, s1;
	[sflag:s0] =	ssyncset.done @!p0 $0x0  }
0x351: {  	[sflag:s0] =	ssyncadd.s32 @!p0 s1  }
0x352: {  	[bflag:$0x3] =	sbarrier.arrive $0xFFFF  }
0x353: {  	_ =	shalt  }

</sc_bundles>
